<compile_context>
chip_gen: v7x
topology: tpu7x:2x2x1
jax: 0.10.2.dev20260603
libtpu: 0.0.44.dev20260713+nightly
codegen_flags: <defaults>
</compile_context>

<pallas_src>
import functools

import jax
import jax.numpy as jnp
from jax import lax
from jax.experimental import pallas as pl
from jax.experimental.pallas import tpu as pltpu
from jax.experimental.pallas import tpu_sc as plsc

N = 50000
E = 800000
EMB = 32
HID = 64
HHID = HID // 2

NC = 2
NS = 16
NW = NC * NS

N_PAD = 51200
ROWS_W = N_PAD // NS

UDG = 2 * (N_PAD // 128)
UDP = UDG * 128

BN = 2560
BNP = BN // 4
NBLK = N_PAD // BN

CE = 256
NCH = E // CE

_mesh = plsc.VectorSubcoreMesh(
    core_axis_name="c", subcore_axis_name="s", num_cores=NC, num_subcores=NS
)
_sc_params = pltpu.CompilerParams(use_tc_tiling_on_sc=False)

_F32 = jnp.float32


def _zero_fill(ref, nrows, width):
    z = jnp.zeros((16,), _F32)
    @pl.loop(0, nrows)
    def _(i):
        for j in range(width // 16):
            ref[i, pl.ds(16 * j, 16)] = z


@functools.partial(
    pl.kernel,
    out_type=(
        jax.ShapeDtypeStruct((NC, N_PAD, 32), jnp.float32),
        jax.ShapeDtypeStruct((UDP, EMB), jnp.float32),
    ),
    mesh=_mesh,
    compiler_params=_sc_params,
    scratch_types=[
        pltpu.VMEM_SHARED((N_PAD, 32), jnp.float32),
        pltpu.VMEM((4, 128), jnp.int32),
        pltpu.VMEM((4, 128), jnp.int32),
        pltpu.VMEM((128,), jnp.int32),
        pltpu.VMEM((128,), jnp.int32),
        pltpu.VMEM((128, 32), jnp.float32),
        pltpu.VMEM((128, EMB), jnp.float32),
        pltpu.VMEM((128, EMB), jnp.float32),
        pltpu.SemaphoreType.DMA,
        pltpu.SemaphoreType.DMA,
        pltpu.SemaphoreType.DMA,
        pltpu.SemaphoreType.DMA,
        pltpu.SemaphoreType.DMA,
        pltpu.SemaphoreType.DMA,
    ],
)
def _sc_deg_gather(dst_hbm, nbr_hbm, emb_hbm, deg_hbm, ud_hbm,
                   deg_sh, dbuf0, dbuf1, ibuf0, ibuf1, ones_v, rows0, rows1,
                   semd0, semd1, semu0, semu1, semg0, semg1):
    c = lax.axis_index("c")
    s = lax.axis_index("s")
    wid = s * NC + c

    _zero_fill(rows0, 128, EMB)
    base = s * ROWS_W
    for k in range(ROWS_W // 128):
        pltpu.sync_copy(rows0, deg_sh.at[pl.ds(base + k * 128, 128)])
    plsc.subcore_barrier()

    one = jnp.full((16,), 1.0, jnp.float32)
    @pl.loop(0, 128)
    def _(i):
        ones_v[i, pl.ds(0, 16)] = one
        ones_v[i, pl.ds(16, 16)] = one

    def didx_start(k, db, sem):
        pltpu.async_copy(dst_hbm.at[pl.ds(k * 4, 4)], db, sem)

    def didx_wait(k, db, sem):
        pltpu.make_async_copy(dst_hbm.at[pl.ds(k * 4, 4)], db, sem).wait()

    def adds_start(db, sem):
        for j in range(4):
            pltpu.async_copy(ones_v, deg_sh.at[db.at[j]], sem, add=True)

    def adds_wait(db, sem):
        for j in range(4):
            pltpu.make_async_copy(ones_v, deg_sh.at[db.at[j]], sem).wait()

    nchunks = E // 512
    chalf = nchunks // 2
    glo = c * chalf + (chalf * s) // NS
    ghi = c * chalf + (chalf * (s + 1)) // NS
    gmid = glo + 2 * ((ghi - glo) // 2)

    @pl.loop(glo, gmid, step=2)
    def _(k):
        @pl.when(k > glo)
        def _():
            adds_wait(dbuf0, semd0)
            adds_wait(dbuf1, semd1)
        didx_start(k, dbuf0, semd0)
        didx_start(k + 1, dbuf1, semd1)
        didx_wait(k, dbuf0, semd0)
        adds_start(dbuf0, semd0)
        didx_wait(k + 1, dbuf1, semd1)
        adds_start(dbuf1, semd1)

    @pl.when(gmid > glo)
    def _():
        adds_wait(dbuf0, semd0)
        adds_wait(dbuf1, semd1)

    @pl.loop(gmid, ghi)
    def _(k):
        didx_start(k, dbuf0, semd0)
        didx_wait(k, dbuf0, semd0)
        for j in range(4):
            pltpu.sync_copy(ones_v, deg_sh.at[dbuf0.at[j]], add=True)

    @pl.when(s == 0)
    def _():
        pltpu.sync_copy(dst_hbm.at[4 * nchunks + c], ibuf0)
        pltpu.sync_copy(ones_v, deg_sh.at[ibuf0], add=True)

    ulo = (UDG * wid) // NW
    uhi = (UDG * (wid + 1)) // NW
    umid = ulo + 2 * ((uhi - ulo) // 2)

    def uidx_start(g, ib, sem):
        pltpu.async_copy(nbr_hbm.at[g], ib, sem)

    def uidx_wait(g, ib, sem):
        pltpu.make_async_copy(nbr_hbm.at[g], ib, sem).wait()

    @pl.when(ulo < uhi)
    def _():
        uidx_start(ulo, ibuf0, semu0)

    @pl.loop(ulo, umid, step=2)
    def _(u):
        uidx_start(u + 1, ibuf1, semu1)
        uidx_wait(u, ibuf0, semu0)
        g0 = pltpu.async_copy(emb_hbm.at[ibuf0], rows0, semg0)
        uidx_wait(u + 1, ibuf1, semu1)
        g0.wait()
        g1 = pltpu.async_copy(emb_hbm.at[ibuf1], rows1, semg1)
        pltpu.sync_copy(rows0, ud_hbm.at[pl.ds(u * 128, 128)])
        g1.wait()
        pltpu.sync_copy(rows1, ud_hbm.at[pl.ds((u + 1) * 128, 128)])

        @pl.when(u + 2 < uhi)
        def _():
            uidx_start(u + 2, ibuf0, semu0)

    @pl.when(umid < uhi)
    def _():
        uidx_wait(umid, ibuf0, semu0)
        pltpu.async_copy(emb_hbm.at[ibuf0], rows0, semg0).wait()
        pltpu.sync_copy(rows0, ud_hbm.at[pl.ds(umid * 128, 128)])

    plsc.subcore_barrier()
    pltpu.sync_copy(deg_sh.at[pl.ds(base, ROWS_W)],
                    deg_hbm.at[c, pl.ds(base, ROWS_W)])


@functools.partial(
    pl.kernel,
    out_type=jax.ShapeDtypeStruct((NC, N_PAD, HHID), jnp.float32),
    mesh=_mesh,
    compiler_params=_sc_params,
    scratch_types=[
        pltpu.VMEM_SHARED((N_PAD, HHID), jnp.float32),
        pltpu.VMEM((CE,), jnp.int32),
        pltpu.VMEM((CE,), jnp.int32),
        pltpu.VMEM((CE,), jnp.int32),
        pltpu.VMEM((CE,), jnp.int32),
        pltpu.VMEM((CE,), jnp.int32),
        pltpu.VMEM((CE,), jnp.int32),
        pltpu.VMEM((CE, HHID), jnp.float32),
        pltpu.VMEM((CE, HHID), jnp.float32),
        pltpu.VMEM((CE, HHID), jnp.float32),
        pltpu.SemaphoreType.DMA,
        pltpu.SemaphoreType.DMA,
        pltpu.SemaphoreType.DMA,
        pltpu.SemaphoreType.DMA,
        pltpu.SemaphoreType.DMA,
        pltpu.SemaphoreType.DMA,
        pltpu.SemaphoreType.DMA,
        pltpu.SemaphoreType.DMA,
        pltpu.SemaphoreType.DMA,
    ],
)
def _sc_edge_agg(y_hbm, src_hbm, dst_hbm, agg_hbm, acc_sh,
                 sb0, sb1, sb2, db0, db1, db2, r0, r1, r2,
                 si0, si1, si2, sg0, sg1, sg2, sa0, sa1, sa2):
    c = lax.axis_index("c")
    s = lax.axis_index("s")
    SB = [sb0, sb1, sb2]
    DB = [db0, db1, db2]
    RW = [r0, r1, r2]
    SI = [si0, si1, si2]
    SG = [sg0, sg1, sg2]
    SA = [sa0, sa1, sa2]

    _zero_fill(r0, CE, HHID)
    base = s * ROWS_W
    for k in range(ROWS_W // CE):
        pltpu.sync_copy(r0, acc_sh.at[pl.ds(base + k * CE, CE)])
    rem = ROWS_W % CE
    if rem:
        pltpu.sync_copy(r0.at[pl.ds(0, rem)],
                        acc_sh.at[pl.ds(base + ROWS_W - rem, rem)])
    plsc.subcore_barrier()

    yc = y_hbm.at[c]
    klo = (NCH * s) // NS
    khi = (NCH * (s + 1)) // NS
    nfull = 3 * ((khi - klo) // 3)
    kmid = klo + nfull

    def idx_start(k, p):
        pltpu.async_copy(src_hbm.at[pl.ds(k * CE, CE)], SB[p], SI[p])
        pltpu.async_copy(dst_hbm.at[pl.ds(k * CE, CE)], DB[p], SI[p])

    def idx_wait(k, p):
        pltpu.make_async_copy(
            src_hbm.at[pl.ds(k * CE, CE)], SB[p], SI[p]).wait()
        pltpu.make_async_copy(
            dst_hbm.at[pl.ds(k * CE, CE)], DB[p], SI[p]).wait()

    def add_wait(p):
        pltpu.make_async_copy(RW[p], acc_sh.at[DB[p]], SA[p]).wait()

    @pl.loop(klo, kmid, step=3)
    def _(k):
        @pl.when(k > klo)
        def _():
            for p in range(3):
                add_wait(p)
        for p in range(3):
            idx_start(k + p, p)
        descs = []
        for p in range(3):
            idx_wait(k + p, p)
            descs.append(pltpu.async_copy(yc.at[SB[p]], RW[p], SG[p]))
        for p in range(3):
            descs[p].wait()
            pltpu.async_copy(RW[p], acc_sh.at[DB[p]], SA[p], add=True)

    @pl.when(kmid > klo)
    def _():
        for p in range(3):
            add_wait(p)

    @pl.loop(kmid, khi)
    def _(k):
        idx_start(k, 0)
        idx_wait(k, 0)
        pltpu.async_copy(yc.at[sb0], r0, sg0).wait()
        pltpu.sync_copy(r0, acc_sh.at[db0], add=True)

    plsc.subcore_barrier()
    pltpu.sync_copy(acc_sh.at[pl.ds(base, ROWS_W)],
                    agg_hbm.at[c, pl.ds(base, ROWS_W)])


def _plane(y256, cpl):
    return jnp.concatenate(
        [y256[:, 64 * m + 32 * cpl:64 * m + 32 * cpl + 32] for m in range(4)],
        axis=1)


def _tc_b_body(up_ref, dn_ref, embp_ref, degp_ref, wa_ref, wb_ref, wc_ref,
               yp_ref, dinvp_ref):
    deg4 = degp_ref[0] + degp_ref[1] + 1.0
    dinvp = lax.rsqrt(deg4)
    h = (
        jnp.dot(up_ref[...], wa_ref[...], preferred_element_type=_F32)
        + jnp.dot(embp_ref[...], wb_ref[...], preferred_element_type=_F32)
        + jnp.dot(dn_ref[...], wc_ref[...], preferred_element_type=_F32)
    )
    yp_ref[0, :, :] = dinvp * _plane(h, 0)
    yp_ref[1, :, :] = dinvp * _plane(h, 1)
    dinvp_ref[...] = dinvp


def _tc_b(udp, embp, degp, wa, wb, wc):
    return pl.pallas_call(
        _tc_b_body,
        grid=(NBLK,),
        in_specs=[
            pl.BlockSpec((BNP, 128), lambda i: (i, 0)),
            pl.BlockSpec((BNP, 128), lambda i: (i + NBLK, 0)),
            pl.BlockSpec((BNP, 128), lambda i: (i, 0)),
            pl.BlockSpec((NC, BNP, 128), lambda i: (0, i, 0)),
            pl.BlockSpec((128, 256), lambda i: (0, 0)),
            pl.BlockSpec((128, 256), lambda i: (0, 0)),
            pl.BlockSpec((128, 256), lambda i: (0, 0)),
        ],
        out_specs=[
            pl.BlockSpec((NC, BNP, 128), lambda i: (0, i, 0)),
            pl.BlockSpec((BNP, 128), lambda i: (i, 0)),
        ],
        out_shape=[
            jax.ShapeDtypeStruct((NC, N_PAD // 4, 128), jnp.float32),
            jax.ShapeDtypeStruct((N_PAD // 4, 128), jnp.float32),
        ],
    )(udp, udp, embp, degp, wa, wb, wc)


def _tc_b2_body(yp_ref, aggp_ref, dinvp_ref, w2a_ref, w2b_ref, b1t_ref,
                ybp_ref):
    dinvp = dinvp_ref[...]
    o0 = jnp.maximum(
        dinvp * (aggp_ref[0] + yp_ref[0]) + b1t_ref[0:1, :], 0.0)
    o1 = jnp.maximum(
        dinvp * (aggp_ref[1] + yp_ref[1]) + b1t_ref[1:2, :], 0.0)
    h2 = (jnp.dot(o0, w2a_ref[...], preferred_element_type=_F32)
          + jnp.dot(o1, w2b_ref[...], preferred_element_type=_F32))
    ybp_ref[0, :, :] = dinvp * _plane(h2, 0)
    ybp_ref[1, :, :] = dinvp * _plane(h2, 1)


def _tc_b2(yp, aggp, dinvp, w2a, w2b, b1t):
    return pl.pallas_call(
        _tc_b2_body,
        grid=(NBLK,),
        in_specs=[
            pl.BlockSpec((NC, BNP, 128), lambda i: (0, i, 0)),
            pl.BlockSpec((NC, BNP, 128), lambda i: (0, i, 0)),
            pl.BlockSpec((BNP, 128), lambda i: (i, 0)),
            pl.BlockSpec((128, 256), lambda i: (0, 0)),
            pl.BlockSpec((128, 256), lambda i: (0, 0)),
            pl.BlockSpec((2, 128), lambda i: (0, 0)),
        ],
        out_specs=pl.BlockSpec((NC, BNP, 128), lambda i: (0, i, 0)),
        out_shape=jax.ShapeDtypeStruct((NC, N_PAD // 4, 128), jnp.float32),
    )(yp, aggp, dinvp, w2a, w2b, b1t)


def _tc_f_body(ybp_ref, aggbp_ref, dinvp_ref, batchp_ref,
               b2_ref, wc1_ref, bc1_ref, wc2_ref, bc2_ref,
               out_ref, acc_a, acc_c):
    i = pl.program_id(0)

    @pl.when(i == 0)
    def _():
        acc_a[...] = jnp.zeros_like(acc_a)
        acc_c[...] = jnp.zeros_like(acc_c)

    dinvp = dinvp_ref[...]
    z0 = dinvp * (aggbp_ref[0] + ybp_ref[0])
    z1 = dinvp * (aggbp_ref[1] + ybp_ref[1])
    cols = lax.broadcasted_iota(jnp.int32, (BNP, 16), 1)
    ones_col = jnp.ones((BNP, 1), _F32)
    for m in range(4):
        bm = batchp_ref[:, 32 * m:32 * m + 16]
        ohm = (bm == cols).astype(_F32)
        zm = jnp.concatenate(
            [z0[:, 32 * m:32 * m + 32], z1[:, 32 * m:32 * m + 32]], axis=1)
        acc_a[...] += lax.dot_general(
            ohm, zm, (((0,), (0,)), ((), ())),
            preferred_element_type=_F32)
        acc_c[...] += lax.dot_general(
            ohm, ones_col, (((0,), (0,)), ((), ())),
            preferred_element_type=_F32)

    @pl.when(i == NBLK - 1)
    def _():
        cnt = acc_c[...][:8, :]
        sums = acc_a[...][:8, :] + cnt * b2_ref[...]
        pooled = sums / jnp.maximum(cnt, 1.0)
        h = jnp.maximum(
            jnp.dot(pooled, wc1_ref[...], preferred_element_type=_F32)
            + bc1_ref[...], 0.0)
        logits = jnp.dot(h, wc2_ref[...],
                         preferred_element_type=_F32) + bc2_ref[...]
        out_ref[...] = jax.nn.sigmoid(logits)


def _tc_f(ybp, aggbp, dinvp, batchp, b2, wc1, bc1, wc2, bc2):
    return pl.pallas_call(
        _tc_f_body,
        grid=(NBLK,),
        in_specs=[
            pl.BlockSpec((NC, BNP, 128), lambda i: (0, i, 0)),
            pl.BlockSpec((NC, BNP, 128), lambda i: (0, i, 0)),
            pl.BlockSpec((BNP, 128), lambda i: (i, 0)),
            pl.BlockSpec((BNP, 128), lambda i: (i, 0)),
            pl.BlockSpec((1, HID), lambda i: (0, 0)),
            pl.BlockSpec((HID, HID), lambda i: (0, 0)),
            pl.BlockSpec((1, HID), lambda i: (0, 0)),
            pl.BlockSpec((HID, 1), lambda i: (0, 0)),
            pl.BlockSpec((1, 1), lambda i: (0, 0)),
        ],
        out_specs=pl.BlockSpec((8, 1), lambda i: (0, 0)),
        out_shape=jax.ShapeDtypeStruct((8, 1), jnp.float32),
        scratch_shapes=[
            pltpu.VMEM((16, HID), jnp.float32),
            pltpu.VMEM((16, 1), jnp.float32),
        ],
    )(ybp, aggbp, dinvp, batchp, b2, wc1, bc1, wc2, bc2)


def kernel(gene_ids, edge_index, edge_attr, batch, neighbor_idx, emb_table,
           W1, b1, W2, b2, Wc1, bc1, Wc2, bc2):
    del gene_ids, edge_attr
    srcf = edge_index[0]
    dstf = edge_index[1]
    zpad = jnp.zeros((N_PAD - N,), jnp.int32)
    nbrs = jnp.concatenate(
        [neighbor_idx[:, 0], zpad, neighbor_idx[:, 1], zpad]).reshape(UDG, 128)

    embp = jnp.concatenate(
        [emb_table.reshape(N // 4, 128),
         jnp.zeros(((N_PAD - N) // 4, 128), jnp.float32)])
    emb_lin = embp.reshape(N_PAD, EMB)

    eye4 = jnp.eye(4, dtype=_F32)
    wa = jnp.kron(eye4, W1[0:EMB])
    wb = jnp.kron(eye4, W1[EMB:2 * EMB])
    wc = jnp.kron(eye4, W1[2 * EMB:3 * EMB])
    w2a = jnp.kron(eye4, W2[0:HHID])
    w2b = jnp.kron(eye4, W2[HHID:HID])
    b1t = jnp.tile(b1.reshape(2, HHID), (1, 4))
    batch_pad = jnp.concatenate([batch, jnp.full((N_PAD - N,), 255, jnp.int32)])
    batchp = jnp.broadcast_to(
        batch_pad[:, None], (N_PAD, 32)).reshape(N_PAD // 4, 128)

    deg, ud = _sc_deg_gather(dstf.reshape(E // 128, 128), nbrs, emb_lin)
    degp = deg.reshape(NC, N_PAD // 4, 128)
    udp = ud.reshape(UDP // 4, 128)

    yp, dinvp = _tc_b(udp, embp, degp, wa, wb, wc)
    y2 = yp.reshape(NC, N_PAD, HHID)
    agg2 = _sc_edge_agg(y2, srcf, dstf)

    yb = _tc_b2(yp, agg2.reshape(NC, N_PAD // 4, 128), dinvp, w2a,
                w2b, b1t)
    aggb = _sc_edge_agg(yb.reshape(NC, N_PAD, HHID), srcf, dstf)

    out = _tc_f(yb, aggb.reshape(NC, N_PAD // 4, 128), dinvp, batchp,
                b2.reshape(1, HID), Wc1, bc1.reshape(1, HID), Wc2,
                bc2.reshape(1, 1))
    return out

# --- scband reference (transcript-rebuilt; emitter-appended) ---
"""Pipeline reference for scband-gene-homology-gnn-18743237280102 (READ-ONLY COPY).

The authoritative reference and input builder live on the scoring server;
editing this copy changes nothing except your own understanding.
"""

import jax, jax.numpy as jnp
import numpy as np

N = 50000
E = 800000
EMB = 32
HID = 64
NUM_GRAPHS = 8
EDGE_DIM = 4


def _gcn_conv(x, src, dst, W, b, num_nodes):
    # PyG GCNConv: add self-loops, symmetric normalization, x @ W then aggregate
    loop = jnp.arange(num_nodes, dtype=src.dtype)
    s = jnp.concatenate([src, loop])
    d = jnp.concatenate([dst, loop])
    h = x @ W
    deg = jnp.zeros((num_nodes,), dtype=jnp.float32).at[d].add(1.0)
    dinv = jnp.where(deg > 0, 1.0 / jnp.sqrt(deg), 0.0)
    norm = dinv[s] * dinv[d]
    msg = h[s] * norm[:, None]
    out = jnp.zeros((num_nodes, h.shape[1]), dtype=h.dtype).at[d].add(msg)
    return out + b


def setup_inputs(seed: int = 0) -> dict:
    key = jax.random.key(seed)
    ks = jax.random.split(key, 14)
    gene_ids = jnp.arange(N, dtype=jnp.int32)
    edge_index = jax.random.randint(ks[0], (2, E), 0, N, dtype=jnp.int32)
    edge_attr = jax.random.normal(ks[1], (E, EDGE_DIM), dtype=jnp.float32)
    batch = jnp.sort(jax.random.randint(ks[2], (N,), 0, NUM_GRAPHS, dtype=jnp.int32))
    neighbor_idx = jax.random.randint(ks[3], (N, 2), 0, N, dtype=jnp.int32)
    emb_table = jax.random.normal(ks[4], (N, EMB), dtype=jnp.float32) * 0.1
    W1 = jax.random.normal(ks[5], (3 * EMB, HID), dtype=jnp.float32) * 0.05
    b1 = jnp.zeros((HID,), dtype=jnp.float32)
    W2 = jax.random.normal(ks[6], (HID, HID), dtype=jnp.float32) * 0.05
    b2 = jnp.zeros((HID,), dtype=jnp.float32)
    Wc1 = jax.random.normal(ks[7], (HID, HID), dtype=jnp.float32) * 0.05
    bc1 = jnp.zeros((HID,), dtype=jnp.float32)
    Wc2 = jax.random.normal(ks[8], (HID, 1), dtype=jnp.float32) * 0.05
    bc2 = jnp.zeros((1,), dtype=jnp.float32)
    return {"gene_ids": gene_ids, "edge_index": edge_index, "edge_attr": edge_attr,
            "batch": batch, "neighbor_idx": neighbor_idx, "emb_table": emb_table,
            "W1": W1, "b1": b1, "W2": W2, "b2": b2,
            "Wc1": Wc1, "bc1": bc1, "Wc2": Wc2, "bc2": bc2}


def reference(gene_ids, edge_index, edge_attr, batch, neighbor_idx, emb_table,
              W1, b1, W2, b2, Wc1, bc1, Wc2, bc2):
    # embedding lookup
    ge = jnp.take(emb_table, gene_ids, axis=0)  # [N, EMB]
    # prepare_node_features_with_neighbors: [up | self | down]
    up = jnp.take(ge, neighbor_idx[:, 0], axis=0)
    down = jnp.take(ge, neighbor_idx[:, 1], axis=0)
    x = jnp.concatenate([up, ge, down], axis=1)  # [N, 3*EMB]
    src, dst = edge_index[0], edge_index[1]
    x = _gcn_conv(x, src, dst, W1, b1, N)
    x = jax.nn.relu(x)
    x = _gcn_conv(x, src, dst, W2, b2, N)
    # global_mean_pool over batch
    sums = jax.ops.segment_sum(x, batch, num_segments=NUM_GRAPHS)
    counts = jax.ops.segment_sum(jnp.ones((N, 1), dtype=jnp.float32), batch, num_segments=NUM_GRAPHS)
    pooled = sums / jnp.maximum(counts, 1.0)
    # classifier: Linear -> ReLU -> Linear -> Sigmoid
    h = jax.nn.relu(pooled @ Wc1 + bc1)
    out = jax.nn.sigmoid(h @ Wc2 + bc2)
    return out

if __name__ == "__main__":
    import jax
    _d = setup_inputs()
    print(jax.jit(kernel)(*tuple(_d.values())))

</pallas_src>

<mosaic_0001>
#map = affine_map<(d0, d1) -> (0, 0)>
#map1 = affine_map<(d0, d1) -> (0, 0, 0)>
module attributes {stable_mosaic.version = 14 : i64} {
  func.func @_sc_deg_gather(%arg0: i32, %arg1: i32, %arg2: memref<6250x128xi32, #tpu.memory_space<hbm>>, %arg3: memref<800x128xi32, #tpu.memory_space<hbm>>, %arg4: memref<51200x32xf32, #tpu.memory_space<hbm>>, %arg5: memref<2x51200x32xf32, #tpu.memory_space<hbm>>, %arg6: memref<102400x32xf32, #tpu.memory_space<hbm>>, %arg7: memref<51200x32xf32, #tpu.memory_space<vmem_shared>>, %arg8: memref<4x128xi32, #tpu.memory_space<vmem>>, %arg9: memref<4x128xi32, #tpu.memory_space<vmem>>, %arg10: memref<128xi32, #tpu.memory_space<vmem>>, %arg11: memref<128xi32, #tpu.memory_space<vmem>>, %arg12: memref<128x32xf32, #tpu.memory_space<vmem>>, %arg13: memref<128x32xf32, #tpu.memory_space<vmem>>, %arg14: memref<128x32xf32, #tpu.memory_space<vmem>>, %arg15: memref<!tpu.dma_semaphore, #tpu.memory_space<semaphore_mem>>, %arg16: memref<!tpu.dma_semaphore, #tpu.memory_space<semaphore_mem>>, %arg17: memref<!tpu.dma_semaphore, #tpu.memory_space<semaphore_mem>>, %arg18: memref<!tpu.dma_semaphore, #tpu.memory_space<semaphore_mem>>, %arg19: memref<!tpu.dma_semaphore, #tpu.memory_space<semaphore_mem>>, %arg20: memref<!tpu.dma_semaphore, #tpu.memory_space<semaphore_mem>>) attributes {dimension_semantics = [#tpu.dimension_semantics<core_parallel>, #tpu.dimension_semantics<subcore_parallel>], iteration_bounds = array<i64: 2, 16>, scalar_prefetch = 0 : i64, scratch_operands = 14 : i64, tpu.core_type = #tpu.core_type<sc_vector_subcore>, window_params = [{transform_indices = #map}, {transform_indices = #map}, {transform_indices = #map}, {transform_indices = #map1}, {transform_indices = #map}]} {
    %mul3A = arith.constant 2 : i32
    %mul3A_0 = arith.muli %arg1, %mul3A : i32
    %add3A = arith.addi %mul3A_0, %arg0 : i32
    %broadcast_in_dim3A = arith.constant 0.000000e+00 : f32
    %broadcast_in_dim3A_1 = vector.broadcast %broadcast_in_dim3A : f32 to vector<16xf32>
    %scan3A = arith.constant 0 : i32
    %scan3A_2 = arith.constant 128 : i32
    %scan3A_3 = arith.addi %scan3A, %scan3A_2 : i32
    %scan3A_4 = arith.constant 1 : i32
    scf.for %scan3A_290 = %scan3A to %scan3A_3 step %scan3A_4  : i32 {
      %mul3A_291 = arith.constant 1 : i32
      %mul3A_292 = arith.muli %scan3A_290, %mul3A_291 : i32
      %add3A_293 = arith.constant 0 : i32
      %add3A_294 = arith.addi %add3A_293, %mul3A_292 : i32
      %swap3A = arith.index_cast %add3A_294 : i32 to index
      %swap3A_295 = arith.constant 0 : index
      %swap3A_296 = tpu.vector_load %arg13[%swap3A, %swap3A_295] {strides = array<i32>} : memref<128x32xf32, #tpu.memory_space<vmem>>, vector<1x16xf32>,
      %swap3A_297 = vector.shape_cast %swap3A_296 : vector<1x16xf32> to vector<16xf32>
      %swap3A_298 = vector.shape_cast %broadcast_in_dim3A_1 : vector<16xf32> to vector<1x16xf32>
      tpu.vector_store %arg13[%swap3A, %swap3A_295], %swap3A_298 {strides = array<i32>} : memref<128x32xf32, #tpu.memory_space<vmem>>, vector<1x16xf32>,
      %swap3A_299 = arith.index_cast %add3A_294 : i32 to index
      %swap3A_300 = arith.constant 16 : index
      %swap3A_301 = tpu.vector_load %arg13[%swap3A_299, %swap3A_300] {strides = array<i32>} : memref<128x32xf32, #tpu.memory_space<vmem>>, vector<1x16xf32>,
      %swap3A_302 = vector.shape_cast %swap3A_301 : vector<1x16xf32> to vector<16xf32>
      %swap3A_303 = vector.shape_cast %broadcast_in_dim3A_1 : vector<16xf32> to vector<1x16xf32>
      tpu.vector_store %arg13[%swap3A_299, %swap3A_300], %swap3A_303 {strides = array<i32>} : memref<128x32xf32, #tpu.memory_space<vmem>>, vector<1x16xf32>,
    }
    %scan3A_5 = arith.constant 128 : i32
    %mul3A_6 = arith.constant 3200 : i32
    %mul3A_7 = arith.muli %arg1, %mul3A_6 : i32
    %add3A_8 = arith.constant 0 : i32
    %add3A_9 = arith.addi %mul3A_7, %add3A_8 : i32
    "tpu.region"() ({
      %run_scoped3A = tpu.sem_alloc : memref<!tpu.dma_semaphore, #tpu.memory_space<semaphore_mem>>
      %dma_start3A = arith.constant 0 : i32
      %dma_start3A_290 = tpu.memref_slice %arg7[%add3A_9, %dma_start3A] : memref<51200x32xf32, #tpu.memory_space<vmem_shared>> -> memref<128x32xf32, #tpu.memory_space<vmem_shared>>
      %dma_start3A_291 = arith.constant 0 : i32
      %dma_start3A_292 = tpu.memref_slice %arg7[%add3A_9, %dma_start3A_291] : memref<51200x32xf32, #tpu.memory_space<vmem_shared>> -> memref<128x32xf32, #tpu.memory_space<vmem_shared>>
      tpu.enqueue_dma source(%arg13 : memref<128x32xf32, #tpu.memory_space<vmem>>) target(%dma_start3A_292 : memref<128x32xf32, #tpu.memory_space<vmem_shared>>) target_semaphore(%run_scoped3A : memref<!tpu.dma_semaphore, #tpu.memory_space<semaphore_mem>>)
      %dma_wait3A = arith.constant 0 : i32
      %dma_wait3A_293 = tpu.memref_slice %arg7[%add3A_9, %dma_wait3A] : memref<51200x32xf32, #tpu.memory_space<vmem_shared>> -> memref<128x32xf32, #tpu.memory_space<vmem_shared>>
      %dma_wait3A_294 = arith.constant 0 : i32
      %dma_wait3A_295 = tpu.memref_slice %arg7[%add3A_9, %dma_wait3A_294] : memref<51200x32xf32, #tpu.memory_space<vmem_shared>> -> memref<128x32xf32, #tpu.memory_space<vmem_shared>>
      tpu.wait_dma2 semaphore(%run_scoped3A : memref<!tpu.dma_semaphore, #tpu.memory_space<semaphore_mem>>) src(%arg13 : memref<128x32xf32, #tpu.memory_space<vmem>>) dst(%dma_wait3A_295 : memref<128x32xf32, #tpu.memory_space<vmem_shared>>)
      tpu.yield
    }) : () -> ()
    %add3A_10 = arith.constant 128 : i32
    %add3A_11 = arith.addi %mul3A_7, %add3A_10 : i32
    "tpu.region"() ({
      %run_scoped3A = tpu.sem_alloc : memref<!tpu.dma_semaphore, #tpu.memory_space<semaphore_mem>>
      %dma_start3A = arith.constant 0 : i32
      %dma_start3A_290 = tpu.memref_slice %arg7[%add3A_11, %dma_start3A] : memref<51200x32xf32, #tpu.memory_space<vmem_shared>> -> memref<128x32xf32, #tpu.memory_space<vmem_shared>>
      %dma_start3A_291 = arith.constant 0 : i32
      %dma_start3A_292 = tpu.memref_slice %arg7[%add3A_11, %dma_start3A_291] : memref<51200x32xf32, #tpu.memory_space<vmem_shared>> -> memref<128x32xf32, #tpu.memory_space<vmem_shared>>
      tpu.enqueue_dma source(%arg13 : memref<128x32xf32, #tpu.memory_space<vmem>>) target(%dma_start3A_292 : memref<128x32xf32, #tpu.memory_space<vmem_shared>>) target_semaphore(%run_scoped3A : memref<!tpu.dma_semaphore, #tpu.memory_space<semaphore_mem>>)
      %dma_wait3A = arith.constant 0 : i32
      %dma_wait3A_293 = tpu.memref_slice %arg7[%add3A_11, %dma_wait3A] : memref<51200x32xf32, #tpu.memory_space<vmem_shared>> -> memref<128x32xf32, #tpu.memory_space<vmem_shared>>
      %dma_wait3A_294 = arith.constant 0 : i32
      %dma_wait3A_295 = tpu.memref_slice %arg7[%add3A_11, %dma_wait3A_294] : memref<51200x32xf32, #tpu.memory_space<vmem_shared>> -> memref<128x32xf32, #tpu.memory_space<vmem_shared>>
      tpu.wait_dma2 semaphore(%run_scoped3A : memref<!tpu.dma_semaphore, #tpu.memory_space<semaphore_mem>>) src(%arg13 : memref<128x32xf32, #tpu.memory_space<vmem>>) dst(%dma_wait3A_295 : memref<128x32xf32, #tpu.memory_space<vmem_shared>>)
      tpu.yield
    }) : () -> ()
    %add3A_12 = arith.constant 256 : i32
    %add3A_13 = arith.addi %mul3A_7, %add3A_12 : i32
    "tpu.region"() ({
      %run_scoped3A = tpu.sem_alloc : memref<!tpu.dma_semaphore, #tpu.memory_space<semaphore_mem>>
      %dma_start3A = arith.constant 0 : i32
      %dma_start3A_290 = tpu.memref_slice %arg7[%add3A_13, %dma_start3A] : memref<51200x32xf32, #tpu.memory_space<vmem_shared>> -> memref<128x32xf32, #tpu.memory_space<vmem_shared>>
      %dma_start3A_291 = arith.constant 0 : i32
      %dma_start3A_292 = tpu.memref_slice %arg7[%add3A_13, %dma_start3A_291] : memref<51200x32xf32, #tpu.memory_space<vmem_shared>> -> memref<128x32xf32, #tpu.memory_space<vmem_shared>>
      tpu.enqueue_dma source(%arg13 : memref<128x32xf32, #tpu.memory_space<vmem>>) target(%dma_start3A_292 : memref<128x32xf32, #tpu.memory_space<vmem_shared>>) target_semaphore(%run_scoped3A : memref<!tpu.dma_semaphore, #tpu.memory_space<semaphore_mem>>)
      %dma_wait3A = arith.constant 0 : i32
      %dma_wait3A_293 = tpu.memref_slice %arg7[%add3A_13, %dma_wait3A] : memref<51200x32xf32, #tpu.memory_space<vmem_shared>> -> memref<128x32xf32, #tpu.memory_space<vmem_shared>>
      %dma_wait3A_294 = arith.constant 0 : i32
      %dma_wait3A_295 = tpu.memref_slice %arg7[%add3A_13, %dma_wait3A_294] : memref<51200x32xf32, #tpu.memory_space<vmem_shared>> -> memref<128x32xf32, #tpu.memory_space<vmem_shared>>
      tpu.wait_dma2 semaphore(%run_scoped3A : memref<!tpu.dma_semaphore, #tpu.memory_space<semaphore_mem>>) src(%arg13 : memref<128x32xf32, #tpu.memory_space<vmem>>) dst(%dma_wait3A_295 : memref<128x32xf32, #tpu.memory_space<vmem_shared>>)
      tpu.yield
    }) : () -> ()
    %add3A_14 = arith.constant 384 : i32
    %add3A_15 = arith.addi %mul3A_7, %add3A_14 : i32
    "tpu.region"() ({
      %run_scoped3A = tpu.sem_alloc : memref<!tpu.dma_semaphore, #tpu.memory_space<semaphore_mem>>
      %dma_start3A = arith.constant 0 : i32
      %dma_start3A_290 = tpu.memref_slice %arg7[%add3A_15, %dma_start3A] : memref<51200x32xf32, #tpu.memory_space<vmem_shared>> -> memref<128x32xf32, #tpu.memory_space<vmem_shared>>
      %dma_start3A_291 = arith.constant 0 : i32
      %dma_start3A_292 = tpu.memref_slice %arg7[%add3A_15, %dma_start3A_291] : memref<51200x32xf32, #tpu.memory_space<vmem_shared>> -> memref<128x32xf32, #tpu.memory_space<vmem_shared>>
      tpu.enqueue_dma source(%arg13 : memref<128x32xf32, #tpu.memory_space<vmem>>) target(%dma_start3A_292 : memref<128x32xf32, #tpu.memory_space<vmem_shared>>) target_semaphore(%run_scoped3A : memref<!tpu.dma_semaphore, #tpu.memory_space<semaphore_mem>>)
      %dma_wait3A = arith.constant 0 : i32
      %dma_wait3A_293 = tpu.memref_slice %arg7[%add3A_15, %dma_wait3A] : memref<51200x32xf32, #tpu.memory_space<vmem_shared>> -> memref<128x32xf32, #tpu.memory_space<vmem_shared>>
      %dma_wait3A_294 = arith.constant 0 : i32
      %dma_wait3A_295 = tpu.memref_slice %arg7[%add3A_15, %dma_wait3A_294] : memref<51200x32xf32, #tpu.memory_space<vmem_shared>> -> memref<128x32xf32, #tpu.memory_space<vmem_shared>>
      tpu.wait_dma2 semaphore(%run_scoped3A : memref<!tpu.dma_semaphore, #tpu.memory_space<semaphore_mem>>) src(%arg13 : memref<128x32xf32, #tpu.memory_space<vmem>>) dst(%dma_wait3A_295 : memref<128x32xf32, #tpu.memory_space<vmem_shared>>)
      tpu.yield
    }) : () -> ()
    %add3A_16 = arith.constant 512 : i32
    %add3A_17 = arith.addi %mul3A_7, %add3A_16 : i32
    "tpu.region"() ({
      %run_scoped3A = tpu.sem_alloc : memref<!tpu.dma_semaphore, #tpu.memory_space<semaphore_mem>>
      %dma_start3A = arith.constant 0 : i32
      %dma_start3A_290 = tpu.memref_slice %arg7[%add3A_17, %dma_start3A] : memref<51200x32xf32, #tpu.memory_space<vmem_shared>> -> memref<128x32xf32, #tpu.memory_space<vmem_shared>>
      %dma_start3A_291 = arith.constant 0 : i32
      %dma_start3A_292 = tpu.memref_slice %arg7[%add3A_17, %dma_start3A_291] : memref<51200x32xf32, #tpu.memory_space<vmem_shared>> -> memref<128x32xf32, #tpu.memory_space<vmem_shared>>
      tpu.enqueue_dma source(%arg13 : memref<128x32xf32, #tpu.memory_space<vmem>>) target(%dma_start3A_292 : memref<128x32xf32, #tpu.memory_space<vmem_shared>>) target_semaphore(%run_scoped3A : memref<!tpu.dma_semaphore, #tpu.memory_space<semaphore_mem>>)
      %dma_wait3A = arith.constant 0 : i32
      %dma_wait3A_293 = tpu.memref_slice %arg7[%add3A_17, %dma_wait3A] : memref<51200x32xf32, #tpu.memory_space<vmem_shared>> -> memref<128x32xf32, #tpu.memory_space<vmem_shared>>
      %dma_wait3A_294 = arith.constant 0 : i32
      %dma_wait3A_295 = tpu.memref_slice %arg7[%add3A_17, %dma_wait3A_294] : memref<51200x32xf32, #tpu.memory_space<vmem_shared>> -> memref<128x32xf32, #tpu.memory_space<vmem_shared>>
      tpu.wait_dma2 semaphore(%run_scoped3A : memref<!tpu.dma_semaphore, #tpu.memory_space<semaphore_mem>>) src(%arg13 : memref<128x32xf32, #tpu.memory_space<vmem>>) dst(%dma_wait3A_295 : memref<128x32xf32, #tpu.memory_space<vmem_shared>>)
      tpu.yield
    }) : () -> ()
    %add3A_18 = arith.constant 640 : i32
    %add3A_19 = arith.addi %mul3A_7, %add3A_18 : i32
    "tpu.region"() ({
      %run_scoped3A = tpu.sem_alloc : memref<!tpu.dma_semaphore, #tpu.memory_space<semaphore_mem>>
      %dma_start3A = arith.constant 0 : i32
      %dma_start3A_290 = tpu.memref_slice %arg7[%add3A_19, %dma_start3A] : memref<51200x32xf32, #tpu.memory_space<vmem_shared>> -> memref<128x32xf32, #tpu.memory_space<vmem_shared>>
      %dma_start3A_291 = arith.constant 0 : i32
      %dma_start3A_292 = tpu.memref_slice %arg7[%add3A_19, %dma_start3A_291] : memref<51200x32xf32, #tpu.memory_space<vmem_shared>> -> memref<128x32xf32, #tpu.memory_space<vmem_shared>>
      tpu.enqueue_dma source(%arg13 : memref<128x32xf32, #tpu.memory_space<vmem>>) target(%dma_start3A_292 : memref<128x32xf32, #tpu.memory_space<vmem_shared>>) target_semaphore(%run_scoped3A : memref<!tpu.dma_semaphore, #tpu.memory_space<semaphore_mem>>)
      %dma_wait3A = arith.constant 0 : i32
      %dma_wait3A_293 = tpu.memref_slice %arg7[%add3A_19, %dma_wait3A] : memref<51200x32xf32, #tpu.memory_space<vmem_shared>> -> memref<128x32xf32, #tpu.memory_space<vmem_shared>>
      %dma_wait3A_294 = arith.constant 0 : i32
      %dma_wait3A_295 = tpu.memref_slice %arg7[%add3A_19, %dma_wait3A_294] : memref<51200x32xf32, #tpu.memory_space<vmem_shared>> -> memref<128x32xf32, #tpu.memory_space<vmem_shared>>
      tpu.wait_dma2 semaphore(%run_scoped3A : memref<!tpu.dma_semaphore, #tpu.memory_space<semaphore_mem>>) src(%arg13 : memref<128x32xf32, #tpu.memory_space<vmem>>) dst(%dma_wait3A_295 : memref<128x32xf32, #tpu.memory_space<vmem_shared>>)
      tpu.yield
    }) : () -> ()
    %add3A_20 = arith.constant 768 : i32
    %add3A_21 = arith.addi %mul3A_7, %add3A_20 : i32
    "tpu.region"() ({
      %run_scoped3A = tpu.sem_alloc : memref<!tpu.dma_semaphore, #tpu.memory_space<semaphore_mem>>
      %dma_start3A = arith.constant 0 : i32
      %dma_start3A_290 = tpu.memref_slice %arg7[%add3A_21, %dma_start3A] : memref<51200x32xf32, #tpu.memory_space<vmem_shared>> -> memref<128x32xf32, #tpu.memory_space<vmem_shared>>
      %dma_start3A_291 = arith.constant 0 : i32
      %dma_start3A_292 = tpu.memref_slice %arg7[%add3A_21, %dma_start3A_291] : memref<51200x32xf32, #tpu.memory_space<vmem_shared>> -> memref<128x32xf32, #tpu.memory_space<vmem_shared>>
      tpu.enqueue_dma source(%arg13 : memref<128x32xf32, #tpu.memory_space<vmem>>) target(%dma_start3A_292 : memref<128x32xf32, #tpu.memory_space<vmem_shared>>) target_semaphore(%run_scoped3A : memref<!tpu.dma_semaphore, #tpu.memory_space<semaphore_mem>>)
      %dma_wait3A = arith.constant 0 : i32
      %dma_wait3A_293 = tpu.memref_slice %arg7[%add3A_21, %dma_wait3A] : memref<51200x32xf32, #tpu.memory_space<vmem_shared>> -> memref<128x32xf32, #tpu.memory_space<vmem_shared>>
      %dma_wait3A_294 = arith.constant 0 : i32
      %dma_wait3A_295 = tpu.memref_slice %arg7[%add3A_21, %dma_wait3A_294] : memref<51200x32xf32, #tpu.memory_space<vmem_shared>> -> memref<128x32xf32, #tpu.memory_space<vmem_shared>>
      tpu.wait_dma2 semaphore(%run_scoped3A : memref<!tpu.dma_semaphore, #tpu.memory_space<semaphore_mem>>) src(%arg13 : memref<128x32xf32, #tpu.memory_space<vmem>>) dst(%dma_wait3A_295 : memref<128x32xf32, #tpu.memory_space<vmem_shared>>)
      tpu.yield
    }) : () -> ()
    %add3A_22 = arith.constant 896 : i32
    %add3A_23 = arith.addi %mul3A_7, %add3A_22 : i32
    "tpu.region"() ({
      %run_scoped3A = tpu.sem_alloc : memref<!tpu.dma_semaphore, #tpu.memory_space<semaphore_mem>>
      %dma_start3A = arith.constant 0 : i32
      %dma_start3A_290 = tpu.memref_slice %arg7[%add3A_23, %dma_start3A] : memref<51200x32xf32, #tpu.memory_space<vmem_shared>> -> memref<128x32xf32, #tpu.memory_space<vmem_shared>>
      %dma_start3A_291 = arith.constant 0 : i32
      %dma_start3A_292 = tpu.memref_slice %arg7[%add3A_23, %dma_start3A_291] : memref<51200x32xf32, #tpu.memory_space<vmem_shared>> -> memref<128x32xf32, #tpu.memory_space<vmem_shared>>
      tpu.enqueue_dma source(%arg13 : memref<128x32xf32, #tpu.memory_space<vmem>>) target(%dma_start3A_292 : memref<128x32xf32, #tpu.memory_space<vmem_shared>>) target_semaphore(%run_scoped3A : memref<!tpu.dma_semaphore, #tpu.memory_space<semaphore_mem>>)
      %dma_wait3A = arith.constant 0 : i32
      %dma_wait3A_293 = tpu.memref_slice %arg7[%add3A_23, %dma_wait3A] : memref<51200x32xf32, #tpu.memory_space<vmem_shared>> -> memref<128x32xf32, #tpu.memory_space<vmem_shared>>
      %dma_wait3A_294 = arith.constant 0 : i32
      %dma_wait3A_295 = tpu.memref_slice %arg7[%add3A_23, %dma_wait3A_294] : memref<51200x32xf32, #tpu.memory_space<vmem_shared>> -> memref<128x32xf32, #tpu.memory_space<vmem_shared>>
      tpu.wait_dma2 semaphore(%run_scoped3A : memref<!tpu.dma_semaphore, #tpu.memory_space<semaphore_mem>>) src(%arg13 : memref<128x32xf32, #tpu.memory_space<vmem>>) dst(%dma_wait3A_295 : memref<128x32xf32, #tpu.memory_space<vmem_shared>>)
      tpu.yield
    }) : () -> ()
    %add3A_24 = arith.constant 1024 : i32
    %add3A_25 = arith.addi %mul3A_7, %add3A_24 : i32
    "tpu.region"() ({
      %run_scoped3A = tpu.sem_alloc : memref<!tpu.dma_semaphore, #tpu.memory_space<semaphore_mem>>
      %dma_start3A = arith.constant 0 : i32
      %dma_start3A_290 = tpu.memref_slice %arg7[%add3A_25, %dma_start3A] : memref<51200x32xf32, #tpu.memory_space<vmem_shared>> -> memref<128x32xf32, #tpu.memory_space<vmem_shared>>
      %dma_start3A_291 = arith.constant 0 : i32
      %dma_start3A_292 = tpu.memref_slice %arg7[%add3A_25, %dma_start3A_291] : memref<51200x32xf32, #tpu.memory_space<vmem_shared>> -> memref<128x32xf32, #tpu.memory_space<vmem_shared>>
      tpu.enqueue_dma source(%arg13 : memref<128x32xf32, #tpu.memory_space<vmem>>) target(%dma_start3A_292 : memref<128x32xf32, #tpu.memory_space<vmem_shared>>) target_semaphore(%run_scoped3A : memref<!tpu.dma_semaphore, #tpu.memory_space<semaphore_mem>>)
      %dma_wait3A = arith.constant 0 : i32
      %dma_wait3A_293 = tpu.memref_slice %arg7[%add3A_25, %dma_wait3A] : memref<51200x32xf32, #tpu.memory_space<vmem_shared>> -> memref<128x32xf32, #tpu.memory_space<vmem_shared>>
      %dma_wait3A_294 = arith.constant 0 : i32
      %dma_wait3A_295 = tpu.memref_slice %arg7[%add3A_25, %dma_wait3A_294] : memref<51200x32xf32, #tpu.memory_space<vmem_shared>> -> memref<128x32xf32, #tpu.memory_space<vmem_shared>>
      tpu.wait_dma2 semaphore(%run_scoped3A : memref<!tpu.dma_semaphore, #tpu.memory_space<semaphore_mem>>) src(%arg13 : memref<128x32xf32, #tpu.memory_space<vmem>>) dst(%dma_wait3A_295 : memref<128x32xf32, #tpu.memory_space<vmem_shared>>)
      tpu.yield
    }) : () -> ()
    %add3A_26 = arith.constant 1152 : i32
    %add3A_27 = arith.addi %mul3A_7, %add3A_26 : i32
    "tpu.region"() ({
      %run_scoped3A = tpu.sem_alloc : memref<!tpu.dma_semaphore, #tpu.memory_space<semaphore_mem>>
      %dma_start3A = arith.constant 0 : i32
      %dma_start3A_290 = tpu.memref_slice %arg7[%add3A_27, %dma_start3A] : memref<51200x32xf32, #tpu.memory_space<vmem_shared>> -> memref<128x32xf32, #tpu.memory_space<vmem_shared>>
      %dma_start3A_291 = arith.constant 0 : i32
      %dma_start3A_292 = tpu.memref_slice %arg7[%add3A_27, %dma_start3A_291] : memref<51200x32xf32, #tpu.memory_space<vmem_shared>> -> memref<128x32xf32, #tpu.memory_space<vmem_shared>>
      tpu.enqueue_dma source(%arg13 : memref<128x32xf32, #tpu.memory_space<vmem>>) target(%dma_start3A_292 : memref<128x32xf32, #tpu.memory_space<vmem_shared>>) target_semaphore(%run_scoped3A : memref<!tpu.dma_semaphore, #tpu.memory_space<semaphore_mem>>)
      %dma_wait3A = arith.constant 0 : i32
      %dma_wait3A_293 = tpu.memref_slice %arg7[%add3A_27, %dma_wait3A] : memref<51200x32xf32, #tpu.memory_space<vmem_shared>> -> memref<128x32xf32, #tpu.memory_space<vmem_shared>>
      %dma_wait3A_294 = arith.constant 0 : i32
      %dma_wait3A_295 = tpu.memref_slice %arg7[%add3A_27, %dma_wait3A_294] : memref<51200x32xf32, #tpu.memory_space<vmem_shared>> -> memref<128x32xf32, #tpu.memory_space<vmem_shared>>
      tpu.wait_dma2 semaphore(%run_scoped3A : memref<!tpu.dma_semaphore, #tpu.memory_space<semaphore_mem>>) src(%arg13 : memref<128x32xf32, #tpu.memory_space<vmem>>) dst(%dma_wait3A_295 : memref<128x32xf32, #tpu.memory_space<vmem_shared>>)
      tpu.yield
    }) : () -> ()
    %add3A_28 = arith.constant 1280 : i32
    %add3A_29 = arith.addi %mul3A_7, %add3A_28 : i32
    "tpu.region"() ({
      %run_scoped3A = tpu.sem_alloc : memref<!tpu.dma_semaphore, #tpu.memory_space<semaphore_mem>>
      %dma_start3A = arith.constant 0 : i32
      %dma_start3A_290 = tpu.memref_slice %arg7[%add3A_29, %dma_start3A] : memref<51200x32xf32, #tpu.memory_space<vmem_shared>> -> memref<128x32xf32, #tpu.memory_space<vmem_shared>>
      %dma_start3A_291 = arith.constant 0 : i32
      %dma_start3A_292 = tpu.memref_slice %arg7[%add3A_29, %dma_start3A_291] : memref<51200x32xf32, #tpu.memory_space<vmem_shared>> -> memref<128x32xf32, #tpu.memory_space<vmem_shared>>
      tpu.enqueue_dma source(%arg13 : memref<128x32xf32, #tpu.memory_space<vmem>>) target(%dma_start3A_292 : memref<128x32xf32, #tpu.memory_space<vmem_shared>>) target_semaphore(%run_scoped3A : memref<!tpu.dma_semaphore, #tpu.memory_space<semaphore_mem>>)
      %dma_wait3A = arith.constant 0 : i32
      %dma_wait3A_293 = tpu.memref_slice %arg7[%add3A_29, %dma_wait3A] : memref<51200x32xf32, #tpu.memory_space<vmem_shared>> -> memref<128x32xf32, #tpu.memory_space<vmem_shared>>
      %dma_wait3A_294 = arith.constant 0 : i32
      %dma_wait3A_295 = tpu.memref_slice %arg7[%add3A_29, %dma_wait3A_294] : memref<51200x32xf32, #tpu.memory_space<vmem_shared>> -> memref<128x32xf32, #tpu.memory_space<vmem_shared>>
      tpu.wait_dma2 semaphore(%run_scoped3A : memref<!tpu.dma_semaphore, #tpu.memory_space<semaphore_mem>>) src(%arg13 : memref<128x32xf32, #tpu.memory_space<vmem>>) dst(%dma_wait3A_295 : memref<128x32xf32, #tpu.memory_space<vmem_shared>>)
      tpu.yield
    }) : () -> ()
    %add3A_30 = arith.constant 1408 : i32
    %add3A_31 = arith.addi %mul3A_7, %add3A_30 : i32
    "tpu.region"() ({
      %run_scoped3A = tpu.sem_alloc : memref<!tpu.dma_semaphore, #tpu.memory_space<semaphore_mem>>
      %dma_start3A = arith.constant 0 : i32
      %dma_start3A_290 = tpu.memref_slice %arg7[%add3A_31, %dma_start3A] : memref<51200x32xf32, #tpu.memory_space<vmem_shared>> -> memref<128x32xf32, #tpu.memory_space<vmem_shared>>
      %dma_start3A_291 = arith.constant 0 : i32
      %dma_start3A_292 = tpu.memref_slice %arg7[%add3A_31, %dma_start3A_291] : memref<51200x32xf32, #tpu.memory_space<vmem_shared>> -> memref<128x32xf32, #tpu.memory_space<vmem_shared>>
      tpu.enqueue_dma source(%arg13 : memref<128x32xf32, #tpu.memory_space<vmem>>) target(%dma_start3A_292 : memref<128x32xf32, #tpu.memory_space<vmem_shared>>) target_semaphore(%run_scoped3A : memref<!tpu.dma_semaphore, #tpu.memory_space<semaphore_mem>>)
      %dma_wait3A = arith.constant 0 : i32
      %dma_wait3A_293 = tpu.memref_slice %arg7[%add3A_31, %dma_wait3A] : memref<51200x32xf32, #tpu.memory_space<vmem_shared>> -> memref<128x32xf32, #tpu.memory_space<vmem_shared>>
      %dma_wait3A_294 = arith.constant 0 : i32
      %dma_wait3A_295 = tpu.memref_slice %arg7[%add3A_31, %dma_wait3A_294] : memref<51200x32xf32, #tpu.memory_space<vmem_shared>> -> memref<128x32xf32, #tpu.memory_space<vmem_shared>>
      tpu.wait_dma2 semaphore(%run_scoped3A : memref<!tpu.dma_semaphore, #tpu.memory_space<semaphore_mem>>) src(%arg13 : memref<128x32xf32, #tpu.memory_space<vmem>>) dst(%dma_wait3A_295 : memref<128x32xf32, #tpu.memory_space<vmem_shared>>)
      tpu.yield
    }) : () -> ()
    %add3A_32 = arith.constant 1536 : i32
    %add3A_33 = arith.addi %mul3A_7, %add3A_32 : i32
    "tpu.region"() ({
      %run_scoped3A = tpu.sem_alloc : memref<!tpu.dma_semaphore, #tpu.memory_space<semaphore_mem>>
      %dma_start3A = arith.constant 0 : i32
      %dma_start3A_290 = tpu.memref_slice %arg7[%add3A_33, %dma_start3A] : memref<51200x32xf32, #tpu.memory_space<vmem_shared>> -> memref<128x32xf32, #tpu.memory_space<vmem_shared>>
      %dma_start3A_291 = arith.constant 0 : i32
      %dma_start3A_292 = tpu.memref_slice %arg7[%add3A_33, %dma_start3A_291] : memref<51200x32xf32, #tpu.memory_space<vmem_shared>> -> memref<128x32xf32, #tpu.memory_space<vmem_shared>>
      tpu.enqueue_dma source(%arg13 : memref<128x32xf32, #tpu.memory_space<vmem>>) target(%dma_start3A_292 : memref<128x32xf32, #tpu.memory_space<vmem_shared>>) target_semaphore(%run_scoped3A : memref<!tpu.dma_semaphore, #tpu.memory_space<semaphore_mem>>)
      %dma_wait3A = arith.constant 0 : i32
      %dma_wait3A_293 = tpu.memref_slice %arg7[%add3A_33, %dma_wait3A] : memref<51200x32xf32, #tpu.memory_space<vmem_shared>> -> memref<128x32xf32, #tpu.memory_space<vmem_shared>>
      %dma_wait3A_294 = arith.constant 0 : i32
      %dma_wait3A_295 = tpu.memref_slice %arg7[%add3A_33, %dma_wait3A_294] : memref<51200x32xf32, #tpu.memory_space<vmem_shared>> -> memref<128x32xf32, #tpu.memory_space<vmem_shared>>
      tpu.wait_dma2 semaphore(%run_scoped3A : memref<!tpu.dma_semaphore, #tpu.memory_space<semaphore_mem>>) src(%arg13 : memref<128x32xf32, #tpu.memory_space<vmem>>) dst(%dma_wait3A_295 : memref<128x32xf32, #tpu.memory_space<vmem_shared>>)
      tpu.yield
    }) : () -> ()
    %add3A_34 = arith.constant 1664 : i32
    %add3A_35 = arith.addi %mul3A_7, %add3A_34 : i32
    "tpu.region"() ({
      %run_scoped3A = tpu.sem_alloc : memref<!tpu.dma_semaphore, #tpu.memory_space<semaphore_mem>>
      %dma_start3A = arith.constant 0 : i32
      %dma_start3A_290 = tpu.memref_slice %arg7[%add3A_35, %dma_start3A] : memref<51200x32xf32, #tpu.memory_space<vmem_shared>> -> memref<128x32xf32, #tpu.memory_space<vmem_shared>>
      %dma_start3A_291 = arith.constant 0 : i32
      %dma_start3A_292 = tpu.memref_slice %arg7[%add3A_35, %dma_start3A_291] : memref<51200x32xf32, #tpu.memory_space<vmem_shared>> -> memref<128x32xf32, #tpu.memory_space<vmem_shared>>
      tpu.enqueue_dma source(%arg13 : memref<128x32xf32, #tpu.memory_space<vmem>>) target(%dma_start3A_292 : memref<128x32xf32, #tpu.memory_space<vmem_shared>>) target_semaphore(%run_scoped3A : memref<!tpu.dma_semaphore, #tpu.memory_space<semaphore_mem>>)
      %dma_wait3A = arith.constant 0 : i32
      %dma_wait3A_293 = tpu.memref_slice %arg7[%add3A_35, %dma_wait3A] : memref<51200x32xf32, #tpu.memory_space<vmem_shared>> -> memref<128x32xf32, #tpu.memory_space<vmem_shared>>
      %dma_wait3A_294 = arith.constant 0 : i32
      %dma_wait3A_295 = tpu.memref_slice %arg7[%add3A_35, %dma_wait3A_294] : memref<51200x32xf32, #tpu.memory_space<vmem_shared>> -> memref<128x32xf32, #tpu.memory_space<vmem_shared>>
      tpu.wait_dma2 semaphore(%run_scoped3A : memref<!tpu.dma_semaphore, #tpu.memory_space<semaphore_mem>>) src(%arg13 : memref<128x32xf32, #tpu.memory_space<vmem>>) dst(%dma_wait3A_295 : memref<128x32xf32, #tpu.memory_space<vmem_shared>>)
      tpu.yield
    }) : () -> ()
    %add3A_36 = arith.constant 1792 : i32
    %add3A_37 = arith.addi %mul3A_7, %add3A_36 : i32
    "tpu.region"() ({
      %run_scoped3A = tpu.sem_alloc : memref<!tpu.dma_semaphore, #tpu.memory_space<semaphore_mem>>
      %dma_start3A = arith.constant 0 : i32
      %dma_start3A_290 = tpu.memref_slice %arg7[%add3A_37, %dma_start3A] : memref<51200x32xf32, #tpu.memory_space<vmem_shared>> -> memref<128x32xf32, #tpu.memory_space<vmem_shared>>
      %dma_start3A_291 = arith.constant 0 : i32
      %dma_start3A_292 = tpu.memref_slice %arg7[%add3A_37, %dma_start3A_291] : memref<51200x32xf32, #tpu.memory_space<vmem_shared>> -> memref<128x32xf32, #tpu.memory_space<vmem_shared>>
      tpu.enqueue_dma source(%arg13 : memref<128x32xf32, #tpu.memory_space<vmem>>) target(%dma_start3A_292 : memref<128x32xf32, #tpu.memory_space<vmem_shared>>) target_semaphore(%run_scoped3A : memref<!tpu.dma_semaphore, #tpu.memory_space<semaphore_mem>>)
      %dma_wait3A = arith.constant 0 : i32
      %dma_wait3A_293 = tpu.memref_slice %arg7[%add3A_37, %dma_wait3A] : memref<51200x32xf32, #tpu.memory_space<vmem_shared>> -> memref<128x32xf32, #tpu.memory_space<vmem_shared>>
      %dma_wait3A_294 = arith.constant 0 : i32
      %dma_wait3A_295 = tpu.memref_slice %arg7[%add3A_37, %dma_wait3A_294] : memref<51200x32xf32, #tpu.memory_space<vmem_shared>> -> memref<128x32xf32, #tpu.memory_space<vmem_shared>>
      tpu.wait_dma2 semaphore(%run_scoped3A : memref<!tpu.dma_semaphore, #tpu.memory_space<semaphore_mem>>) src(%arg13 : memref<128x32xf32, #tpu.memory_space<vmem>>) dst(%dma_wait3A_295 : memref<128x32xf32, #tpu.memory_space<vmem_shared>>)
      tpu.yield
    }) : () -> ()
    %add3A_38 = arith.constant 1920 : i32
    %add3A_39 = arith.addi %mul3A_7, %add3A_38 : i32
    "tpu.region"() ({
      %run_scoped3A = tpu.sem_alloc : memref<!tpu.dma_semaphore, #tpu.memory_space<semaphore_mem>>
      %dma_start3A = arith.constant 0 : i32
      %dma_start3A_290 = tpu.memref_slice %arg7[%add3A_39, %dma_start3A] : memref<51200x32xf32, #tpu.memory_space<vmem_shared>> -> memref<128x32xf32, #tpu.memory_space<vmem_shared>>
      %dma_start3A_291 = arith.constant 0 : i32
      %dma_start3A_292 = tpu.memref_slice %arg7[%add3A_39, %dma_start3A_291] : memref<51200x32xf32, #tpu.memory_space<vmem_shared>> -> memref<128x32xf32, #tpu.memory_space<vmem_shared>>
      tpu.enqueue_dma source(%arg13 : memref<128x32xf32, #tpu.memory_space<vmem>>) target(%dma_start3A_292 : memref<128x32xf32, #tpu.memory_space<vmem_shared>>) target_semaphore(%run_scoped3A : memref<!tpu.dma_semaphore, #tpu.memory_space<semaphore_mem>>)
      %dma_wait3A = arith.constant 0 : i32
      %dma_wait3A_293 = tpu.memref_slice %arg7[%add3A_39, %dma_wait3A] : memref<51200x32xf32, #tpu.memory_space<vmem_shared>> -> memref<128x32xf32, #tpu.memory_space<vmem_shared>>
      %dma_wait3A_294 = arith.constant 0 : i32
      %dma_wait3A_295 = tpu.memref_slice %arg7[%add3A_39, %dma_wait3A_294] : memref<51200x32xf32, #tpu.memory_space<vmem_shared>> -> memref<128x32xf32, #tpu.memory_space<vmem_shared>>
      tpu.wait_dma2 semaphore(%run_scoped3A : memref<!tpu.dma_semaphore, #tpu.memory_space<semaphore_mem>>) src(%arg13 : memref<128x32xf32, #tpu.memory_space<vmem>>) dst(%dma_wait3A_295 : memref<128x32xf32, #tpu.memory_space<vmem_shared>>)
      tpu.yield
    }) : () -> ()
    %add3A_40 = arith.constant 2048 : i32
    %add3A_41 = arith.addi %mul3A_7, %add3A_40 : i32
    "tpu.region"() ({
      %run_scoped3A = tpu.sem_alloc : memref<!tpu.dma_semaphore, #tpu.memory_space<semaphore_mem>>
      %dma_start3A = arith.constant 0 : i32
      %dma_start3A_290 = tpu.memref_slice %arg7[%add3A_41, %dma_start3A] : memref<51200x32xf32, #tpu.memory_space<vmem_shared>> -> memref<128x32xf32, #tpu.memory_space<vmem_shared>>
      %dma_start3A_291 = arith.constant 0 : i32
      %dma_start3A_292 = tpu.memref_slice %arg7[%add3A_41, %dma_start3A_291] : memref<51200x32xf32, #tpu.memory_space<vmem_shared>> -> memref<128x32xf32, #tpu.memory_space<vmem_shared>>
      tpu.enqueue_dma source(%arg13 : memref<128x32xf32, #tpu.memory_space<vmem>>) target(%dma_start3A_292 : memref<128x32xf32, #tpu.memory_space<vmem_shared>>) target_semaphore(%run_scoped3A : memref<!tpu.dma_semaphore, #tpu.memory_space<semaphore_mem>>)
      %dma_wait3A = arith.constant 0 : i32
      %dma_wait3A_293 = tpu.memref_slice %arg7[%add3A_41, %dma_wait3A] : memref<51200x32xf32, #tpu.memory_space<vmem_shared>> -> memref<128x32xf32, #tpu.memory_space<vmem_shared>>
      %dma_wait3A_294 = arith.constant 0 : i32
      %dma_wait3A_295 = tpu.memref_slice %arg7[%add3A_41, %dma_wait3A_294] : memref<51200x32xf32, #tpu.memory_space<vmem_shared>> -> memref<128x32xf32, #tpu.memory_space<vmem_shared>>
      tpu.wait_dma2 semaphore(%run_scoped3A : memref<!tpu.dma_semaphore, #tpu.memory_space<semaphore_mem>>) src(%arg13 : memref<128x32xf32, #tpu.memory_space<vmem>>) dst(%dma_wait3A_295 : memref<128x32xf32, #tpu.memory_space<vmem_shared>>)
      tpu.yield
    }) : () -> ()
    %add3A_42 = arith.constant 2176 : i32
    %add3A_43 = arith.addi %mul3A_7, %add3A_42 : i32
    "tpu.region"() ({
      %run_scoped3A = tpu.sem_alloc : memref<!tpu.dma_semaphore, #tpu.memory_space<semaphore_mem>>
      %dma_start3A = arith.constant 0 : i32
      %dma_start3A_290 = tpu.memref_slice %arg7[%add3A_43, %dma_start3A] : memref<51200x32xf32, #tpu.memory_space<vmem_shared>> -> memref<128x32xf32, #tpu.memory_space<vmem_shared>>
      %dma_start3A_291 = arith.constant 0 : i32
      %dma_start3A_292 = tpu.memref_slice %arg7[%add3A_43, %dma_start3A_291] : memref<51200x32xf32, #tpu.memory_space<vmem_shared>> -> memref<128x32xf32, #tpu.memory_space<vmem_shared>>
      tpu.enqueue_dma source(%arg13 : memref<128x32xf32, #tpu.memory_space<vmem>>) target(%dma_start3A_292 : memref<128x32xf32, #tpu.memory_space<vmem_shared>>) target_semaphore(%run_scoped3A : memref<!tpu.dma_semaphore, #tpu.memory_space<semaphore_mem>>)
      %dma_wait3A = arith.constant 0 : i32
      %dma_wait3A_293 = tpu.memref_slice %arg7[%add3A_43, %dma_wait3A] : memref<51200x32xf32, #tpu.memory_space<vmem_shared>> -> memref<128x32xf32, #tpu.memory_space<vmem_shared>>
      %dma_wait3A_294 = arith.constant 0 : i32
      %dma_wait3A_295 = tpu.memref_slice %arg7[%add3A_43, %dma_wait3A_294] : memref<51200x32xf32, #tpu.memory_space<vmem_shared>> -> memref<128x32xf32, #tpu.memory_space<vmem_shared>>
      tpu.wait_dma2 semaphore(%run_scoped3A : memref<!tpu.dma_semaphore, #tpu.memory_space<semaphore_mem>>) src(%arg13 : memref<128x32xf32, #tpu.memory_space<vmem>>) dst(%dma_wait3A_295 : memref<128x32xf32, #tpu.memory_space<vmem_shared>>)
      tpu.yield
    }) : () -> ()
    %add3A_44 = arith.constant 2304 : i32
    %add3A_45 = arith.addi %mul3A_7, %add3A_44 : i32
    "tpu.region"() ({
      %run_scoped3A = tpu.sem_alloc : memref<!tpu.dma_semaphore, #tpu.memory_space<semaphore_mem>>
      %dma_start3A = arith.constant 0 : i32
      %dma_start3A_290 = tpu.memref_slice %arg7[%add3A_45, %dma_start3A] : memref<51200x32xf32, #tpu.memory_space<vmem_shared>> -> memref<128x32xf32, #tpu.memory_space<vmem_shared>>
      %dma_start3A_291 = arith.constant 0 : i32
      %dma_start3A_292 = tpu.memref_slice %arg7[%add3A_45, %dma_start3A_291] : memref<51200x32xf32, #tpu.memory_space<vmem_shared>> -> memref<128x32xf32, #tpu.memory_space<vmem_shared>>
      tpu.enqueue_dma source(%arg13 : memref<128x32xf32, #tpu.memory_space<vmem>>) target(%dma_start3A_292 : memref<128x32xf32, #tpu.memory_space<vmem_shared>>) target_semaphore(%run_scoped3A : memref<!tpu.dma_semaphore, #tpu.memory_space<semaphore_mem>>)
      %dma_wait3A = arith.constant 0 : i32
      %dma_wait3A_293 = tpu.memref_slice %arg7[%add3A_45, %dma_wait3A] : memref<51200x32xf32, #tpu.memory_space<vmem_shared>> -> memref<128x32xf32, #tpu.memory_space<vmem_shared>>
      %dma_wait3A_294 = arith.constant 0 : i32
      %dma_wait3A_295 = tpu.memref_slice %arg7[%add3A_45, %dma_wait3A_294] : memref<51200x32xf32, #tpu.memory_space<vmem_shared>> -> memref<128x32xf32, #tpu.memory_space<vmem_shared>>
      tpu.wait_dma2 semaphore(%run_scoped3A : memref<!tpu.dma_semaphore, #tpu.memory_space<semaphore_mem>>) src(%arg13 : memref<128x32xf32, #tpu.memory_space<vmem>>) dst(%dma_wait3A_295 : memref<128x32xf32, #tpu.memory_space<vmem_shared>>)
      tpu.yield
    }) : () -> ()
    %add3A_46 = arith.constant 2432 : i32
    %add3A_47 = arith.addi %mul3A_7, %add3A_46 : i32
    "tpu.region"() ({
      %run_scoped3A = tpu.sem_alloc : memref<!tpu.dma_semaphore, #tpu.memory_space<semaphore_mem>>
      %dma_start3A = arith.constant 0 : i32
      %dma_start3A_290 = tpu.memref_slice %arg7[%add3A_47, %dma_start3A] : memref<51200x32xf32, #tpu.memory_space<vmem_shared>> -> memref<128x32xf32, #tpu.memory_space<vmem_shared>>
      %dma_start3A_291 = arith.constant 0 : i32
      %dma_start3A_292 = tpu.memref_slice %arg7[%add3A_47, %dma_start3A_291] : memref<51200x32xf32, #tpu.memory_space<vmem_shared>> -> memref<128x32xf32, #tpu.memory_space<vmem_shared>>
      tpu.enqueue_dma source(%arg13 : memref<128x32xf32, #tpu.memory_space<vmem>>) target(%dma_start3A_292 : memref<128x32xf32, #tpu.memory_space<vmem_shared>>) target_semaphore(%run_scoped3A : memref<!tpu.dma_semaphore, #tpu.memory_space<semaphore_mem>>)
      %dma_wait3A = arith.constant 0 : i32
      %dma_wait3A_293 = tpu.memref_slice %arg7[%add3A_47, %dma_wait3A] : memref<51200x32xf32, #tpu.memory_space<vmem_shared>> -> memref<128x32xf32, #tpu.memory_space<vmem_shared>>
      %dma_wait3A_294 = arith.constant 0 : i32
      %dma_wait3A_295 = tpu.memref_slice %arg7[%add3A_47, %dma_wait3A_294] : memref<51200x32xf32, #tpu.memory_space<vmem_shared>> -> memref<128x32xf32, #tpu.memory_space<vmem_shared>>
      tpu.wait_dma2 semaphore(%run_scoped3A : memref<!tpu.dma_semaphore, #tpu.memory_space<semaphore_mem>>) src(%arg13 : memref<128x32xf32, #tpu.memory_space<vmem>>) dst(%dma_wait3A_295 : memref<128x32xf32, #tpu.memory_space<vmem_shared>>)
      tpu.yield
    }) : () -> ()
    %add3A_48 = arith.constant 2560 : i32
    %add3A_49 = arith.addi %mul3A_7, %add3A_48 : i32
    "tpu.region"() ({
      %run_scoped3A = tpu.sem_alloc : memref<!tpu.dma_semaphore, #tpu.memory_space<semaphore_mem>>
      %dma_start3A = arith.constant 0 : i32
      %dma_start3A_290 = tpu.memref_slice %arg7[%add3A_49, %dma_start3A] : memref<51200x32xf32, #tpu.memory_space<vmem_shared>> -> memref<128x32xf32, #tpu.memory_space<vmem_shared>>
      %dma_start3A_291 = arith.constant 0 : i32
      %dma_start3A_292 = tpu.memref_slice %arg7[%add3A_49, %dma_start3A_291] : memref<51200x32xf32, #tpu.memory_space<vmem_shared>> -> memref<128x32xf32, #tpu.memory_space<vmem_shared>>
      tpu.enqueue_dma source(%arg13 : memref<128x32xf32, #tpu.memory_space<vmem>>) target(%dma_start3A_292 : memref<128x32xf32, #tpu.memory_space<vmem_shared>>) target_semaphore(%run_scoped3A : memref<!tpu.dma_semaphore, #tpu.memory_space<semaphore_mem>>)
      %dma_wait3A = arith.constant 0 : i32
      %dma_wait3A_293 = tpu.memref_slice %arg7[%add3A_49, %dma_wait3A] : memref<51200x32xf32, #tpu.memory_space<vmem_shared>> -> memref<128x32xf32, #tpu.memory_space<vmem_shared>>
      %dma_wait3A_294 = arith.constant 0 : i32
      %dma_wait3A_295 = tpu.memref_slice %arg7[%add3A_49, %dma_wait3A_294] : memref<51200x32xf32, #tpu.memory_space<vmem_shared>> -> memref<128x32xf32, #tpu.memory_space<vmem_shared>>
      tpu.wait_dma2 semaphore(%run_scoped3A : memref<!tpu.dma_semaphore, #tpu.memory_space<semaphore_mem>>) src(%arg13 : memref<128x32xf32, #tpu.memory_space<vmem>>) dst(%dma_wait3A_295 : memref<128x32xf32, #tpu.memory_space<vmem_shared>>)
      tpu.yield
    }) : () -> ()
    %add3A_50 = arith.constant 2688 : i32
    %add3A_51 = arith.addi %mul3A_7, %add3A_50 : i32
    "tpu.region"() ({
      %run_scoped3A = tpu.sem_alloc : memref<!tpu.dma_semaphore, #tpu.memory_space<semaphore_mem>>
      %dma_start3A = arith.constant 0 : i32
      %dma_start3A_290 = tpu.memref_slice %arg7[%add3A_51, %dma_start3A] : memref<51200x32xf32, #tpu.memory_space<vmem_shared>> -> memref<128x32xf32, #tpu.memory_space<vmem_shared>>
      %dma_start3A_291 = arith.constant 0 : i32
      %dma_start3A_292 = tpu.memref_slice %arg7[%add3A_51, %dma_start3A_291] : memref<51200x32xf32, #tpu.memory_space<vmem_shared>> -> memref<128x32xf32, #tpu.memory_space<vmem_shared>>
      tpu.enqueue_dma source(%arg13 : memref<128x32xf32, #tpu.memory_space<vmem>>) target(%dma_start3A_292 : memref<128x32xf32, #tpu.memory_space<vmem_shared>>) target_semaphore(%run_scoped3A : memref<!tpu.dma_semaphore, #tpu.memory_space<semaphore_mem>>)
      %dma_wait3A = arith.constant 0 : i32
      %dma_wait3A_293 = tpu.memref_slice %arg7[%add3A_51, %dma_wait3A] : memref<51200x32xf32, #tpu.memory_space<vmem_shared>> -> memref<128x32xf32, #tpu.memory_space<vmem_shared>>
      %dma_wait3A_294 = arith.constant 0 : i32
      %dma_wait3A_295 = tpu.memref_slice %arg7[%add3A_51, %dma_wait3A_294] : memref<51200x32xf32, #tpu.memory_space<vmem_shared>> -> memref<128x32xf32, #tpu.memory_space<vmem_shared>>
      tpu.wait_dma2 semaphore(%run_scoped3A : memref<!tpu.dma_semaphore, #tpu.memory_space<semaphore_mem>>) src(%arg13 : memref<128x32xf32, #tpu.memory_space<vmem>>) dst(%dma_wait3A_295 : memref<128x32xf32, #tpu.memory_space<vmem_shared>>)
      tpu.yield
    }) : () -> ()
    %add3A_52 = arith.constant 2816 : i32
    %add3A_53 = arith.addi %mul3A_7, %add3A_52 : i32
    "tpu.region"() ({
      %run_scoped3A = tpu.sem_alloc : memref<!tpu.dma_semaphore, #tpu.memory_space<semaphore_mem>>
      %dma_start3A = arith.constant 0 : i32
      %dma_start3A_290 = tpu.memref_slice %arg7[%add3A_53, %dma_start3A] : memref<51200x32xf32, #tpu.memory_space<vmem_shared>> -> memref<128x32xf32, #tpu.memory_space<vmem_shared>>
      %dma_start3A_291 = arith.constant 0 : i32
      %dma_start3A_292 = tpu.memref_slice %arg7[%add3A_53, %dma_start3A_291] : memref<51200x32xf32, #tpu.memory_space<vmem_shared>> -> memref<128x32xf32, #tpu.memory_space<vmem_shared>>
      tpu.enqueue_dma source(%arg13 : memref<128x32xf32, #tpu.memory_space<vmem>>) target(%dma_start3A_292 : memref<128x32xf32, #tpu.memory_space<vmem_shared>>) target_semaphore(%run_scoped3A : memref<!tpu.dma_semaphore, #tpu.memory_space<semaphore_mem>>)
      %dma_wait3A = arith.constant 0 : i32
      %dma_wait3A_293 = tpu.memref_slice %arg7[%add3A_53, %dma_wait3A] : memref<51200x32xf32, #tpu.memory_space<vmem_shared>> -> memref<128x32xf32, #tpu.memory_space<vmem_shared>>
      %dma_wait3A_294 = arith.constant 0 : i32
      %dma_wait3A_295 = tpu.memref_slice %arg7[%add3A_53, %dma_wait3A_294] : memref<51200x32xf32, #tpu.memory_space<vmem_shared>> -> memref<128x32xf32, #tpu.memory_space<vmem_shared>>
      tpu.wait_dma2 semaphore(%run_scoped3A : memref<!tpu.dma_semaphore, #tpu.memory_space<semaphore_mem>>) src(%arg13 : memref<128x32xf32, #tpu.memory_space<vmem>>) dst(%dma_wait3A_295 : memref<128x32xf32, #tpu.memory_space<vmem_shared>>)
      tpu.yield
    }) : () -> ()
    %add3A_54 = arith.constant 2944 : i32
    %add3A_55 = arith.addi %mul3A_7, %add3A_54 : i32
    "tpu.region"() ({
      %run_scoped3A = tpu.sem_alloc : memref<!tpu.dma_semaphore, #tpu.memory_space<semaphore_mem>>
      %dma_start3A = arith.constant 0 : i32
      %dma_start3A_290 = tpu.memref_slice %arg7[%add3A_55, %dma_start3A] : memref<51200x32xf32, #tpu.memory_space<vmem_shared>> -> memref<128x32xf32, #tpu.memory_space<vmem_shared>>
      %dma_start3A_291 = arith.constant 0 : i32
      %dma_start3A_292 = tpu.memref_slice %arg7[%add3A_55, %dma_start3A_291] : memref<51200x32xf32, #tpu.memory_space<vmem_shared>> -> memref<128x32xf32, #tpu.memory_space<vmem_shared>>
      tpu.enqueue_dma source(%arg13 : memref<128x32xf32, #tpu.memory_space<vmem>>) target(%dma_start3A_292 : memref<128x32xf32, #tpu.memory_space<vmem_shared>>) target_semaphore(%run_scoped3A : memref<!tpu.dma_semaphore, #tpu.memory_space<semaphore_mem>>)
      %dma_wait3A = arith.constant 0 : i32
      %dma_wait3A_293 = tpu.memref_slice %arg7[%add3A_55, %dma_wait3A] : memref<51200x32xf32, #tpu.memory_space<vmem_shared>> -> memref<128x32xf32, #tpu.memory_space<vmem_shared>>
      %dma_wait3A_294 = arith.constant 0 : i32
      %dma_wait3A_295 = tpu.memref_slice %arg7[%add3A_55, %dma_wait3A_294] : memref<51200x32xf32, #tpu.memory_space<vmem_shared>> -> memref<128x32xf32, #tpu.memory_space<vmem_shared>>
      tpu.wait_dma2 semaphore(%run_scoped3A : memref<!tpu.dma_semaphore, #tpu.memory_space<semaphore_mem>>) src(%arg13 : memref<128x32xf32, #tpu.memory_space<vmem>>) dst(%dma_wait3A_295 : memref<128x32xf32, #tpu.memory_space<vmem_shared>>)
      tpu.yield
    }) : () -> ()
    %add3A_56 = arith.constant 3072 : i32
    %add3A_57 = arith.addi %mul3A_7, %add3A_56 : i32
    "tpu.region"() ({
      %run_scoped3A = tpu.sem_alloc : memref<!tpu.dma_semaphore, #tpu.memory_space<semaphore_mem>>
      %dma_start3A = arith.constant 0 : i32
      %dma_start3A_290 = tpu.memref_slice %arg7[%add3A_57, %dma_start3A] : memref<51200x32xf32, #tpu.memory_space<vmem_shared>> -> memref<128x32xf32, #tpu.memory_space<vmem_shared>>
      %dma_start3A_291 = arith.constant 0 : i32
      %dma_start3A_292 = tpu.memref_slice %arg7[%add3A_57, %dma_start3A_291] : memref<51200x32xf32, #tpu.memory_space<vmem_shared>> -> memref<128x32xf32, #tpu.memory_space<vmem_shared>>
      tpu.enqueue_dma source(%arg13 : memref<128x32xf32, #tpu.memory_space<vmem>>) target(%dma_start3A_292 : memref<128x32xf32, #tpu.memory_space<vmem_shared>>) target_semaphore(%run_scoped3A : memref<!tpu.dma_semaphore, #tpu.memory_space<semaphore_mem>>)
      %dma_wait3A = arith.constant 0 : i32
      %dma_wait3A_293 = tpu.memref_slice %arg7[%add3A_57, %dma_wait3A] : memref<51200x32xf32, #tpu.memory_space<vmem_shared>> -> memref<128x32xf32, #tpu.memory_space<vmem_shared>>
      %dma_wait3A_294 = arith.constant 0 : i32
      %dma_wait3A_295 = tpu.memref_slice %arg7[%add3A_57, %dma_wait3A_294] : memref<51200x32xf32, #tpu.memory_space<vmem_shared>> -> memref<128x32xf32, #tpu.memory_space<vmem_shared>>
      tpu.wait_dma2 semaphore(%run_scoped3A : memref<!tpu.dma_semaphore, #tpu.memory_space<semaphore_mem>>) src(%arg13 : memref<128x32xf32, #tpu.memory_space<vmem>>) dst(%dma_wait3A_295 : memref<128x32xf32, #tpu.memory_space<vmem_shared>>)
      tpu.yield
    }) : () -> ()
    %barrier3A = arith.constant 0 : index
    tpu.barrier barrier_id(%barrier3A)
    %broadcast_in_dim3A_58 = arith.constant 1.000000e+00 : f32
    %broadcast_in_dim3A_59 = vector.broadcast %broadcast_in_dim3A_58 : f32 to vector<16xf32>
    %scan3A_60 = arith.constant 0 : i32
    %scan3A_61 = arith.constant 128 : i32
    %scan3A_62 = arith.addi %scan3A_60, %scan3A_61 : i32
    %scan3A_63 = arith.constant 1 : i32
    scf.for %scan3A_290 = %scan3A_60 to %scan3A_62 step %scan3A_63  : i32 {
      %mul3A_291 = arith.constant 1 : i32
      %mul3A_292 = arith.muli %scan3A_290, %mul3A_291 : i32
      %add3A_293 = arith.constant 0 : i32
      %add3A_294 = arith.addi %add3A_293, %mul3A_292 : i32
      %swap3A = arith.index_cast %add3A_294 : i32 to index
      %swap3A_295 = arith.constant 0 : index
      %swap3A_296 = tpu.vector_load %arg12[%swap3A, %swap3A_295] {strides = array<i32>} : memref<128x32xf32, #tpu.memory_space<vmem>>, vector<1x16xf32>,
      %swap3A_297 = vector.shape_cast %swap3A_296 : vector<1x16xf32> to vector<16xf32>
      %swap3A_298 = vector.shape_cast %broadcast_in_dim3A_59 : vector<16xf32> to vector<1x16xf32>
      tpu.vector_store %arg12[%swap3A, %swap3A_295], %swap3A_298 {strides = array<i32>} : memref<128x32xf32, #tpu.memory_space<vmem>>, vector<1x16xf32>,
      %swap3A_299 = arith.index_cast %add3A_294 : i32 to index
      %swap3A_300 = arith.constant 16 : index
      %swap3A_301 = tpu.vector_load %arg12[%swap3A_299, %swap3A_300] {strides = array<i32>} : memref<128x32xf32, #tpu.memory_space<vmem>>, vector<1x16xf32>,
      %swap3A_302 = vector.shape_cast %swap3A_301 : vector<1x16xf32> to vector<16xf32>
      %swap3A_303 = vector.shape_cast %broadcast_in_dim3A_59 : vector<16xf32> to vector<1x16xf32>
      tpu.vector_store %arg12[%swap3A_299, %swap3A_300], %swap3A_303 {strides = array<i32>} : memref<128x32xf32, #tpu.memory_space<vmem>>, vector<1x16xf32>,
    }
    %scan3A_64 = arith.constant 128 : i32
    %mul3A_65 = arith.constant 781 : i32
    %mul3A_66 = arith.muli %arg0, %mul3A_65 : i32
    %mul3A_67 = arith.constant 781 : i32
    %mul3A_68 = arith.muli %mul3A_67, %arg1 : i32
    %jit3A = arith.constant 16 : i32
    %div3A = arith.divsi %mul3A_68, %jit3A : i32
    %sign3A = arith.constant 0 : i32
    %sign3A_69 = arith.cmpi sgt, %mul3A_68, %sign3A : i32
    %sign3A_70 = arith.extui %sign3A_69 : i1 to i32
    %sign3A_71 = arith.constant 0 : i32
    %sign3A_72 = arith.cmpi slt, %mul3A_68, %sign3A_71 : i32
    %sign3A_73 = arith.extui %sign3A_72 : i1 to i32
    %sign3A_74 = arith.subi %sign3A_70, %sign3A_73 : i32
    %sign3A_75 = arith.constant 0 : i32
    %sign3A_76 = arith.cmpi sgt, %jit3A, %sign3A_75 : i32
    %sign3A_77 = arith.extui %sign3A_76 : i1 to i32
    %sign3A_78 = arith.constant 0 : i32
    %sign3A_79 = arith.cmpi slt, %jit3A, %sign3A_78 : i32
    %sign3A_80 = arith.extui %sign3A_79 : i1 to i32
    %sign3A_81 = arith.subi %sign3A_77, %sign3A_80 : i32
    %ne3A = arith.cmpi ne, %sign3A_74, %sign3A_81 : i32
    %rem3A = arith.remsi %mul3A_68, %jit3A : i32
    %ne3A_82 = arith.constant 0 : i32
    %ne3A_83 = arith.cmpi ne, %rem3A, %ne3A_82 : i32
    %and3A = arith.andi %ne3A, %ne3A_83 : i1
    %sub3A = arith.constant 1 : i32
    %sub3A_84 = arith.subi %div3A, %sub3A : i32
    %select_n3A = arith.select %and3A, %sub3A_84, %div3A : i32
    %add3A_85 = arith.addi %mul3A_66, %select_n3A : i32
    %mul3A_86 = arith.constant 781 : i32
    %mul3A_87 = arith.muli %arg0, %mul3A_86 : i32
    %add3A_88 = arith.constant 1 : i32
    %add3A_89 = arith.addi %arg1, %add3A_88 : i32
    %mul3A_90 = arith.constant 781 : i32
    %mul3A_91 = arith.muli %mul3A_90, %add3A_89 : i32
    %jit3A_92 = arith.constant 16 : i32
    %div3A_93 = arith.divsi %mul3A_91, %jit3A_92 : i32
    %sign3A_94 = arith.constant 0 : i32
    %sign3A_95 = arith.cmpi sgt, %mul3A_91, %sign3A_94 : i32
    %sign3A_96 = arith.extui %sign3A_95 : i1 to i32
    %sign3A_97 = arith.constant 0 : i32
    %sign3A_98 = arith.cmpi slt, %mul3A_91, %sign3A_97 : i32
    %sign3A_99 = arith.extui %sign3A_98 : i1 to i32
    %sign3A_100 = arith.subi %sign3A_96, %sign3A_99 : i32
    %sign3A_101 = arith.constant 0 : i32
    %sign3A_102 = arith.cmpi sgt, %jit3A_92, %sign3A_101 : i32
    %sign3A_103 = arith.extui %sign3A_102 : i1 to i32
    %sign3A_104 = arith.constant 0 : i32
    %sign3A_105 = arith.cmpi slt, %jit3A_92, %sign3A_104 : i32
    %sign3A_106 = arith.extui %sign3A_105 : i1 to i32
    %sign3A_107 = arith.subi %sign3A_103, %sign3A_106 : i32
    %ne3A_108 = arith.cmpi ne, %sign3A_100, %sign3A_107 : i32
    %rem3A_109 = arith.remsi %mul3A_91, %jit3A_92 : i32
    %ne3A_110 = arith.constant 0 : i32
    %ne3A_111 = arith.cmpi ne, %rem3A_109, %ne3A_110 : i32
    %and3A_112 = arith.andi %ne3A_108, %ne3A_111 : i1
    %sub3A_113 = arith.constant 1 : i32
    %sub3A_114 = arith.subi %div3A_93, %sub3A_113 : i32
    %select_n3A_115 = arith.select %and3A_112, %sub3A_114, %div3A_93 : i32
    %add3A_116 = arith.addi %mul3A_87, %select_n3A_115 : i32
    %sub3A_117 = arith.subi %add3A_116, %add3A_85 : i32
    %jit3A_118 = arith.constant 2 : i32
    %div3A_119 = arith.divsi %sub3A_117, %jit3A_118 : i32
    %sign3A_120 = arith.constant 0 : i32
    %sign3A_121 = arith.cmpi sgt, %sub3A_117, %sign3A_120 : i32
    %sign3A_122 = arith.extui %sign3A_121 : i1 to i32
    %sign3A_123 = arith.constant 0 : i32
    %sign3A_124 = arith.cmpi slt, %sub3A_117, %sign3A_123 : i32
    %sign3A_125 = arith.extui %sign3A_124 : i1 to i32
    %sign3A_126 = arith.subi %sign3A_122, %sign3A_125 : i32
    %sign3A_127 = arith.constant 0 : i32
    %sign3A_128 = arith.cmpi sgt, %jit3A_118, %sign3A_127 : i32
    %sign3A_129 = arith.extui %sign3A_128 : i1 to i32
    %sign3A_130 = arith.constant 0 : i32
    %sign3A_131 = arith.cmpi slt, %jit3A_118, %sign3A_130 : i32
    %sign3A_132 = arith.extui %sign3A_131 : i1 to i32
    %sign3A_133 = arith.subi %sign3A_129, %sign3A_132 : i32
    %ne3A_134 = arith.cmpi ne, %sign3A_126, %sign3A_133 : i32
    %rem3A_135 = arith.remsi %sub3A_117, %jit3A_118 : i32
    %ne3A_136 = arith.constant 0 : i32
    %ne3A_137 = arith.cmpi ne, %rem3A_135, %ne3A_136 : i32
    %and3A_138 = arith.andi %ne3A_134, %ne3A_137 : i1
    %sub3A_139 = arith.constant 1 : i32
    %sub3A_140 = arith.subi %div3A_119, %sub3A_139 : i32
    %select_n3A_141 = arith.select %and3A_138, %sub3A_140, %div3A_119 : i32
    %mul3A_142 = arith.constant 2 : i32
    %mul3A_143 = arith.muli %mul3A_142, %select_n3A_141 : i32
    %add3A_144 = arith.addi %add3A_85, %mul3A_143 : i32
    %sub3A_145 = arith.subi %add3A_144, %add3A_85 : i32
    %sub3A_146 = arith.constant 2 : i32
    %sub3A_147 = arith.constant 1 : i32
    %sub3A_148 = arith.subi %sub3A_146, %sub3A_147 : i32
    %add3A_149 = arith.addi %sub3A_145, %sub3A_148 : i32
    %div3A_150 = arith.constant 2 : i32
    %div3A_151 = arith.divsi %add3A_149, %div3A_150 : i32
    %while3A = arith.constant 2 : i32
    %while3A_152 = arith.constant 0 : i32
    %while3A_153 = arith.subi %div3A_151, %while3A_152 : i32
    %while3A_154 = arith.addi %while3A_152, %while3A_153 : i32
    %while3A_155 = arith.constant 1 : i32
    %while3A_156 = arith.divsi %while3A_153, %while3A_155 : i32
    %while3A_157 = arith.muli %while3A_156, %while3A_155 : i32
    %while3A_158 = arith.addi %while3A_152, %while3A_157 : i32
    %while3A_159 = arith.constant 1 : i32
    scf.for %while3A_290 = %while3A_152 to %while3A_158 step %while3A_159  : i32 {
      %mul3A_291 = arith.muli %while3A_290, %while3A : i32
      %add3A_292 = arith.addi %add3A_85, %mul3A_291 : i32
      %gt3A_293 = arith.cmpi sgt, %add3A_292, %add3A_85 : i32
      %convert_element_type3A_294 = arith.extui %gt3A_293 : i1 to i32
      %cond3A_295 = arith.constant 0 : i32
      %cond3A_296 = arith.cmpi ne, %convert_element_type3A_294, %cond3A_295 : i32
      scf.if %cond3A_296 {
        %dma_wait3A_379 = arith.constant 0 : i32
        %dma_wait3A_380 = arith.constant 0 : i32
        %dma_wait3A_381 = tpu.memref_slice %arg8[%dma_wait3A_379, %dma_wait3A_380] : memref<4x128xi32, #tpu.memory_space<vmem>> -> memref<1x128xi32, #tpu.memory_space<vmem>>
        %dma_wait3A_382 = tpu.memref_squeeze %dma_wait3A_381 : memref<1x128xi32, #tpu.memory_space<vmem>> -> memref<128xi32, #tpu.memory_space<vmem>>
        %dma_wait3A_383 = arith.constant 0 : i32
        %dma_wait3A_384 = arith.constant 0 : i32
        %dma_wait3A_385 = tpu.memref_slice %arg7[%dma_wait3A_383, %dma_wait3A_384] : memref<51200x32xf32, #tpu.memory_space<vmem_shared>> -> memref<51200x32xf32, #tpu.memory_space<vmem_shared>>
        tpu.wait_indirect_dma semaphore(%arg15 : memref<!tpu.dma_semaphore, #tpu.memory_space<semaphore_mem>>) src(%arg12 : memref<128x32xf32, #tpu.memory_space<vmem>>) dst(%dma_wait3A_385 : memref<51200x32xf32, #tpu.memory_space<vmem_shared>>)
        %dma_wait3A_386 = arith.constant 1 : i32
        %dma_wait3A_387 = arith.constant 0 : i32
        %dma_wait3A_388 = tpu.memref_slice %arg8[%dma_wait3A_386, %dma_wait3A_387] : memref<4x128xi32, #tpu.memory_space<vmem>> -> memref<1x128xi32, #tpu.memory_space<vmem>>
        %dma_wait3A_389 = tpu.memref_squeeze %dma_wait3A_388 : memref<1x128xi32, #tpu.memory_space<vmem>> -> memref<128xi32, #tpu.memory_space<vmem>>
        %dma_wait3A_390 = arith.constant 0 : i32
        %dma_wait3A_391 = arith.constant 0 : i32
        %dma_wait3A_392 = tpu.memref_slice %arg7[%dma_wait3A_390, %dma_wait3A_391] : memref<51200x32xf32, #tpu.memory_space<vmem_shared>> -> memref<51200x32xf32, #tpu.memory_space<vmem_shared>>
        tpu.wait_indirect_dma semaphore(%arg15 : memref<!tpu.dma_semaphore, #tpu.memory_space<semaphore_mem>>) src(%arg12 : memref<128x32xf32, #tpu.memory_space<vmem>>) dst(%dma_wait3A_392 : memref<51200x32xf32, #tpu.memory_space<vmem_shared>>)
        %dma_wait3A_393 = arith.constant 2 : i32
        %dma_wait3A_394 = arith.constant 0 : i32
        %dma_wait3A_395 = tpu.memref_slice %arg8[%dma_wait3A_393, %dma_wait3A_394] : memref<4x128xi32, #tpu.memory_space<vmem>> -> memref<1x128xi32, #tpu.memory_space<vmem>>
        %dma_wait3A_396 = tpu.memref_squeeze %dma_wait3A_395 : memref<1x128xi32, #tpu.memory_space<vmem>> -> memref<128xi32, #tpu.memory_space<vmem>>
        %dma_wait3A_397 = arith.constant 0 : i32
        %dma_wait3A_398 = arith.constant 0 : i32
        %dma_wait3A_399 = tpu.memref_slice %arg7[%dma_wait3A_397, %dma_wait3A_398] : memref<51200x32xf32, #tpu.memory_space<vmem_shared>> -> memref<51200x32xf32, #tpu.memory_space<vmem_shared>>
        tpu.wait_indirect_dma semaphore(%arg15 : memref<!tpu.dma_semaphore, #tpu.memory_space<semaphore_mem>>) src(%arg12 : memref<128x32xf32, #tpu.memory_space<vmem>>) dst(%dma_wait3A_399 : memref<51200x32xf32, #tpu.memory_space<vmem_shared>>)
        %dma_wait3A_400 = arith.constant 3 : i32
        %dma_wait3A_401 = arith.constant 0 : i32
        %dma_wait3A_402 = tpu.memref_slice %arg8[%dma_wait3A_400, %dma_wait3A_401] : memref<4x128xi32, #tpu.memory_space<vmem>> -> memref<1x128xi32, #tpu.memory_space<vmem>>
        %dma_wait3A_403 = tpu.memref_squeeze %dma_wait3A_402 : memref<1x128xi32, #tpu.memory_space<vmem>> -> memref<128xi32, #tpu.memory_space<vmem>>
        %dma_wait3A_404 = arith.constant 0 : i32
        %dma_wait3A_405 = arith.constant 0 : i32
        %dma_wait3A_406 = tpu.memref_slice %arg7[%dma_wait3A_404, %dma_wait3A_405] : memref<51200x32xf32, #tpu.memory_space<vmem_shared>> -> memref<51200x32xf32, #tpu.memory_space<vmem_shared>>
        tpu.wait_indirect_dma semaphore(%arg15 : memref<!tpu.dma_semaphore, #tpu.memory_space<semaphore_mem>>) src(%arg12 : memref<128x32xf32, #tpu.memory_space<vmem>>) dst(%dma_wait3A_406 : memref<51200x32xf32, #tpu.memory_space<vmem_shared>>)
        %dma_wait3A_407 = arith.constant 0 : i32
        %dma_wait3A_408 = arith.constant 0 : i32
        %dma_wait3A_409 = tpu.memref_slice %arg9[%dma_wait3A_407, %dma_wait3A_408] : memref<4x128xi32, #tpu.memory_space<vmem>> -> memref<1x128xi32, #tpu.memory_space<vmem>>
        %dma_wait3A_410 = tpu.memref_squeeze %dma_wait3A_409 : memref<1x128xi32, #tpu.memory_space<vmem>> -> memref<128xi32, #tpu.memory_space<vmem>>
        %dma_wait3A_411 = arith.constant 0 : i32
        %dma_wait3A_412 = arith.constant 0 : i32
        %dma_wait3A_413 = tpu.memref_slice %arg7[%dma_wait3A_411, %dma_wait3A_412] : memref<51200x32xf32, #tpu.memory_space<vmem_shared>> -> memref<51200x32xf32, #tpu.memory_space<vmem_shared>>
        tpu.wait_indirect_dma semaphore(%arg16 : memref<!tpu.dma_semaphore, #tpu.memory_space<semaphore_mem>>) src(%arg12 : memref<128x32xf32, #tpu.memory_space<vmem>>) dst(%dma_wait3A_413 : memref<51200x32xf32, #tpu.memory_space<vmem_shared>>)
        %dma_wait3A_414 = arith.constant 1 : i32
        %dma_wait3A_415 = arith.constant 0 : i32
        %dma_wait3A_416 = tpu.memref_slice %arg9[%dma_wait3A_414, %dma_wait3A_415] : memref<4x128xi32, #tpu.memory_space<vmem>> -> memref<1x128xi32, #tpu.memory_space<vmem>>
        %dma_wait3A_417 = tpu.memref_squeeze %dma_wait3A_416 : memref<1x128xi32, #tpu.memory_space<vmem>> -> memref<128xi32, #tpu.memory_space<vmem>>
        %dma_wait3A_418 = arith.constant 0 : i32
        %dma_wait3A_419 = arith.constant 0 : i32
        %dma_wait3A_420 = tpu.memref_slice %arg7[%dma_wait3A_418, %dma_wait3A_419] : memref<51200x32xf32, #tpu.memory_space<vmem_shared>> -> memref<51200x32xf32, #tpu.memory_space<vmem_shared>>
        tpu.wait_indirect_dma semaphore(%arg16 : memref<!tpu.dma_semaphore, #tpu.memory_space<semaphore_mem>>) src(%arg12 : memref<128x32xf32, #tpu.memory_space<vmem>>) dst(%dma_wait3A_420 : memref<51200x32xf32, #tpu.memory_space<vmem_shared>>)
        %dma_wait3A_421 = arith.constant 2 : i32
        %dma_wait3A_422 = arith.constant 0 : i32
        %dma_wait3A_423 = tpu.memref_slice %arg9[%dma_wait3A_421, %dma_wait3A_422] : memref<4x128xi32, #tpu.memory_space<vmem>> -> memref<1x128xi32, #tpu.memory_space<vmem>>
        %dma_wait3A_424 = tpu.memref_squeeze %dma_wait3A_423 : memref<1x128xi32, #tpu.memory_space<vmem>> -> memref<128xi32, #tpu.memory_space<vmem>>
        %dma_wait3A_425 = arith.constant 0 : i32
        %dma_wait3A_426 = arith.constant 0 : i32
        %dma_wait3A_427 = tpu.memref_slice %arg7[%dma_wait3A_425, %dma_wait3A_426] : memref<51200x32xf32, #tpu.memory_space<vmem_shared>> -> memref<51200x32xf32, #tpu.memory_space<vmem_shared>>
        tpu.wait_indirect_dma semaphore(%arg16 : memref<!tpu.dma_semaphore, #tpu.memory_space<semaphore_mem>>) src(%arg12 : memref<128x32xf32, #tpu.memory_space<vmem>>) dst(%dma_wait3A_427 : memref<51200x32xf32, #tpu.memory_space<vmem_shared>>)
        %dma_wait3A_428 = arith.constant 3 : i32
        %dma_wait3A_429 = arith.constant 0 : i32
        %dma_wait3A_430 = tpu.memref_slice %arg9[%dma_wait3A_428, %dma_wait3A_429] : memref<4x128xi32, #tpu.memory_space<vmem>> -> memref<1x128xi32, #tpu.memory_space<vmem>>
        %dma_wait3A_431 = tpu.memref_squeeze %dma_wait3A_430 : memref<1x128xi32, #tpu.memory_space<vmem>> -> memref<128xi32, #tpu.memory_space<vmem>>
        %dma_wait3A_432 = arith.constant 0 : i32
        %dma_wait3A_433 = arith.constant 0 : i32
        %dma_wait3A_434 = tpu.memref_slice %arg7[%dma_wait3A_432, %dma_wait3A_433] : memref<51200x32xf32, #tpu.memory_space<vmem_shared>> -> memref<51200x32xf32, #tpu.memory_space<vmem_shared>>
        tpu.wait_indirect_dma semaphore(%arg16 : memref<!tpu.dma_semaphore, #tpu.memory_space<semaphore_mem>>) src(%arg12 : memref<128x32xf32, #tpu.memory_space<vmem>>) dst(%dma_wait3A_434 : memref<51200x32xf32, #tpu.memory_space<vmem_shared>>)
      } else {
      }
      %mul3A_297 = arith.constant 4 : i32
      %mul3A_298 = arith.muli %add3A_292, %mul3A_297 : i32
      %dma_start3A = arith.constant 0 : i32
      %dma_start3A_299 = tpu.memref_slice %arg2[%mul3A_298, %dma_start3A] : memref<6250x128xi32, #tpu.memory_space<hbm>> -> memref<4x128xi32, #tpu.memory_space<hbm>>
      %dma_start3A_300 = arith.constant 0 : i32
      %dma_start3A_301 = tpu.memref_slice %arg2[%mul3A_298, %dma_start3A_300] : memref<6250x128xi32, #tpu.memory_space<hbm>> -> memref<4x128xi32, #tpu.memory_space<hbm>>
      tpu.enqueue_dma source(%dma_start3A_301 : memref<4x128xi32, #tpu.memory_space<hbm>>) target(%arg8 : memref<4x128xi32, #tpu.memory_space<vmem>>) target_semaphore(%arg15 : memref<!tpu.dma_semaphore, #tpu.memory_space<semaphore_mem>>)
      %add3A_302 = arith.constant 1 : i32
      %add3A_303 = arith.addi %add3A_292, %add3A_302 : i32
      %mul3A_304 = arith.constant 4 : i32
      %mul3A_305 = arith.muli %add3A_303, %mul3A_304 : i32
      %dma_start3A_306 = arith.constant 0 : i32
      %dma_start3A_307 = tpu.memref_slice %arg2[%mul3A_305, %dma_start3A_306] : memref<6250x128xi32, #tpu.memory_space<hbm>> -> memref<4x128xi32, #tpu.memory_space<hbm>>
      %dma_start3A_308 = arith.constant 0 : i32
      %dma_start3A_309 = tpu.memref_slice %arg2[%mul3A_305, %dma_start3A_308] : memref<6250x128xi32, #tpu.memory_space<hbm>> -> memref<4x128xi32, #tpu.memory_space<hbm>>
      tpu.enqueue_dma source(%dma_start3A_309 : memref<4x128xi32, #tpu.memory_space<hbm>>) target(%arg9 : memref<4x128xi32, #tpu.memory_space<vmem>>) target_semaphore(%arg16 : memref<!tpu.dma_semaphore, #tpu.memory_space<semaphore_mem>>)
      %mul3A_310 = arith.constant 4 : i32
      %mul3A_311 = arith.muli %add3A_292, %mul3A_310 : i32
      %dma_wait3A = arith.constant 0 : i32
      %dma_wait3A_312 = tpu.memref_slice %arg2[%mul3A_311, %dma_wait3A] : memref<6250x128xi32, #tpu.memory_space<hbm>> -> memref<4x128xi32, #tpu.memory_space<hbm>>
      %dma_wait3A_313 = arith.constant 0 : i32
      %dma_wait3A_314 = tpu.memref_slice %arg2[%mul3A_311, %dma_wait3A_313] : memref<6250x128xi32, #tpu.memory_space<hbm>> -> memref<4x128xi32, #tpu.memory_space<hbm>>
      tpu.wait_dma2 semaphore(%arg15 : memref<!tpu.dma_semaphore, #tpu.memory_space<semaphore_mem>>) src(%dma_wait3A_314 : memref<4x128xi32, #tpu.memory_space<hbm>>) dst(%arg8 : memref<4x128xi32, #tpu.memory_space<vmem>>)
      %dma_start3A_315 = arith.constant 0 : i32
      %dma_start3A_316 = arith.constant 0 : i32
      %dma_start3A_317 = tpu.memref_slice %arg8[%dma_start3A_315, %dma_start3A_316] : memref<4x128xi32, #tpu.memory_space<vmem>> -> memref<1x128xi32, #tpu.memory_space<vmem>>
      %dma_start3A_318 = tpu.memref_squeeze %dma_start3A_317 : memref<1x128xi32, #tpu.memory_space<vmem>> -> memref<128xi32, #tpu.memory_space<vmem>>
      %dma_start3A_319 = arith.constant 0 : i32
      %dma_start3A_320 = arith.constant 0 : i32
      %dma_start3A_321 = tpu.memref_slice %arg7[%dma_start3A_319, %dma_start3A_320] : memref<51200x32xf32, #tpu.memory_space<vmem_shared>> -> memref<51200x32xf32, #tpu.memory_space<vmem_shared>>
      tpu.enqueue_indirect_dma source(%arg12 : memref<128x32xf32, #tpu.memory_space<vmem>>) target(%dma_start3A_321 : memref<51200x32xf32, #tpu.memory_space<vmem_shared>>) offsets(%dma_start3A_318 : memref<128xi32, #tpu.memory_space<vmem>>) semaphore(%arg15 : memref<!tpu.dma_semaphore, #tpu.memory_space<semaphore_mem>>) {add = true}
      %dma_start3A_322 = arith.constant 1 : i32
      %dma_start3A_323 = arith.constant 0 : i32
      %dma_start3A_324 = tpu.memref_slice %arg8[%dma_start3A_322, %dma_start3A_323] : memref<4x128xi32, #tpu.memory_space<vmem>> -> memref<1x128xi32, #tpu.memory_space<vmem>>
      %dma_start3A_325 = tpu.memref_squeeze %dma_start3A_324 : memref<1x128xi32, #tpu.memory_space<vmem>> -> memref<128xi32, #tpu.memory_space<vmem>>
      %dma_start3A_326 = arith.constant 0 : i32
      %dma_start3A_327 = arith.constant 0 : i32
      %dma_start3A_328 = tpu.memref_slice %arg7[%dma_start3A_326, %dma_start3A_327] : memref<51200x32xf32, #tpu.memory_space<vmem_shared>> -> memref<51200x32xf32, #tpu.memory_space<vmem_shared>>
      tpu.enqueue_indirect_dma source(%arg12 : memref<128x32xf32, #tpu.memory_space<vmem>>) target(%dma_start3A_328 : memref<51200x32xf32, #tpu.memory_space<vmem_shared>>) offsets(%dma_start3A_325 : memref<128xi32, #tpu.memory_space<vmem>>) semaphore(%arg15 : memref<!tpu.dma_semaphore, #tpu.memory_space<semaphore_mem>>) {add = true}
      %dma_start3A_329 = arith.constant 2 : i32
      %dma_start3A_330 = arith.constant 0 : i32
      %dma_start3A_331 = tpu.memref_slice %arg8[%dma_start3A_329, %dma_start3A_330] : memref<4x128xi32, #tpu.memory_space<vmem>> -> memref<1x128xi32, #tpu.memory_space<vmem>>
      %dma_start3A_332 = tpu.memref_squeeze %dma_start3A_331 : memref<1x128xi32, #tpu.memory_space<vmem>> -> memref<128xi32, #tpu.memory_space<vmem>>
      %dma_start3A_333 = arith.constant 0 : i32
      %dma_start3A_334 = arith.constant 0 : i32
      %dma_start3A_335 = tpu.memref_slice %arg7[%dma_start3A_333, %dma_start3A_334] : memref<51200x32xf32, #tpu.memory_space<vmem_shared>> -> memref<51200x32xf32, #tpu.memory_space<vmem_shared>>
      tpu.enqueue_indirect_dma source(%arg12 : memref<128x32xf32, #tpu.memory_space<vmem>>) target(%dma_start3A_335 : memref<51200x32xf32, #tpu.memory_space<vmem_shared>>) offsets(%dma_start3A_332 : memref<128xi32, #tpu.memory_space<vmem>>) semaphore(%arg15 : memref<!tpu.dma_semaphore, #tpu.memory_space<semaphore_mem>>) {add = true}
      %dma_start3A_336 = arith.constant 3 : i32
      %dma_start3A_337 = arith.constant 0 : i32
      %dma_start3A_338 = tpu.memref_slice %arg8[%dma_start3A_336, %dma_start3A_337] : memref<4x128xi32, #tpu.memory_space<vmem>> -> memref<1x128xi32, #tpu.memory_space<vmem>>
      %dma_start3A_339 = tpu.memref_squeeze %dma_start3A_338 : memref<1x128xi32, #tpu.memory_space<vmem>> -> memref<128xi32, #tpu.memory_space<vmem>>
      %dma_start3A_340 = arith.constant 0 : i32
      %dma_start3A_341 = arith.constant 0 : i32
      %dma_start3A_342 = tpu.memref_slice %arg7[%dma_start3A_340, %dma_start3A_341] : memref<51200x32xf32, #tpu.memory_space<vmem_shared>> -> memref<51200x32xf32, #tpu.memory_space<vmem_shared>>
      tpu.enqueue_indirect_dma source(%arg12 : memref<128x32xf32, #tpu.memory_space<vmem>>) target(%dma_start3A_342 : memref<51200x32xf32, #tpu.memory_space<vmem_shared>>) offsets(%dma_start3A_339 : memref<128xi32, #tpu.memory_space<vmem>>) semaphore(%arg15 : memref<!tpu.dma_semaphore, #tpu.memory_space<semaphore_mem>>) {add = true}
      %add3A_343 = arith.constant 1 : i32
      %add3A_344 = arith.addi %add3A_292, %add3A_343 : i32
      %mul3A_345 = arith.constant 4 : i32
      %mul3A_346 = arith.muli %add3A_344, %mul3A_345 : i32
      %dma_wait3A_347 = arith.constant 0 : i32
      %dma_wait3A_348 = tpu.memref_slice %arg2[%mul3A_346, %dma_wait3A_347] : memref<6250x128xi32, #tpu.memory_space<hbm>> -> memref<4x128xi32, #tpu.memory_space<hbm>>
      %dma_wait3A_349 = arith.constant 0 : i32
      %dma_wait3A_350 = tpu.memref_slice %arg2[%mul3A_346, %dma_wait3A_349] : memref<6250x128xi32, #tpu.memory_space<hbm>> -> memref<4x128xi32, #tpu.memory_space<hbm>>
      tpu.wait_dma2 semaphore(%arg16 : memref<!tpu.dma_semaphore, #tpu.memory_space<semaphore_mem>>) src(%dma_wait3A_350 : memref<4x128xi32, #tpu.memory_space<hbm>>) dst(%arg9 : memref<4x128xi32, #tpu.memory_space<vmem>>)
      %dma_start3A_351 = arith.constant 0 : i32
      %dma_start3A_352 = arith.constant 0 : i32
      %dma_start3A_353 = tpu.memref_slice %arg9[%dma_start3A_351, %dma_start3A_352] : memref<4x128xi32, #tpu.memory_space<vmem>> -> memref<1x128xi32, #tpu.memory_space<vmem>>
      %dma_start3A_354 = tpu.memref_squeeze %dma_start3A_353 : memref<1x128xi32, #tpu.memory_space<vmem>> -> memref<128xi32, #tpu.memory_space<vmem>>
      %dma_start3A_355 = arith.constant 0 : i32
      %dma_start3A_356 = arith.constant 0 : i32
      %dma_start3A_357 = tpu.memref_slice %arg7[%dma_start3A_355, %dma_start3A_356] : memref<51200x32xf32, #tpu.memory_space<vmem_shared>> -> memref<51200x32xf32, #tpu.memory_space<vmem_shared>>
      tpu.enqueue_indirect_dma source(%arg12 : memref<128x32xf32, #tpu.memory_space<vmem>>) target(%dma_start3A_357 : memref<51200x32xf32, #tpu.memory_space<vmem_shared>>) offsets(%dma_start3A_354 : memref<128xi32, #tpu.memory_space<vmem>>) semaphore(%arg16 : memref<!tpu.dma_semaphore, #tpu.memory_space<semaphore_mem>>) {add = true}
      %dma_start3A_358 = arith.constant 1 : i32
      %dma_start3A_359 = arith.constant 0 : i32
      %dma_start3A_360 = tpu.memref_slice %arg9[%dma_start3A_358, %dma_start3A_359] : memref<4x128xi32, #tpu.memory_space<vmem>> -> memref<1x128xi32, #tpu.memory_space<vmem>>
      %dma_start3A_361 = tpu.memref_squeeze %dma_start3A_360 : memref<1x128xi32, #tpu.memory_space<vmem>> -> memref<128xi32, #tpu.memory_space<vmem>>
      %dma_start3A_362 = arith.constant 0 : i32
      %dma_start3A_363 = arith.constant 0 : i32
      %dma_start3A_364 = tpu.memref_slice %arg7[%dma_start3A_362, %dma_start3A_363] : memref<51200x32xf32, #tpu.memory_space<vmem_shared>> -> memref<51200x32xf32, #tpu.memory_space<vmem_shared>>
      tpu.enqueue_indirect_dma source(%arg12 : memref<128x32xf32, #tpu.memory_space<vmem>>) target(%dma_start3A_364 : memref<51200x32xf32, #tpu.memory_space<vmem_shared>>) offsets(%dma_start3A_361 : memref<128xi32, #tpu.memory_space<vmem>>) semaphore(%arg16 : memref<!tpu.dma_semaphore, #tpu.memory_space<semaphore_mem>>) {add = true}
      %dma_start3A_365 = arith.constant 2 : i32
      %dma_start3A_366 = arith.constant 0 : i32
      %dma_start3A_367 = tpu.memref_slice %arg9[%dma_start3A_365, %dma_start3A_366] : memref<4x128xi32, #tpu.memory_space<vmem>> -> memref<1x128xi32, #tpu.memory_space<vmem>>
      %dma_start3A_368 = tpu.memref_squeeze %dma_start3A_367 : memref<1x128xi32, #tpu.memory_space<vmem>> -> memref<128xi32, #tpu.memory_space<vmem>>
      %dma_start3A_369 = arith.constant 0 : i32
      %dma_start3A_370 = arith.constant 0 : i32
      %dma_start3A_371 = tpu.memref_slice %arg7[%dma_start3A_369, %dma_start3A_370] : memref<51200x32xf32, #tpu.memory_space<vmem_shared>> -> memref<51200x32xf32, #tpu.memory_space<vmem_shared>>
      tpu.enqueue_indirect_dma source(%arg12 : memref<128x32xf32, #tpu.memory_space<vmem>>) target(%dma_start3A_371 : memref<51200x32xf32, #tpu.memory_space<vmem_shared>>) offsets(%dma_start3A_368 : memref<128xi32, #tpu.memory_space<vmem>>) semaphore(%arg16 : memref<!tpu.dma_semaphore, #tpu.memory_space<semaphore_mem>>) {add = true}
      %dma_start3A_372 = arith.constant 3 : i32
      %dma_start3A_373 = arith.constant 0 : i32
      %dma_start3A_374 = tpu.memref_slice %arg9[%dma_start3A_372, %dma_start3A_373] : memref<4x128xi32, #tpu.memory_space<vmem>> -> memref<1x128xi32, #tpu.memory_space<vmem>>
      %dma_start3A_375 = tpu.memref_squeeze %dma_start3A_374 : memref<1x128xi32, #tpu.memory_space<vmem>> -> memref<128xi32, #tpu.memory_space<vmem>>
      %dma_start3A_376 = arith.constant 0 : i32
      %dma_start3A_377 = arith.constant 0 : i32
      %dma_start3A_378 = tpu.memref_slice %arg7[%dma_start3A_376, %dma_start3A_377] : memref<51200x32xf32, #tpu.memory_space<vmem_shared>> -> memref<51200x32xf32, #tpu.memory_space<vmem_shared>>
      tpu.enqueue_indirect_dma source(%arg12 : memref<128x32xf32, #tpu.memory_space<vmem>>) target(%dma_start3A_378 : memref<51200x32xf32, #tpu.memory_space<vmem_shared>>) offsets(%dma_start3A_375 : memref<128xi32, #tpu.memory_space<vmem>>) semaphore(%arg16 : memref<!tpu.dma_semaphore, #tpu.memory_space<semaphore_mem>>) {add = true}
    }
    %while3A_160 = arith.constant 1 : i32
    scf.for %while3A_290 = %while3A_158 to %while3A_154 step %while3A_160  : i32 {
      %mul3A_291 = arith.muli %while3A_290, %while3A : i32
      %add3A_292 = arith.addi %add3A_85, %mul3A_291 : i32
      %gt3A_293 = arith.cmpi sgt, %add3A_292, %add3A_85 : i32
      %convert_element_type3A_294 = arith.extui %gt3A_293 : i1 to i32
      %cond3A_295 = arith.constant 0 : i32
      %cond3A_296 = arith.cmpi ne, %convert_element_type3A_294, %cond3A_295 : i32
      scf.if %cond3A_296 {
        %dma_wait3A_379 = arith.constant 0 : i32
        %dma_wait3A_380 = arith.constant 0 : i32
        %dma_wait3A_381 = tpu.memref_slice %arg8[%dma_wait3A_379, %dma_wait3A_380] : memref<4x128xi32, #tpu.memory_space<vmem>> -> memref<1x128xi32, #tpu.memory_space<vmem>>
        %dma_wait3A_382 = tpu.memref_squeeze %dma_wait3A_381 : memref<1x128xi32, #tpu.memory_space<vmem>> -> memref<128xi32, #tpu.memory_space<vmem>>
        %dma_wait3A_383 = arith.constant 0 : i32
        %dma_wait3A_384 = arith.constant 0 : i32
        %dma_wait3A_385 = tpu.memref_slice %arg7[%dma_wait3A_383, %dma_wait3A_384] : memref<51200x32xf32, #tpu.memory_space<vmem_shared>> -> memref<51200x32xf32, #tpu.memory_space<vmem_shared>>
        tpu.wait_indirect_dma semaphore(%arg15 : memref<!tpu.dma_semaphore, #tpu.memory_space<semaphore_mem>>) src(%arg12 : memref<128x32xf32, #tpu.memory_space<vmem>>) dst(%dma_wait3A_385 : memref<51200x32xf32, #tpu.memory_space<vmem_shared>>)
        %dma_wait3A_386 = arith.constant 1 : i32
        %dma_wait3A_387 = arith.constant 0 : i32
        %dma_wait3A_388 = tpu.memref_slice %arg8[%dma_wait3A_386, %dma_wait3A_387] : memref<4x128xi32, #tpu.memory_space<vmem>> -> memref<1x128xi32, #tpu.memory_space<vmem>>
        %dma_wait3A_389 = tpu.memref_squeeze %dma_wait3A_388 : memref<1x128xi32, #tpu.memory_space<vmem>> -> memref<128xi32, #tpu.memory_space<vmem>>
        %dma_wait3A_390 = arith.constant 0 : i32
        %dma_wait3A_391 = arith.constant 0 : i32
        %dma_wait3A_392 = tpu.memref_slice %arg7[%dma_wait3A_390, %dma_wait3A_391] : memref<51200x32xf32, #tpu.memory_space<vmem_shared>> -> memref<51200x32xf32, #tpu.memory_space<vmem_shared>>
        tpu.wait_indirect_dma semaphore(%arg15 : memref<!tpu.dma_semaphore, #tpu.memory_space<semaphore_mem>>) src(%arg12 : memref<128x32xf32, #tpu.memory_space<vmem>>) dst(%dma_wait3A_392 : memref<51200x32xf32, #tpu.memory_space<vmem_shared>>)
        %dma_wait3A_393 = arith.constant 2 : i32
        %dma_wait3A_394 = arith.constant 0 : i32
        %dma_wait3A_395 = tpu.memref_slice %arg8[%dma_wait3A_393, %dma_wait3A_394] : memref<4x128xi32, #tpu.memory_space<vmem>> -> memref<1x128xi32, #tpu.memory_space<vmem>>
        %dma_wait3A_396 = tpu.memref_squeeze %dma_wait3A_395 : memref<1x128xi32, #tpu.memory_space<vmem>> -> memref<128xi32, #tpu.memory_space<vmem>>
        %dma_wait3A_397 = arith.constant 0 : i32
        %dma_wait3A_398 = arith.constant 0 : i32
        %dma_wait3A_399 = tpu.memref_slice %arg7[%dma_wait3A_397, %dma_wait3A_398] : memref<51200x32xf32, #tpu.memory_space<vmem_shared>> -> memref<51200x32xf32, #tpu.memory_space<vmem_shared>>
        tpu.wait_indirect_dma semaphore(%arg15 : memref<!tpu.dma_semaphore, #tpu.memory_space<semaphore_mem>>) src(%arg12 : memref<128x32xf32, #tpu.memory_space<vmem>>) dst(%dma_wait3A_399 : memref<51200x32xf32, #tpu.memory_space<vmem_shared>>)
        %dma_wait3A_400 = arith.constant 3 : i32
        %dma_wait3A_401 = arith.constant 0 : i32
        %dma_wait3A_402 = tpu.memref_slice %arg8[%dma_wait3A_400, %dma_wait3A_401] : memref<4x128xi32, #tpu.memory_space<vmem>> -> memref<1x128xi32, #tpu.memory_space<vmem>>
        %dma_wait3A_403 = tpu.memref_squeeze %dma_wait3A_402 : memref<1x128xi32, #tpu.memory_space<vmem>> -> memref<128xi32, #tpu.memory_space<vmem>>
        %dma_wait3A_404 = arith.constant 0 : i32
        %dma_wait3A_405 = arith.constant 0 : i32
        %dma_wait3A_406 = tpu.memref_slice %arg7[%dma_wait3A_404, %dma_wait3A_405] : memref<51200x32xf32, #tpu.memory_space<vmem_shared>> -> memref<51200x32xf32, #tpu.memory_space<vmem_shared>>
        tpu.wait_indirect_dma semaphore(%arg15 : memref<!tpu.dma_semaphore, #tpu.memory_space<semaphore_mem>>) src(%arg12 : memref<128x32xf32, #tpu.memory_space<vmem>>) dst(%dma_wait3A_406 : memref<51200x32xf32, #tpu.memory_space<vmem_shared>>)
        %dma_wait3A_407 = arith.constant 0 : i32
        %dma_wait3A_408 = arith.constant 0 : i32
        %dma_wait3A_409 = tpu.memref_slice %arg9[%dma_wait3A_407, %dma_wait3A_408] : memref<4x128xi32, #tpu.memory_space<vmem>> -> memref<1x128xi32, #tpu.memory_space<vmem>>
        %dma_wait3A_410 = tpu.memref_squeeze %dma_wait3A_409 : memref<1x128xi32, #tpu.memory_space<vmem>> -> memref<128xi32, #tpu.memory_space<vmem>>
        %dma_wait3A_411 = arith.constant 0 : i32
        %dma_wait3A_412 = arith.constant 0 : i32
        %dma_wait3A_413 = tpu.memref_slice %arg7[%dma_wait3A_411, %dma_wait3A_412] : memref<51200x32xf32, #tpu.memory_space<vmem_shared>> -> memref<51200x32xf32, #tpu.memory_space<vmem_shared>>
        tpu.wait_indirect_dma semaphore(%arg16 : memref<!tpu.dma_semaphore, #tpu.memory_space<semaphore_mem>>) src(%arg12 : memref<128x32xf32, #tpu.memory_space<vmem>>) dst(%dma_wait3A_413 : memref<51200x32xf32, #tpu.memory_space<vmem_shared>>)
        %dma_wait3A_414 = arith.constant 1 : i32
        %dma_wait3A_415 = arith.constant 0 : i32
        %dma_wait3A_416 = tpu.memref_slice %arg9[%dma_wait3A_414, %dma_wait3A_415] : memref<4x128xi32, #tpu.memory_space<vmem>> -> memref<1x128xi32, #tpu.memory_space<vmem>>
        %dma_wait3A_417 = tpu.memref_squeeze %dma_wait3A_416 : memref<1x128xi32, #tpu.memory_space<vmem>> -> memref<128xi32, #tpu.memory_space<vmem>>
        %dma_wait3A_418 = arith.constant 0 : i32
        %dma_wait3A_419 = arith.constant 0 : i32
        %dma_wait3A_420 = tpu.memref_slice %arg7[%dma_wait3A_418, %dma_wait3A_419] : memref<51200x32xf32, #tpu.memory_space<vmem_shared>> -> memref<51200x32xf32, #tpu.memory_space<vmem_shared>>
        tpu.wait_indirect_dma semaphore(%arg16 : memref<!tpu.dma_semaphore, #tpu.memory_space<semaphore_mem>>) src(%arg12 : memref<128x32xf32, #tpu.memory_space<vmem>>) dst(%dma_wait3A_420 : memref<51200x32xf32, #tpu.memory_space<vmem_shared>>)
        %dma_wait3A_421 = arith.constant 2 : i32
        %dma_wait3A_422 = arith.constant 0 : i32
        %dma_wait3A_423 = tpu.memref_slice %arg9[%dma_wait3A_421, %dma_wait3A_422] : memref<4x128xi32, #tpu.memory_space<vmem>> -> memref<1x128xi32, #tpu.memory_space<vmem>>
        %dma_wait3A_424 = tpu.memref_squeeze %dma_wait3A_423 : memref<1x128xi32, #tpu.memory_space<vmem>> -> memref<128xi32, #tpu.memory_space<vmem>>
        %dma_wait3A_425 = arith.constant 0 : i32
        %dma_wait3A_426 = arith.constant 0 : i32
        %dma_wait3A_427 = tpu.memref_slice %arg7[%dma_wait3A_425, %dma_wait3A_426] : memref<51200x32xf32, #tpu.memory_space<vmem_shared>> -> memref<51200x32xf32, #tpu.memory_space<vmem_shared>>
        tpu.wait_indirect_dma semaphore(%arg16 : memref<!tpu.dma_semaphore, #tpu.memory_space<semaphore_mem>>) src(%arg12 : memref<128x32xf32, #tpu.memory_space<vmem>>) dst(%dma_wait3A_427 : memref<51200x32xf32, #tpu.memory_space<vmem_shared>>)
        %dma_wait3A_428 = arith.constant 3 : i32
        %dma_wait3A_429 = arith.constant 0 : i32
        %dma_wait3A_430 = tpu.memref_slice %arg9[%dma_wait3A_428, %dma_wait3A_429] : memref<4x128xi32, #tpu.memory_space<vmem>> -> memref<1x128xi32, #tpu.memory_space<vmem>>
        %dma_wait3A_431 = tpu.memref_squeeze %dma_wait3A_430 : memref<1x128xi32, #tpu.memory_space<vmem>> -> memref<128xi32, #tpu.memory_space<vmem>>
        %dma_wait3A_432 = arith.constant 0 : i32
        %dma_wait3A_433 = arith.constant 0 : i32
        %dma_wait3A_434 = tpu.memref_slice %arg7[%dma_wait3A_432, %dma_wait3A_433] : memref<51200x32xf32, #tpu.memory_space<vmem_shared>> -> memref<51200x32xf32, #tpu.memory_space<vmem_shared>>
        tpu.wait_indirect_dma semaphore(%arg16 : memref<!tpu.dma_semaphore, #tpu.memory_space<semaphore_mem>>) src(%arg12 : memref<128x32xf32, #tpu.memory_space<vmem>>) dst(%dma_wait3A_434 : memref<51200x32xf32, #tpu.memory_space<vmem_shared>>)
      } else {
      }
      %mul3A_297 = arith.constant 4 : i32
      %mul3A_298 = arith.muli %add3A_292, %mul3A_297 : i32
      %dma_start3A = arith.constant 0 : i32
      %dma_start3A_299 = tpu.memref_slice %arg2[%mul3A_298, %dma_start3A] : memref<6250x128xi32, #tpu.memory_space<hbm>> -> memref<4x128xi32, #tpu.memory_space<hbm>>
      %dma_start3A_300 = arith.constant 0 : i32
      %dma_start3A_301 = tpu.memref_slice %arg2[%mul3A_298, %dma_start3A_300] : memref<6250x128xi32, #tpu.memory_space<hbm>> -> memref<4x128xi32, #tpu.memory_space<hbm>>
      tpu.enqueue_dma source(%dma_start3A_301 : memref<4x128xi32, #tpu.memory_space<hbm>>) target(%arg8 : memref<4x128xi32, #tpu.memory_space<vmem>>) target_semaphore(%arg15 : memref<!tpu.dma_semaphore, #tpu.memory_space<semaphore_mem>>)
      %add3A_302 = arith.constant 1 : i32
      %add3A_303 = arith.addi %add3A_292, %add3A_302 : i32
      %mul3A_304 = arith.constant 4 : i32
      %mul3A_305 = arith.muli %add3A_303, %mul3A_304 : i32
      %dma_start3A_306 = arith.constant 0 : i32
      %dma_start3A_307 = tpu.memref_slice %arg2[%mul3A_305, %dma_start3A_306] : memref<6250x128xi32, #tpu.memory_space<hbm>> -> memref<4x128xi32, #tpu.memory_space<hbm>>
      %dma_start3A_308 = arith.constant 0 : i32
      %dma_start3A_309 = tpu.memref_slice %arg2[%mul3A_305, %dma_start3A_308] : memref<6250x128xi32, #tpu.memory_space<hbm>> -> memref<4x128xi32, #tpu.memory_space<hbm>>
      tpu.enqueue_dma source(%dma_start3A_309 : memref<4x128xi32, #tpu.memory_space<hbm>>) target(%arg9 : memref<4x128xi32, #tpu.memory_space<vmem>>) target_semaphore(%arg16 : memref<!tpu.dma_semaphore, #tpu.memory_space<semaphore_mem>>)
      %mul3A_310 = arith.constant 4 : i32
      %mul3A_311 = arith.muli %add3A_292, %mul3A_310 : i32
      %dma_wait3A = arith.constant 0 : i32
      %dma_wait3A_312 = tpu.memref_slice %arg2[%mul3A_311, %dma_wait3A] : memref<6250x128xi32, #tpu.memory_space<hbm>> -> memref<4x128xi32, #tpu.memory_space<hbm>>
      %dma_wait3A_313 = arith.constant 0 : i32
      %dma_wait3A_314 = tpu.memref_slice %arg2[%mul3A_311, %dma_wait3A_313] : memref<6250x128xi32, #tpu.memory_space<hbm>> -> memref<4x128xi32, #tpu.memory_space<hbm>>
      tpu.wait_dma2 semaphore(%arg15 : memref<!tpu.dma_semaphore, #tpu.memory_space<semaphore_mem>>) src(%dma_wait3A_314 : memref<4x128xi32, #tpu.memory_space<hbm>>) dst(%arg8 : memref<4x128xi32, #tpu.memory_space<vmem>>)
      %dma_start3A_315 = arith.constant 0 : i32
      %dma_start3A_316 = arith.constant 0 : i32
      %dma_start3A_317 = tpu.memref_slice %arg8[%dma_start3A_315, %dma_start3A_316] : memref<4x128xi32, #tpu.memory_space<vmem>> -> memref<1x128xi32, #tpu.memory_space<vmem>>
      %dma_start3A_318 = tpu.memref_squeeze %dma_start3A_317 : memref<1x128xi32, #tpu.memory_space<vmem>> -> memref<128xi32, #tpu.memory_space<vmem>>
      %dma_start3A_319 = arith.constant 0 : i32
      %dma_start3A_320 = arith.constant 0 : i32
      %dma_start3A_321 = tpu.memref_slice %arg7[%dma_start3A_319, %dma_start3A_320] : memref<51200x32xf32, #tpu.memory_space<vmem_shared>> -> memref<51200x32xf32, #tpu.memory_space<vmem_shared>>
      tpu.enqueue_indirect_dma source(%arg12 : memref<128x32xf32, #tpu.memory_space<vmem>>) target(%dma_start3A_321 : memref<51200x32xf32, #tpu.memory_space<vmem_shared>>) offsets(%dma_start3A_318 : memref<128xi32, #tpu.memory_space<vmem>>) semaphore(%arg15 : memref<!tpu.dma_semaphore, #tpu.memory_space<semaphore_mem>>) {add = true}
      %dma_start3A_322 = arith.constant 1 : i32
      %dma_start3A_323 = arith.constant 0 : i32
      %dma_start3A_324 = tpu.memref_slice %arg8[%dma_start3A_322, %dma_start3A_323] : memref<4x128xi32, #tpu.memory_space<vmem>> -> memref<1x128xi32, #tpu.memory_space<vmem>>
      %dma_start3A_325 = tpu.memref_squeeze %dma_start3A_324 : memref<1x128xi32, #tpu.memory_space<vmem>> -> memref<128xi32, #tpu.memory_space<vmem>>
      %dma_start3A_326 = arith.constant 0 : i32
      %dma_start3A_327 = arith.constant 0 : i32
      %dma_start3A_328 = tpu.memref_slice %arg7[%dma_start3A_326, %dma_start3A_327] : memref<51200x32xf32, #tpu.memory_space<vmem_shared>> -> memref<51200x32xf32, #tpu.memory_space<vmem_shared>>
      tpu.enqueue_indirect_dma source(%arg12 : memref<128x32xf32, #tpu.memory_space<vmem>>) target(%dma_start3A_328 : memref<51200x32xf32, #tpu.memory_space<vmem_shared>>) offsets(%dma_start3A_325 : memref<128xi32, #tpu.memory_space<vmem>>) semaphore(%arg15 : memref<!tpu.dma_semaphore, #tpu.memory_space<semaphore_mem>>) {add = true}
      %dma_start3A_329 = arith.constant 2 : i32
      %dma_start3A_330 = arith.constant 0 : i32
      %dma_start3A_331 = tpu.memref_slice %arg8[%dma_start3A_329, %dma_start3A_330] : memref<4x128xi32, #tpu.memory_space<vmem>> -> memref<1x128xi32, #tpu.memory_space<vmem>>
      %dma_start3A_332 = tpu.memref_squeeze %dma_start3A_331 : memref<1x128xi32, #tpu.memory_space<vmem>> -> memref<128xi32, #tpu.memory_space<vmem>>
      %dma_start3A_333 = arith.constant 0 : i32
      %dma_start3A_334 = arith.constant 0 : i32
      %dma_start3A_335 = tpu.memref_slice %arg7[%dma_start3A_333, %dma_start3A_334] : memref<51200x32xf32, #tpu.memory_space<vmem_shared>> -> memref<51200x32xf32, #tpu.memory_space<vmem_shared>>
      tpu.enqueue_indirect_dma source(%arg12 : memref<128x32xf32, #tpu.memory_space<vmem>>) target(%dma_start3A_335 : memref<51200x32xf32, #tpu.memory_space<vmem_shared>>) offsets(%dma_start3A_332 : memref<128xi32, #tpu.memory_space<vmem>>) semaphore(%arg15 : memref<!tpu.dma_semaphore, #tpu.memory_space<semaphore_mem>>) {add = true}
      %dma_start3A_336 = arith.constant 3 : i32
      %dma_start3A_337 = arith.constant 0 : i32
      %dma_start3A_338 = tpu.memref_slice %arg8[%dma_start3A_336, %dma_start3A_337] : memref<4x128xi32, #tpu.memory_space<vmem>> -> memref<1x128xi32, #tpu.memory_space<vmem>>
      %dma_start3A_339 = tpu.memref_squeeze %dma_start3A_338 : memref<1x128xi32, #tpu.memory_space<vmem>> -> memref<128xi32, #tpu.memory_space<vmem>>
      %dma_start3A_340 = arith.constant 0 : i32
      %dma_start3A_341 = arith.constant 0 : i32
      %dma_start3A_342 = tpu.memref_slice %arg7[%dma_start3A_340, %dma_start3A_341] : memref<51200x32xf32, #tpu.memory_space<vmem_shared>> -> memref<51200x32xf32, #tpu.memory_space<vmem_shared>>
      tpu.enqueue_indirect_dma source(%arg12 : memref<128x32xf32, #tpu.memory_space<vmem>>) target(%dma_start3A_342 : memref<51200x32xf32, #tpu.memory_space<vmem_shared>>) offsets(%dma_start3A_339 : memref<128xi32, #tpu.memory_space<vmem>>) semaphore(%arg15 : memref<!tpu.dma_semaphore, #tpu.memory_space<semaphore_mem>>) {add = true}
      %add3A_343 = arith.constant 1 : i32
      %add3A_344 = arith.addi %add3A_292, %add3A_343 : i32
      %mul3A_345 = arith.constant 4 : i32
      %mul3A_346 = arith.muli %add3A_344, %mul3A_345 : i32
      %dma_wait3A_347 = arith.constant 0 : i32
      %dma_wait3A_348 = tpu.memref_slice %arg2[%mul3A_346, %dma_wait3A_347] : memref<6250x128xi32, #tpu.memory_space<hbm>> -> memref<4x128xi32, #tpu.memory_space<hbm>>
      %dma_wait3A_349 = arith.constant 0 : i32
      %dma_wait3A_350 = tpu.memref_slice %arg2[%mul3A_346, %dma_wait3A_349] : memref<6250x128xi32, #tpu.memory_space<hbm>> -> memref<4x128xi32, #tpu.memory_space<hbm>>
      tpu.wait_dma2 semaphore(%arg16 : memref<!tpu.dma_semaphore, #tpu.memory_space<semaphore_mem>>) src(%dma_wait3A_350 : memref<4x128xi32, #tpu.memory_space<hbm>>) dst(%arg9 : memref<4x128xi32, #tpu.memory_space<vmem>>)
      %dma_start3A_351 = arith.constant 0 : i32
      %dma_start3A_352 = arith.constant 0 : i32
      %dma_start3A_353 = tpu.memref_slice %arg9[%dma_start3A_351, %dma_start3A_352] : memref<4x128xi32, #tpu.memory_space<vmem>> -> memref<1x128xi32, #tpu.memory_space<vmem>>
      %dma_start3A_354 = tpu.memref_squeeze %dma_start3A_353 : memref<1x128xi32, #tpu.memory_space<vmem>> -> memref<128xi32, #tpu.memory_space<vmem>>
      %dma_start3A_355 = arith.constant 0 : i32
      %dma_start3A_356 = arith.constant 0 : i32
      %dma_start3A_357 = tpu.memref_slice %arg7[%dma_start3A_355, %dma_start3A_356] : memref<51200x32xf32, #tpu.memory_space<vmem_shared>> -> memref<51200x32xf32, #tpu.memory_space<vmem_shared>>
      tpu.enqueue_indirect_dma source(%arg12 : memref<128x32xf32, #tpu.memory_space<vmem>>) target(%dma_start3A_357 : memref<51200x32xf32, #tpu.memory_space<vmem_shared>>) offsets(%dma_start3A_354 : memref<128xi32, #tpu.memory_space<vmem>>) semaphore(%arg16 : memref<!tpu.dma_semaphore, #tpu.memory_space<semaphore_mem>>) {add = true}
      %dma_start3A_358 = arith.constant 1 : i32
      %dma_start3A_359 = arith.constant 0 : i32
      %dma_start3A_360 = tpu.memref_slice %arg9[%dma_start3A_358, %dma_start3A_359] : memref<4x128xi32, #tpu.memory_space<vmem>> -> memref<1x128xi32, #tpu.memory_space<vmem>>
      %dma_start3A_361 = tpu.memref_squeeze %dma_start3A_360 : memref<1x128xi32, #tpu.memory_space<vmem>> -> memref<128xi32, #tpu.memory_space<vmem>>
      %dma_start3A_362 = arith.constant 0 : i32
      %dma_start3A_363 = arith.constant 0 : i32
      %dma_start3A_364 = tpu.memref_slice %arg7[%dma_start3A_362, %dma_start3A_363] : memref<51200x32xf32, #tpu.memory_space<vmem_shared>> -> memref<51200x32xf32, #tpu.memory_space<vmem_shared>>
      tpu.enqueue_indirect_dma source(%arg12 : memref<128x32xf32, #tpu.memory_space<vmem>>) target(%dma_start3A_364 : memref<51200x32xf32, #tpu.memory_space<vmem_shared>>) offsets(%dma_start3A_361 : memref<128xi32, #tpu.memory_space<vmem>>) semaphore(%arg16 : memref<!tpu.dma_semaphore, #tpu.memory_space<semaphore_mem>>) {add = true}
      %dma_start3A_365 = arith.constant 2 : i32
      %dma_start3A_366 = arith.constant 0 : i32
      %dma_start3A_367 = tpu.memref_slice %arg9[%dma_start3A_365, %dma_start3A_366] : memref<4x128xi32, #tpu.memory_space<vmem>> -> memref<1x128xi32, #tpu.memory_space<vmem>>
      %dma_start3A_368 = tpu.memref_squeeze %dma_start3A_367 : memref<1x128xi32, #tpu.memory_space<vmem>> -> memref<128xi32, #tpu.memory_space<vmem>>
      %dma_start3A_369 = arith.constant 0 : i32
      %dma_start3A_370 = arith.constant 0 : i32
      %dma_start3A_371 = tpu.memref_slice %arg7[%dma_start3A_369, %dma_start3A_370] : memref<51200x32xf32, #tpu.memory_space<vmem_shared>> -> memref<51200x32xf32, #tpu.memory_space<vmem_shared>>
      tpu.enqueue_indirect_dma source(%arg12 : memref<128x32xf32, #tpu.memory_space<vmem>>) target(%dma_start3A_371 : memref<51200x32xf32, #tpu.memory_space<vmem_shared>>) offsets(%dma_start3A_368 : memref<128xi32, #tpu.memory_space<vmem>>) semaphore(%arg16 : memref<!tpu.dma_semaphore, #tpu.memory_space<semaphore_mem>>) {add = true}
      %dma_start3A_372 = arith.constant 3 : i32
      %dma_start3A_373 = arith.constant 0 : i32
      %dma_start3A_374 = tpu.memref_slice %arg9[%dma_start3A_372, %dma_start3A_373] : memref<4x128xi32, #tpu.memory_space<vmem>> -> memref<1x128xi32, #tpu.memory_space<vmem>>
      %dma_start3A_375 = tpu.memref_squeeze %dma_start3A_374 : memref<1x128xi32, #tpu.memory_space<vmem>> -> memref<128xi32, #tpu.memory_space<vmem>>
      %dma_start3A_376 = arith.constant 0 : i32
      %dma_start3A_377 = arith.constant 0 : i32
      %dma_start3A_378 = tpu.memref_slice %arg7[%dma_start3A_376, %dma_start3A_377] : memref<51200x32xf32, #tpu.memory_space<vmem_shared>> -> memref<51200x32xf32, #tpu.memory_space<vmem_shared>>
      tpu.enqueue_indirect_dma source(%arg12 : memref<128x32xf32, #tpu.memory_space<vmem>>) target(%dma_start3A_378 : memref<51200x32xf32, #tpu.memory_space<vmem_shared>>) offsets(%dma_start3A_375 : memref<128xi32, #tpu.memory_space<vmem>>) semaphore(%arg16 : memref<!tpu.dma_semaphore, #tpu.memory_space<semaphore_mem>>) {add = true}
    }
    %gt3A = arith.cmpi sgt, %add3A_144, %add3A_85 : i32
    %convert_element_type3A = arith.extui %gt3A : i1 to i32
    %cond3A = arith.constant 0 : i32
    %cond3A_161 = arith.cmpi ne, %convert_element_type3A, %cond3A : i32
    scf.if %cond3A_161 {
      %dma_wait3A = arith.constant 0 : i32
      %dma_wait3A_290 = arith.constant 0 : i32
      %dma_wait3A_291 = tpu.memref_slice %arg8[%dma_wait3A, %dma_wait3A_290] : memref<4x128xi32, #tpu.memory_space<vmem>> -> memref<1x128xi32, #tpu.memory_space<vmem>>
      %dma_wait3A_292 = tpu.memref_squeeze %dma_wait3A_291 : memref<1x128xi32, #tpu.memory_space<vmem>> -> memref<128xi32, #tpu.memory_space<vmem>>
      %dma_wait3A_293 = arith.constant 0 : i32
      %dma_wait3A_294 = arith.constant 0 : i32
      %dma_wait3A_295 = tpu.memref_slice %arg7[%dma_wait3A_293, %dma_wait3A_294] : memref<51200x32xf32, #tpu.memory_space<vmem_shared>> -> memref<51200x32xf32, #tpu.memory_space<vmem_shared>>
      tpu.wait_indirect_dma semaphore(%arg15 : memref<!tpu.dma_semaphore, #tpu.memory_space<semaphore_mem>>) src(%arg12 : memref<128x32xf32, #tpu.memory_space<vmem>>) dst(%dma_wait3A_295 : memref<51200x32xf32, #tpu.memory_space<vmem_shared>>)
      %dma_wait3A_296 = arith.constant 1 : i32
      %dma_wait3A_297 = arith.constant 0 : i32
      %dma_wait3A_298 = tpu.memref_slice %arg8[%dma_wait3A_296, %dma_wait3A_297] : memref<4x128xi32, #tpu.memory_space<vmem>> -> memref<1x128xi32, #tpu.memory_space<vmem>>
      %dma_wait3A_299 = tpu.memref_squeeze %dma_wait3A_298 : memref<1x128xi32, #tpu.memory_space<vmem>> -> memref<128xi32, #tpu.memory_space<vmem>>
      %dma_wait3A_300 = arith.constant 0 : i32
      %dma_wait3A_301 = arith.constant 0 : i32
      %dma_wait3A_302 = tpu.memref_slice %arg7[%dma_wait3A_300, %dma_wait3A_301] : memref<51200x32xf32, #tpu.memory_space<vmem_shared>> -> memref<51200x32xf32, #tpu.memory_space<vmem_shared>>
      tpu.wait_indirect_dma semaphore(%arg15 : memref<!tpu.dma_semaphore, #tpu.memory_space<semaphore_mem>>) src(%arg12 : memref<128x32xf32, #tpu.memory_space<vmem>>) dst(%dma_wait3A_302 : memref<51200x32xf32, #tpu.memory_space<vmem_shared>>)
      %dma_wait3A_303 = arith.constant 2 : i32
      %dma_wait3A_304 = arith.constant 0 : i32
      %dma_wait3A_305 = tpu.memref_slice %arg8[%dma_wait3A_303, %dma_wait3A_304] : memref<4x128xi32, #tpu.memory_space<vmem>> -> memref<1x128xi32, #tpu.memory_space<vmem>>
      %dma_wait3A_306 = tpu.memref_squeeze %dma_wait3A_305 : memref<1x128xi32, #tpu.memory_space<vmem>> -> memref<128xi32, #tpu.memory_space<vmem>>
      %dma_wait3A_307 = arith.constant 0 : i32
      %dma_wait3A_308 = arith.constant 0 : i32
      %dma_wait3A_309 = tpu.memref_slice %arg7[%dma_wait3A_307, %dma_wait3A_308] : memref<51200x32xf32, #tpu.memory_space<vmem_shared>> -> memref<51200x32xf32, #tpu.memory_space<vmem_shared>>
      tpu.wait_indirect_dma semaphore(%arg15 : memref<!tpu.dma_semaphore, #tpu.memory_space<semaphore_mem>>) src(%arg12 : memref<128x32xf32, #tpu.memory_space<vmem>>) dst(%dma_wait3A_309 : memref<51200x32xf32, #tpu.memory_space<vmem_shared>>)
      %dma_wait3A_310 = arith.constant 3 : i32
      %dma_wait3A_311 = arith.constant 0 : i32
      %dma_wait3A_312 = tpu.memref_slice %arg8[%dma_wait3A_310, %dma_wait3A_311] : memref<4x128xi32, #tpu.memory_space<vmem>> -> memref<1x128xi32, #tpu.memory_space<vmem>>
      %dma_wait3A_313 = tpu.memref_squeeze %dma_wait3A_312 : memref<1x128xi32, #tpu.memory_space<vmem>> -> memref<128xi32, #tpu.memory_space<vmem>>
      %dma_wait3A_314 = arith.constant 0 : i32
      %dma_wait3A_315 = arith.constant 0 : i32
      %dma_wait3A_316 = tpu.memref_slice %arg7[%dma_wait3A_314, %dma_wait3A_315] : memref<51200x32xf32, #tpu.memory_space<vmem_shared>> -> memref<51200x32xf32, #tpu.memory_space<vmem_shared>>
      tpu.wait_indirect_dma semaphore(%arg15 : memref<!tpu.dma_semaphore, #tpu.memory_space<semaphore_mem>>) src(%arg12 : memref<128x32xf32, #tpu.memory_space<vmem>>) dst(%dma_wait3A_316 : memref<51200x32xf32, #tpu.memory_space<vmem_shared>>)
      %dma_wait3A_317 = arith.constant 0 : i32
      %dma_wait3A_318 = arith.constant 0 : i32
      %dma_wait3A_319 = tpu.memref_slice %arg9[%dma_wait3A_317, %dma_wait3A_318] : memref<4x128xi32, #tpu.memory_space<vmem>> -> memref<1x128xi32, #tpu.memory_space<vmem>>
      %dma_wait3A_320 = tpu.memref_squeeze %dma_wait3A_319 : memref<1x128xi32, #tpu.memory_space<vmem>> -> memref<128xi32, #tpu.memory_space<vmem>>
      %dma_wait3A_321 = arith.constant 0 : i32
      %dma_wait3A_322 = arith.constant 0 : i32
      %dma_wait3A_323 = tpu.memref_slice %arg7[%dma_wait3A_321, %dma_wait3A_322] : memref<51200x32xf32, #tpu.memory_space<vmem_shared>> -> memref<51200x32xf32, #tpu.memory_space<vmem_shared>>
      tpu.wait_indirect_dma semaphore(%arg16 : memref<!tpu.dma_semaphore, #tpu.memory_space<semaphore_mem>>) src(%arg12 : memref<128x32xf32, #tpu.memory_space<vmem>>) dst(%dma_wait3A_323 : memref<51200x32xf32, #tpu.memory_space<vmem_shared>>)
      %dma_wait3A_324 = arith.constant 1 : i32
      %dma_wait3A_325 = arith.constant 0 : i32
      %dma_wait3A_326 = tpu.memref_slice %arg9[%dma_wait3A_324, %dma_wait3A_325] : memref<4x128xi32, #tpu.memory_space<vmem>> -> memref<1x128xi32, #tpu.memory_space<vmem>>
      %dma_wait3A_327 = tpu.memref_squeeze %dma_wait3A_326 : memref<1x128xi32, #tpu.memory_space<vmem>> -> memref<128xi32, #tpu.memory_space<vmem>>
      %dma_wait3A_328 = arith.constant 0 : i32
      %dma_wait3A_329 = arith.constant 0 : i32
      %dma_wait3A_330 = tpu.memref_slice %arg7[%dma_wait3A_328, %dma_wait3A_329] : memref<51200x32xf32, #tpu.memory_space<vmem_shared>> -> memref<51200x32xf32, #tpu.memory_space<vmem_shared>>
      tpu.wait_indirect_dma semaphore(%arg16 : memref<!tpu.dma_semaphore, #tpu.memory_space<semaphore_mem>>) src(%arg12 : memref<128x32xf32, #tpu.memory_space<vmem>>) dst(%dma_wait3A_330 : memref<51200x32xf32, #tpu.memory_space<vmem_shared>>)
      %dma_wait3A_331 = arith.constant 2 : i32
      %dma_wait3A_332 = arith.constant 0 : i32
      %dma_wait3A_333 = tpu.memref_slice %arg9[%dma_wait3A_331, %dma_wait3A_332] : memref<4x128xi32, #tpu.memory_space<vmem>> -> memref<1x128xi32, #tpu.memory_space<vmem>>
      %dma_wait3A_334 = tpu.memref_squeeze %dma_wait3A_333 : memref<1x128xi32, #tpu.memory_space<vmem>> -> memref<128xi32, #tpu.memory_space<vmem>>
      %dma_wait3A_335 = arith.constant 0 : i32
      %dma_wait3A_336 = arith.constant 0 : i32
      %dma_wait3A_337 = tpu.memref_slice %arg7[%dma_wait3A_335, %dma_wait3A_336] : memref<51200x32xf32, #tpu.memory_space<vmem_shared>> -> memref<51200x32xf32, #tpu.memory_space<vmem_shared>>
      tpu.wait_indirect_dma semaphore(%arg16 : memref<!tpu.dma_semaphore, #tpu.memory_space<semaphore_mem>>) src(%arg12 : memref<128x32xf32, #tpu.memory_space<vmem>>) dst(%dma_wait3A_337 : memref<51200x32xf32, #tpu.memory_space<vmem_shared>>)
      %dma_wait3A_338 = arith.constant 3 : i32
      %dma_wait3A_339 = arith.constant 0 : i32
      %dma_wait3A_340 = tpu.memref_slice %arg9[%dma_wait3A_338, %dma_wait3A_339] : memref<4x128xi32, #tpu.memory_space<vmem>> -> memref<1x128xi32, #tpu.memory_space<vmem>>
      %dma_wait3A_341 = tpu.memref_squeeze %dma_wait3A_340 : memref<1x128xi32, #tpu.memory_space<vmem>> -> memref<128xi32, #tpu.memory_space<vmem>>
      %dma_wait3A_342 = arith.constant 0 : i32
      %dma_wait3A_343 = arith.constant 0 : i32
      %dma_wait3A_344 = tpu.memref_slice %arg7[%dma_wait3A_342, %dma_wait3A_343] : memref<51200x32xf32, #tpu.memory_space<vmem_shared>> -> memref<51200x32xf32, #tpu.memory_space<vmem_shared>>
      tpu.wait_indirect_dma semaphore(%arg16 : memref<!tpu.dma_semaphore, #tpu.memory_space<semaphore_mem>>) src(%arg12 : memref<128x32xf32, #tpu.memory_space<vmem>>) dst(%dma_wait3A_344 : memref<51200x32xf32, #tpu.memory_space<vmem_shared>>)
    } else {
    }
    %sub3A_162 = arith.subi %add3A_116, %add3A_144 : i32
    %sub3A_163 = arith.constant 1 : i32
    %sub3A_164 = arith.constant 1 : i32
    %sub3A_165 = arith.subi %sub3A_163, %sub3A_164 : i32
    %add3A_166 = arith.addi %sub3A_162, %sub3A_165 : i32
    %div3A_167 = arith.constant 1 : i32
    %div3A_168 = arith.divsi %add3A_166, %div3A_167 : i32
    %while3A_169 = arith.constant 1 : i32
    %while3A_170 = arith.constant 0 : i32
    %while3A_171 = arith.subi %div3A_168, %while3A_170 : i32
    %while3A_172 = arith.addi %while3A_170, %while3A_171 : i32
    %while3A_173 = arith.constant 1 : i32
    %while3A_174 = arith.divsi %while3A_171, %while3A_173 : i32
    %while3A_175 = arith.muli %while3A_174, %while3A_173 : i32
    %while3A_176 = arith.addi %while3A_170, %while3A_175 : i32
    %while3A_177 = arith.constant 1 : i32
    scf.for %while3A_290 = %while3A_170 to %while3A_176 step %while3A_177  : i32 {
      %mul3A_291 = arith.muli %while3A_290, %while3A_169 : i32
      %add3A_292 = arith.addi %add3A_144, %mul3A_291 : i32
      %mul3A_293 = arith.constant 4 : i32
      %mul3A_294 = arith.muli %add3A_292, %mul3A_293 : i32
      %dma_start3A = arith.constant 0 : i32
      %dma_start3A_295 = tpu.memref_slice %arg2[%mul3A_294, %dma_start3A] : memref<6250x128xi32, #tpu.memory_space<hbm>> -> memref<4x128xi32, #tpu.memory_space<hbm>>
      %dma_start3A_296 = arith.constant 0 : i32
      %dma_start3A_297 = tpu.memref_slice %arg2[%mul3A_294, %dma_start3A_296] : memref<6250x128xi32, #tpu.memory_space<hbm>> -> memref<4x128xi32, #tpu.memory_space<hbm>>
      tpu.enqueue_dma source(%dma_start3A_297 : memref<4x128xi32, #tpu.memory_space<hbm>>) target(%arg8 : memref<4x128xi32, #tpu.memory_space<vmem>>) target_semaphore(%arg15 : memref<!tpu.dma_semaphore, #tpu.memory_space<semaphore_mem>>)
      %mul3A_298 = arith.constant 4 : i32
      %mul3A_299 = arith.muli %add3A_292, %mul3A_298 : i32
      %dma_wait3A = arith.constant 0 : i32
      %dma_wait3A_300 = tpu.memref_slice %arg2[%mul3A_299, %dma_wait3A] : memref<6250x128xi32, #tpu.memory_space<hbm>> -> memref<4x128xi32, #tpu.memory_space<hbm>>
      %dma_wait3A_301 = arith.constant 0 : i32
      %dma_wait3A_302 = tpu.memref_slice %arg2[%mul3A_299, %dma_wait3A_301] : memref<6250x128xi32, #tpu.memory_space<hbm>> -> memref<4x128xi32, #tpu.memory_space<hbm>>
      tpu.wait_dma2 semaphore(%arg15 : memref<!tpu.dma_semaphore, #tpu.memory_space<semaphore_mem>>) src(%dma_wait3A_302 : memref<4x128xi32, #tpu.memory_space<hbm>>) dst(%arg8 : memref<4x128xi32, #tpu.memory_space<vmem>>)
      %run_scoped3A = arith.constant 0 : i32
      "tpu.region"() ({
        %run_scoped3A_306 = tpu.sem_alloc : memref<!tpu.dma_semaphore, #tpu.memory_space<semaphore_mem>>
        %dma_start3A_307 = arith.constant 0 : i32
        %dma_start3A_308 = tpu.memref_slice %arg8[%run_scoped3A, %dma_start3A_307] : memref<4x128xi32, #tpu.memory_space<vmem>> -> memref<1x128xi32, #tpu.memory_space<vmem>>
        %dma_start3A_309 = tpu.memref_squeeze %dma_start3A_308 : memref<1x128xi32, #tpu.memory_space<vmem>> -> memref<128xi32, #tpu.memory_space<vmem>>
        %dma_start3A_310 = arith.constant 0 : i32
        %dma_start3A_311 = arith.constant 0 : i32
        %dma_start3A_312 = tpu.memref_slice %arg7[%dma_start3A_310, %dma_start3A_311] : memref<51200x32xf32, #tpu.memory_space<vmem_shared>> -> memref<51200x32xf32, #tpu.memory_space<vmem_shared>>
        tpu.enqueue_indirect_dma source(%arg12 : memref<128x32xf32, #tpu.memory_space<vmem>>) target(%dma_start3A_312 : memref<51200x32xf32, #tpu.memory_space<vmem_shared>>) offsets(%dma_start3A_309 : memref<128xi32, #tpu.memory_space<vmem>>) semaphore(%run_scoped3A_306 : memref<!tpu.dma_semaphore, #tpu.memory_space<semaphore_mem>>) {add = true}
        %dma_wait3A_313 = arith.constant 0 : i32
        %dma_wait3A_314 = tpu.memref_slice %arg8[%run_scoped3A, %dma_wait3A_313] : memref<4x128xi32, #tpu.memory_space<vmem>> -> memref<1x128xi32, #tpu.memory_space<vmem>>
        %dma_wait3A_315 = tpu.memref_squeeze %dma_wait3A_314 : memref<1x128xi32, #tpu.memory_space<vmem>> -> memref<128xi32, #tpu.memory_space<vmem>>
        %dma_wait3A_316 = arith.constant 0 : i32
        %dma_wait3A_317 = arith.constant 0 : i32
        %dma_wait3A_318 = tpu.memref_slice %arg7[%dma_wait3A_316, %dma_wait3A_317] : memref<51200x32xf32, #tpu.memory_space<vmem_shared>> -> memref<51200x32xf32, #tpu.memory_space<vmem_shared>>
        tpu.wait_indirect_dma semaphore(%run_scoped3A_306 : memref<!tpu.dma_semaphore, #tpu.memory_space<semaphore_mem>>) src(%arg12 : memref<128x32xf32, #tpu.memory_space<vmem>>) dst(%dma_wait3A_318 : memref<51200x32xf32, #tpu.memory_space<vmem_shared>>)
        tpu.yield
      }) : () -> ()
      %run_scoped3A_303 = arith.constant 1 : i32
      "tpu.region"() ({
        %run_scoped3A_306 = tpu.sem_alloc : memref<!tpu.dma_semaphore, #tpu.memory_space<semaphore_mem>>
        %dma_start3A_307 = arith.constant 0 : i32
        %dma_start3A_308 = tpu.memref_slice %arg8[%run_scoped3A_303, %dma_start3A_307] : memref<4x128xi32, #tpu.memory_space<vmem>> -> memref<1x128xi32, #tpu.memory_space<vmem>>
        %dma_start3A_309 = tpu.memref_squeeze %dma_start3A_308 : memref<1x128xi32, #tpu.memory_space<vmem>> -> memref<128xi32, #tpu.memory_space<vmem>>
        %dma_start3A_310 = arith.constant 0 : i32
        %dma_start3A_311 = arith.constant 0 : i32
        %dma_start3A_312 = tpu.memref_slice %arg7[%dma_start3A_310, %dma_start3A_311] : memref<51200x32xf32, #tpu.memory_space<vmem_shared>> -> memref<51200x32xf32, #tpu.memory_space<vmem_shared>>
        tpu.enqueue_indirect_dma source(%arg12 : memref<128x32xf32, #tpu.memory_space<vmem>>) target(%dma_start3A_312 : memref<51200x32xf32, #tpu.memory_space<vmem_shared>>) offsets(%dma_start3A_309 : memref<128xi32, #tpu.memory_space<vmem>>) semaphore(%run_scoped3A_306 : memref<!tpu.dma_semaphore, #tpu.memory_space<semaphore_mem>>) {add = true}
        %dma_wait3A_313 = arith.constant 0 : i32
        %dma_wait3A_314 = tpu.memref_slice %arg8[%run_scoped3A_303, %dma_wait3A_313] : memref<4x128xi32, #tpu.memory_space<vmem>> -> memref<1x128xi32, #tpu.memory_space<vmem>>
        %dma_wait3A_315 = tpu.memref_squeeze %dma_wait3A_314 : memref<1x128xi32, #tpu.memory_space<vmem>> -> memref<128xi32, #tpu.memory_space<vmem>>
        %dma_wait3A_316 = arith.constant 0 : i32
        %dma_wait3A_317 = arith.constant 0 : i32
        %dma_wait3A_318 = tpu.memref_slice %arg7[%dma_wait3A_316, %dma_wait3A_317] : memref<51200x32xf32, #tpu.memory_space<vmem_shared>> -> memref<51200x32xf32, #tpu.memory_space<vmem_shared>>
        tpu.wait_indirect_dma semaphore(%run_scoped3A_306 : memref<!tpu.dma_semaphore, #tpu.memory_space<semaphore_mem>>) src(%arg12 : memref<128x32xf32, #tpu.memory_space<vmem>>) dst(%dma_wait3A_318 : memref<51200x32xf32, #tpu.memory_space<vmem_shared>>)
        tpu.yield
      }) : () -> ()
      %run_scoped3A_304 = arith.constant 2 : i32
      "tpu.region"() ({
        %run_scoped3A_306 = tpu.sem_alloc : memref<!tpu.dma_semaphore, #tpu.memory_space<semaphore_mem>>
        %dma_start3A_307 = arith.constant 0 : i32
        %dma_start3A_308 = tpu.memref_slice %arg8[%run_scoped3A_304, %dma_start3A_307] : memref<4x128xi32, #tpu.memory_space<vmem>> -> memref<1x128xi32, #tpu.memory_space<vmem>>
        %dma_start3A_309 = tpu.memref_squeeze %dma_start3A_308 : memref<1x128xi32, #tpu.memory_space<vmem>> -> memref<128xi32, #tpu.memory_space<vmem>>
        %dma_start3A_310 = arith.constant 0 : i32
        %dma_start3A_311 = arith.constant 0 : i32
        %dma_start3A_312 = tpu.memref_slice %arg7[%dma_start3A_310, %dma_start3A_311] : memref<51200x32xf32, #tpu.memory_space<vmem_shared>> -> memref<51200x32xf32, #tpu.memory_space<vmem_shared>>
        tpu.enqueue_indirect_dma source(%arg12 : memref<128x32xf32, #tpu.memory_space<vmem>>) target(%dma_start3A_312 : memref<51200x32xf32, #tpu.memory_space<vmem_shared>>) offsets(%dma_start3A_309 : memref<128xi32, #tpu.memory_space<vmem>>) semaphore(%run_scoped3A_306 : memref<!tpu.dma_semaphore, #tpu.memory_space<semaphore_mem>>) {add = true}
        %dma_wait3A_313 = arith.constant 0 : i32
        %dma_wait3A_314 = tpu.memref_slice %arg8[%run_scoped3A_304, %dma_wait3A_313] : memref<4x128xi32, #tpu.memory_space<vmem>> -> memref<1x128xi32, #tpu.memory_space<vmem>>
        %dma_wait3A_315 = tpu.memref_squeeze %dma_wait3A_314 : memref<1x128xi32, #tpu.memory_space<vmem>> -> memref<128xi32, #tpu.memory_space<vmem>>
        %dma_wait3A_316 = arith.constant 0 : i32
        %dma_wait3A_317 = arith.constant 0 : i32
        %dma_wait3A_318 = tpu.memref_slice %arg7[%dma_wait3A_316, %dma_wait3A_317] : memref<51200x32xf32, #tpu.memory_space<vmem_shared>> -> memref<51200x32xf32, #tpu.memory_space<vmem_shared>>
        tpu.wait_indirect_dma semaphore(%run_scoped3A_306 : memref<!tpu.dma_semaphore, #tpu.memory_space<semaphore_mem>>) src(%arg12 : memref<128x32xf32, #tpu.memory_space<vmem>>) dst(%dma_wait3A_318 : memref<51200x32xf32, #tpu.memory_space<vmem_shared>>)
        tpu.yield
      }) : () -> ()
      %run_scoped3A_305 = arith.constant 3 : i32
      "tpu.region"() ({
        %run_scoped3A_306 = tpu.sem_alloc : memref<!tpu.dma_semaphore, #tpu.memory_space<semaphore_mem>>
        %dma_start3A_307 = arith.constant 0 : i32
        %dma_start3A_308 = tpu.memref_slice %arg8[%run_scoped3A_305, %dma_start3A_307] : memref<4x128xi32, #tpu.memory_space<vmem>> -> memref<1x128xi32, #tpu.memory_space<vmem>>
        %dma_start3A_309 = tpu.memref_squeeze %dma_start3A_308 : memref<1x128xi32, #tpu.memory_space<vmem>> -> memref<128xi32, #tpu.memory_space<vmem>>
        %dma_start3A_310 = arith.constant 0 : i32
        %dma_start3A_311 = arith.constant 0 : i32
        %dma_start3A_312 = tpu.memref_slice %arg7[%dma_start3A_310, %dma_start3A_311] : memref<51200x32xf32, #tpu.memory_space<vmem_shared>> -> memref<51200x32xf32, #tpu.memory_space<vmem_shared>>
        tpu.enqueue_indirect_dma source(%arg12 : memref<128x32xf32, #tpu.memory_space<vmem>>) target(%dma_start3A_312 : memref<51200x32xf32, #tpu.memory_space<vmem_shared>>) offsets(%dma_start3A_309 : memref<128xi32, #tpu.memory_space<vmem>>) semaphore(%run_scoped3A_306 : memref<!tpu.dma_semaphore, #tpu.memory_space<semaphore_mem>>) {add = true}
        %dma_wait3A_313 = arith.constant 0 : i32
        %dma_wait3A_314 = tpu.memref_slice %arg8[%run_scoped3A_305, %dma_wait3A_313] : memref<4x128xi32, #tpu.memory_space<vmem>> -> memref<1x128xi32, #tpu.memory_space<vmem>>
        %dma_wait3A_315 = tpu.memref_squeeze %dma_wait3A_314 : memref<1x128xi32, #tpu.memory_space<vmem>> -> memref<128xi32, #tpu.memory_space<vmem>>
        %dma_wait3A_316 = arith.constant 0 : i32
        %dma_wait3A_317 = arith.constant 0 : i32
        %dma_wait3A_318 = tpu.memref_slice %arg7[%dma_wait3A_316, %dma_wait3A_317] : memref<51200x32xf32, #tpu.memory_space<vmem_shared>> -> memref<51200x32xf32, #tpu.memory_space<vmem_shared>>
        tpu.wait_indirect_dma semaphore(%run_scoped3A_306 : memref<!tpu.dma_semaphore, #tpu.memory_space<semaphore_mem>>) src(%arg12 : memref<128x32xf32, #tpu.memory_space<vmem>>) dst(%dma_wait3A_318 : memref<51200x32xf32, #tpu.memory_space<vmem_shared>>)
        tpu.yield
      }) : () -> ()
    }
    %while3A_178 = arith.constant 1 : i32
    scf.for %while3A_290 = %while3A_176 to %while3A_172 step %while3A_178  : i32 {
      %mul3A_291 = arith.muli %while3A_290, %while3A_169 : i32
      %add3A_292 = arith.addi %add3A_144, %mul3A_291 : i32
      %mul3A_293 = arith.constant 4 : i32
      %mul3A_294 = arith.muli %add3A_292, %mul3A_293 : i32
      %dma_start3A = arith.constant 0 : i32
      %dma_start3A_295 = tpu.memref_slice %arg2[%mul3A_294, %dma_start3A] : memref<6250x128xi32, #tpu.memory_space<hbm>> -> memref<4x128xi32, #tpu.memory_space<hbm>>
      %dma_start3A_296 = arith.constant 0 : i32
      %dma_start3A_297 = tpu.memref_slice %arg2[%mul3A_294, %dma_start3A_296] : memref<6250x128xi32, #tpu.memory_space<hbm>> -> memref<4x128xi32, #tpu.memory_space<hbm>>
      tpu.enqueue_dma source(%dma_start3A_297 : memref<4x128xi32, #tpu.memory_space<hbm>>) target(%arg8 : memref<4x128xi32, #tpu.memory_space<vmem>>) target_semaphore(%arg15 : memref<!tpu.dma_semaphore, #tpu.memory_space<semaphore_mem>>)
      %mul3A_298 = arith.constant 4 : i32
      %mul3A_299 = arith.muli %add3A_292, %mul3A_298 : i32
      %dma_wait3A = arith.constant 0 : i32
      %dma_wait3A_300 = tpu.memref_slice %arg2[%mul3A_299, %dma_wait3A] : memref<6250x128xi32, #tpu.memory_space<hbm>> -> memref<4x128xi32, #tpu.memory_space<hbm>>
      %dma_wait3A_301 = arith.constant 0 : i32
      %dma_wait3A_302 = tpu.memref_slice %arg2[%mul3A_299, %dma_wait3A_301] : memref<6250x128xi32, #tpu.memory_space<hbm>> -> memref<4x128xi32, #tpu.memory_space<hbm>>
      tpu.wait_dma2 semaphore(%arg15 : memref<!tpu.dma_semaphore, #tpu.memory_space<semaphore_mem>>) src(%dma_wait3A_302 : memref<4x128xi32, #tpu.memory_space<hbm>>) dst(%arg8 : memref<4x128xi32, #tpu.memory_space<vmem>>)
      %run_scoped3A = arith.constant 0 : i32
      "tpu.region"() ({
        %run_scoped3A_306 = tpu.sem_alloc : memref<!tpu.dma_semaphore, #tpu.memory_space<semaphore_mem>>
        %dma_start3A_307 = arith.constant 0 : i32
        %dma_start3A_308 = tpu.memref_slice %arg8[%run_scoped3A, %dma_start3A_307] : memref<4x128xi32, #tpu.memory_space<vmem>> -> memref<1x128xi32, #tpu.memory_space<vmem>>
        %dma_start3A_309 = tpu.memref_squeeze %dma_start3A_308 : memref<1x128xi32, #tpu.memory_space<vmem>> -> memref<128xi32, #tpu.memory_space<vmem>>
        %dma_start3A_310 = arith.constant 0 : i32
        %dma_start3A_311 = arith.constant 0 : i32
        %dma_start3A_312 = tpu.memref_slice %arg7[%dma_start3A_310, %dma_start3A_311] : memref<51200x32xf32, #tpu.memory_space<vmem_shared>> -> memref<51200x32xf32, #tpu.memory_space<vmem_shared>>
        tpu.enqueue_indirect_dma source(%arg12 : memref<128x32xf32, #tpu.memory_space<vmem>>) target(%dma_start3A_312 : memref<51200x32xf32, #tpu.memory_space<vmem_shared>>) offsets(%dma_start3A_309 : memref<128xi32, #tpu.memory_space<vmem>>) semaphore(%run_scoped3A_306 : memref<!tpu.dma_semaphore, #tpu.memory_space<semaphore_mem>>) {add = true}
        %dma_wait3A_313 = arith.constant 0 : i32
        %dma_wait3A_314 = tpu.memref_slice %arg8[%run_scoped3A, %dma_wait3A_313] : memref<4x128xi32, #tpu.memory_space<vmem>> -> memref<1x128xi32, #tpu.memory_space<vmem>>
        %dma_wait3A_315 = tpu.memref_squeeze %dma_wait3A_314 : memref<1x128xi32, #tpu.memory_space<vmem>> -> memref<128xi32, #tpu.memory_space<vmem>>
        %dma_wait3A_316 = arith.constant 0 : i32
        %dma_wait3A_317 = arith.constant 0 : i32
        %dma_wait3A_318 = tpu.memref_slice %arg7[%dma_wait3A_316, %dma_wait3A_317] : memref<51200x32xf32, #tpu.memory_space<vmem_shared>> -> memref<51200x32xf32, #tpu.memory_space<vmem_shared>>
        tpu.wait_indirect_dma semaphore(%run_scoped3A_306 : memref<!tpu.dma_semaphore, #tpu.memory_space<semaphore_mem>>) src(%arg12 : memref<128x32xf32, #tpu.memory_space<vmem>>) dst(%dma_wait3A_318 : memref<51200x32xf32, #tpu.memory_space<vmem_shared>>)
        tpu.yield
      }) : () -> ()
      %run_scoped3A_303 = arith.constant 1 : i32
      "tpu.region"() ({
        %run_scoped3A_306 = tpu.sem_alloc : memref<!tpu.dma_semaphore, #tpu.memory_space<semaphore_mem>>
        %dma_start3A_307 = arith.constant 0 : i32
        %dma_start3A_308 = tpu.memref_slice %arg8[%run_scoped3A_303, %dma_start3A_307] : memref<4x128xi32, #tpu.memory_space<vmem>> -> memref<1x128xi32, #tpu.memory_space<vmem>>
        %dma_start3A_309 = tpu.memref_squeeze %dma_start3A_308 : memref<1x128xi32, #tpu.memory_space<vmem>> -> memref<128xi32, #tpu.memory_space<vmem>>
        %dma_start3A_310 = arith.constant 0 : i32
        %dma_start3A_311 = arith.constant 0 : i32
        %dma_start3A_312 = tpu.memref_slice %arg7[%dma_start3A_310, %dma_start3A_311] : memref<51200x32xf32, #tpu.memory_space<vmem_shared>> -> memref<51200x32xf32, #tpu.memory_space<vmem_shared>>
        tpu.enqueue_indirect_dma source(%arg12 : memref<128x32xf32, #tpu.memory_space<vmem>>) target(%dma_start3A_312 : memref<51200x32xf32, #tpu.memory_space<vmem_shared>>) offsets(%dma_start3A_309 : memref<128xi32, #tpu.memory_space<vmem>>) semaphore(%run_scoped3A_306 : memref<!tpu.dma_semaphore, #tpu.memory_space<semaphore_mem>>) {add = true}
        %dma_wait3A_313 = arith.constant 0 : i32
        %dma_wait3A_314 = tpu.memref_slice %arg8[%run_scoped3A_303, %dma_wait3A_313] : memref<4x128xi32, #tpu.memory_space<vmem>> -> memref<1x128xi32, #tpu.memory_space<vmem>>
        %dma_wait3A_315 = tpu.memref_squeeze %dma_wait3A_314 : memref<1x128xi32, #tpu.memory_space<vmem>> -> memref<128xi32, #tpu.memory_space<vmem>>
        %dma_wait3A_316 = arith.constant 0 : i32
        %dma_wait3A_317 = arith.constant 0 : i32
        %dma_wait3A_318 = tpu.memref_slice %arg7[%dma_wait3A_316, %dma_wait3A_317] : memref<51200x32xf32, #tpu.memory_space<vmem_shared>> -> memref<51200x32xf32, #tpu.memory_space<vmem_shared>>
        tpu.wait_indirect_dma semaphore(%run_scoped3A_306 : memref<!tpu.dma_semaphore, #tpu.memory_space<semaphore_mem>>) src(%arg12 : memref<128x32xf32, #tpu.memory_space<vmem>>) dst(%dma_wait3A_318 : memref<51200x32xf32, #tpu.memory_space<vmem_shared>>)
        tpu.yield
      }) : () -> ()
      %run_scoped3A_304 = arith.constant 2 : i32
      "tpu.region"() ({
        %run_scoped3A_306 = tpu.sem_alloc : memref<!tpu.dma_semaphore, #tpu.memory_space<semaphore_mem>>
        %dma_start3A_307 = arith.constant 0 : i32
        %dma_start3A_308 = tpu.memref_slice %arg8[%run_scoped3A_304, %dma_start3A_307] : memref<4x128xi32, #tpu.memory_space<vmem>> -> memref<1x128xi32, #tpu.memory_space<vmem>>
        %dma_start3A_309 = tpu.memref_squeeze %dma_start3A_308 : memref<1x128xi32, #tpu.memory_space<vmem>> -> memref<128xi32, #tpu.memory_space<vmem>>
        %dma_start3A_310 = arith.constant 0 : i32
        %dma_start3A_311 = arith.constant 0 : i32
        %dma_start3A_312 = tpu.memref_slice %arg7[%dma_start3A_310, %dma_start3A_311] : memref<51200x32xf32, #tpu.memory_space<vmem_shared>> -> memref<51200x32xf32, #tpu.memory_space<vmem_shared>>
        tpu.enqueue_indirect_dma source(%arg12 : memref<128x32xf32, #tpu.memory_space<vmem>>) target(%dma_start3A_312 : memref<51200x32xf32, #tpu.memory_space<vmem_shared>>) offsets(%dma_start3A_309 : memref<128xi32, #tpu.memory_space<vmem>>) semaphore(%run_scoped3A_306 : memref<!tpu.dma_semaphore, #tpu.memory_space<semaphore_mem>>) {add = true}
        %dma_wait3A_313 = arith.constant 0 : i32
        %dma_wait3A_314 = tpu.memref_slice %arg8[%run_scoped3A_304, %dma_wait3A_313] : memref<4x128xi32, #tpu.memory_space<vmem>> -> memref<1x128xi32, #tpu.memory_space<vmem>>
        %dma_wait3A_315 = tpu.memref_squeeze %dma_wait3A_314 : memref<1x128xi32, #tpu.memory_space<vmem>> -> memref<128xi32, #tpu.memory_space<vmem>>
        %dma_wait3A_316 = arith.constant 0 : i32
        %dma_wait3A_317 = arith.constant 0 : i32
        %dma_wait3A_318 = tpu.memref_slice %arg7[%dma_wait3A_316, %dma_wait3A_317] : memref<51200x32xf32, #tpu.memory_space<vmem_shared>> -> memref<51200x32xf32, #tpu.memory_space<vmem_shared>>
        tpu.wait_indirect_dma semaphore(%run_scoped3A_306 : memref<!tpu.dma_semaphore, #tpu.memory_space<semaphore_mem>>) src(%arg12 : memref<128x32xf32, #tpu.memory_space<vmem>>) dst(%dma_wait3A_318 : memref<51200x32xf32, #tpu.memory_space<vmem_shared>>)
        tpu.yield
      }) : () -> ()
      %run_scoped3A_305 = arith.constant 3 : i32
      "tpu.region"() ({
        %run_scoped3A_306 = tpu.sem_alloc : memref<!tpu.dma_semaphore, #tpu.memory_space<semaphore_mem>>
        %dma_start3A_307 = arith.constant 0 : i32
        %dma_start3A_308 = tpu.memref_slice %arg8[%run_scoped3A_305, %dma_start3A_307] : memref<4x128xi32, #tpu.memory_space<vmem>> -> memref<1x128xi32, #tpu.memory_space<vmem>>
        %dma_start3A_309 = tpu.memref_squeeze %dma_start3A_308 : memref<1x128xi32, #tpu.memory_space<vmem>> -> memref<128xi32, #tpu.memory_space<vmem>>
        %dma_start3A_310 = arith.constant 0 : i32
        %dma_start3A_311 = arith.constant 0 : i32
        %dma_start3A_312 = tpu.memref_slice %arg7[%dma_start3A_310, %dma_start3A_311] : memref<51200x32xf32, #tpu.memory_space<vmem_shared>> -> memref<51200x32xf32, #tpu.memory_space<vmem_shared>>
        tpu.enqueue_indirect_dma source(%arg12 : memref<128x32xf32, #tpu.memory_space<vmem>>) target(%dma_start3A_312 : memref<51200x32xf32, #tpu.memory_space<vmem_shared>>) offsets(%dma_start3A_309 : memref<128xi32, #tpu.memory_space<vmem>>) semaphore(%run_scoped3A_306 : memref<!tpu.dma_semaphore, #tpu.memory_space<semaphore_mem>>) {add = true}
        %dma_wait3A_313 = arith.constant 0 : i32
        %dma_wait3A_314 = tpu.memref_slice %arg8[%run_scoped3A_305, %dma_wait3A_313] : memref<4x128xi32, #tpu.memory_space<vmem>> -> memref<1x128xi32, #tpu.memory_space<vmem>>
        %dma_wait3A_315 = tpu.memref_squeeze %dma_wait3A_314 : memref<1x128xi32, #tpu.memory_space<vmem>> -> memref<128xi32, #tpu.memory_space<vmem>>
        %dma_wait3A_316 = arith.constant 0 : i32
        %dma_wait3A_317 = arith.constant 0 : i32
        %dma_wait3A_318 = tpu.memref_slice %arg7[%dma_wait3A_316, %dma_wait3A_317] : memref<51200x32xf32, #tpu.memory_space<vmem_shared>> -> memref<51200x32xf32, #tpu.memory_space<vmem_shared>>
        tpu.wait_indirect_dma semaphore(%run_scoped3A_306 : memref<!tpu.dma_semaphore, #tpu.memory_space<semaphore_mem>>) src(%arg12 : memref<128x32xf32, #tpu.memory_space<vmem>>) dst(%dma_wait3A_318 : memref<51200x32xf32, #tpu.memory_space<vmem_shared>>)
        tpu.yield
      }) : () -> ()
    }
    %eq3A = arith.constant 0 : i32
    %eq3A_179 = arith.cmpi eq, %arg1, %eq3A : i32
    %convert_element_type3A_180 = arith.extui %eq3A_179 : i1 to i32
    %cond3A_181 = arith.constant 0 : i32
    %cond3A_182 = arith.cmpi ne, %convert_element_type3A_180, %cond3A_181 : i32
    scf.if %cond3A_182 {
      %add3A_290 = arith.constant 6248 : i32
      %add3A_291 = arith.addi %add3A_290, %arg0 : i32
      "tpu.region"() ({
        %run_scoped3A = tpu.sem_alloc : memref<!tpu.dma_semaphore, #tpu.memory_space<semaphore_mem>>
        %dma_start3A = arith.constant 0 : i32
        %dma_start3A_292 = tpu.memref_slice %arg2[%add3A_291, %dma_start3A] : memref<6250x128xi32, #tpu.memory_space<hbm>> -> memref<1x128xi32, #tpu.memory_space<hbm>>
        %dma_start3A_293 = tpu.memref_squeeze %dma_start3A_292 : memref<1x128xi32, #tpu.memory_space<hbm>> -> memref<128xi32, #tpu.memory_space<hbm>>
        %dma_start3A_294 = arith.constant 0 : i32
        %dma_start3A_295 = tpu.memref_slice %arg2[%add3A_291, %dma_start3A_294] : memref<6250x128xi32, #tpu.memory_space<hbm>> -> memref<1x128xi32, #tpu.memory_space<hbm>>
        %dma_start3A_296 = tpu.memref_squeeze %dma_start3A_295 : memref<1x128xi32, #tpu.memory_space<hbm>> -> memref<128xi32, #tpu.memory_space<hbm>>
        tpu.enqueue_dma source(%dma_start3A_296 : memref<128xi32, #tpu.memory_space<hbm>>) target(%arg10 : memref<128xi32, #tpu.memory_space<vmem>>) target_semaphore(%run_scoped3A : memref<!tpu.dma_semaphore, #tpu.memory_space<semaphore_mem>>)
        %dma_wait3A = arith.constant 0 : i32
        %dma_wait3A_297 = tpu.memref_slice %arg2[%add3A_291, %dma_wait3A] : memref<6250x128xi32, #tpu.memory_space<hbm>> -> memref<1x128xi32, #tpu.memory_space<hbm>>
        %dma_wait3A_298 = tpu.memref_squeeze %dma_wait3A_297 : memref<1x128xi32, #tpu.memory_space<hbm>> -> memref<128xi32, #tpu.memory_space<hbm>>
        %dma_wait3A_299 = arith.constant 0 : i32
        %dma_wait3A_300 = tpu.memref_slice %arg2[%add3A_291, %dma_wait3A_299] : memref<6250x128xi32, #tpu.memory_space<hbm>> -> memref<1x128xi32, #tpu.memory_space<hbm>>
        %dma_wait3A_301 = tpu.memref_squeeze %dma_wait3A_300 : memref<1x128xi32, #tpu.memory_space<hbm>> -> memref<128xi32, #tpu.memory_space<hbm>>
        tpu.wait_dma2 semaphore(%run_scoped3A : memref<!tpu.dma_semaphore, #tpu.memory_space<semaphore_mem>>) src(%dma_wait3A_301 : memref<128xi32, #tpu.memory_space<hbm>>) dst(%arg10 : memref<128xi32, #tpu.memory_space<vmem>>)
        tpu.yield
      }) : () -> ()
      "tpu.region"() ({
        %run_scoped3A = tpu.sem_alloc : memref<!tpu.dma_semaphore, #tpu.memory_space<semaphore_mem>>
        %dma_start3A = arith.constant 0 : i32
        %dma_start3A_292 = arith.constant 0 : i32
        %dma_start3A_293 = tpu.memref_slice %arg7[%dma_start3A, %dma_start3A_292] : memref<51200x32xf32, #tpu.memory_space<vmem_shared>> -> memref<51200x32xf32, #tpu.memory_space<vmem_shared>>
        tpu.enqueue_indirect_dma source(%arg12 : memref<128x32xf32, #tpu.memory_space<vmem>>) target(%dma_start3A_293 : memref<51200x32xf32, #tpu.memory_space<vmem_shared>>) offsets(%arg10 : memref<128xi32, #tpu.memory_space<vmem>>) semaphore(%run_scoped3A : memref<!tpu.dma_semaphore, #tpu.memory_space<semaphore_mem>>) {add = true}
        %dma_wait3A = arith.constant 0 : i32
        %dma_wait3A_294 = arith.constant 0 : i32
        %dma_wait3A_295 = tpu.memref_slice %arg7[%dma_wait3A, %dma_wait3A_294] : memref<51200x32xf32, #tpu.memory_space<vmem_shared>> -> memref<51200x32xf32, #tpu.memory_space<vmem_shared>>
        tpu.wait_indirect_dma semaphore(%run_scoped3A : memref<!tpu.dma_semaphore, #tpu.memory_space<semaphore_mem>>) src(%arg12 : memref<128x32xf32, #tpu.memory_space<vmem>>) dst(%dma_wait3A_295 : memref<51200x32xf32, #tpu.memory_space<vmem_shared>>)
        tpu.yield
      }) : () -> ()
    } else {
    }
    %mul3A_183 = arith.constant 800 : i32
    %mul3A_184 = arith.muli %mul3A_183, %add3A : i32
    %jit3A_185 = arith.constant 32 : i32
    %div3A_186 = arith.divsi %mul3A_184, %jit3A_185 : i32
    %sign3A_187 = arith.constant 0 : i32
    %sign3A_188 = arith.cmpi sgt, %mul3A_184, %sign3A_187 : i32
    %sign3A_189 = arith.extui %sign3A_188 : i1 to i32
    %sign3A_190 = arith.constant 0 : i32
    %sign3A_191 = arith.cmpi slt, %mul3A_184, %sign3A_190 : i32
    %sign3A_192 = arith.extui %sign3A_191 : i1 to i32
    %sign3A_193 = arith.subi %sign3A_189, %sign3A_192 : i32
    %sign3A_194 = arith.constant 0 : i32
    %sign3A_195 = arith.cmpi sgt, %jit3A_185, %sign3A_194 : i32
    %sign3A_196 = arith.extui %sign3A_195 : i1 to i32
    %sign3A_197 = arith.constant 0 : i32
    %sign3A_198 = arith.cmpi slt, %jit3A_185, %sign3A_197 : i32
    %sign3A_199 = arith.extui %sign3A_198 : i1 to i32
    %sign3A_200 = arith.subi %sign3A_196, %sign3A_199 : i32
    %ne3A_201 = arith.cmpi ne, %sign3A_193, %sign3A_200 : i32
    %rem3A_202 = arith.remsi %mul3A_184, %jit3A_185 : i32
    %ne3A_203 = arith.constant 0 : i32
    %ne3A_204 = arith.cmpi ne, %rem3A_202, %ne3A_203 : i32
    %and3A_205 = arith.andi %ne3A_201, %ne3A_204 : i1
    %sub3A_206 = arith.constant 1 : i32
    %sub3A_207 = arith.subi %div3A_186, %sub3A_206 : i32
    %select_n3A_208 = arith.select %and3A_205, %sub3A_207, %div3A_186 : i32
    %add3A_209 = arith.constant 1 : i32
    %add3A_210 = arith.addi %add3A, %add3A_209 : i32
    %mul3A_211 = arith.constant 800 : i32
    %mul3A_212 = arith.muli %mul3A_211, %add3A_210 : i32
    %jit3A_213 = arith.constant 32 : i32
    %div3A_214 = arith.divsi %mul3A_212, %jit3A_213 : i32
    %sign3A_215 = arith.constant 0 : i32
    %sign3A_216 = arith.cmpi sgt, %mul3A_212, %sign3A_215 : i32
    %sign3A_217 = arith.extui %sign3A_216 : i1 to i32
    %sign3A_218 = arith.constant 0 : i32
    %sign3A_219 = arith.cmpi slt, %mul3A_212, %sign3A_218 : i32
    %sign3A_220 = arith.extui %sign3A_219 : i1 to i32
    %sign3A_221 = arith.subi %sign3A_217, %sign3A_220 : i32
    %sign3A_222 = arith.constant 0 : i32
    %sign3A_223 = arith.cmpi sgt, %jit3A_213, %sign3A_222 : i32
    %sign3A_224 = arith.extui %sign3A_223 : i1 to i32
    %sign3A_225 = arith.constant 0 : i32
    %sign3A_226 = arith.cmpi slt, %jit3A_213, %sign3A_225 : i32
    %sign3A_227 = arith.extui %sign3A_226 : i1 to i32
    %sign3A_228 = arith.subi %sign3A_224, %sign3A_227 : i32
    %ne3A_229 = arith.cmpi ne, %sign3A_221, %sign3A_228 : i32
    %rem3A_230 = arith.remsi %mul3A_212, %jit3A_213 : i32
    %ne3A_231 = arith.constant 0 : i32
    %ne3A_232 = arith.cmpi ne, %rem3A_230, %ne3A_231 : i32
    %and3A_233 = arith.andi %ne3A_229, %ne3A_232 : i1
    %sub3A_234 = arith.constant 1 : i32
    %sub3A_235 = arith.subi %div3A_214, %sub3A_234 : i32
    %select_n3A_236 = arith.select %and3A_233, %sub3A_235, %div3A_214 : i32
    %sub3A_237 = arith.subi %select_n3A_236, %select_n3A_208 : i32
    %jit3A_238 = arith.constant 2 : i32
    %div3A_239 = arith.divsi %sub3A_237, %jit3A_238 : i32
    %sign3A_240 = arith.constant 0 : i32
    %sign3A_241 = arith.cmpi sgt, %sub3A_237, %sign3A_240 : i32
    %sign3A_242 = arith.extui %sign3A_241 : i1 to i32
    %sign3A_243 = arith.constant 0 : i32
    %sign3A_244 = arith.cmpi slt, %sub3A_237, %sign3A_243 : i32
    %sign3A_245 = arith.extui %sign3A_244 : i1 to i32
    %sign3A_246 = arith.subi %sign3A_242, %sign3A_245 : i32
    %sign3A_247 = arith.constant 0 : i32
    %sign3A_248 = arith.cmpi sgt, %jit3A_238, %sign3A_247 : i32
    %sign3A_249 = arith.extui %sign3A_248 : i1 to i32
    %sign3A_250 = arith.constant 0 : i32
    %sign3A_251 = arith.cmpi slt, %jit3A_238, %sign3A_250 : i32
    %sign3A_252 = arith.extui %sign3A_251 : i1 to i32
    %sign3A_253 = arith.subi %sign3A_249, %sign3A_252 : i32
    %ne3A_254 = arith.cmpi ne, %sign3A_246, %sign3A_253 : i32
    %rem3A_255 = arith.remsi %sub3A_237, %jit3A_238 : i32
    %ne3A_256 = arith.constant 0 : i32
    %ne3A_257 = arith.cmpi ne, %rem3A_255, %ne3A_256 : i32
    %and3A_258 = arith.andi %ne3A_254, %ne3A_257 : i1
    %sub3A_259 = arith.constant 1 : i32
    %sub3A_260 = arith.subi %div3A_239, %sub3A_259 : i32
    %select_n3A_261 = arith.select %and3A_258, %sub3A_260, %div3A_239 : i32
    %mul3A_262 = arith.constant 2 : i32
    %mul3A_263 = arith.muli %mul3A_262, %select_n3A_261 : i32
    %add3A_264 = arith.addi %select_n3A_208, %mul3A_263 : i32
    %lt3A = arith.cmpi slt, %select_n3A_208, %select_n3A_236 : i32
    %convert_element_type3A_265 = arith.extui %lt3A : i1 to i32
    %cond3A_266 = arith.constant 0 : i32
    %cond3A_267 = arith.cmpi ne, %convert_element_type3A_265, %cond3A_266 : i32
    scf.if %cond3A_267 {
      %dma_start3A = arith.constant 0 : i32
      %dma_start3A_290 = tpu.memref_slice %arg3[%select_n3A_208, %dma_start3A] : memref<800x128xi32, #tpu.memory_space<hbm>> -> memref<1x128xi32, #tpu.memory_space<hbm>>
      %dma_start3A_291 = tpu.memref_squeeze %dma_start3A_290 : memref<1x128xi32, #tpu.memory_space<hbm>> -> memref<128xi32, #tpu.memory_space<hbm>>
      %dma_start3A_292 = arith.constant 0 : i32
      %dma_start3A_293 = tpu.memref_slice %arg3[%select_n3A_208, %dma_start3A_292] : memref<800x128xi32, #tpu.memory_space<hbm>> -> memref<1x128xi32, #tpu.memory_space<hbm>>
      %dma_start3A_294 = tpu.memref_squeeze %dma_start3A_293 : memref<1x128xi32, #tpu.memory_space<hbm>> -> memref<128xi32, #tpu.memory_space<hbm>>
      tpu.enqueue_dma source(%dma_start3A_294 : memref<128xi32, #tpu.memory_space<hbm>>) target(%arg10 : memref<128xi32, #tpu.memory_space<vmem>>) target_semaphore(%arg17 : memref<!tpu.dma_semaphore, #tpu.memory_space<semaphore_mem>>)
    } else {
    }
    %sub3A_268 = arith.subi %add3A_264, %select_n3A_208 : i32
    %sub3A_269 = arith.constant 2 : i32
    %sub3A_270 = arith.constant 1 : i32
    %sub3A_271 = arith.subi %sub3A_269, %sub3A_270 : i32
    %add3A_272 = arith.addi %sub3A_268, %sub3A_271 : i32
    %div3A_273 = arith.constant 2 : i32
    %div3A_274 = arith.divsi %add3A_272, %div3A_273 : i32
    %while3A_275 = arith.constant 2 : i32
    %while3A_276 = arith.constant 0 : i32
    %while3A_277 = arith.subi %div3A_274, %while3A_276 : i32
    %while3A_278 = arith.addi %while3A_276, %while3A_277 : i32
    %while3A_279 = arith.constant 1 : i32
    %while3A_280 = arith.divsi %while3A_277, %while3A_279 : i32
    %while3A_281 = arith.muli %while3A_280, %while3A_279 : i32
    %while3A_282 = arith.addi %while3A_276, %while3A_281 : i32
    %while3A_283 = arith.constant 1 : i32
    scf.for %while3A_290 = %while3A_276 to %while3A_282 step %while3A_283  : i32 {
      %mul3A_291 = arith.muli %while3A_290, %while3A_275 : i32
      %add3A_292 = arith.addi %select_n3A_208, %mul3A_291 : i32
      %add3A_293 = arith.constant 1 : i32
      %add3A_294 = arith.addi %add3A_292, %add3A_293 : i32
      %dma_start3A = arith.constant 0 : i32
      %dma_start3A_295 = tpu.memref_slice %arg3[%add3A_294, %dma_start3A] : memref<800x128xi32, #tpu.memory_space<hbm>> -> memref<1x128xi32, #tpu.memory_space<hbm>>
      %dma_start3A_296 = tpu.memref_squeeze %dma_start3A_295 : memref<1x128xi32, #tpu.memory_space<hbm>> -> memref<128xi32, #tpu.memory_space<hbm>>
      %dma_start3A_297 = arith.constant 0 : i32
      %dma_start3A_298 = tpu.memref_slice %arg3[%add3A_294, %dma_start3A_297] : memref<800x128xi32, #tpu.memory_space<hbm>> -> memref<1x128xi32, #tpu.memory_space<hbm>>
      %dma_start3A_299 = tpu.memref_squeeze %dma_start3A_298 : memref<1x128xi32, #tpu.memory_space<hbm>> -> memref<128xi32, #tpu.memory_space<hbm>>
      tpu.enqueue_dma source(%dma_start3A_299 : memref<128xi32, #tpu.memory_space<hbm>>) target(%arg11 : memref<128xi32, #tpu.memory_space<vmem>>) target_semaphore(%arg18 : memref<!tpu.dma_semaphore, #tpu.memory_space<semaphore_mem>>)
      %dma_wait3A = arith.constant 0 : i32
      %dma_wait3A_300 = tpu.memref_slice %arg3[%add3A_292, %dma_wait3A] : memref<800x128xi32, #tpu.memory_space<hbm>> -> memref<1x128xi32, #tpu.memory_space<hbm>>
      %dma_wait3A_301 = tpu.memref_squeeze %dma_wait3A_300 : memref<1x128xi32, #tpu.memory_space<hbm>> -> memref<128xi32, #tpu.memory_space<hbm>>
      %dma_wait3A_302 = arith.constant 0 : i32
      %dma_wait3A_303 = tpu.memref_slice %arg3[%add3A_292, %dma_wait3A_302] : memref<800x128xi32, #tpu.memory_space<hbm>> -> memref<1x128xi32, #tpu.memory_space<hbm>>
      %dma_wait3A_304 = tpu.memref_squeeze %dma_wait3A_303 : memref<1x128xi32, #tpu.memory_space<hbm>> -> memref<128xi32, #tpu.memory_space<hbm>>
      tpu.wait_dma2 semaphore(%arg17 : memref<!tpu.dma_semaphore, #tpu.memory_space<semaphore_mem>>) src(%dma_wait3A_304 : memref<128xi32, #tpu.memory_space<hbm>>) dst(%arg10 : memref<128xi32, #tpu.memory_space<vmem>>)
      %dma_start3A_305 = arith.constant 0 : i32
      %dma_start3A_306 = arith.constant 0 : i32
      %dma_start3A_307 = tpu.memref_slice %arg4[%dma_start3A_305, %dma_start3A_306] : memref<51200x32xf32, #tpu.memory_space<hbm>> -> memref<51200x32xf32, #tpu.memory_space<hbm>>
      tpu.enqueue_indirect_dma source(%dma_start3A_307 : memref<51200x32xf32, #tpu.memory_space<hbm>>) target(%arg13 : memref<128x32xf32, #tpu.memory_space<vmem>>) offsets(%arg10 : memref<128xi32, #tpu.memory_space<vmem>>) semaphore(%arg19 : memref<!tpu.dma_semaphore, #tpu.memory_space<semaphore_mem>>)
      %add3A_308 = arith.constant 1 : i32
      %add3A_309 = arith.addi %add3A_292, %add3A_308 : i32
      %dma_wait3A_310 = arith.constant 0 : i32
      %dma_wait3A_311 = tpu.memref_slice %arg3[%add3A_309, %dma_wait3A_310] : memref<800x128xi32, #tpu.memory_space<hbm>> -> memref<1x128xi32, #tpu.memory_space<hbm>>
      %dma_wait3A_312 = tpu.memref_squeeze %dma_wait3A_311 : memref<1x128xi32, #tpu.memory_space<hbm>> -> memref<128xi32, #tpu.memory_space<hbm>>
      %dma_wait3A_313 = arith.constant 0 : i32
      %dma_wait3A_314 = tpu.memref_slice %arg3[%add3A_309, %dma_wait3A_313] : memref<800x128xi32, #tpu.memory_space<hbm>> -> memref<1x128xi32, #tpu.memory_space<hbm>>
      %dma_wait3A_315 = tpu.memref_squeeze %dma_wait3A_314 : memref<1x128xi32, #tpu.memory_space<hbm>> -> memref<128xi32, #tpu.memory_space<hbm>>
      tpu.wait_dma2 semaphore(%arg18 : memref<!tpu.dma_semaphore, #tpu.memory_space<semaphore_mem>>) src(%dma_wait3A_315 : memref<128xi32, #tpu.memory_space<hbm>>) dst(%arg11 : memref<128xi32, #tpu.memory_space<vmem>>)
      %dma_wait3A_316 = arith.constant 0 : i32
      %dma_wait3A_317 = arith.constant 0 : i32
      %dma_wait3A_318 = tpu.memref_slice %arg4[%dma_wait3A_316, %dma_wait3A_317] : memref<51200x32xf32, #tpu.memory_space<hbm>> -> memref<51200x32xf32, #tpu.memory_space<hbm>>
      tpu.wait_indirect_dma semaphore(%arg19 : memref<!tpu.dma_semaphore, #tpu.memory_space<semaphore_mem>>) src(%dma_wait3A_318 : memref<51200x32xf32, #tpu.memory_space<hbm>>) dst(%arg13 : memref<128x32xf32, #tpu.memory_space<vmem>>)
      %dma_start3A_319 = arith.constant 0 : i32
      %dma_start3A_320 = arith.constant 0 : i32
      %dma_start3A_321 = tpu.memref_slice %arg4[%dma_start3A_319, %dma_start3A_320] : memref<51200x32xf32, #tpu.memory_space<hbm>> -> memref<51200x32xf32, #tpu.memory_space<hbm>>
      tpu.enqueue_indirect_dma source(%dma_start3A_321 : memref<51200x32xf32, #tpu.memory_space<hbm>>) target(%arg14 : memref<128x32xf32, #tpu.memory_space<vmem>>) offsets(%arg11 : memref<128xi32, #tpu.memory_space<vmem>>) semaphore(%arg20 : memref<!tpu.dma_semaphore, #tpu.memory_space<semaphore_mem>>)
      %mul3A_322 = arith.constant 128 : i32
      %mul3A_323 = arith.muli %add3A_292, %mul3A_322 : i32
      "tpu.region"() ({
        %run_scoped3A = tpu.sem_alloc : memref<!tpu.dma_semaphore, #tpu.memory_space<semaphore_mem>>
        %dma_start3A_337 = arith.constant 0 : i32
        %dma_start3A_338 = tpu.memref_slice %arg6[%mul3A_323, %dma_start3A_337] : memref<102400x32xf32, #tpu.memory_space<hbm>> -> memref<128x32xf32, #tpu.memory_space<hbm>>
        %dma_start3A_339 = arith.constant 0 : i32
        %dma_start3A_340 = tpu.memref_slice %arg6[%mul3A_323, %dma_start3A_339] : memref<102400x32xf32, #tpu.memory_space<hbm>> -> memref<128x32xf32, #tpu.memory_space<hbm>>
        tpu.enqueue_dma source(%arg13 : memref<128x32xf32, #tpu.memory_space<vmem>>) target(%dma_start3A_340 : memref<128x32xf32, #tpu.memory_space<hbm>>) target_semaphore(%run_scoped3A : memref<!tpu.dma_semaphore, #tpu.memory_space<semaphore_mem>>)
        %dma_wait3A_341 = arith.constant 0 : i32
        %dma_wait3A_342 = tpu.memref_slice %arg6[%mul3A_323, %dma_wait3A_341] : memref<102400x32xf32, #tpu.memory_space<hbm>> -> memref<128x32xf32, #tpu.memory_space<hbm>>
        %dma_wait3A_343 = arith.constant 0 : i32
        %dma_wait3A_344 = tpu.memref_slice %arg6[%mul3A_323, %dma_wait3A_343] : memref<102400x32xf32, #tpu.memory_space<hbm>> -> memref<128x32xf32, #tpu.memory_space<hbm>>
        tpu.wait_dma2 semaphore(%run_scoped3A : memref<!tpu.dma_semaphore, #tpu.memory_space<semaphore_mem>>) src(%arg13 : memref<128x32xf32, #tpu.memory_space<vmem>>) dst(%dma_wait3A_344 : memref<128x32xf32, #tpu.memory_space<hbm>>)
        tpu.yield
      }) : () -> ()
      %dma_wait3A_324 = arith.constant 0 : i32
      %dma_wait3A_325 = arith.constant 0 : i32
      %dma_wait3A_326 = tpu.memref_slice %arg4[%dma_wait3A_324, %dma_wait3A_325] : memref<51200x32xf32, #tpu.memory_space<hbm>> -> memref<51200x32xf32, #tpu.memory_space<hbm>>
      tpu.wait_indirect_dma semaphore(%arg20 : memref<!tpu.dma_semaphore, #tpu.memory_space<semaphore_mem>>) src(%dma_wait3A_326 : memref<51200x32xf32, #tpu.memory_space<hbm>>) dst(%arg14 : memref<128x32xf32, #tpu.memory_space<vmem>>)
      %add3A_327 = arith.constant 1 : i32
      %add3A_328 = arith.addi %add3A_292, %add3A_327 : i32
      %mul3A_329 = arith.constant 128 : i32
      %mul3A_330 = arith.muli %add3A_328, %mul3A_329 : i32
      "tpu.region"() ({
        %run_scoped3A = tpu.sem_alloc : memref<!tpu.dma_semaphore, #tpu.memory_space<semaphore_mem>>
        %dma_start3A_337 = arith.constant 0 : i32
        %dma_start3A_338 = tpu.memref_slice %arg6[%mul3A_330, %dma_start3A_337] : memref<102400x32xf32, #tpu.memory_space<hbm>> -> memref<128x32xf32, #tpu.memory_space<hbm>>
        %dma_start3A_339 = arith.constant 0 : i32
        %dma_start3A_340 = tpu.memref_slice %arg6[%mul3A_330, %dma_start3A_339] : memref<102400x32xf32, #tpu.memory_space<hbm>> -> memref<128x32xf32, #tpu.memory_space<hbm>>
        tpu.enqueue_dma source(%arg14 : memref<128x32xf32, #tpu.memory_space<vmem>>) target(%dma_start3A_340 : memref<128x32xf32, #tpu.memory_space<hbm>>) target_semaphore(%run_scoped3A : memref<!tpu.dma_semaphore, #tpu.memory_space<semaphore_mem>>)
        %dma_wait3A_341 = arith.constant 0 : i32
        %dma_wait3A_342 = tpu.memref_slice %arg6[%mul3A_330, %dma_wait3A_341] : memref<102400x32xf32, #tpu.memory_space<hbm>> -> memref<128x32xf32, #tpu.memory_space<hbm>>
        %dma_wait3A_343 = arith.constant 0 : i32
        %dma_wait3A_344 = tpu.memref_slice %arg6[%mul3A_330, %dma_wait3A_343] : memref<102400x32xf32, #tpu.memory_space<hbm>> -> memref<128x32xf32, #tpu.memory_space<hbm>>
        tpu.wait_dma2 semaphore(%run_scoped3A : memref<!tpu.dma_semaphore, #tpu.memory_space<semaphore_mem>>) src(%arg14 : memref<128x32xf32, #tpu.memory_space<vmem>>) dst(%dma_wait3A_344 : memref<128x32xf32, #tpu.memory_space<hbm>>)
        tpu.yield
      }) : () -> ()
      %add3A_331 = arith.constant 2 : i32
      %add3A_332 = arith.addi %add3A_292, %add3A_331 : i32
      %lt3A_333 = arith.cmpi slt, %add3A_332, %select_n3A_236 : i32
      %convert_element_type3A_334 = arith.extui %lt3A_333 : i1 to i32
      %cond3A_335 = arith.constant 0 : i32
      %cond3A_336 = arith.cmpi ne, %convert_element_type3A_334, %cond3A_335 : i32
      scf.if %cond3A_336 {
        %add3A_337 = arith.constant 2 : i32
        %add3A_338 = arith.addi %add3A_292, %add3A_337 : i32
        %dma_start3A_339 = arith.constant 0 : i32
        %dma_start3A_340 = tpu.memref_slice %arg3[%add3A_338, %dma_start3A_339] : memref<800x128xi32, #tpu.memory_space<hbm>> -> memref<1x128xi32, #tpu.memory_space<hbm>>
        %dma_start3A_341 = tpu.memref_squeeze %dma_start3A_340 : memref<1x128xi32, #tpu.memory_space<hbm>> -> memref<128xi32, #tpu.memory_space<hbm>>
        %dma_start3A_342 = arith.constant 0 : i32
        %dma_start3A_343 = tpu.memref_slice %arg3[%add3A_338, %dma_start3A_342] : memref<800x128xi32, #tpu.memory_space<hbm>> -> memref<1x128xi32, #tpu.memory_space<hbm>>
        %dma_start3A_344 = tpu.memref_squeeze %dma_start3A_343 : memref<1x128xi32, #tpu.memory_space<hbm>> -> memref<128xi32, #tpu.memory_space<hbm>>
        tpu.enqueue_dma source(%dma_start3A_344 : memref<128xi32, #tpu.memory_space<hbm>>) target(%arg10 : memref<128xi32, #tpu.memory_space<vmem>>) target_semaphore(%arg17 : memref<!tpu.dma_semaphore, #tpu.memory_space<semaphore_mem>>)
      } else {
      }
    }
    %while3A_284 = arith.constant 1 : i32
    scf.for %while3A_290 = %while3A_282 to %while3A_278 step %while3A_284  : i32 {
      %mul3A_291 = arith.muli %while3A_290, %while3A_275 : i32
      %add3A_292 = arith.addi %select_n3A_208, %mul3A_291 : i32
      %add3A_293 = arith.constant 1 : i32
      %add3A_294 = arith.addi %add3A_292, %add3A_293 : i32
      %dma_start3A = arith.constant 0 : i32
      %dma_start3A_295 = tpu.memref_slice %arg3[%add3A_294, %dma_start3A] : memref<800x128xi32, #tpu.memory_space<hbm>> -> memref<1x128xi32, #tpu.memory_space<hbm>>
      %dma_start3A_296 = tpu.memref_squeeze %dma_start3A_295 : memref<1x128xi32, #tpu.memory_space<hbm>> -> memref<128xi32, #tpu.memory_space<hbm>>
      %dma_start3A_297 = arith.constant 0 : i32
      %dma_start3A_298 = tpu.memref_slice %arg3[%add3A_294, %dma_start3A_297] : memref<800x128xi32, #tpu.memory_space<hbm>> -> memref<1x128xi32, #tpu.memory_space<hbm>>
      %dma_start3A_299 = tpu.memref_squeeze %dma_start3A_298 : memref<1x128xi32, #tpu.memory_space<hbm>> -> memref<128xi32, #tpu.memory_space<hbm>>
      tpu.enqueue_dma source(%dma_start3A_299 : memref<128xi32, #tpu.memory_space<hbm>>) target(%arg11 : memref<128xi32, #tpu.memory_space<vmem>>) target_semaphore(%arg18 : memref<!tpu.dma_semaphore, #tpu.memory_space<semaphore_mem>>)
      %dma_wait3A = arith.constant 0 : i32
      %dma_wait3A_300 = tpu.memref_slice %arg3[%add3A_292, %dma_wait3A] : memref<800x128xi32, #tpu.memory_space<hbm>> -> memref<1x128xi32, #tpu.memory_space<hbm>>
      %dma_wait3A_301 = tpu.memref_squeeze %dma_wait3A_300 : memref<1x128xi32, #tpu.memory_space<hbm>> -> memref<128xi32, #tpu.memory_space<hbm>>
      %dma_wait3A_302 = arith.constant 0 : i32
      %dma_wait3A_303 = tpu.memref_slice %arg3[%add3A_292, %dma_wait3A_302] : memref<800x128xi32, #tpu.memory_space<hbm>> -> memref<1x128xi32, #tpu.memory_space<hbm>>
      %dma_wait3A_304 = tpu.memref_squeeze %dma_wait3A_303 : memref<1x128xi32, #tpu.memory_space<hbm>> -> memref<128xi32, #tpu.memory_space<hbm>>
      tpu.wait_dma2 semaphore(%arg17 : memref<!tpu.dma_semaphore, #tpu.memory_space<semaphore_mem>>) src(%dma_wait3A_304 : memref<128xi32, #tpu.memory_space<hbm>>) dst(%arg10 : memref<128xi32, #tpu.memory_space<vmem>>)
      %dma_start3A_305 = arith.constant 0 : i32
      %dma_start3A_306 = arith.constant 0 : i32
      %dma_start3A_307 = tpu.memref_slice %arg4[%dma_start3A_305, %dma_start3A_306] : memref<51200x32xf32, #tpu.memory_space<hbm>> -> memref<51200x32xf32, #tpu.memory_space<hbm>>
      tpu.enqueue_indirect_dma source(%dma_start3A_307 : memref<51200x32xf32, #tpu.memory_space<hbm>>) target(%arg13 : memref<128x32xf32, #tpu.memory_space<vmem>>) offsets(%arg10 : memref<128xi32, #tpu.memory_space<vmem>>) semaphore(%arg19 : memref<!tpu.dma_semaphore, #tpu.memory_space<semaphore_mem>>)
      %add3A_308 = arith.constant 1 : i32
      %add3A_309 = arith.addi %add3A_292, %add3A_308 : i32
      %dma_wait3A_310 = arith.constant 0 : i32
      %dma_wait3A_311 = tpu.memref_slice %arg3[%add3A_309, %dma_wait3A_310] : memref<800x128xi32, #tpu.memory_space<hbm>> -> memref<1x128xi32, #tpu.memory_space<hbm>>
      %dma_wait3A_312 = tpu.memref_squeeze %dma_wait3A_311 : memref<1x128xi32, #tpu.memory_space<hbm>> -> memref<128xi32, #tpu.memory_space<hbm>>
      %dma_wait3A_313 = arith.constant 0 : i32
      %dma_wait3A_314 = tpu.memref_slice %arg3[%add3A_309, %dma_wait3A_313] : memref<800x128xi32, #tpu.memory_space<hbm>> -> memref<1x128xi32, #tpu.memory_space<hbm>>
      %dma_wait3A_315 = tpu.memref_squeeze %dma_wait3A_314 : memref<1x128xi32, #tpu.memory_space<hbm>> -> memref<128xi32, #tpu.memory_space<hbm>>
      tpu.wait_dma2 semaphore(%arg18 : memref<!tpu.dma_semaphore, #tpu.memory_space<semaphore_mem>>) src(%dma_wait3A_315 : memref<128xi32, #tpu.memory_space<hbm>>) dst(%arg11 : memref<128xi32, #tpu.memory_space<vmem>>)
      %dma_wait3A_316 = arith.constant 0 : i32
      %dma_wait3A_317 = arith.constant 0 : i32
      %dma_wait3A_318 = tpu.memref_slice %arg4[%dma_wait3A_316, %dma_wait3A_317] : memref<51200x32xf32, #tpu.memory_space<hbm>> -> memref<51200x32xf32, #tpu.memory_space<hbm>>
      tpu.wait_indirect_dma semaphore(%arg19 : memref<!tpu.dma_semaphore, #tpu.memory_space<semaphore_mem>>) src(%dma_wait3A_318 : memref<51200x32xf32, #tpu.memory_space<hbm>>) dst(%arg13 : memref<128x32xf32, #tpu.memory_space<vmem>>)
      %dma_start3A_319 = arith.constant 0 : i32
      %dma_start3A_320 = arith.constant 0 : i32
      %dma_start3A_321 = tpu.memref_slice %arg4[%dma_start3A_319, %dma_start3A_320] : memref<51200x32xf32, #tpu.memory_space<hbm>> -> memref<51200x32xf32, #tpu.memory_space<hbm>>
      tpu.enqueue_indirect_dma source(%dma_start3A_321 : memref<51200x32xf32, #tpu.memory_space<hbm>>) target(%arg14 : memref<128x32xf32, #tpu.memory_space<vmem>>) offsets(%arg11 : memref<128xi32, #tpu.memory_space<vmem>>) semaphore(%arg20 : memref<!tpu.dma_semaphore, #tpu.memory_space<semaphore_mem>>)
      %mul3A_322 = arith.constant 128 : i32
      %mul3A_323 = arith.muli %add3A_292, %mul3A_322 : i32
      "tpu.region"() ({
        %run_scoped3A = tpu.sem_alloc : memref<!tpu.dma_semaphore, #tpu.memory_space<semaphore_mem>>
        %dma_start3A_337 = arith.constant 0 : i32
        %dma_start3A_338 = tpu.memref_slice %arg6[%mul3A_323, %dma_start3A_337] : memref<102400x32xf32, #tpu.memory_space<hbm>> -> memref<128x32xf32, #tpu.memory_space<hbm>>
        %dma_start3A_339 = arith.constant 0 : i32
        %dma_start3A_340 = tpu.memref_slice %arg6[%mul3A_323, %dma_start3A_339] : memref<102400x32xf32, #tpu.memory_space<hbm>> -> memref<128x32xf32, #tpu.memory_space<hbm>>
        tpu.enqueue_dma source(%arg13 : memref<128x32xf32, #tpu.memory_space<vmem>>) target(%dma_start3A_340 : memref<128x32xf32, #tpu.memory_space<hbm>>) target_semaphore(%run_scoped3A : memref<!tpu.dma_semaphore, #tpu.memory_space<semaphore_mem>>)
        %dma_wait3A_341 = arith.constant 0 : i32
        %dma_wait3A_342 = tpu.memref_slice %arg6[%mul3A_323, %dma_wait3A_341] : memref<102400x32xf32, #tpu.memory_space<hbm>> -> memref<128x32xf32, #tpu.memory_space<hbm>>
        %dma_wait3A_343 = arith.constant 0 : i32
        %dma_wait3A_344 = tpu.memref_slice %arg6[%mul3A_323, %dma_wait3A_343] : memref<102400x32xf32, #tpu.memory_space<hbm>> -> memref<128x32xf32, #tpu.memory_space<hbm>>
        tpu.wait_dma2 semaphore(%run_scoped3A : memref<!tpu.dma_semaphore, #tpu.memory_space<semaphore_mem>>) src(%arg13 : memref<128x32xf32, #tpu.memory_space<vmem>>) dst(%dma_wait3A_344 : memref<128x32xf32, #tpu.memory_space<hbm>>)
        tpu.yield
      }) : () -> ()
      %dma_wait3A_324 = arith.constant 0 : i32
      %dma_wait3A_325 = arith.constant 0 : i32
      %dma_wait3A_326 = tpu.memref_slice %arg4[%dma_wait3A_324, %dma_wait3A_325] : memref<51200x32xf32, #tpu.memory_space<hbm>> -> memref<51200x32xf32, #tpu.memory_space<hbm>>
      tpu.wait_indirect_dma semaphore(%arg20 : memref<!tpu.dma_semaphore, #tpu.memory_space<semaphore_mem>>) src(%dma_wait3A_326 : memref<51200x32xf32, #tpu.memory_space<hbm>>) dst(%arg14 : memref<128x32xf32, #tpu.memory_space<vmem>>)
      %add3A_327 = arith.constant 1 : i32
      %add3A_328 = arith.addi %add3A_292, %add3A_327 : i32
      %mul3A_329 = arith.constant 128 : i32
      %mul3A_330 = arith.muli %add3A_328, %mul3A_329 : i32
      "tpu.region"() ({
        %run_scoped3A = tpu.sem_alloc : memref<!tpu.dma_semaphore, #tpu.memory_space<semaphore_mem>>
        %dma_start3A_337 = arith.constant 0 : i32
        %dma_start3A_338 = tpu.memref_slice %arg6[%mul3A_330, %dma_start3A_337] : memref<102400x32xf32, #tpu.memory_space<hbm>> -> memref<128x32xf32, #tpu.memory_space<hbm>>
        %dma_start3A_339 = arith.constant 0 : i32
        %dma_start3A_340 = tpu.memref_slice %arg6[%mul3A_330, %dma_start3A_339] : memref<102400x32xf32, #tpu.memory_space<hbm>> -> memref<128x32xf32, #tpu.memory_space<hbm>>
        tpu.enqueue_dma source(%arg14 : memref<128x32xf32, #tpu.memory_space<vmem>>) target(%dma_start3A_340 : memref<128x32xf32, #tpu.memory_space<hbm>>) target_semaphore(%run_scoped3A : memref<!tpu.dma_semaphore, #tpu.memory_space<semaphore_mem>>)
        %dma_wait3A_341 = arith.constant 0 : i32
        %dma_wait3A_342 = tpu.memref_slice %arg6[%mul3A_330, %dma_wait3A_341] : memref<102400x32xf32, #tpu.memory_space<hbm>> -> memref<128x32xf32, #tpu.memory_space<hbm>>
        %dma_wait3A_343 = arith.constant 0 : i32
        %dma_wait3A_344 = tpu.memref_slice %arg6[%mul3A_330, %dma_wait3A_343] : memref<102400x32xf32, #tpu.memory_space<hbm>> -> memref<128x32xf32, #tpu.memory_space<hbm>>
        tpu.wait_dma2 semaphore(%run_scoped3A : memref<!tpu.dma_semaphore, #tpu.memory_space<semaphore_mem>>) src(%arg14 : memref<128x32xf32, #tpu.memory_space<vmem>>) dst(%dma_wait3A_344 : memref<128x32xf32, #tpu.memory_space<hbm>>)
        tpu.yield
      }) : () -> ()
      %add3A_331 = arith.constant 2 : i32
      %add3A_332 = arith.addi %add3A_292, %add3A_331 : i32
      %lt3A_333 = arith.cmpi slt, %add3A_332, %select_n3A_236 : i32
      %convert_element_type3A_334 = arith.extui %lt3A_333 : i1 to i32
      %cond3A_335 = arith.constant 0 : i32
      %cond3A_336 = arith.cmpi ne, %convert_element_type3A_334, %cond3A_335 : i32
      scf.if %cond3A_336 {
        %add3A_337 = arith.constant 2 : i32
        %add3A_338 = arith.addi %add3A_292, %add3A_337 : i32
        %dma_start3A_339 = arith.constant 0 : i32
        %dma_start3A_340 = tpu.memref_slice %arg3[%add3A_338, %dma_start3A_339] : memref<800x128xi32, #tpu.memory_space<hbm>> -> memref<1x128xi32, #tpu.memory_space<hbm>>
        %dma_start3A_341 = tpu.memref_squeeze %dma_start3A_340 : memref<1x128xi32, #tpu.memory_space<hbm>> -> memref<128xi32, #tpu.memory_space<hbm>>
        %dma_start3A_342 = arith.constant 0 : i32
        %dma_start3A_343 = tpu.memref_slice %arg3[%add3A_338, %dma_start3A_342] : memref<800x128xi32, #tpu.memory_space<hbm>> -> memref<1x128xi32, #tpu.memory_space<hbm>>
        %dma_start3A_344 = tpu.memref_squeeze %dma_start3A_343 : memref<1x128xi32, #tpu.memory_space<hbm>> -> memref<128xi32, #tpu.memory_space<hbm>>
        tpu.enqueue_dma source(%dma_start3A_344 : memref<128xi32, #tpu.memory_space<hbm>>) target(%arg10 : memref<128xi32, #tpu.memory_space<vmem>>) target_semaphore(%arg17 : memref<!tpu.dma_semaphore, #tpu.memory_space<semaphore_mem>>)
      } else {
      }
    }
    %lt3A_285 = arith.cmpi slt, %add3A_264, %select_n3A_236 : i32
    %convert_element_type3A_286 = arith.extui %lt3A_285 : i1 to i32
    %cond3A_287 = arith.constant 0 : i32
    %cond3A_288 = arith.cmpi ne, %convert_element_type3A_286, %cond3A_287 : i32
    scf.if %cond3A_288 {
      %dma_wait3A = arith.constant 0 : i32
      %dma_wait3A_290 = tpu.memref_slice %arg3[%add3A_264, %dma_wait3A] : memref<800x128xi32, #tpu.memory_space<hbm>> -> memref<1x128xi32, #tpu.memory_space<hbm>>
      %dma_wait3A_291 = tpu.memref_squeeze %dma_wait3A_290 : memref<1x128xi32, #tpu.memory_space<hbm>> -> memref<128xi32, #tpu.memory_space<hbm>>
      %dma_wait3A_292 = arith.constant 0 : i32
      %dma_wait3A_293 = tpu.memref_slice %arg3[%add3A_264, %dma_wait3A_292] : memref<800x128xi32, #tpu.memory_space<hbm>> -> memref<1x128xi32, #tpu.memory_space<hbm>>
      %dma_wait3A_294 = tpu.memref_squeeze %dma_wait3A_293 : memref<1x128xi32, #tpu.memory_space<hbm>> -> memref<128xi32, #tpu.memory_space<hbm>>
      tpu.wait_dma2 semaphore(%arg17 : memref<!tpu.dma_semaphore, #tpu.memory_space<semaphore_mem>>) src(%dma_wait3A_294 : memref<128xi32, #tpu.memory_space<hbm>>) dst(%arg10 : memref<128xi32, #tpu.memory_space<vmem>>)
      %dma_start3A = arith.constant 0 : i32
      %dma_start3A_295 = arith.constant 0 : i32
      %dma_start3A_296 = tpu.memref_slice %arg4[%dma_start3A, %dma_start3A_295] : memref<51200x32xf32, #tpu.memory_space<hbm>> -> memref<51200x32xf32, #tpu.memory_space<hbm>>
      tpu.enqueue_indirect_dma source(%dma_start3A_296 : memref<51200x32xf32, #tpu.memory_space<hbm>>) target(%arg13 : memref<128x32xf32, #tpu.memory_space<vmem>>) offsets(%arg10 : memref<128xi32, #tpu.memory_space<vmem>>) semaphore(%arg19 : memref<!tpu.dma_semaphore, #tpu.memory_space<semaphore_mem>>)
      %dma_wait3A_297 = arith.constant 0 : i32
      %dma_wait3A_298 = arith.constant 0 : i32
      %dma_wait3A_299 = tpu.memref_slice %arg4[%dma_wait3A_297, %dma_wait3A_298] : memref<51200x32xf32, #tpu.memory_space<hbm>> -> memref<51200x32xf32, #tpu.memory_space<hbm>>
      tpu.wait_indirect_dma semaphore(%arg19 : memref<!tpu.dma_semaphore, #tpu.memory_space<semaphore_mem>>) src(%dma_wait3A_299 : memref<51200x32xf32, #tpu.memory_space<hbm>>) dst(%arg13 : memref<128x32xf32, #tpu.memory_space<vmem>>)
      %mul3A_300 = arith.constant 128 : i32
      %mul3A_301 = arith.muli %add3A_264, %mul3A_300 : i32
      "tpu.region"() ({
        %run_scoped3A = tpu.sem_alloc : memref<!tpu.dma_semaphore, #tpu.memory_space<semaphore_mem>>
        %dma_start3A_302 = arith.constant 0 : i32
        %dma_start3A_303 = tpu.memref_slice %arg6[%mul3A_301, %dma_start3A_302] : memref<102400x32xf32, #tpu.memory_space<hbm>> -> memref<128x32xf32, #tpu.memory_space<hbm>>
        %dma_start3A_304 = arith.constant 0 : i32
        %dma_start3A_305 = tpu.memref_slice %arg6[%mul3A_301, %dma_start3A_304] : memref<102400x32xf32, #tpu.memory_space<hbm>> -> memref<128x32xf32, #tpu.memory_space<hbm>>
        tpu.enqueue_dma source(%arg13 : memref<128x32xf32, #tpu.memory_space<vmem>>) target(%dma_start3A_305 : memref<128x32xf32, #tpu.memory_space<hbm>>) target_semaphore(%run_scoped3A : memref<!tpu.dma_semaphore, #tpu.memory_space<semaphore_mem>>)
        %dma_wait3A_306 = arith.constant 0 : i32
        %dma_wait3A_307 = tpu.memref_slice %arg6[%mul3A_301, %dma_wait3A_306] : memref<102400x32xf32, #tpu.memory_space<hbm>> -> memref<128x32xf32, #tpu.memory_space<hbm>>
        %dma_wait3A_308 = arith.constant 0 : i32
        %dma_wait3A_309 = tpu.memref_slice %arg6[%mul3A_301, %dma_wait3A_308] : memref<102400x32xf32, #tpu.memory_space<hbm>> -> memref<128x32xf32, #tpu.memory_space<hbm>>
        tpu.wait_dma2 semaphore(%run_scoped3A : memref<!tpu.dma_semaphore, #tpu.memory_space<semaphore_mem>>) src(%arg13 : memref<128x32xf32, #tpu.memory_space<vmem>>) dst(%dma_wait3A_309 : memref<128x32xf32, #tpu.memory_space<hbm>>)
        tpu.yield
      }) : () -> ()
    } else {
    }
    %barrier3A_289 = arith.constant 0 : index
    tpu.barrier barrier_id(%barrier3A_289)
    "tpu.region"() ({
      %run_scoped3A = tpu.sem_alloc : memref<!tpu.dma_semaphore, #tpu.memory_space<semaphore_mem>>
      %dma_start3A = arith.constant 0 : i32
      %dma_start3A_290 = tpu.memref_slice %arg5[%arg0, %mul3A_7, %dma_start3A] : memref<2x51200x32xf32, #tpu.memory_space<hbm>> -> memref<1x3200x32xf32, #tpu.memory_space<hbm>>
      %dma_start3A_291 = tpu.memref_squeeze %dma_start3A_290 : memref<1x3200x32xf32, #tpu.memory_space<hbm>> -> memref<3200x32xf32, #tpu.memory_space<hbm>>
      %dma_start3A_292 = arith.constant 0 : i32
      %dma_start3A_293 = tpu.memref_slice %arg7[%mul3A_7, %dma_start3A_292] : memref<51200x32xf32, #tpu.memory_space<vmem_shared>> -> memref<3200x32xf32, #tpu.memory_space<vmem_shared>>
      tpu.enqueue_dma source(%dma_start3A_293 : memref<3200x32xf32, #tpu.memory_space<vmem_shared>>) target(%dma_start3A_291 : memref<3200x32xf32, #tpu.memory_space<hbm>>) target_semaphore(%run_scoped3A : memref<!tpu.dma_semaphore, #tpu.memory_space<semaphore_mem>>)
      %dma_wait3A = arith.constant 0 : i32
      %dma_wait3A_294 = tpu.memref_slice %arg5[%arg0, %mul3A_7, %dma_wait3A] : memref<2x51200x32xf32, #tpu.memory_space<hbm>> -> memref<1x3200x32xf32, #tpu.memory_space<hbm>>
      %dma_wait3A_295 = tpu.memref_squeeze %dma_wait3A_294 : memref<1x3200x32xf32, #tpu.memory_space<hbm>> -> memref<3200x32xf32, #tpu.memory_space<hbm>>
      %dma_wait3A_296 = arith.constant 0 : i32
      %dma_wait3A_297 = tpu.memref_slice %arg7[%mul3A_7, %dma_wait3A_296] : memref<51200x32xf32, #tpu.memory_space<vmem_shared>> -> memref<3200x32xf32, #tpu.memory_space<vmem_shared>>
      tpu.wait_dma2 semaphore(%run_scoped3A : memref<!tpu.dma_semaphore, #tpu.memory_space<semaphore_mem>>) src(%dma_wait3A_297 : memref<3200x32xf32, #tpu.memory_space<vmem_shared>>) dst(%dma_wait3A_295 : memref<3200x32xf32, #tpu.memory_space<hbm>>)
      tpu.yield
    }) : () -> ()
    return
  }
}

#map = affine_map<(d0, d1) -> (0, 0, 0)>
#map1 = affine_map<(d0, d1) -> (0)>
module attributes {stable_mosaic.version = 14 : i64} {
  func.func @_sc_edge_agg(%arg0: i32, %arg1: i32, %arg2: memref<2x51200x32xf32, #tpu.memory_space<hbm>>, %arg3: memref<800000xi32, #tpu.memory_space<hbm>>, %arg4: memref<800000xi32, #tpu.memory_space<hbm>>, %arg5: memref<2x51200x32xf32, #tpu.memory_space<hbm>>, %arg6: memref<51200x32xf32, #tpu.memory_space<vmem_shared>>, %arg7: memref<256xi32, #tpu.memory_space<vmem>>, %arg8: memref<256xi32, #tpu.memory_space<vmem>>, %arg9: memref<256xi32, #tpu.memory_space<vmem>>, %arg10: memref<256xi32, #tpu.memory_space<vmem>>, %arg11: memref<256xi32, #tpu.memory_space<vmem>>, %arg12: memref<256xi32, #tpu.memory_space<vmem>>, %arg13: memref<256x32xf32, #tpu.memory_space<vmem>>, %arg14: memref<256x32xf32, #tpu.memory_space<vmem>>, %arg15: memref<256x32xf32, #tpu.memory_space<vmem>>, %arg16: memref<!tpu.dma_semaphore, #tpu.memory_space<semaphore_mem>>, %arg17: memref<!tpu.dma_semaphore, #tpu.memory_space<semaphore_mem>>, %arg18: memref<!tpu.dma_semaphore, #tpu.memory_space<semaphore_mem>>, %arg19: memref<!tpu.dma_semaphore, #tpu.memory_space<semaphore_mem>>, %arg20: memref<!tpu.dma_semaphore, #tpu.memory_space<semaphore_mem>>, %arg21: memref<!tpu.dma_semaphore, #tpu.memory_space<semaphore_mem>>, %arg22: memref<!tpu.dma_semaphore, #tpu.memory_space<semaphore_mem>>, %arg23: memref<!tpu.dma_semaphore, #tpu.memory_space<semaphore_mem>>, %arg24: memref<!tpu.dma_semaphore, #tpu.memory_space<semaphore_mem>>) attributes {dimension_semantics = [#tpu.dimension_semantics<core_parallel>, #tpu.dimension_semantics<subcore_parallel>], iteration_bounds = array<i64: 2, 16>, scalar_prefetch = 0 : i64, scratch_operands = 19 : i64, tpu.core_type = #tpu.core_type<sc_vector_subcore>, window_params = [{transform_indices = #map}, {transform_indices = #map1}, {transform_indices = #map1}, {transform_indices = #map}]} {
    %broadcast_in_dim3A = arith.constant 0.000000e+00 : f32
    %broadcast_in_dim3A_0 = vector.broadcast %broadcast_in_dim3A : f32 to vector<16xf32>
    %scan3A = arith.constant 0 : i32
    %scan3A_1 = arith.constant 256 : i32
    %scan3A_2 = arith.addi %scan3A, %scan3A_1 : i32
    %scan3A_3 = arith.constant 1 : i32
    scf.for %scan3A_142 = %scan3A to %scan3A_2 step %scan3A_3  : i32 {
      %mul3A_143 = arith.constant 1 : i32
      %mul3A_144 = arith.muli %scan3A_142, %mul3A_143 : i32
      %add3A_145 = arith.constant 0 : i32
      %add3A_146 = arith.addi %add3A_145, %mul3A_144 : i32
      %swap3A = arith.index_cast %add3A_146 : i32 to index
      %swap3A_147 = arith.constant 0 : index
      %swap3A_148 = tpu.vector_load %arg13[%swap3A, %swap3A_147] {strides = array<i32>} : memref<256x32xf32, #tpu.memory_space<vmem>>, vector<1x16xf32>,
      %swap3A_149 = vector.shape_cast %swap3A_148 : vector<1x16xf32> to vector<16xf32>
      %swap3A_150 = vector.shape_cast %broadcast_in_dim3A_0 : vector<16xf32> to vector<1x16xf32>
      tpu.vector_store %arg13[%swap3A, %swap3A_147], %swap3A_150 {strides = array<i32>} : memref<256x32xf32, #tpu.memory_space<vmem>>, vector<1x16xf32>,
      %swap3A_151 = arith.index_cast %add3A_146 : i32 to index
      %swap3A_152 = arith.constant 16 : index
      %swap3A_153 = tpu.vector_load %arg13[%swap3A_151, %swap3A_152] {strides = array<i32>} : memref<256x32xf32, #tpu.memory_space<vmem>>, vector<1x16xf32>,
      %swap3A_154 = vector.shape_cast %swap3A_153 : vector<1x16xf32> to vector<16xf32>
      %swap3A_155 = vector.shape_cast %broadcast_in_dim3A_0 : vector<16xf32> to vector<1x16xf32>
      tpu.vector_store %arg13[%swap3A_151, %swap3A_152], %swap3A_155 {strides = array<i32>} : memref<256x32xf32, #tpu.memory_space<vmem>>, vector<1x16xf32>,
    }
    %scan3A_4 = arith.constant 256 : i32
    %mul3A = arith.constant 3200 : i32
    %mul3A_5 = arith.muli %arg1, %mul3A : i32
    %add3A = arith.constant 0 : i32
    %add3A_6 = arith.addi %mul3A_5, %add3A : i32
    "tpu.region"() ({
      %run_scoped3A = tpu.sem_alloc : memref<!tpu.dma_semaphore, #tpu.memory_space<semaphore_mem>>
      %dma_start3A = arith.constant 0 : i32
      %dma_start3A_142 = tpu.memref_slice %arg6[%add3A_6, %dma_start3A] : memref<51200x32xf32, #tpu.memory_space<vmem_shared>> -> memref<256x32xf32, #tpu.memory_space<vmem_shared>>
      %dma_start3A_143 = arith.constant 0 : i32
      %dma_start3A_144 = tpu.memref_slice %arg6[%add3A_6, %dma_start3A_143] : memref<51200x32xf32, #tpu.memory_space<vmem_shared>> -> memref<256x32xf32, #tpu.memory_space<vmem_shared>>
      tpu.enqueue_dma source(%arg13 : memref<256x32xf32, #tpu.memory_space<vmem>>) target(%dma_start3A_144 : memref<256x32xf32, #tpu.memory_space<vmem_shared>>) target_semaphore(%run_scoped3A : memref<!tpu.dma_semaphore, #tpu.memory_space<semaphore_mem>>)
      %dma_wait3A = arith.constant 0 : i32
      %dma_wait3A_145 = tpu.memref_slice %arg6[%add3A_6, %dma_wait3A] : memref<51200x32xf32, #tpu.memory_space<vmem_shared>> -> memref<256x32xf32, #tpu.memory_space<vmem_shared>>
      %dma_wait3A_146 = arith.constant 0 : i32
      %dma_wait3A_147 = tpu.memref_slice %arg6[%add3A_6, %dma_wait3A_146] : memref<51200x32xf32, #tpu.memory_space<vmem_shared>> -> memref<256x32xf32, #tpu.memory_space<vmem_shared>>
      tpu.wait_dma2 semaphore(%run_scoped3A : memref<!tpu.dma_semaphore, #tpu.memory_space<semaphore_mem>>) src(%arg13 : memref<256x32xf32, #tpu.memory_space<vmem>>) dst(%dma_wait3A_147 : memref<256x32xf32, #tpu.memory_space<vmem_shared>>)
      tpu.yield
    }) : () -> ()
    %add3A_7 = arith.constant 256 : i32
    %add3A_8 = arith.addi %mul3A_5, %add3A_7 : i32
    "tpu.region"() ({
      %run_scoped3A = tpu.sem_alloc : memref<!tpu.dma_semaphore, #tpu.memory_space<semaphore_mem>>
      %dma_start3A = arith.constant 0 : i32
      %dma_start3A_142 = tpu.memref_slice %arg6[%add3A_8, %dma_start3A] : memref<51200x32xf32, #tpu.memory_space<vmem_shared>> -> memref<256x32xf32, #tpu.memory_space<vmem_shared>>
      %dma_start3A_143 = arith.constant 0 : i32
      %dma_start3A_144 = tpu.memref_slice %arg6[%add3A_8, %dma_start3A_143] : memref<51200x32xf32, #tpu.memory_space<vmem_shared>> -> memref<256x32xf32, #tpu.memory_space<vmem_shared>>
      tpu.enqueue_dma source(%arg13 : memref<256x32xf32, #tpu.memory_space<vmem>>) target(%dma_start3A_144 : memref<256x32xf32, #tpu.memory_space<vmem_shared>>) target_semaphore(%run_scoped3A : memref<!tpu.dma_semaphore, #tpu.memory_space<semaphore_mem>>)
      %dma_wait3A = arith.constant 0 : i32
      %dma_wait3A_145 = tpu.memref_slice %arg6[%add3A_8, %dma_wait3A] : memref<51200x32xf32, #tpu.memory_space<vmem_shared>> -> memref<256x32xf32, #tpu.memory_space<vmem_shared>>
      %dma_wait3A_146 = arith.constant 0 : i32
      %dma_wait3A_147 = tpu.memref_slice %arg6[%add3A_8, %dma_wait3A_146] : memref<51200x32xf32, #tpu.memory_space<vmem_shared>> -> memref<256x32xf32, #tpu.memory_space<vmem_shared>>
      tpu.wait_dma2 semaphore(%run_scoped3A : memref<!tpu.dma_semaphore, #tpu.memory_space<semaphore_mem>>) src(%arg13 : memref<256x32xf32, #tpu.memory_space<vmem>>) dst(%dma_wait3A_147 : memref<256x32xf32, #tpu.memory_space<vmem_shared>>)
      tpu.yield
    }) : () -> ()
    %add3A_9 = arith.constant 512 : i32
    %add3A_10 = arith.addi %mul3A_5, %add3A_9 : i32
    "tpu.region"() ({
      %run_scoped3A = tpu.sem_alloc : memref<!tpu.dma_semaphore, #tpu.memory_space<semaphore_mem>>
      %dma_start3A = arith.constant 0 : i32
      %dma_start3A_142 = tpu.memref_slice %arg6[%add3A_10, %dma_start3A] : memref<51200x32xf32, #tpu.memory_space<vmem_shared>> -> memref<256x32xf32, #tpu.memory_space<vmem_shared>>
      %dma_start3A_143 = arith.constant 0 : i32
      %dma_start3A_144 = tpu.memref_slice %arg6[%add3A_10, %dma_start3A_143] : memref<51200x32xf32, #tpu.memory_space<vmem_shared>> -> memref<256x32xf32, #tpu.memory_space<vmem_shared>>
      tpu.enqueue_dma source(%arg13 : memref<256x32xf32, #tpu.memory_space<vmem>>) target(%dma_start3A_144 : memref<256x32xf32, #tpu.memory_space<vmem_shared>>) target_semaphore(%run_scoped3A : memref<!tpu.dma_semaphore, #tpu.memory_space<semaphore_mem>>)
      %dma_wait3A = arith.constant 0 : i32
      %dma_wait3A_145 = tpu.memref_slice %arg6[%add3A_10, %dma_wait3A] : memref<51200x32xf32, #tpu.memory_space<vmem_shared>> -> memref<256x32xf32, #tpu.memory_space<vmem_shared>>
      %dma_wait3A_146 = arith.constant 0 : i32
      %dma_wait3A_147 = tpu.memref_slice %arg6[%add3A_10, %dma_wait3A_146] : memref<51200x32xf32, #tpu.memory_space<vmem_shared>> -> memref<256x32xf32, #tpu.memory_space<vmem_shared>>
      tpu.wait_dma2 semaphore(%run_scoped3A : memref<!tpu.dma_semaphore, #tpu.memory_space<semaphore_mem>>) src(%arg13 : memref<256x32xf32, #tpu.memory_space<vmem>>) dst(%dma_wait3A_147 : memref<256x32xf32, #tpu.memory_space<vmem_shared>>)
      tpu.yield
    }) : () -> ()
    %add3A_11 = arith.constant 768 : i32
    %add3A_12 = arith.addi %mul3A_5, %add3A_11 : i32
    "tpu.region"() ({
      %run_scoped3A = tpu.sem_alloc : memref<!tpu.dma_semaphore, #tpu.memory_space<semaphore_mem>>
      %dma_start3A = arith.constant 0 : i32
      %dma_start3A_142 = tpu.memref_slice %arg6[%add3A_12, %dma_start3A] : memref<51200x32xf32, #tpu.memory_space<vmem_shared>> -> memref<256x32xf32, #tpu.memory_space<vmem_shared>>
      %dma_start3A_143 = arith.constant 0 : i32
      %dma_start3A_144 = tpu.memref_slice %arg6[%add3A_12, %dma_start3A_143] : memref<51200x32xf32, #tpu.memory_space<vmem_shared>> -> memref<256x32xf32, #tpu.memory_space<vmem_shared>>
      tpu.enqueue_dma source(%arg13 : memref<256x32xf32, #tpu.memory_space<vmem>>) target(%dma_start3A_144 : memref<256x32xf32, #tpu.memory_space<vmem_shared>>) target_semaphore(%run_scoped3A : memref<!tpu.dma_semaphore, #tpu.memory_space<semaphore_mem>>)
      %dma_wait3A = arith.constant 0 : i32
      %dma_wait3A_145 = tpu.memref_slice %arg6[%add3A_12, %dma_wait3A] : memref<51200x32xf32, #tpu.memory_space<vmem_shared>> -> memref<256x32xf32, #tpu.memory_space<vmem_shared>>
      %dma_wait3A_146 = arith.constant 0 : i32
      %dma_wait3A_147 = tpu.memref_slice %arg6[%add3A_12, %dma_wait3A_146] : memref<51200x32xf32, #tpu.memory_space<vmem_shared>> -> memref<256x32xf32, #tpu.memory_space<vmem_shared>>
      tpu.wait_dma2 semaphore(%run_scoped3A : memref<!tpu.dma_semaphore, #tpu.memory_space<semaphore_mem>>) src(%arg13 : memref<256x32xf32, #tpu.memory_space<vmem>>) dst(%dma_wait3A_147 : memref<256x32xf32, #tpu.memory_space<vmem_shared>>)
      tpu.yield
    }) : () -> ()
    %add3A_13 = arith.constant 1024 : i32
    %add3A_14 = arith.addi %mul3A_5, %add3A_13 : i32
    "tpu.region"() ({
      %run_scoped3A = tpu.sem_alloc : memref<!tpu.dma_semaphore, #tpu.memory_space<semaphore_mem>>
      %dma_start3A = arith.constant 0 : i32
      %dma_start3A_142 = tpu.memref_slice %arg6[%add3A_14, %dma_start3A] : memref<51200x32xf32, #tpu.memory_space<vmem_shared>> -> memref<256x32xf32, #tpu.memory_space<vmem_shared>>
      %dma_start3A_143 = arith.constant 0 : i32
      %dma_start3A_144 = tpu.memref_slice %arg6[%add3A_14, %dma_start3A_143] : memref<51200x32xf32, #tpu.memory_space<vmem_shared>> -> memref<256x32xf32, #tpu.memory_space<vmem_shared>>
      tpu.enqueue_dma source(%arg13 : memref<256x32xf32, #tpu.memory_space<vmem>>) target(%dma_start3A_144 : memref<256x32xf32, #tpu.memory_space<vmem_shared>>) target_semaphore(%run_scoped3A : memref<!tpu.dma_semaphore, #tpu.memory_space<semaphore_mem>>)
      %dma_wait3A = arith.constant 0 : i32
      %dma_wait3A_145 = tpu.memref_slice %arg6[%add3A_14, %dma_wait3A] : memref<51200x32xf32, #tpu.memory_space<vmem_shared>> -> memref<256x32xf32, #tpu.memory_space<vmem_shared>>
      %dma_wait3A_146 = arith.constant 0 : i32
      %dma_wait3A_147 = tpu.memref_slice %arg6[%add3A_14, %dma_wait3A_146] : memref<51200x32xf32, #tpu.memory_space<vmem_shared>> -> memref<256x32xf32, #tpu.memory_space<vmem_shared>>
      tpu.wait_dma2 semaphore(%run_scoped3A : memref<!tpu.dma_semaphore, #tpu.memory_space<semaphore_mem>>) src(%arg13 : memref<256x32xf32, #tpu.memory_space<vmem>>) dst(%dma_wait3A_147 : memref<256x32xf32, #tpu.memory_space<vmem_shared>>)
      tpu.yield
    }) : () -> ()
    %add3A_15 = arith.constant 1280 : i32
    %add3A_16 = arith.addi %mul3A_5, %add3A_15 : i32
    "tpu.region"() ({
      %run_scoped3A = tpu.sem_alloc : memref<!tpu.dma_semaphore, #tpu.memory_space<semaphore_mem>>
      %dma_start3A = arith.constant 0 : i32
      %dma_start3A_142 = tpu.memref_slice %arg6[%add3A_16, %dma_start3A] : memref<51200x32xf32, #tpu.memory_space<vmem_shared>> -> memref<256x32xf32, #tpu.memory_space<vmem_shared>>
      %dma_start3A_143 = arith.constant 0 : i32
      %dma_start3A_144 = tpu.memref_slice %arg6[%add3A_16, %dma_start3A_143] : memref<51200x32xf32, #tpu.memory_space<vmem_shared>> -> memref<256x32xf32, #tpu.memory_space<vmem_shared>>
      tpu.enqueue_dma source(%arg13 : memref<256x32xf32, #tpu.memory_space<vmem>>) target(%dma_start3A_144 : memref<256x32xf32, #tpu.memory_space<vmem_shared>>) target_semaphore(%run_scoped3A : memref<!tpu.dma_semaphore, #tpu.memory_space<semaphore_mem>>)
      %dma_wait3A = arith.constant 0 : i32
      %dma_wait3A_145 = tpu.memref_slice %arg6[%add3A_16, %dma_wait3A] : memref<51200x32xf32, #tpu.memory_space<vmem_shared>> -> memref<256x32xf32, #tpu.memory_space<vmem_shared>>
      %dma_wait3A_146 = arith.constant 0 : i32
      %dma_wait3A_147 = tpu.memref_slice %arg6[%add3A_16, %dma_wait3A_146] : memref<51200x32xf32, #tpu.memory_space<vmem_shared>> -> memref<256x32xf32, #tpu.memory_space<vmem_shared>>
      tpu.wait_dma2 semaphore(%run_scoped3A : memref<!tpu.dma_semaphore, #tpu.memory_space<semaphore_mem>>) src(%arg13 : memref<256x32xf32, #tpu.memory_space<vmem>>) dst(%dma_wait3A_147 : memref<256x32xf32, #tpu.memory_space<vmem_shared>>)
      tpu.yield
    }) : () -> ()
    %add3A_17 = arith.constant 1536 : i32
    %add3A_18 = arith.addi %mul3A_5, %add3A_17 : i32
    "tpu.region"() ({
      %run_scoped3A = tpu.sem_alloc : memref<!tpu.dma_semaphore, #tpu.memory_space<semaphore_mem>>
      %dma_start3A = arith.constant 0 : i32
      %dma_start3A_142 = tpu.memref_slice %arg6[%add3A_18, %dma_start3A] : memref<51200x32xf32, #tpu.memory_space<vmem_shared>> -> memref<256x32xf32, #tpu.memory_space<vmem_shared>>
      %dma_start3A_143 = arith.constant 0 : i32
      %dma_start3A_144 = tpu.memref_slice %arg6[%add3A_18, %dma_start3A_143] : memref<51200x32xf32, #tpu.memory_space<vmem_shared>> -> memref<256x32xf32, #tpu.memory_space<vmem_shared>>
      tpu.enqueue_dma source(%arg13 : memref<256x32xf32, #tpu.memory_space<vmem>>) target(%dma_start3A_144 : memref<256x32xf32, #tpu.memory_space<vmem_shared>>) target_semaphore(%run_scoped3A : memref<!tpu.dma_semaphore, #tpu.memory_space<semaphore_mem>>)
      %dma_wait3A = arith.constant 0 : i32
      %dma_wait3A_145 = tpu.memref_slice %arg6[%add3A_18, %dma_wait3A] : memref<51200x32xf32, #tpu.memory_space<vmem_shared>> -> memref<256x32xf32, #tpu.memory_space<vmem_shared>>
      %dma_wait3A_146 = arith.constant 0 : i32
      %dma_wait3A_147 = tpu.memref_slice %arg6[%add3A_18, %dma_wait3A_146] : memref<51200x32xf32, #tpu.memory_space<vmem_shared>> -> memref<256x32xf32, #tpu.memory_space<vmem_shared>>
      tpu.wait_dma2 semaphore(%run_scoped3A : memref<!tpu.dma_semaphore, #tpu.memory_space<semaphore_mem>>) src(%arg13 : memref<256x32xf32, #tpu.memory_space<vmem>>) dst(%dma_wait3A_147 : memref<256x32xf32, #tpu.memory_space<vmem_shared>>)
      tpu.yield
    }) : () -> ()
    %add3A_19 = arith.constant 1792 : i32
    %add3A_20 = arith.addi %mul3A_5, %add3A_19 : i32
    "tpu.region"() ({
      %run_scoped3A = tpu.sem_alloc : memref<!tpu.dma_semaphore, #tpu.memory_space<semaphore_mem>>
      %dma_start3A = arith.constant 0 : i32
      %dma_start3A_142 = tpu.memref_slice %arg6[%add3A_20, %dma_start3A] : memref<51200x32xf32, #tpu.memory_space<vmem_shared>> -> memref<256x32xf32, #tpu.memory_space<vmem_shared>>
      %dma_start3A_143 = arith.constant 0 : i32
      %dma_start3A_144 = tpu.memref_slice %arg6[%add3A_20, %dma_start3A_143] : memref<51200x32xf32, #tpu.memory_space<vmem_shared>> -> memref<256x32xf32, #tpu.memory_space<vmem_shared>>
      tpu.enqueue_dma source(%arg13 : memref<256x32xf32, #tpu.memory_space<vmem>>) target(%dma_start3A_144 : memref<256x32xf32, #tpu.memory_space<vmem_shared>>) target_semaphore(%run_scoped3A : memref<!tpu.dma_semaphore, #tpu.memory_space<semaphore_mem>>)
      %dma_wait3A = arith.constant 0 : i32
      %dma_wait3A_145 = tpu.memref_slice %arg6[%add3A_20, %dma_wait3A] : memref<51200x32xf32, #tpu.memory_space<vmem_shared>> -> memref<256x32xf32, #tpu.memory_space<vmem_shared>>
      %dma_wait3A_146 = arith.constant 0 : i32
      %dma_wait3A_147 = tpu.memref_slice %arg6[%add3A_20, %dma_wait3A_146] : memref<51200x32xf32, #tpu.memory_space<vmem_shared>> -> memref<256x32xf32, #tpu.memory_space<vmem_shared>>
      tpu.wait_dma2 semaphore(%run_scoped3A : memref<!tpu.dma_semaphore, #tpu.memory_space<semaphore_mem>>) src(%arg13 : memref<256x32xf32, #tpu.memory_space<vmem>>) dst(%dma_wait3A_147 : memref<256x32xf32, #tpu.memory_space<vmem_shared>>)
      tpu.yield
    }) : () -> ()
    %add3A_21 = arith.constant 2048 : i32
    %add3A_22 = arith.addi %mul3A_5, %add3A_21 : i32
    "tpu.region"() ({
      %run_scoped3A = tpu.sem_alloc : memref<!tpu.dma_semaphore, #tpu.memory_space<semaphore_mem>>
      %dma_start3A = arith.constant 0 : i32
      %dma_start3A_142 = tpu.memref_slice %arg6[%add3A_22, %dma_start3A] : memref<51200x32xf32, #tpu.memory_space<vmem_shared>> -> memref<256x32xf32, #tpu.memory_space<vmem_shared>>
      %dma_start3A_143 = arith.constant 0 : i32
      %dma_start3A_144 = tpu.memref_slice %arg6[%add3A_22, %dma_start3A_143] : memref<51200x32xf32, #tpu.memory_space<vmem_shared>> -> memref<256x32xf32, #tpu.memory_space<vmem_shared>>
      tpu.enqueue_dma source(%arg13 : memref<256x32xf32, #tpu.memory_space<vmem>>) target(%dma_start3A_144 : memref<256x32xf32, #tpu.memory_space<vmem_shared>>) target_semaphore(%run_scoped3A : memref<!tpu.dma_semaphore, #tpu.memory_space<semaphore_mem>>)
      %dma_wait3A = arith.constant 0 : i32
      %dma_wait3A_145 = tpu.memref_slice %arg6[%add3A_22, %dma_wait3A] : memref<51200x32xf32, #tpu.memory_space<vmem_shared>> -> memref<256x32xf32, #tpu.memory_space<vmem_shared>>
      %dma_wait3A_146 = arith.constant 0 : i32
      %dma_wait3A_147 = tpu.memref_slice %arg6[%add3A_22, %dma_wait3A_146] : memref<51200x32xf32, #tpu.memory_space<vmem_shared>> -> memref<256x32xf32, #tpu.memory_space<vmem_shared>>
      tpu.wait_dma2 semaphore(%run_scoped3A : memref<!tpu.dma_semaphore, #tpu.memory_space<semaphore_mem>>) src(%arg13 : memref<256x32xf32, #tpu.memory_space<vmem>>) dst(%dma_wait3A_147 : memref<256x32xf32, #tpu.memory_space<vmem_shared>>)
      tpu.yield
    }) : () -> ()
    %add3A_23 = arith.constant 2304 : i32
    %add3A_24 = arith.addi %mul3A_5, %add3A_23 : i32
    "tpu.region"() ({
      %run_scoped3A = tpu.sem_alloc : memref<!tpu.dma_semaphore, #tpu.memory_space<semaphore_mem>>
      %dma_start3A = arith.constant 0 : i32
      %dma_start3A_142 = tpu.memref_slice %arg6[%add3A_24, %dma_start3A] : memref<51200x32xf32, #tpu.memory_space<vmem_shared>> -> memref<256x32xf32, #tpu.memory_space<vmem_shared>>
      %dma_start3A_143 = arith.constant 0 : i32
      %dma_start3A_144 = tpu.memref_slice %arg6[%add3A_24, %dma_start3A_143] : memref<51200x32xf32, #tpu.memory_space<vmem_shared>> -> memref<256x32xf32, #tpu.memory_space<vmem_shared>>
      tpu.enqueue_dma source(%arg13 : memref<256x32xf32, #tpu.memory_space<vmem>>) target(%dma_start3A_144 : memref<256x32xf32, #tpu.memory_space<vmem_shared>>) target_semaphore(%run_scoped3A : memref<!tpu.dma_semaphore, #tpu.memory_space<semaphore_mem>>)
      %dma_wait3A = arith.constant 0 : i32
      %dma_wait3A_145 = tpu.memref_slice %arg6[%add3A_24, %dma_wait3A] : memref<51200x32xf32, #tpu.memory_space<vmem_shared>> -> memref<256x32xf32, #tpu.memory_space<vmem_shared>>
      %dma_wait3A_146 = arith.constant 0 : i32
      %dma_wait3A_147 = tpu.memref_slice %arg6[%add3A_24, %dma_wait3A_146] : memref<51200x32xf32, #tpu.memory_space<vmem_shared>> -> memref<256x32xf32, #tpu.memory_space<vmem_shared>>
      tpu.wait_dma2 semaphore(%run_scoped3A : memref<!tpu.dma_semaphore, #tpu.memory_space<semaphore_mem>>) src(%arg13 : memref<256x32xf32, #tpu.memory_space<vmem>>) dst(%dma_wait3A_147 : memref<256x32xf32, #tpu.memory_space<vmem_shared>>)
      tpu.yield
    }) : () -> ()
    %add3A_25 = arith.constant 2560 : i32
    %add3A_26 = arith.addi %mul3A_5, %add3A_25 : i32
    "tpu.region"() ({
      %run_scoped3A = tpu.sem_alloc : memref<!tpu.dma_semaphore, #tpu.memory_space<semaphore_mem>>
      %dma_start3A = arith.constant 0 : i32
      %dma_start3A_142 = tpu.memref_slice %arg6[%add3A_26, %dma_start3A] : memref<51200x32xf32, #tpu.memory_space<vmem_shared>> -> memref<256x32xf32, #tpu.memory_space<vmem_shared>>
      %dma_start3A_143 = arith.constant 0 : i32
      %dma_start3A_144 = tpu.memref_slice %arg6[%add3A_26, %dma_start3A_143] : memref<51200x32xf32, #tpu.memory_space<vmem_shared>> -> memref<256x32xf32, #tpu.memory_space<vmem_shared>>
      tpu.enqueue_dma source(%arg13 : memref<256x32xf32, #tpu.memory_space<vmem>>) target(%dma_start3A_144 : memref<256x32xf32, #tpu.memory_space<vmem_shared>>) target_semaphore(%run_scoped3A : memref<!tpu.dma_semaphore, #tpu.memory_space<semaphore_mem>>)
      %dma_wait3A = arith.constant 0 : i32
      %dma_wait3A_145 = tpu.memref_slice %arg6[%add3A_26, %dma_wait3A] : memref<51200x32xf32, #tpu.memory_space<vmem_shared>> -> memref<256x32xf32, #tpu.memory_space<vmem_shared>>
      %dma_wait3A_146 = arith.constant 0 : i32
      %dma_wait3A_147 = tpu.memref_slice %arg6[%add3A_26, %dma_wait3A_146] : memref<51200x32xf32, #tpu.memory_space<vmem_shared>> -> memref<256x32xf32, #tpu.memory_space<vmem_shared>>
      tpu.wait_dma2 semaphore(%run_scoped3A : memref<!tpu.dma_semaphore, #tpu.memory_space<semaphore_mem>>) src(%arg13 : memref<256x32xf32, #tpu.memory_space<vmem>>) dst(%dma_wait3A_147 : memref<256x32xf32, #tpu.memory_space<vmem_shared>>)
      tpu.yield
    }) : () -> ()
    %add3A_27 = arith.constant 2816 : i32
    %add3A_28 = arith.addi %mul3A_5, %add3A_27 : i32
    "tpu.region"() ({
      %run_scoped3A = tpu.sem_alloc : memref<!tpu.dma_semaphore, #tpu.memory_space<semaphore_mem>>
      %dma_start3A = arith.constant 0 : i32
      %dma_start3A_142 = tpu.memref_slice %arg6[%add3A_28, %dma_start3A] : memref<51200x32xf32, #tpu.memory_space<vmem_shared>> -> memref<256x32xf32, #tpu.memory_space<vmem_shared>>
      %dma_start3A_143 = arith.constant 0 : i32
      %dma_start3A_144 = tpu.memref_slice %arg6[%add3A_28, %dma_start3A_143] : memref<51200x32xf32, #tpu.memory_space<vmem_shared>> -> memref<256x32xf32, #tpu.memory_space<vmem_shared>>
      tpu.enqueue_dma source(%arg13 : memref<256x32xf32, #tpu.memory_space<vmem>>) target(%dma_start3A_144 : memref<256x32xf32, #tpu.memory_space<vmem_shared>>) target_semaphore(%run_scoped3A : memref<!tpu.dma_semaphore, #tpu.memory_space<semaphore_mem>>)
      %dma_wait3A = arith.constant 0 : i32
      %dma_wait3A_145 = tpu.memref_slice %arg6[%add3A_28, %dma_wait3A] : memref<51200x32xf32, #tpu.memory_space<vmem_shared>> -> memref<256x32xf32, #tpu.memory_space<vmem_shared>>
      %dma_wait3A_146 = arith.constant 0 : i32
      %dma_wait3A_147 = tpu.memref_slice %arg6[%add3A_28, %dma_wait3A_146] : memref<51200x32xf32, #tpu.memory_space<vmem_shared>> -> memref<256x32xf32, #tpu.memory_space<vmem_shared>>
      tpu.wait_dma2 semaphore(%run_scoped3A : memref<!tpu.dma_semaphore, #tpu.memory_space<semaphore_mem>>) src(%arg13 : memref<256x32xf32, #tpu.memory_space<vmem>>) dst(%dma_wait3A_147 : memref<256x32xf32, #tpu.memory_space<vmem_shared>>)
      tpu.yield
    }) : () -> ()
    %add3A_29 = arith.constant 3200 : i32
    %add3A_30 = arith.addi %mul3A_5, %add3A_29 : i32
    %sub3A = arith.constant 128 : i32
    %sub3A_31 = arith.subi %add3A_30, %sub3A : i32
    "tpu.region"() ({
      %run_scoped3A = tpu.sem_alloc : memref<!tpu.dma_semaphore, #tpu.memory_space<semaphore_mem>>
      %dma_start3A = arith.constant 0 : i32
      %dma_start3A_142 = arith.constant 0 : i32
      %dma_start3A_143 = tpu.memref_slice %arg13[%dma_start3A, %dma_start3A_142] : memref<256x32xf32, #tpu.memory_space<vmem>> -> memref<128x32xf32, #tpu.memory_space<vmem>>
      %dma_start3A_144 = arith.constant 0 : i32
      %dma_start3A_145 = tpu.memref_slice %arg6[%sub3A_31, %dma_start3A_144] : memref<51200x32xf32, #tpu.memory_space<vmem_shared>> -> memref<128x32xf32, #tpu.memory_space<vmem_shared>>
      %dma_start3A_146 = arith.constant 0 : i32
      %dma_start3A_147 = tpu.memref_slice %arg6[%sub3A_31, %dma_start3A_146] : memref<51200x32xf32, #tpu.memory_space<vmem_shared>> -> memref<128x32xf32, #tpu.memory_space<vmem_shared>>
      %dma_start3A_148 = arith.constant 0 : i32
      %dma_start3A_149 = arith.constant 0 : i32
      %dma_start3A_150 = tpu.memref_slice %arg13[%dma_start3A_148, %dma_start3A_149] : memref<256x32xf32, #tpu.memory_space<vmem>> -> memref<128x32xf32, #tpu.memory_space<vmem>>
      tpu.enqueue_dma source(%dma_start3A_150 : memref<128x32xf32, #tpu.memory_space<vmem>>) target(%dma_start3A_147 : memref<128x32xf32, #tpu.memory_space<vmem_shared>>) target_semaphore(%run_scoped3A : memref<!tpu.dma_semaphore, #tpu.memory_space<semaphore_mem>>)
      %dma_wait3A = arith.constant 0 : i32
      %dma_wait3A_151 = arith.constant 0 : i32
      %dma_wait3A_152 = tpu.memref_slice %arg13[%dma_wait3A, %dma_wait3A_151] : memref<256x32xf32, #tpu.memory_space<vmem>> -> memref<128x32xf32, #tpu.memory_space<vmem>>
      %dma_wait3A_153 = arith.constant 0 : i32
      %dma_wait3A_154 = tpu.memref_slice %arg6[%sub3A_31, %dma_wait3A_153] : memref<51200x32xf32, #tpu.memory_space<vmem_shared>> -> memref<128x32xf32, #tpu.memory_space<vmem_shared>>
      %dma_wait3A_155 = arith.constant 0 : i32
      %dma_wait3A_156 = tpu.memref_slice %arg6[%sub3A_31, %dma_wait3A_155] : memref<51200x32xf32, #tpu.memory_space<vmem_shared>> -> memref<128x32xf32, #tpu.memory_space<vmem_shared>>
      %dma_wait3A_157 = arith.constant 0 : i32
      %dma_wait3A_158 = arith.constant 0 : i32
      %dma_wait3A_159 = tpu.memref_slice %arg13[%dma_wait3A_157, %dma_wait3A_158] : memref<256x32xf32, #tpu.memory_space<vmem>> -> memref<128x32xf32, #tpu.memory_space<vmem>>
      tpu.wait_dma2 semaphore(%run_scoped3A : memref<!tpu.dma_semaphore, #tpu.memory_space<semaphore_mem>>) src(%dma_wait3A_159 : memref<128x32xf32, #tpu.memory_space<vmem>>) dst(%dma_wait3A_156 : memref<128x32xf32, #tpu.memory_space<vmem_shared>>)
      tpu.yield
    }) : () -> ()
    %barrier3A = arith.constant 0 : index
    tpu.barrier barrier_id(%barrier3A)
    %mul3A_32 = arith.constant 3125 : i32
    %mul3A_33 = arith.muli %mul3A_32, %arg1 : i32
    %jit3A = arith.constant 16 : i32
    %div3A = arith.divsi %mul3A_33, %jit3A : i32
    %sign3A = arith.constant 0 : i32
    %sign3A_34 = arith.cmpi sgt, %mul3A_33, %sign3A : i32
    %sign3A_35 = arith.extui %sign3A_34 : i1 to i32
    %sign3A_36 = arith.constant 0 : i32
    %sign3A_37 = arith.cmpi slt, %mul3A_33, %sign3A_36 : i32
    %sign3A_38 = arith.extui %sign3A_37 : i1 to i32
    %sign3A_39 = arith.subi %sign3A_35, %sign3A_38 : i32
    %sign3A_40 = arith.constant 0 : i32
    %sign3A_41 = arith.cmpi sgt, %jit3A, %sign3A_40 : i32
    %sign3A_42 = arith.extui %sign3A_41 : i1 to i32
    %sign3A_43 = arith.constant 0 : i32
    %sign3A_44 = arith.cmpi slt, %jit3A, %sign3A_43 : i32
    %sign3A_45 = arith.extui %sign3A_44 : i1 to i32
    %sign3A_46 = arith.subi %sign3A_42, %sign3A_45 : i32
    %ne3A = arith.cmpi ne, %sign3A_39, %sign3A_46 : i32
    %rem3A = arith.remsi %mul3A_33, %jit3A : i32
    %ne3A_47 = arith.constant 0 : i32
    %ne3A_48 = arith.cmpi ne, %rem3A, %ne3A_47 : i32
    %and3A = arith.andi %ne3A, %ne3A_48 : i1
    %sub3A_49 = arith.constant 1 : i32
    %sub3A_50 = arith.subi %div3A, %sub3A_49 : i32
    %select_n3A = arith.select %and3A, %sub3A_50, %div3A : i32
    %add3A_51 = arith.constant 1 : i32
    %add3A_52 = arith.addi %arg1, %add3A_51 : i32
    %mul3A_53 = arith.constant 3125 : i32
    %mul3A_54 = arith.muli %mul3A_53, %add3A_52 : i32
    %jit3A_55 = arith.constant 16 : i32
    %div3A_56 = arith.divsi %mul3A_54, %jit3A_55 : i32
    %sign3A_57 = arith.constant 0 : i32
    %sign3A_58 = arith.cmpi sgt, %mul3A_54, %sign3A_57 : i32
    %sign3A_59 = arith.extui %sign3A_58 : i1 to i32
    %sign3A_60 = arith.constant 0 : i32
    %sign3A_61 = arith.cmpi slt, %mul3A_54, %sign3A_60 : i32
    %sign3A_62 = arith.extui %sign3A_61 : i1 to i32
    %sign3A_63 = arith.subi %sign3A_59, %sign3A_62 : i32
    %sign3A_64 = arith.constant 0 : i32
    %sign3A_65 = arith.cmpi sgt, %jit3A_55, %sign3A_64 : i32
    %sign3A_66 = arith.extui %sign3A_65 : i1 to i32
    %sign3A_67 = arith.constant 0 : i32
    %sign3A_68 = arith.cmpi slt, %jit3A_55, %sign3A_67 : i32
    %sign3A_69 = arith.extui %sign3A_68 : i1 to i32
    %sign3A_70 = arith.subi %sign3A_66, %sign3A_69 : i32
    %ne3A_71 = arith.cmpi ne, %sign3A_63, %sign3A_70 : i32
    %rem3A_72 = arith.remsi %mul3A_54, %jit3A_55 : i32
    %ne3A_73 = arith.constant 0 : i32
    %ne3A_74 = arith.cmpi ne, %rem3A_72, %ne3A_73 : i32
    %and3A_75 = arith.andi %ne3A_71, %ne3A_74 : i1
    %sub3A_76 = arith.constant 1 : i32
    %sub3A_77 = arith.subi %div3A_56, %sub3A_76 : i32
    %select_n3A_78 = arith.select %and3A_75, %sub3A_77, %div3A_56 : i32
    %sub3A_79 = arith.subi %select_n3A_78, %select_n3A : i32
    %jit3A_80 = arith.constant 3 : i32
    %div3A_81 = arith.divsi %sub3A_79, %jit3A_80 : i32
    %sign3A_82 = arith.constant 0 : i32
    %sign3A_83 = arith.cmpi sgt, %sub3A_79, %sign3A_82 : i32
    %sign3A_84 = arith.extui %sign3A_83 : i1 to i32
    %sign3A_85 = arith.constant 0 : i32
    %sign3A_86 = arith.cmpi slt, %sub3A_79, %sign3A_85 : i32
    %sign3A_87 = arith.extui %sign3A_86 : i1 to i32
    %sign3A_88 = arith.subi %sign3A_84, %sign3A_87 : i32
    %sign3A_89 = arith.constant 0 : i32
    %sign3A_90 = arith.cmpi sgt, %jit3A_80, %sign3A_89 : i32
    %sign3A_91 = arith.extui %sign3A_90 : i1 to i32
    %sign3A_92 = arith.constant 0 : i32
    %sign3A_93 = arith.cmpi slt, %jit3A_80, %sign3A_92 : i32
    %sign3A_94 = arith.extui %sign3A_93 : i1 to i32
    %sign3A_95 = arith.subi %sign3A_91, %sign3A_94 : i32
    %ne3A_96 = arith.cmpi ne, %sign3A_88, %sign3A_95 : i32
    %rem3A_97 = arith.remsi %sub3A_79, %jit3A_80 : i32
    %ne3A_98 = arith.constant 0 : i32
    %ne3A_99 = arith.cmpi ne, %rem3A_97, %ne3A_98 : i32
    %and3A_100 = arith.andi %ne3A_96, %ne3A_99 : i1
    %sub3A_101 = arith.constant 1 : i32
    %sub3A_102 = arith.subi %div3A_81, %sub3A_101 : i32
    %select_n3A_103 = arith.select %and3A_100, %sub3A_102, %div3A_81 : i32
    %mul3A_104 = arith.constant 3 : i32
    %mul3A_105 = arith.muli %mul3A_104, %select_n3A_103 : i32
    %add3A_106 = arith.addi %select_n3A, %mul3A_105 : i32
    %sub3A_107 = arith.subi %add3A_106, %select_n3A : i32
    %sub3A_108 = arith.constant 3 : i32
    %sub3A_109 = arith.constant 1 : i32
    %sub3A_110 = arith.subi %sub3A_108, %sub3A_109 : i32
    %add3A_111 = arith.addi %sub3A_107, %sub3A_110 : i32
    %div3A_112 = arith.constant 3 : i32
    %div3A_113 = arith.divsi %add3A_111, %div3A_112 : i32
    %while3A = arith.constant 3 : i32
    %while3A_114 = arith.constant 0 : i32
    %while3A_115 = arith.subi %div3A_113, %while3A_114 : i32
    %while3A_116 = arith.addi %while3A_114, %while3A_115 : i32
    %while3A_117 = arith.constant 1 : i32
    %while3A_118 = arith.divsi %while3A_115, %while3A_117 : i32
    %while3A_119 = arith.muli %while3A_118, %while3A_117 : i32
    %while3A_120 = arith.addi %while3A_114, %while3A_119 : i32
    %while3A_121 = arith.constant 1 : i32
    scf.for %while3A_142 = %while3A_114 to %while3A_120 step %while3A_121  : i32 {
      %mul3A_143 = arith.muli %while3A_142, %while3A : i32
      %add3A_144 = arith.addi %select_n3A, %mul3A_143 : i32
      %gt3A_145 = arith.cmpi sgt, %add3A_144, %select_n3A : i32
      %convert_element_type3A_146 = arith.extui %gt3A_145 : i1 to i32
      %cond3A_147 = arith.constant 0 : i32
      %cond3A_148 = arith.cmpi ne, %convert_element_type3A_146, %cond3A_147 : i32
      scf.if %cond3A_148 {
        %dma_wait3A_258 = arith.constant 0 : i32
        %dma_wait3A_259 = arith.constant 0 : i32
        %dma_wait3A_260 = tpu.memref_slice %arg6[%dma_wait3A_258, %dma_wait3A_259] : memref<51200x32xf32, #tpu.memory_space<vmem_shared>> -> memref<51200x32xf32, #tpu.memory_space<vmem_shared>>
        tpu.wait_indirect_dma semaphore(%arg22 : memref<!tpu.dma_semaphore, #tpu.memory_space<semaphore_mem>>) src(%arg13 : memref<256x32xf32, #tpu.memory_space<vmem>>) dst(%dma_wait3A_260 : memref<51200x32xf32, #tpu.memory_space<vmem_shared>>)
        %dma_wait3A_261 = arith.constant 0 : i32
        %dma_wait3A_262 = arith.constant 0 : i32
        %dma_wait3A_263 = tpu.memref_slice %arg6[%dma_wait3A_261, %dma_wait3A_262] : memref<51200x32xf32, #tpu.memory_space<vmem_shared>> -> memref<51200x32xf32, #tpu.memory_space<vmem_shared>>
        tpu.wait_indirect_dma semaphore(%arg23 : memref<!tpu.dma_semaphore, #tpu.memory_space<semaphore_mem>>) src(%arg14 : memref<256x32xf32, #tpu.memory_space<vmem>>) dst(%dma_wait3A_263 : memref<51200x32xf32, #tpu.memory_space<vmem_shared>>)
        %dma_wait3A_264 = arith.constant 0 : i32
        %dma_wait3A_265 = arith.constant 0 : i32
        %dma_wait3A_266 = tpu.memref_slice %arg6[%dma_wait3A_264, %dma_wait3A_265] : memref<51200x32xf32, #tpu.memory_space<vmem_shared>> -> memref<51200x32xf32, #tpu.memory_space<vmem_shared>>
        tpu.wait_indirect_dma semaphore(%arg24 : memref<!tpu.dma_semaphore, #tpu.memory_space<semaphore_mem>>) src(%arg15 : memref<256x32xf32, #tpu.memory_space<vmem>>) dst(%dma_wait3A_266 : memref<51200x32xf32, #tpu.memory_space<vmem_shared>>)
      } else {
      }
      %add3A_149 = arith.constant 0 : i32
      %add3A_150 = arith.addi %add3A_144, %add3A_149 : i32
      %mul3A_151 = arith.constant 256 : i32
      %mul3A_152 = arith.muli %add3A_150, %mul3A_151 : i32
      %dma_start3A = tpu.memref_slice %arg3[%mul3A_152] : memref<800000xi32, #tpu.memory_space<hbm>> -> memref<256xi32, #tpu.memory_space<hbm>>
      %dma_start3A_153 = tpu.memref_slice %arg3[%mul3A_152] : memref<800000xi32, #tpu.memory_space<hbm>> -> memref<256xi32, #tpu.memory_space<hbm>>
      tpu.enqueue_dma source(%dma_start3A_153 : memref<256xi32, #tpu.memory_space<hbm>>) target(%arg7 : memref<256xi32, #tpu.memory_space<vmem>>) target_semaphore(%arg16 : memref<!tpu.dma_semaphore, #tpu.memory_space<semaphore_mem>>)
      %mul3A_154 = arith.constant 256 : i32
      %mul3A_155 = arith.muli %add3A_150, %mul3A_154 : i32
      %dma_start3A_156 = tpu.memref_slice %arg4[%mul3A_155] : memref<800000xi32, #tpu.memory_space<hbm>> -> memref<256xi32, #tpu.memory_space<hbm>>
      %dma_start3A_157 = tpu.memref_slice %arg4[%mul3A_155] : memref<800000xi32, #tpu.memory_space<hbm>> -> memref<256xi32, #tpu.memory_space<hbm>>
      tpu.enqueue_dma source(%dma_start3A_157 : memref<256xi32, #tpu.memory_space<hbm>>) target(%arg10 : memref<256xi32, #tpu.memory_space<vmem>>) target_semaphore(%arg16 : memref<!tpu.dma_semaphore, #tpu.memory_space<semaphore_mem>>)
      %add3A_158 = arith.constant 1 : i32
      %add3A_159 = arith.addi %add3A_144, %add3A_158 : i32
      %mul3A_160 = arith.constant 256 : i32
      %mul3A_161 = arith.muli %add3A_159, %mul3A_160 : i32
      %dma_start3A_162 = tpu.memref_slice %arg3[%mul3A_161] : memref<800000xi32, #tpu.memory_space<hbm>> -> memref<256xi32, #tpu.memory_space<hbm>>
      %dma_start3A_163 = tpu.memref_slice %arg3[%mul3A_161] : memref<800000xi32, #tpu.memory_space<hbm>> -> memref<256xi32, #tpu.memory_space<hbm>>
      tpu.enqueue_dma source(%dma_start3A_163 : memref<256xi32, #tpu.memory_space<hbm>>) target(%arg8 : memref<256xi32, #tpu.memory_space<vmem>>) target_semaphore(%arg17 : memref<!tpu.dma_semaphore, #tpu.memory_space<semaphore_mem>>)
      %mul3A_164 = arith.constant 256 : i32
      %mul3A_165 = arith.muli %add3A_159, %mul3A_164 : i32
      %dma_start3A_166 = tpu.memref_slice %arg4[%mul3A_165] : memref<800000xi32, #tpu.memory_space<hbm>> -> memref<256xi32, #tpu.memory_space<hbm>>
      %dma_start3A_167 = tpu.memref_slice %arg4[%mul3A_165] : memref<800000xi32, #tpu.memory_space<hbm>> -> memref<256xi32, #tpu.memory_space<hbm>>
      tpu.enqueue_dma source(%dma_start3A_167 : memref<256xi32, #tpu.memory_space<hbm>>) target(%arg11 : memref<256xi32, #tpu.memory_space<vmem>>) target_semaphore(%arg17 : memref<!tpu.dma_semaphore, #tpu.memory_space<semaphore_mem>>)
      %add3A_168 = arith.constant 2 : i32
      %add3A_169 = arith.addi %add3A_144, %add3A_168 : i32
      %mul3A_170 = arith.constant 256 : i32
      %mul3A_171 = arith.muli %add3A_169, %mul3A_170 : i32
      %dma_start3A_172 = tpu.memref_slice %arg3[%mul3A_171] : memref<800000xi32, #tpu.memory_space<hbm>> -> memref<256xi32, #tpu.memory_space<hbm>>
      %dma_start3A_173 = tpu.memref_slice %arg3[%mul3A_171] : memref<800000xi32, #tpu.memory_space<hbm>> -> memref<256xi32, #tpu.memory_space<hbm>>
      tpu.enqueue_dma source(%dma_start3A_173 : memref<256xi32, #tpu.memory_space<hbm>>) target(%arg9 : memref<256xi32, #tpu.memory_space<vmem>>) target_semaphore(%arg18 : memref<!tpu.dma_semaphore, #tpu.memory_space<semaphore_mem>>)
      %mul3A_174 = arith.constant 256 : i32
      %mul3A_175 = arith.muli %add3A_169, %mul3A_174 : i32
      %dma_start3A_176 = tpu.memref_slice %arg4[%mul3A_175] : memref<800000xi32, #tpu.memory_space<hbm>> -> memref<256xi32, #tpu.memory_space<hbm>>
      %dma_start3A_177 = tpu.memref_slice %arg4[%mul3A_175] : memref<800000xi32, #tpu.memory_space<hbm>> -> memref<256xi32, #tpu.memory_space<hbm>>
      tpu.enqueue_dma source(%dma_start3A_177 : memref<256xi32, #tpu.memory_space<hbm>>) target(%arg12 : memref<256xi32, #tpu.memory_space<vmem>>) target_semaphore(%arg18 : memref<!tpu.dma_semaphore, #tpu.memory_space<semaphore_mem>>)
      %add3A_178 = arith.constant 0 : i32
      %add3A_179 = arith.addi %add3A_144, %add3A_178 : i32
      %mul3A_180 = arith.constant 256 : i32
      %mul3A_181 = arith.muli %add3A_179, %mul3A_180 : i32
      %dma_wait3A = tpu.memref_slice %arg3[%mul3A_181] : memref<800000xi32, #tpu.memory_space<hbm>> -> memref<256xi32, #tpu.memory_space<hbm>>
      %dma_wait3A_182 = tpu.memref_slice %arg3[%mul3A_181] : memref<800000xi32, #tpu.memory_space<hbm>> -> memref<256xi32, #tpu.memory_space<hbm>>
      tpu.wait_dma2 semaphore(%arg16 : memref<!tpu.dma_semaphore, #tpu.memory_space<semaphore_mem>>) src(%dma_wait3A_182 : memref<256xi32, #tpu.memory_space<hbm>>) dst(%arg7 : memref<256xi32, #tpu.memory_space<vmem>>)
      %mul3A_183 = arith.constant 256 : i32
      %mul3A_184 = arith.muli %add3A_179, %mul3A_183 : i32
      %dma_wait3A_185 = tpu.memref_slice %arg4[%mul3A_184] : memref<800000xi32, #tpu.memory_space<hbm>> -> memref<256xi32, #tpu.memory_space<hbm>>
      %dma_wait3A_186 = tpu.memref_slice %arg4[%mul3A_184] : memref<800000xi32, #tpu.memory_space<hbm>> -> memref<256xi32, #tpu.memory_space<hbm>>
      tpu.wait_dma2 semaphore(%arg16 : memref<!tpu.dma_semaphore, #tpu.memory_space<semaphore_mem>>) src(%dma_wait3A_186 : memref<256xi32, #tpu.memory_space<hbm>>) dst(%arg10 : memref<256xi32, #tpu.memory_space<vmem>>)
      %dma_start3A_187 = arith.constant 0 : i32
      %dma_start3A_188 = arith.constant 0 : i32
      %dma_start3A_189 = tpu.memref_slice %arg2[%arg0, %dma_start3A_187, %dma_start3A_188] : memref<2x51200x32xf32, #tpu.memory_space<hbm>> -> memref<1x51200x32xf32, #tpu.memory_space<hbm>>
      %dma_start3A_190 = tpu.memref_squeeze %dma_start3A_189 : memref<1x51200x32xf32, #tpu.memory_space<hbm>> -> memref<51200x32xf32, #tpu.memory_space<hbm>>
      %dma_start3A_191 = arith.constant 0 : i32
      %dma_start3A_192 = arith.constant 0 : i32
      %dma_start3A_193 = tpu.memref_slice %dma_start3A_190[%dma_start3A_191, %dma_start3A_192] : memref<51200x32xf32, #tpu.memory_space<hbm>> -> memref<51200x32xf32, #tpu.memory_space<hbm>>
      tpu.enqueue_indirect_dma source(%dma_start3A_193 : memref<51200x32xf32, #tpu.memory_space<hbm>>) target(%arg13 : memref<256x32xf32, #tpu.memory_space<vmem>>) offsets(%arg7 : memref<256xi32, #tpu.memory_space<vmem>>) semaphore(%arg19 : memref<!tpu.dma_semaphore, #tpu.memory_space<semaphore_mem>>)
      %add3A_194 = arith.constant 1 : i32
      %add3A_195 = arith.addi %add3A_144, %add3A_194 : i32
      %mul3A_196 = arith.constant 256 : i32
      %mul3A_197 = arith.muli %add3A_195, %mul3A_196 : i32
      %dma_wait3A_198 = tpu.memref_slice %arg3[%mul3A_197] : memref<800000xi32, #tpu.memory_space<hbm>> -> memref<256xi32, #tpu.memory_space<hbm>>
      %dma_wait3A_199 = tpu.memref_slice %arg3[%mul3A_197] : memref<800000xi32, #tpu.memory_space<hbm>> -> memref<256xi32, #tpu.memory_space<hbm>>
      tpu.wait_dma2 semaphore(%arg17 : memref<!tpu.dma_semaphore, #tpu.memory_space<semaphore_mem>>) src(%dma_wait3A_199 : memref<256xi32, #tpu.memory_space<hbm>>) dst(%arg8 : memref<256xi32, #tpu.memory_space<vmem>>)
      %mul3A_200 = arith.constant 256 : i32
      %mul3A_201 = arith.muli %add3A_195, %mul3A_200 : i32
      %dma_wait3A_202 = tpu.memref_slice %arg4[%mul3A_201] : memref<800000xi32, #tpu.memory_space<hbm>> -> memref<256xi32, #tpu.memory_space<hbm>>
      %dma_wait3A_203 = tpu.memref_slice %arg4[%mul3A_201] : memref<800000xi32, #tpu.memory_space<hbm>> -> memref<256xi32, #tpu.memory_space<hbm>>
      tpu.wait_dma2 semaphore(%arg17 : memref<!tpu.dma_semaphore, #tpu.memory_space<semaphore_mem>>) src(%dma_wait3A_203 : memref<256xi32, #tpu.memory_space<hbm>>) dst(%arg11 : memref<256xi32, #tpu.memory_space<vmem>>)
      %dma_start3A_204 = arith.constant 0 : i32
      %dma_start3A_205 = arith.constant 0 : i32
      %dma_start3A_206 = tpu.memref_slice %arg2[%arg0, %dma_start3A_204, %dma_start3A_205] : memref<2x51200x32xf32, #tpu.memory_space<hbm>> -> memref<1x51200x32xf32, #tpu.memory_space<hbm>>
      %dma_start3A_207 = tpu.memref_squeeze %dma_start3A_206 : memref<1x51200x32xf32, #tpu.memory_space<hbm>> -> memref<51200x32xf32, #tpu.memory_space<hbm>>
      %dma_start3A_208 = arith.constant 0 : i32
      %dma_start3A_209 = arith.constant 0 : i32
      %dma_start3A_210 = tpu.memref_slice %dma_start3A_207[%dma_start3A_208, %dma_start3A_209] : memref<51200x32xf32, #tpu.memory_space<hbm>> -> memref<51200x32xf32, #tpu.memory_space<hbm>>
      tpu.enqueue_indirect_dma source(%dma_start3A_210 : memref<51200x32xf32, #tpu.memory_space<hbm>>) target(%arg14 : memref<256x32xf32, #tpu.memory_space<vmem>>) offsets(%arg8 : memref<256xi32, #tpu.memory_space<vmem>>) semaphore(%arg20 : memref<!tpu.dma_semaphore, #tpu.memory_space<semaphore_mem>>)
      %add3A_211 = arith.constant 2 : i32
      %add3A_212 = arith.addi %add3A_144, %add3A_211 : i32
      %mul3A_213 = arith.constant 256 : i32
      %mul3A_214 = arith.muli %add3A_212, %mul3A_213 : i32
      %dma_wait3A_215 = tpu.memref_slice %arg3[%mul3A_214] : memref<800000xi32, #tpu.memory_space<hbm>> -> memref<256xi32, #tpu.memory_space<hbm>>
      %dma_wait3A_216 = tpu.memref_slice %arg3[%mul3A_214] : memref<800000xi32, #tpu.memory_space<hbm>> -> memref<256xi32, #tpu.memory_space<hbm>>
      tpu.wait_dma2 semaphore(%arg18 : memref<!tpu.dma_semaphore, #tpu.memory_space<semaphore_mem>>) src(%dma_wait3A_216 : memref<256xi32, #tpu.memory_space<hbm>>) dst(%arg9 : memref<256xi32, #tpu.memory_space<vmem>>)
      %mul3A_217 = arith.constant 256 : i32
      %mul3A_218 = arith.muli %add3A_212, %mul3A_217 : i32
      %dma_wait3A_219 = tpu.memref_slice %arg4[%mul3A_218] : memref<800000xi32, #tpu.memory_space<hbm>> -> memref<256xi32, #tpu.memory_space<hbm>>
      %dma_wait3A_220 = tpu.memref_slice %arg4[%mul3A_218] : memref<800000xi32, #tpu.memory_space<hbm>> -> memref<256xi32, #tpu.memory_space<hbm>>
      tpu.wait_dma2 semaphore(%arg18 : memref<!tpu.dma_semaphore, #tpu.memory_space<semaphore_mem>>) src(%dma_wait3A_220 : memref<256xi32, #tpu.memory_space<hbm>>) dst(%arg12 : memref<256xi32, #tpu.memory_space<vmem>>)
      %dma_start3A_221 = arith.constant 0 : i32
      %dma_start3A_222 = arith.constant 0 : i32
      %dma_start3A_223 = tpu.memref_slice %arg2[%arg0, %dma_start3A_221, %dma_start3A_222] : memref<2x51200x32xf32, #tpu.memory_space<hbm>> -> memref<1x51200x32xf32, #tpu.memory_space<hbm>>
      %dma_start3A_224 = tpu.memref_squeeze %dma_start3A_223 : memref<1x51200x32xf32, #tpu.memory_space<hbm>> -> memref<51200x32xf32, #tpu.memory_space<hbm>>
      %dma_start3A_225 = arith.constant 0 : i32
      %dma_start3A_226 = arith.constant 0 : i32
      %dma_start3A_227 = tpu.memref_slice %dma_start3A_224[%dma_start3A_225, %dma_start3A_226] : memref<51200x32xf32, #tpu.memory_space<hbm>> -> memref<51200x32xf32, #tpu.memory_space<hbm>>
      tpu.enqueue_indirect_dma source(%dma_start3A_227 : memref<51200x32xf32, #tpu.memory_space<hbm>>) target(%arg15 : memref<256x32xf32, #tpu.memory_space<vmem>>) offsets(%arg9 : memref<256xi32, #tpu.memory_space<vmem>>) semaphore(%arg21 : memref<!tpu.dma_semaphore, #tpu.memory_space<semaphore_mem>>)
      %dma_wait3A_228 = arith.constant 0 : i32
      %dma_wait3A_229 = arith.constant 0 : i32
      %dma_wait3A_230 = tpu.memref_slice %arg2[%arg0, %dma_wait3A_228, %dma_wait3A_229] : memref<2x51200x32xf32, #tpu.memory_space<hbm>> -> memref<1x51200x32xf32, #tpu.memory_space<hbm>>
      %dma_wait3A_231 = tpu.memref_squeeze %dma_wait3A_230 : memref<1x51200x32xf32, #tpu.memory_space<hbm>> -> memref<51200x32xf32, #tpu.memory_space<hbm>>
      %dma_wait3A_232 = arith.constant 0 : i32
      %dma_wait3A_233 = arith.constant 0 : i32
      %dma_wait3A_234 = tpu.memref_slice %dma_wait3A_231[%dma_wait3A_232, %dma_wait3A_233] : memref<51200x32xf32, #tpu.memory_space<hbm>> -> memref<51200x32xf32, #tpu.memory_space<hbm>>
      tpu.wait_indirect_dma semaphore(%arg19 : memref<!tpu.dma_semaphore, #tpu.memory_space<semaphore_mem>>) src(%dma_wait3A_234 : memref<51200x32xf32, #tpu.memory_space<hbm>>) dst(%arg13 : memref<256x32xf32, #tpu.memory_space<vmem>>)
      %dma_start3A_235 = arith.constant 0 : i32
      %dma_start3A_236 = arith.constant 0 : i32
      %dma_start3A_237 = tpu.memref_slice %arg6[%dma_start3A_235, %dma_start3A_236] : memref<51200x32xf32, #tpu.memory_space<vmem_shared>> -> memref<51200x32xf32, #tpu.memory_space<vmem_shared>>
      tpu.enqueue_indirect_dma source(%arg13 : memref<256x32xf32, #tpu.memory_space<vmem>>) target(%dma_start3A_237 : memref<51200x32xf32, #tpu.memory_space<vmem_shared>>) offsets(%arg10 : memref<256xi32, #tpu.memory_space<vmem>>) semaphore(%arg22 : memref<!tpu.dma_semaphore, #tpu.memory_space<semaphore_mem>>) {add = true}
      %dma_wait3A_238 = arith.constant 0 : i32
      %dma_wait3A_239 = arith.constant 0 : i32
      %dma_wait3A_240 = tpu.memref_slice %arg2[%arg0, %dma_wait3A_238, %dma_wait3A_239] : memref<2x51200x32xf32, #tpu.memory_space<hbm>> -> memref<1x51200x32xf32, #tpu.memory_space<hbm>>
      %dma_wait3A_241 = tpu.memref_squeeze %dma_wait3A_240 : memref<1x51200x32xf32, #tpu.memory_space<hbm>> -> memref<51200x32xf32, #tpu.memory_space<hbm>>
      %dma_wait3A_242 = arith.constant 0 : i32
      %dma_wait3A_243 = arith.constant 0 : i32
      %dma_wait3A_244 = tpu.memref_slice %dma_wait3A_241[%dma_wait3A_242, %dma_wait3A_243] : memref<51200x32xf32, #tpu.memory_space<hbm>> -> memref<51200x32xf32, #tpu.memory_space<hbm>>
      tpu.wait_indirect_dma semaphore(%arg20 : memref<!tpu.dma_semaphore, #tpu.memory_space<semaphore_mem>>) src(%dma_wait3A_244 : memref<51200x32xf32, #tpu.memory_space<hbm>>) dst(%arg14 : memref<256x32xf32, #tpu.memory_space<vmem>>)
      %dma_start3A_245 = arith.constant 0 : i32
      %dma_start3A_246 = arith.constant 0 : i32
      %dma_start3A_247 = tpu.memref_slice %arg6[%dma_start3A_245, %dma_start3A_246] : memref<51200x32xf32, #tpu.memory_space<vmem_shared>> -> memref<51200x32xf32, #tpu.memory_space<vmem_shared>>
      tpu.enqueue_indirect_dma source(%arg14 : memref<256x32xf32, #tpu.memory_space<vmem>>) target(%dma_start3A_247 : memref<51200x32xf32, #tpu.memory_space<vmem_shared>>) offsets(%arg11 : memref<256xi32, #tpu.memory_space<vmem>>) semaphore(%arg23 : memref<!tpu.dma_semaphore, #tpu.memory_space<semaphore_mem>>) {add = true}
      %dma_wait3A_248 = arith.constant 0 : i32
      %dma_wait3A_249 = arith.constant 0 : i32
      %dma_wait3A_250 = tpu.memref_slice %arg2[%arg0, %dma_wait3A_248, %dma_wait3A_249] : memref<2x51200x32xf32, #tpu.memory_space<hbm>> -> memref<1x51200x32xf32, #tpu.memory_space<hbm>>
      %dma_wait3A_251 = tpu.memref_squeeze %dma_wait3A_250 : memref<1x51200x32xf32, #tpu.memory_space<hbm>> -> memref<51200x32xf32, #tpu.memory_space<hbm>>
      %dma_wait3A_252 = arith.constant 0 : i32
      %dma_wait3A_253 = arith.constant 0 : i32
      %dma_wait3A_254 = tpu.memref_slice %dma_wait3A_251[%dma_wait3A_252, %dma_wait3A_253] : memref<51200x32xf32, #tpu.memory_space<hbm>> -> memref<51200x32xf32, #tpu.memory_space<hbm>>
      tpu.wait_indirect_dma semaphore(%arg21 : memref<!tpu.dma_semaphore, #tpu.memory_space<semaphore_mem>>) src(%dma_wait3A_254 : memref<51200x32xf32, #tpu.memory_space<hbm>>) dst(%arg15 : memref<256x32xf32, #tpu.memory_space<vmem>>)
      %dma_start3A_255 = arith.constant 0 : i32
      %dma_start3A_256 = arith.constant 0 : i32
      %dma_start3A_257 = tpu.memref_slice %arg6[%dma_start3A_255, %dma_start3A_256] : memref<51200x32xf32, #tpu.memory_space<vmem_shared>> -> memref<51200x32xf32, #tpu.memory_space<vmem_shared>>
      tpu.enqueue_indirect_dma source(%arg15 : memref<256x32xf32, #tpu.memory_space<vmem>>) target(%dma_start3A_257 : memref<51200x32xf32, #tpu.memory_space<vmem_shared>>) offsets(%arg12 : memref<256xi32, #tpu.memory_space<vmem>>) semaphore(%arg24 : memref<!tpu.dma_semaphore, #tpu.memory_space<semaphore_mem>>) {add = true}
    }
    %while3A_122 = arith.constant 1 : i32
    scf.for %while3A_142 = %while3A_120 to %while3A_116 step %while3A_122  : i32 {
      %mul3A_143 = arith.muli %while3A_142, %while3A : i32
      %add3A_144 = arith.addi %select_n3A, %mul3A_143 : i32
      %gt3A_145 = arith.cmpi sgt, %add3A_144, %select_n3A : i32
      %convert_element_type3A_146 = arith.extui %gt3A_145 : i1 to i32
      %cond3A_147 = arith.constant 0 : i32
      %cond3A_148 = arith.cmpi ne, %convert_element_type3A_146, %cond3A_147 : i32
      scf.if %cond3A_148 {
        %dma_wait3A_258 = arith.constant 0 : i32
        %dma_wait3A_259 = arith.constant 0 : i32
        %dma_wait3A_260 = tpu.memref_slice %arg6[%dma_wait3A_258, %dma_wait3A_259] : memref<51200x32xf32, #tpu.memory_space<vmem_shared>> -> memref<51200x32xf32, #tpu.memory_space<vmem_shared>>
        tpu.wait_indirect_dma semaphore(%arg22 : memref<!tpu.dma_semaphore, #tpu.memory_space<semaphore_mem>>) src(%arg13 : memref<256x32xf32, #tpu.memory_space<vmem>>) dst(%dma_wait3A_260 : memref<51200x32xf32, #tpu.memory_space<vmem_shared>>)
        %dma_wait3A_261 = arith.constant 0 : i32
        %dma_wait3A_262 = arith.constant 0 : i32
        %dma_wait3A_263 = tpu.memref_slice %arg6[%dma_wait3A_261, %dma_wait3A_262] : memref<51200x32xf32, #tpu.memory_space<vmem_shared>> -> memref<51200x32xf32, #tpu.memory_space<vmem_shared>>
        tpu.wait_indirect_dma semaphore(%arg23 : memref<!tpu.dma_semaphore, #tpu.memory_space<semaphore_mem>>) src(%arg14 : memref<256x32xf32, #tpu.memory_space<vmem>>) dst(%dma_wait3A_263 : memref<51200x32xf32, #tpu.memory_space<vmem_shared>>)
        %dma_wait3A_264 = arith.constant 0 : i32
        %dma_wait3A_265 = arith.constant 0 : i32
        %dma_wait3A_266 = tpu.memref_slice %arg6[%dma_wait3A_264, %dma_wait3A_265] : memref<51200x32xf32, #tpu.memory_space<vmem_shared>> -> memref<51200x32xf32, #tpu.memory_space<vmem_shared>>
        tpu.wait_indirect_dma semaphore(%arg24 : memref<!tpu.dma_semaphore, #tpu.memory_space<semaphore_mem>>) src(%arg15 : memref<256x32xf32, #tpu.memory_space<vmem>>) dst(%dma_wait3A_266 : memref<51200x32xf32, #tpu.memory_space<vmem_shared>>)
      } else {
      }
      %add3A_149 = arith.constant 0 : i32
      %add3A_150 = arith.addi %add3A_144, %add3A_149 : i32
      %mul3A_151 = arith.constant 256 : i32
      %mul3A_152 = arith.muli %add3A_150, %mul3A_151 : i32
      %dma_start3A = tpu.memref_slice %arg3[%mul3A_152] : memref<800000xi32, #tpu.memory_space<hbm>> -> memref<256xi32, #tpu.memory_space<hbm>>
      %dma_start3A_153 = tpu.memref_slice %arg3[%mul3A_152] : memref<800000xi32, #tpu.memory_space<hbm>> -> memref<256xi32, #tpu.memory_space<hbm>>
      tpu.enqueue_dma source(%dma_start3A_153 : memref<256xi32, #tpu.memory_space<hbm>>) target(%arg7 : memref<256xi32, #tpu.memory_space<vmem>>) target_semaphore(%arg16 : memref<!tpu.dma_semaphore, #tpu.memory_space<semaphore_mem>>)
      %mul3A_154 = arith.constant 256 : i32
      %mul3A_155 = arith.muli %add3A_150, %mul3A_154 : i32
      %dma_start3A_156 = tpu.memref_slice %arg4[%mul3A_155] : memref<800000xi32, #tpu.memory_space<hbm>> -> memref<256xi32, #tpu.memory_space<hbm>>
      %dma_start3A_157 = tpu.memref_slice %arg4[%mul3A_155] : memref<800000xi32, #tpu.memory_space<hbm>> -> memref<256xi32, #tpu.memory_space<hbm>>
      tpu.enqueue_dma source(%dma_start3A_157 : memref<256xi32, #tpu.memory_space<hbm>>) target(%arg10 : memref<256xi32, #tpu.memory_space<vmem>>) target_semaphore(%arg16 : memref<!tpu.dma_semaphore, #tpu.memory_space<semaphore_mem>>)
      %add3A_158 = arith.constant 1 : i32
      %add3A_159 = arith.addi %add3A_144, %add3A_158 : i32
      %mul3A_160 = arith.constant 256 : i32
      %mul3A_161 = arith.muli %add3A_159, %mul3A_160 : i32
      %dma_start3A_162 = tpu.memref_slice %arg3[%mul3A_161] : memref<800000xi32, #tpu.memory_space<hbm>> -> memref<256xi32, #tpu.memory_space<hbm>>
      %dma_start3A_163 = tpu.memref_slice %arg3[%mul3A_161] : memref<800000xi32, #tpu.memory_space<hbm>> -> memref<256xi32, #tpu.memory_space<hbm>>
      tpu.enqueue_dma source(%dma_start3A_163 : memref<256xi32, #tpu.memory_space<hbm>>) target(%arg8 : memref<256xi32, #tpu.memory_space<vmem>>) target_semaphore(%arg17 : memref<!tpu.dma_semaphore, #tpu.memory_space<semaphore_mem>>)
      %mul3A_164 = arith.constant 256 : i32
      %mul3A_165 = arith.muli %add3A_159, %mul3A_164 : i32
      %dma_start3A_166 = tpu.memref_slice %arg4[%mul3A_165] : memref<800000xi32, #tpu.memory_space<hbm>> -> memref<256xi32, #tpu.memory_space<hbm>>
      %dma_start3A_167 = tpu.memref_slice %arg4[%mul3A_165] : memref<800000xi32, #tpu.memory_space<hbm>> -> memref<256xi32, #tpu.memory_space<hbm>>
      tpu.enqueue_dma source(%dma_start3A_167 : memref<256xi32, #tpu.memory_space<hbm>>) target(%arg11 : memref<256xi32, #tpu.memory_space<vmem>>) target_semaphore(%arg17 : memref<!tpu.dma_semaphore, #tpu.memory_space<semaphore_mem>>)
      %add3A_168 = arith.constant 2 : i32
      %add3A_169 = arith.addi %add3A_144, %add3A_168 : i32
      %mul3A_170 = arith.constant 256 : i32
      %mul3A_171 = arith.muli %add3A_169, %mul3A_170 : i32
      %dma_start3A_172 = tpu.memref_slice %arg3[%mul3A_171] : memref<800000xi32, #tpu.memory_space<hbm>> -> memref<256xi32, #tpu.memory_space<hbm>>
      %dma_start3A_173 = tpu.memref_slice %arg3[%mul3A_171] : memref<800000xi32, #tpu.memory_space<hbm>> -> memref<256xi32, #tpu.memory_space<hbm>>
      tpu.enqueue_dma source(%dma_start3A_173 : memref<256xi32, #tpu.memory_space<hbm>>) target(%arg9 : memref<256xi32, #tpu.memory_space<vmem>>) target_semaphore(%arg18 : memref<!tpu.dma_semaphore, #tpu.memory_space<semaphore_mem>>)
      %mul3A_174 = arith.constant 256 : i32
      %mul3A_175 = arith.muli %add3A_169, %mul3A_174 : i32
      %dma_start3A_176 = tpu.memref_slice %arg4[%mul3A_175] : memref<800000xi32, #tpu.memory_space<hbm>> -> memref<256xi32, #tpu.memory_space<hbm>>
      %dma_start3A_177 = tpu.memref_slice %arg4[%mul3A_175] : memref<800000xi32, #tpu.memory_space<hbm>> -> memref<256xi32, #tpu.memory_space<hbm>>
      tpu.enqueue_dma source(%dma_start3A_177 : memref<256xi32, #tpu.memory_space<hbm>>) target(%arg12 : memref<256xi32, #tpu.memory_space<vmem>>) target_semaphore(%arg18 : memref<!tpu.dma_semaphore, #tpu.memory_space<semaphore_mem>>)
      %add3A_178 = arith.constant 0 : i32
      %add3A_179 = arith.addi %add3A_144, %add3A_178 : i32
      %mul3A_180 = arith.constant 256 : i32
      %mul3A_181 = arith.muli %add3A_179, %mul3A_180 : i32
      %dma_wait3A = tpu.memref_slice %arg3[%mul3A_181] : memref<800000xi32, #tpu.memory_space<hbm>> -> memref<256xi32, #tpu.memory_space<hbm>>
      %dma_wait3A_182 = tpu.memref_slice %arg3[%mul3A_181] : memref<800000xi32, #tpu.memory_space<hbm>> -> memref<256xi32, #tpu.memory_space<hbm>>
      tpu.wait_dma2 semaphore(%arg16 : memref<!tpu.dma_semaphore, #tpu.memory_space<semaphore_mem>>) src(%dma_wait3A_182 : memref<256xi32, #tpu.memory_space<hbm>>) dst(%arg7 : memref<256xi32, #tpu.memory_space<vmem>>)
      %mul3A_183 = arith.constant 256 : i32
      %mul3A_184 = arith.muli %add3A_179, %mul3A_183 : i32
      %dma_wait3A_185 = tpu.memref_slice %arg4[%mul3A_184] : memref<800000xi32, #tpu.memory_space<hbm>> -> memref<256xi32, #tpu.memory_space<hbm>>
      %dma_wait3A_186 = tpu.memref_slice %arg4[%mul3A_184] : memref<800000xi32, #tpu.memory_space<hbm>> -> memref<256xi32, #tpu.memory_space<hbm>>
      tpu.wait_dma2 semaphore(%arg16 : memref<!tpu.dma_semaphore, #tpu.memory_space<semaphore_mem>>) src(%dma_wait3A_186 : memref<256xi32, #tpu.memory_space<hbm>>) dst(%arg10 : memref<256xi32, #tpu.memory_space<vmem>>)
      %dma_start3A_187 = arith.constant 0 : i32
      %dma_start3A_188 = arith.constant 0 : i32
      %dma_start3A_189 = tpu.memref_slice %arg2[%arg0, %dma_start3A_187, %dma_start3A_188] : memref<2x51200x32xf32, #tpu.memory_space<hbm>> -> memref<1x51200x32xf32, #tpu.memory_space<hbm>>
      %dma_start3A_190 = tpu.memref_squeeze %dma_start3A_189 : memref<1x51200x32xf32, #tpu.memory_space<hbm>> -> memref<51200x32xf32, #tpu.memory_space<hbm>>
      %dma_start3A_191 = arith.constant 0 : i32
      %dma_start3A_192 = arith.constant 0 : i32
      %dma_start3A_193 = tpu.memref_slice %dma_start3A_190[%dma_start3A_191, %dma_start3A_192] : memref<51200x32xf32, #tpu.memory_space<hbm>> -> memref<51200x32xf32, #tpu.memory_space<hbm>>
      tpu.enqueue_indirect_dma source(%dma_start3A_193 : memref<51200x32xf32, #tpu.memory_space<hbm>>) target(%arg13 : memref<256x32xf32, #tpu.memory_space<vmem>>) offsets(%arg7 : memref<256xi32, #tpu.memory_space<vmem>>) semaphore(%arg19 : memref<!tpu.dma_semaphore, #tpu.memory_space<semaphore_mem>>)
      %add3A_194 = arith.constant 1 : i32
      %add3A_195 = arith.addi %add3A_144, %add3A_194 : i32
      %mul3A_196 = arith.constant 256 : i32
      %mul3A_197 = arith.muli %add3A_195, %mul3A_196 : i32
      %dma_wait3A_198 = tpu.memref_slice %arg3[%mul3A_197] : memref<800000xi32, #tpu.memory_space<hbm>> -> memref<256xi32, #tpu.memory_space<hbm>>
      %dma_wait3A_199 = tpu.memref_slice %arg3[%mul3A_197] : memref<800000xi32, #tpu.memory_space<hbm>> -> memref<256xi32, #tpu.memory_space<hbm>>
      tpu.wait_dma2 semaphore(%arg17 : memref<!tpu.dma_semaphore, #tpu.memory_space<semaphore_mem>>) src(%dma_wait3A_199 : memref<256xi32, #tpu.memory_space<hbm>>) dst(%arg8 : memref<256xi32, #tpu.memory_space<vmem>>)
      %mul3A_200 = arith.constant 256 : i32
      %mul3A_201 = arith.muli %add3A_195, %mul3A_200 : i32
      %dma_wait3A_202 = tpu.memref_slice %arg4[%mul3A_201] : memref<800000xi32, #tpu.memory_space<hbm>> -> memref<256xi32, #tpu.memory_space<hbm>>
      %dma_wait3A_203 = tpu.memref_slice %arg4[%mul3A_201] : memref<800000xi32, #tpu.memory_space<hbm>> -> memref<256xi32, #tpu.memory_space<hbm>>
      tpu.wait_dma2 semaphore(%arg17 : memref<!tpu.dma_semaphore, #tpu.memory_space<semaphore_mem>>) src(%dma_wait3A_203 : memref<256xi32, #tpu.memory_space<hbm>>) dst(%arg11 : memref<256xi32, #tpu.memory_space<vmem>>)
      %dma_start3A_204 = arith.constant 0 : i32
      %dma_start3A_205 = arith.constant 0 : i32
      %dma_start3A_206 = tpu.memref_slice %arg2[%arg0, %dma_start3A_204, %dma_start3A_205] : memref<2x51200x32xf32, #tpu.memory_space<hbm>> -> memref<1x51200x32xf32, #tpu.memory_space<hbm>>
      %dma_start3A_207 = tpu.memref_squeeze %dma_start3A_206 : memref<1x51200x32xf32, #tpu.memory_space<hbm>> -> memref<51200x32xf32, #tpu.memory_space<hbm>>
      %dma_start3A_208 = arith.constant 0 : i32
      %dma_start3A_209 = arith.constant 0 : i32
      %dma_start3A_210 = tpu.memref_slice %dma_start3A_207[%dma_start3A_208, %dma_start3A_209] : memref<51200x32xf32, #tpu.memory_space<hbm>> -> memref<51200x32xf32, #tpu.memory_space<hbm>>
      tpu.enqueue_indirect_dma source(%dma_start3A_210 : memref<51200x32xf32, #tpu.memory_space<hbm>>) target(%arg14 : memref<256x32xf32, #tpu.memory_space<vmem>>) offsets(%arg8 : memref<256xi32, #tpu.memory_space<vmem>>) semaphore(%arg20 : memref<!tpu.dma_semaphore, #tpu.memory_space<semaphore_mem>>)
      %add3A_211 = arith.constant 2 : i32
      %add3A_212 = arith.addi %add3A_144, %add3A_211 : i32
      %mul3A_213 = arith.constant 256 : i32
      %mul3A_214 = arith.muli %add3A_212, %mul3A_213 : i32
      %dma_wait3A_215 = tpu.memref_slice %arg3[%mul3A_214] : memref<800000xi32, #tpu.memory_space<hbm>> -> memref<256xi32, #tpu.memory_space<hbm>>
      %dma_wait3A_216 = tpu.memref_slice %arg3[%mul3A_214] : memref<800000xi32, #tpu.memory_space<hbm>> -> memref<256xi32, #tpu.memory_space<hbm>>
      tpu.wait_dma2 semaphore(%arg18 : memref<!tpu.dma_semaphore, #tpu.memory_space<semaphore_mem>>) src(%dma_wait3A_216 : memref<256xi32, #tpu.memory_space<hbm>>) dst(%arg9 : memref<256xi32, #tpu.memory_space<vmem>>)
      %mul3A_217 = arith.constant 256 : i32
      %mul3A_218 = arith.muli %add3A_212, %mul3A_217 : i32
      %dma_wait3A_219 = tpu.memref_slice %arg4[%mul3A_218] : memref<800000xi32, #tpu.memory_space<hbm>> -> memref<256xi32, #tpu.memory_space<hbm>>
      %dma_wait3A_220 = tpu.memref_slice %arg4[%mul3A_218] : memref<800000xi32, #tpu.memory_space<hbm>> -> memref<256xi32, #tpu.memory_space<hbm>>
      tpu.wait_dma2 semaphore(%arg18 : memref<!tpu.dma_semaphore, #tpu.memory_space<semaphore_mem>>) src(%dma_wait3A_220 : memref<256xi32, #tpu.memory_space<hbm>>) dst(%arg12 : memref<256xi32, #tpu.memory_space<vmem>>)
      %dma_start3A_221 = arith.constant 0 : i32
      %dma_start3A_222 = arith.constant 0 : i32
      %dma_start3A_223 = tpu.memref_slice %arg2[%arg0, %dma_start3A_221, %dma_start3A_222] : memref<2x51200x32xf32, #tpu.memory_space<hbm>> -> memref<1x51200x32xf32, #tpu.memory_space<hbm>>
      %dma_start3A_224 = tpu.memref_squeeze %dma_start3A_223 : memref<1x51200x32xf32, #tpu.memory_space<hbm>> -> memref<51200x32xf32, #tpu.memory_space<hbm>>
      %dma_start3A_225 = arith.constant 0 : i32
      %dma_start3A_226 = arith.constant 0 : i32
      %dma_start3A_227 = tpu.memref_slice %dma_start3A_224[%dma_start3A_225, %dma_start3A_226] : memref<51200x32xf32, #tpu.memory_space<hbm>> -> memref<51200x32xf32, #tpu.memory_space<hbm>>
      tpu.enqueue_indirect_dma source(%dma_start3A_227 : memref<51200x32xf32, #tpu.memory_space<hbm>>) target(%arg15 : memref<256x32xf32, #tpu.memory_space<vmem>>) offsets(%arg9 : memref<256xi32, #tpu.memory_space<vmem>>) semaphore(%arg21 : memref<!tpu.dma_semaphore, #tpu.memory_space<semaphore_mem>>)
      %dma_wait3A_228 = arith.constant 0 : i32
      %dma_wait3A_229 = arith.constant 0 : i32
      %dma_wait3A_230 = tpu.memref_slice %arg2[%arg0, %dma_wait3A_228, %dma_wait3A_229] : memref<2x51200x32xf32, #tpu.memory_space<hbm>> -> memref<1x51200x32xf32, #tpu.memory_space<hbm>>
      %dma_wait3A_231 = tpu.memref_squeeze %dma_wait3A_230 : memref<1x51200x32xf32, #tpu.memory_space<hbm>> -> memref<51200x32xf32, #tpu.memory_space<hbm>>
      %dma_wait3A_232 = arith.constant 0 : i32
      %dma_wait3A_233 = arith.constant 0 : i32
      %dma_wait3A_234 = tpu.memref_slice %dma_wait3A_231[%dma_wait3A_232, %dma_wait3A_233] : memref<51200x32xf32, #tpu.memory_space<hbm>> -> memref<51200x32xf32, #tpu.memory_space<hbm>>
      tpu.wait_indirect_dma semaphore(%arg19 : memref<!tpu.dma_semaphore, #tpu.memory_space<semaphore_mem>>) src(%dma_wait3A_234 : memref<51200x32xf32, #tpu.memory_space<hbm>>) dst(%arg13 : memref<256x32xf32, #tpu.memory_space<vmem>>)
      %dma_start3A_235 = arith.constant 0 : i32
      %dma_start3A_236 = arith.constant 0 : i32
      %dma_start3A_237 = tpu.memref_slice %arg6[%dma_start3A_235, %dma_start3A_236] : memref<51200x32xf32, #tpu.memory_space<vmem_shared>> -> memref<51200x32xf32, #tpu.memory_space<vmem_shared>>
      tpu.enqueue_indirect_dma source(%arg13 : memref<256x32xf32, #tpu.memory_space<vmem>>) target(%dma_start3A_237 : memref<51200x32xf32, #tpu.memory_space<vmem_shared>>) offsets(%arg10 : memref<256xi32, #tpu.memory_space<vmem>>) semaphore(%arg22 : memref<!tpu.dma_semaphore, #tpu.memory_space<semaphore_mem>>) {add = true}
      %dma_wait3A_238 = arith.constant 0 : i32
      %dma_wait3A_239 = arith.constant 0 : i32
      %dma_wait3A_240 = tpu.memref_slice %arg2[%arg0, %dma_wait3A_238, %dma_wait3A_239] : memref<2x51200x32xf32, #tpu.memory_space<hbm>> -> memref<1x51200x32xf32, #tpu.memory_space<hbm>>
      %dma_wait3A_241 = tpu.memref_squeeze %dma_wait3A_240 : memref<1x51200x32xf32, #tpu.memory_space<hbm>> -> memref<51200x32xf32, #tpu.memory_space<hbm>>
      %dma_wait3A_242 = arith.constant 0 : i32
      %dma_wait3A_243 = arith.constant 0 : i32
      %dma_wait3A_244 = tpu.memref_slice %dma_wait3A_241[%dma_wait3A_242, %dma_wait3A_243] : memref<51200x32xf32, #tpu.memory_space<hbm>> -> memref<51200x32xf32, #tpu.memory_space<hbm>>
      tpu.wait_indirect_dma semaphore(%arg20 : memref<!tpu.dma_semaphore, #tpu.memory_space<semaphore_mem>>) src(%dma_wait3A_244 : memref<51200x32xf32, #tpu.memory_space<hbm>>) dst(%arg14 : memref<256x32xf32, #tpu.memory_space<vmem>>)
      %dma_start3A_245 = arith.constant 0 : i32
      %dma_start3A_246 = arith.constant 0 : i32
      %dma_start3A_247 = tpu.memref_slice %arg6[%dma_start3A_245, %dma_start3A_246] : memref<51200x32xf32, #tpu.memory_space<vmem_shared>> -> memref<51200x32xf32, #tpu.memory_space<vmem_shared>>
      tpu.enqueue_indirect_dma source(%arg14 : memref<256x32xf32, #tpu.memory_space<vmem>>) target(%dma_start3A_247 : memref<51200x32xf32, #tpu.memory_space<vmem_shared>>) offsets(%arg11 : memref<256xi32, #tpu.memory_space<vmem>>) semaphore(%arg23 : memref<!tpu.dma_semaphore, #tpu.memory_space<semaphore_mem>>) {add = true}
      %dma_wait3A_248 = arith.constant 0 : i32
      %dma_wait3A_249 = arith.constant 0 : i32
      %dma_wait3A_250 = tpu.memref_slice %arg2[%arg0, %dma_wait3A_248, %dma_wait3A_249] : memref<2x51200x32xf32, #tpu.memory_space<hbm>> -> memref<1x51200x32xf32, #tpu.memory_space<hbm>>
      %dma_wait3A_251 = tpu.memref_squeeze %dma_wait3A_250 : memref<1x51200x32xf32, #tpu.memory_space<hbm>> -> memref<51200x32xf32, #tpu.memory_space<hbm>>
      %dma_wait3A_252 = arith.constant 0 : i32
      %dma_wait3A_253 = arith.constant 0 : i32
      %dma_wait3A_254 = tpu.memref_slice %dma_wait3A_251[%dma_wait3A_252, %dma_wait3A_253] : memref<51200x32xf32, #tpu.memory_space<hbm>> -> memref<51200x32xf32, #tpu.memory_space<hbm>>
      tpu.wait_indirect_dma semaphore(%arg21 : memref<!tpu.dma_semaphore, #tpu.memory_space<semaphore_mem>>) src(%dma_wait3A_254 : memref<51200x32xf32, #tpu.memory_space<hbm>>) dst(%arg15 : memref<256x32xf32, #tpu.memory_space<vmem>>)
      %dma_start3A_255 = arith.constant 0 : i32
      %dma_start3A_256 = arith.constant 0 : i32
      %dma_start3A_257 = tpu.memref_slice %arg6[%dma_start3A_255, %dma_start3A_256] : memref<51200x32xf32, #tpu.memory_space<vmem_shared>> -> memref<51200x32xf32, #tpu.memory_space<vmem_shared>>
      tpu.enqueue_indirect_dma source(%arg15 : memref<256x32xf32, #tpu.memory_space<vmem>>) target(%dma_start3A_257 : memref<51200x32xf32, #tpu.memory_space<vmem_shared>>) offsets(%arg12 : memref<256xi32, #tpu.memory_space<vmem>>) semaphore(%arg24 : memref<!tpu.dma_semaphore, #tpu.memory_space<semaphore_mem>>) {add = true}
    }
    %gt3A = arith.cmpi sgt, %add3A_106, %select_n3A : i32
    %convert_element_type3A = arith.extui %gt3A : i1 to i32
    %cond3A = arith.constant 0 : i32
    %cond3A_123 = arith.cmpi ne, %convert_element_type3A, %cond3A : i32
    scf.if %cond3A_123 {
      %dma_wait3A = arith.constant 0 : i32
      %dma_wait3A_142 = arith.constant 0 : i32
      %dma_wait3A_143 = tpu.memref_slice %arg6[%dma_wait3A, %dma_wait3A_142] : memref<51200x32xf32, #tpu.memory_space<vmem_shared>> -> memref<51200x32xf32, #tpu.memory_space<vmem_shared>>
      tpu.wait_indirect_dma semaphore(%arg22 : memref<!tpu.dma_semaphore, #tpu.memory_space<semaphore_mem>>) src(%arg13 : memref<256x32xf32, #tpu.memory_space<vmem>>) dst(%dma_wait3A_143 : memref<51200x32xf32, #tpu.memory_space<vmem_shared>>)
      %dma_wait3A_144 = arith.constant 0 : i32
      %dma_wait3A_145 = arith.constant 0 : i32
      %dma_wait3A_146 = tpu.memref_slice %arg6[%dma_wait3A_144, %dma_wait3A_145] : memref<51200x32xf32, #tpu.memory_space<vmem_shared>> -> memref<51200x32xf32, #tpu.memory_space<vmem_shared>>
      tpu.wait_indirect_dma semaphore(%arg23 : memref<!tpu.dma_semaphore, #tpu.memory_space<semaphore_mem>>) src(%arg14 : memref<256x32xf32, #tpu.memory_space<vmem>>) dst(%dma_wait3A_146 : memref<51200x32xf32, #tpu.memory_space<vmem_shared>>)
      %dma_wait3A_147 = arith.constant 0 : i32
      %dma_wait3A_148 = arith.constant 0 : i32
      %dma_wait3A_149 = tpu.memref_slice %arg6[%dma_wait3A_147, %dma_wait3A_148] : memref<51200x32xf32, #tpu.memory_space<vmem_shared>> -> memref<51200x32xf32, #tpu.memory_space<vmem_shared>>
      tpu.wait_indirect_dma semaphore(%arg24 : memref<!tpu.dma_semaphore, #tpu.memory_space<semaphore_mem>>) src(%arg15 : memref<256x32xf32, #tpu.memory_space<vmem>>) dst(%dma_wait3A_149 : memref<51200x32xf32, #tpu.memory_space<vmem_shared>>)
    } else {
    }
    %sub3A_124 = arith.subi %select_n3A_78, %add3A_106 : i32
    %sub3A_125 = arith.constant 1 : i32
    %sub3A_126 = arith.constant 1 : i32
    %sub3A_127 = arith.subi %sub3A_125, %sub3A_126 : i32
    %add3A_128 = arith.addi %sub3A_124, %sub3A_127 : i32
    %div3A_129 = arith.constant 1 : i32
    %div3A_130 = arith.divsi %add3A_128, %div3A_129 : i32
    %while3A_131 = arith.constant 1 : i32
    %while3A_132 = arith.constant 0 : i32
    %while3A_133 = arith.subi %div3A_130, %while3A_132 : i32
    %while3A_134 = arith.addi %while3A_132, %while3A_133 : i32
    %while3A_135 = arith.constant 1 : i32
    %while3A_136 = arith.divsi %while3A_133, %while3A_135 : i32
    %while3A_137 = arith.muli %while3A_136, %while3A_135 : i32
    %while3A_138 = arith.addi %while3A_132, %while3A_137 : i32
    %while3A_139 = arith.constant 1 : i32
    scf.for %while3A_142 = %while3A_132 to %while3A_138 step %while3A_139  : i32 {
      %mul3A_143 = arith.muli %while3A_142, %while3A_131 : i32
      %add3A_144 = arith.addi %add3A_106, %mul3A_143 : i32
      %mul3A_145 = arith.constant 256 : i32
      %mul3A_146 = arith.muli %add3A_144, %mul3A_145 : i32
      %dma_start3A = tpu.memref_slice %arg3[%mul3A_146] : memref<800000xi32, #tpu.memory_space<hbm>> -> memref<256xi32, #tpu.memory_space<hbm>>
      %dma_start3A_147 = tpu.memref_slice %arg3[%mul3A_146] : memref<800000xi32, #tpu.memory_space<hbm>> -> memref<256xi32, #tpu.memory_space<hbm>>
      tpu.enqueue_dma source(%dma_start3A_147 : memref<256xi32, #tpu.memory_space<hbm>>) target(%arg7 : memref<256xi32, #tpu.memory_space<vmem>>) target_semaphore(%arg16 : memref<!tpu.dma_semaphore, #tpu.memory_space<semaphore_mem>>)
      %mul3A_148 = arith.constant 256 : i32
      %mul3A_149 = arith.muli %add3A_144, %mul3A_148 : i32
      %dma_start3A_150 = tpu.memref_slice %arg4[%mul3A_149] : memref<800000xi32, #tpu.memory_space<hbm>> -> memref<256xi32, #tpu.memory_space<hbm>>
      %dma_start3A_151 = tpu.memref_slice %arg4[%mul3A_149] : memref<800000xi32, #tpu.memory_space<hbm>> -> memref<256xi32, #tpu.memory_space<hbm>>
      tpu.enqueue_dma source(%dma_start3A_151 : memref<256xi32, #tpu.memory_space<hbm>>) target(%arg10 : memref<256xi32, #tpu.memory_space<vmem>>) target_semaphore(%arg16 : memref<!tpu.dma_semaphore, #tpu.memory_space<semaphore_mem>>)
      %mul3A_152 = arith.constant 256 : i32
      %mul3A_153 = arith.muli %add3A_144, %mul3A_152 : i32
      %dma_wait3A = tpu.memref_slice %arg3[%mul3A_153] : memref<800000xi32, #tpu.memory_space<hbm>> -> memref<256xi32, #tpu.memory_space<hbm>>
      %dma_wait3A_154 = tpu.memref_slice %arg3[%mul3A_153] : memref<800000xi32, #tpu.memory_space<hbm>> -> memref<256xi32, #tpu.memory_space<hbm>>
      tpu.wait_dma2 semaphore(%arg16 : memref<!tpu.dma_semaphore, #tpu.memory_space<semaphore_mem>>) src(%dma_wait3A_154 : memref<256xi32, #tpu.memory_space<hbm>>) dst(%arg7 : memref<256xi32, #tpu.memory_space<vmem>>)
      %mul3A_155 = arith.constant 256 : i32
      %mul3A_156 = arith.muli %add3A_144, %mul3A_155 : i32
      %dma_wait3A_157 = tpu.memref_slice %arg4[%mul3A_156] : memref<800000xi32, #tpu.memory_space<hbm>> -> memref<256xi32, #tpu.memory_space<hbm>>
      %dma_wait3A_158 = tpu.memref_slice %arg4[%mul3A_156] : memref<800000xi32, #tpu.memory_space<hbm>> -> memref<256xi32, #tpu.memory_space<hbm>>
      tpu.wait_dma2 semaphore(%arg16 : memref<!tpu.dma_semaphore, #tpu.memory_space<semaphore_mem>>) src(%dma_wait3A_158 : memref<256xi32, #tpu.memory_space<hbm>>) dst(%arg10 : memref<256xi32, #tpu.memory_space<vmem>>)
      %dma_start3A_159 = arith.constant 0 : i32
      %dma_start3A_160 = arith.constant 0 : i32
      %dma_start3A_161 = tpu.memref_slice %arg2[%arg0, %dma_start3A_159, %dma_start3A_160] : memref<2x51200x32xf32, #tpu.memory_space<hbm>> -> memref<1x51200x32xf32, #tpu.memory_space<hbm>>
      %dma_start3A_162 = tpu.memref_squeeze %dma_start3A_161 : memref<1x51200x32xf32, #tpu.memory_space<hbm>> -> memref<51200x32xf32, #tpu.memory_space<hbm>>
      %dma_start3A_163 = arith.constant 0 : i32
      %dma_start3A_164 = arith.constant 0 : i32
      %dma_start3A_165 = tpu.memref_slice %dma_start3A_162[%dma_start3A_163, %dma_start3A_164] : memref<51200x32xf32, #tpu.memory_space<hbm>> -> memref<51200x32xf32, #tpu.memory_space<hbm>>
      tpu.enqueue_indirect_dma source(%dma_start3A_165 : memref<51200x32xf32, #tpu.memory_space<hbm>>) target(%arg13 : memref<256x32xf32, #tpu.memory_space<vmem>>) offsets(%arg7 : memref<256xi32, #tpu.memory_space<vmem>>) semaphore(%arg19 : memref<!tpu.dma_semaphore, #tpu.memory_space<semaphore_mem>>)
      %dma_wait3A_166 = arith.constant 0 : i32
      %dma_wait3A_167 = arith.constant 0 : i32
      %dma_wait3A_168 = tpu.memref_slice %arg2[%arg0, %dma_wait3A_166, %dma_wait3A_167] : memref<2x51200x32xf32, #tpu.memory_space<hbm>> -> memref<1x51200x32xf32, #tpu.memory_space<hbm>>
      %dma_wait3A_169 = tpu.memref_squeeze %dma_wait3A_168 : memref<1x51200x32xf32, #tpu.memory_space<hbm>> -> memref<51200x32xf32, #tpu.memory_space<hbm>>
      %dma_wait3A_170 = arith.constant 0 : i32
      %dma_wait3A_171 = arith.constant 0 : i32
      %dma_wait3A_172 = tpu.memref_slice %dma_wait3A_169[%dma_wait3A_170, %dma_wait3A_171] : memref<51200x32xf32, #tpu.memory_space<hbm>> -> memref<51200x32xf32, #tpu.memory_space<hbm>>
      tpu.wait_indirect_dma semaphore(%arg19 : memref<!tpu.dma_semaphore, #tpu.memory_space<semaphore_mem>>) src(%dma_wait3A_172 : memref<51200x32xf32, #tpu.memory_space<hbm>>) dst(%arg13 : memref<256x32xf32, #tpu.memory_space<vmem>>)
      "tpu.region"() ({
        %run_scoped3A = tpu.sem_alloc : memref<!tpu.dma_semaphore, #tpu.memory_space<semaphore_mem>>
        %dma_start3A_173 = arith.constant 0 : i32
        %dma_start3A_174 = arith.constant 0 : i32
        %dma_start3A_175 = tpu.memref_slice %arg6[%dma_start3A_173, %dma_start3A_174] : memref<51200x32xf32, #tpu.memory_space<vmem_shared>> -> memref<51200x32xf32, #tpu.memory_space<vmem_shared>>
        tpu.enqueue_indirect_dma source(%arg13 : memref<256x32xf32, #tpu.memory_space<vmem>>) target(%dma_start3A_175 : memref<51200x32xf32, #tpu.memory_space<vmem_shared>>) offsets(%arg10 : memref<256xi32, #tpu.memory_space<vmem>>) semaphore(%run_scoped3A : memref<!tpu.dma_semaphore, #tpu.memory_space<semaphore_mem>>) {add = true}
        %dma_wait3A_176 = arith.constant 0 : i32
        %dma_wait3A_177 = arith.constant 0 : i32
        %dma_wait3A_178 = tpu.memref_slice %arg6[%dma_wait3A_176, %dma_wait3A_177] : memref<51200x32xf32, #tpu.memory_space<vmem_shared>> -> memref<51200x32xf32, #tpu.memory_space<vmem_shared>>
        tpu.wait_indirect_dma semaphore(%run_scoped3A : memref<!tpu.dma_semaphore, #tpu.memory_space<semaphore_mem>>) src(%arg13 : memref<256x32xf32, #tpu.memory_space<vmem>>) dst(%dma_wait3A_178 : memref<51200x32xf32, #tpu.memory_space<vmem_shared>>)
        tpu.yield
      }) : () -> ()
    }
    %while3A_140 = arith.constant 1 : i32
    scf.for %while3A_142 = %while3A_138 to %while3A_134 step %while3A_140  : i32 {
      %mul3A_143 = arith.muli %while3A_142, %while3A_131 : i32
      %add3A_144 = arith.addi %add3A_106, %mul3A_143 : i32
      %mul3A_145 = arith.constant 256 : i32
      %mul3A_146 = arith.muli %add3A_144, %mul3A_145 : i32
      %dma_start3A = tpu.memref_slice %arg3[%mul3A_146] : memref<800000xi32, #tpu.memory_space<hbm>> -> memref<256xi32, #tpu.memory_space<hbm>>
      %dma_start3A_147 = tpu.memref_slice %arg3[%mul3A_146] : memref<800000xi32, #tpu.memory_space<hbm>> -> memref<256xi32, #tpu.memory_space<hbm>>
      tpu.enqueue_dma source(%dma_start3A_147 : memref<256xi32, #tpu.memory_space<hbm>>) target(%arg7 : memref<256xi32, #tpu.memory_space<vmem>>) target_semaphore(%arg16 : memref<!tpu.dma_semaphore, #tpu.memory_space<semaphore_mem>>)
      %mul3A_148 = arith.constant 256 : i32
      %mul3A_149 = arith.muli %add3A_144, %mul3A_148 : i32
      %dma_start3A_150 = tpu.memref_slice %arg4[%mul3A_149] : memref<800000xi32, #tpu.memory_space<hbm>> -> memref<256xi32, #tpu.memory_space<hbm>>
      %dma_start3A_151 = tpu.memref_slice %arg4[%mul3A_149] : memref<800000xi32, #tpu.memory_space<hbm>> -> memref<256xi32, #tpu.memory_space<hbm>>
      tpu.enqueue_dma source(%dma_start3A_151 : memref<256xi32, #tpu.memory_space<hbm>>) target(%arg10 : memref<256xi32, #tpu.memory_space<vmem>>) target_semaphore(%arg16 : memref<!tpu.dma_semaphore, #tpu.memory_space<semaphore_mem>>)
      %mul3A_152 = arith.constant 256 : i32
      %mul3A_153 = arith.muli %add3A_144, %mul3A_152 : i32
      %dma_wait3A = tpu.memref_slice %arg3[%mul3A_153] : memref<800000xi32, #tpu.memory_space<hbm>> -> memref<256xi32, #tpu.memory_space<hbm>>
      %dma_wait3A_154 = tpu.memref_slice %arg3[%mul3A_153] : memref<800000xi32, #tpu.memory_space<hbm>> -> memref<256xi32, #tpu.memory_space<hbm>>
      tpu.wait_dma2 semaphore(%arg16 : memref<!tpu.dma_semaphore, #tpu.memory_space<semaphore_mem>>) src(%dma_wait3A_154 : memref<256xi32, #tpu.memory_space<hbm>>) dst(%arg7 : memref<256xi32, #tpu.memory_space<vmem>>)
      %mul3A_155 = arith.constant 256 : i32
      %mul3A_156 = arith.muli %add3A_144, %mul3A_155 : i32
      %dma_wait3A_157 = tpu.memref_slice %arg4[%mul3A_156] : memref<800000xi32, #tpu.memory_space<hbm>> -> memref<256xi32, #tpu.memory_space<hbm>>
      %dma_wait3A_158 = tpu.memref_slice %arg4[%mul3A_156] : memref<800000xi32, #tpu.memory_space<hbm>> -> memref<256xi32, #tpu.memory_space<hbm>>
      tpu.wait_dma2 semaphore(%arg16 : memref<!tpu.dma_semaphore, #tpu.memory_space<semaphore_mem>>) src(%dma_wait3A_158 : memref<256xi32, #tpu.memory_space<hbm>>) dst(%arg10 : memref<256xi32, #tpu.memory_space<vmem>>)
      %dma_start3A_159 = arith.constant 0 : i32
      %dma_start3A_160 = arith.constant 0 : i32
      %dma_start3A_161 = tpu.memref_slice %arg2[%arg0, %dma_start3A_159, %dma_start3A_160] : memref<2x51200x32xf32, #tpu.memory_space<hbm>> -> memref<1x51200x32xf32, #tpu.memory_space<hbm>>
      %dma_start3A_162 = tpu.memref_squeeze %dma_start3A_161 : memref<1x51200x32xf32, #tpu.memory_space<hbm>> -> memref<51200x32xf32, #tpu.memory_space<hbm>>
      %dma_start3A_163 = arith.constant 0 : i32
      %dma_start3A_164 = arith.constant 0 : i32
      %dma_start3A_165 = tpu.memref_slice %dma_start3A_162[%dma_start3A_163, %dma_start3A_164] : memref<51200x32xf32, #tpu.memory_space<hbm>> -> memref<51200x32xf32, #tpu.memory_space<hbm>>
      tpu.enqueue_indirect_dma source(%dma_start3A_165 : memref<51200x32xf32, #tpu.memory_space<hbm>>) target(%arg13 : memref<256x32xf32, #tpu.memory_space<vmem>>) offsets(%arg7 : memref<256xi32, #tpu.memory_space<vmem>>) semaphore(%arg19 : memref<!tpu.dma_semaphore, #tpu.memory_space<semaphore_mem>>)
      %dma_wait3A_166 = arith.constant 0 : i32
      %dma_wait3A_167 = arith.constant 0 : i32
      %dma_wait3A_168 = tpu.memref_slice %arg2[%arg0, %dma_wait3A_166, %dma_wait3A_167] : memref<2x51200x32xf32, #tpu.memory_space<hbm>> -> memref<1x51200x32xf32, #tpu.memory_space<hbm>>
      %dma_wait3A_169 = tpu.memref_squeeze %dma_wait3A_168 : memref<1x51200x32xf32, #tpu.memory_space<hbm>> -> memref<51200x32xf32, #tpu.memory_space<hbm>>
      %dma_wait3A_170 = arith.constant 0 : i32
      %dma_wait3A_171 = arith.constant 0 : i32
      %dma_wait3A_172 = tpu.memref_slice %dma_wait3A_169[%dma_wait3A_170, %dma_wait3A_171] : memref<51200x32xf32, #tpu.memory_space<hbm>> -> memref<51200x32xf32, #tpu.memory_space<hbm>>
      tpu.wait_indirect_dma semaphore(%arg19 : memref<!tpu.dma_semaphore, #tpu.memory_space<semaphore_mem>>) src(%dma_wait3A_172 : memref<51200x32xf32, #tpu.memory_space<hbm>>) dst(%arg13 : memref<256x32xf32, #tpu.memory_space<vmem>>)
      "tpu.region"() ({
        %run_scoped3A = tpu.sem_alloc : memref<!tpu.dma_semaphore, #tpu.memory_space<semaphore_mem>>
        %dma_start3A_173 = arith.constant 0 : i32
        %dma_start3A_174 = arith.constant 0 : i32
        %dma_start3A_175 = tpu.memref_slice %arg6[%dma_start3A_173, %dma_start3A_174] : memref<51200x32xf32, #tpu.memory_space<vmem_shared>> -> memref<51200x32xf32, #tpu.memory_space<vmem_shared>>
        tpu.enqueue_indirect_dma source(%arg13 : memref<256x32xf32, #tpu.memory_space<vmem>>) target(%dma_start3A_175 : memref<51200x32xf32, #tpu.memory_space<vmem_shared>>) offsets(%arg10 : memref<256xi32, #tpu.memory_space<vmem>>) semaphore(%run_scoped3A : memref<!tpu.dma_semaphore, #tpu.memory_space<semaphore_mem>>) {add = true}
        %dma_wait3A_176 = arith.constant 0 : i32
        %dma_wait3A_177 = arith.constant 0 : i32
        %dma_wait3A_178 = tpu.memref_slice %arg6[%dma_wait3A_176, %dma_wait3A_177] : memref<51200x32xf32, #tpu.memory_space<vmem_shared>> -> memref<51200x32xf32, #tpu.memory_space<vmem_shared>>
        tpu.wait_indirect_dma semaphore(%run_scoped3A : memref<!tpu.dma_semaphore, #tpu.memory_space<semaphore_mem>>) src(%arg13 : memref<256x32xf32, #tpu.memory_space<vmem>>) dst(%dma_wait3A_178 : memref<51200x32xf32, #tpu.memory_space<vmem_shared>>)
        tpu.yield
      }) : () -> ()
    }
    %barrier3A_141 = arith.constant 0 : index
    tpu.barrier barrier_id(%barrier3A_141)
    "tpu.region"() ({
      %run_scoped3A = tpu.sem_alloc : memref<!tpu.dma_semaphore, #tpu.memory_space<semaphore_mem>>
      %dma_start3A = arith.constant 0 : i32
      %dma_start3A_142 = tpu.memref_slice %arg5[%arg0, %mul3A_5, %dma_start3A] : memref<2x51200x32xf32, #tpu.memory_space<hbm>> -> memref<1x3200x32xf32, #tpu.memory_space<hbm>>
      %dma_start3A_143 = tpu.memref_squeeze %dma_start3A_142 : memref<1x3200x32xf32, #tpu.memory_space<hbm>> -> memref<3200x32xf32, #tpu.memory_space<hbm>>
      %dma_start3A_144 = arith.constant 0 : i32
      %dma_start3A_145 = tpu.memref_slice %arg6[%mul3A_5, %dma_start3A_144] : memref<51200x32xf32, #tpu.memory_space<vmem_shared>> -> memref<3200x32xf32, #tpu.memory_space<vmem_shared>>
      tpu.enqueue_dma source(%dma_start3A_145 : memref<3200x32xf32, #tpu.memory_space<vmem_shared>>) target(%dma_start3A_143 : memref<3200x32xf32, #tpu.memory_space<hbm>>) target_semaphore(%run_scoped3A : memref<!tpu.dma_semaphore, #tpu.memory_space<semaphore_mem>>)
      %dma_wait3A = arith.constant 0 : i32
      %dma_wait3A_146 = tpu.memref_slice %arg5[%arg0, %mul3A_5, %dma_wait3A] : memref<2x51200x32xf32, #tpu.memory_space<hbm>> -> memref<1x3200x32xf32, #tpu.memory_space<hbm>>
      %dma_wait3A_147 = tpu.memref_squeeze %dma_wait3A_146 : memref<1x3200x32xf32, #tpu.memory_space<hbm>> -> memref<3200x32xf32, #tpu.memory_space<hbm>>
      %dma_wait3A_148 = arith.constant 0 : i32
      %dma_wait3A_149 = tpu.memref_slice %arg6[%mul3A_5, %dma_wait3A_148] : memref<51200x32xf32, #tpu.memory_space<vmem_shared>> -> memref<3200x32xf32, #tpu.memory_space<vmem_shared>>
      tpu.wait_dma2 semaphore(%run_scoped3A : memref<!tpu.dma_semaphore, #tpu.memory_space<semaphore_mem>>) src(%dma_wait3A_149 : memref<3200x32xf32, #tpu.memory_space<vmem_shared>>) dst(%dma_wait3A_147 : memref<3200x32xf32, #tpu.memory_space<hbm>>)
      tpu.yield
    }) : () -> ()
    return
  }
}

#map = affine_map<(d0, d1) -> (0, 0, 0)>
#map1 = affine_map<(d0, d1) -> (0)>
module attributes {stable_mosaic.version = 14 : i64} {
  func.func @_sc_edge_agg(%arg0: i32, %arg1: i32, %arg2: memref<2x51200x32xf32, #tpu.memory_space<hbm>>, %arg3: memref<800000xi32, #tpu.memory_space<hbm>>, %arg4: memref<800000xi32, #tpu.memory_space<hbm>>, %arg5: memref<2x51200x32xf32, #tpu.memory_space<hbm>>, %arg6: memref<51200x32xf32, #tpu.memory_space<vmem_shared>>, %arg7: memref<256xi32, #tpu.memory_space<vmem>>, %arg8: memref<256xi32, #tpu.memory_space<vmem>>, %arg9: memref<256xi32, #tpu.memory_space<vmem>>, %arg10: memref<256xi32, #tpu.memory_space<vmem>>, %arg11: memref<256xi32, #tpu.memory_space<vmem>>, %arg12: memref<256xi32, #tpu.memory_space<vmem>>, %arg13: memref<256x32xf32, #tpu.memory_space<vmem>>, %arg14: memref<256x32xf32, #tpu.memory_space<vmem>>, %arg15: memref<256x32xf32, #tpu.memory_space<vmem>>, %arg16: memref<!tpu.dma_semaphore, #tpu.memory_space<semaphore_mem>>, %arg17: memref<!tpu.dma_semaphore, #tpu.memory_space<semaphore_mem>>, %arg18: memref<!tpu.dma_semaphore, #tpu.memory_space<semaphore_mem>>, %arg19: memref<!tpu.dma_semaphore, #tpu.memory_space<semaphore_mem>>, %arg20: memref<!tpu.dma_semaphore, #tpu.memory_space<semaphore_mem>>, %arg21: memref<!tpu.dma_semaphore, #tpu.memory_space<semaphore_mem>>, %arg22: memref<!tpu.dma_semaphore, #tpu.memory_space<semaphore_mem>>, %arg23: memref<!tpu.dma_semaphore, #tpu.memory_space<semaphore_mem>>, %arg24: memref<!tpu.dma_semaphore, #tpu.memory_space<semaphore_mem>>) attributes {dimension_semantics = [#tpu.dimension_semantics<core_parallel>, #tpu.dimension_semantics<subcore_parallel>], iteration_bounds = array<i64: 2, 16>, scalar_prefetch = 0 : i64, scratch_operands = 19 : i64, tpu.core_type = #tpu.core_type<sc_vector_subcore>, window_params = [{transform_indices = #map}, {transform_indices = #map1}, {transform_indices = #map1}, {transform_indices = #map}]} {
    %broadcast_in_dim3A = arith.constant 0.000000e+00 : f32
    %broadcast_in_dim3A_0 = vector.broadcast %broadcast_in_dim3A : f32 to vector<16xf32>
    %scan3A = arith.constant 0 : i32
    %scan3A_1 = arith.constant 256 : i32
    %scan3A_2 = arith.addi %scan3A, %scan3A_1 : i32
    %scan3A_3 = arith.constant 1 : i32
    scf.for %scan3A_142 = %scan3A to %scan3A_2 step %scan3A_3  : i32 {
      %mul3A_143 = arith.constant 1 : i32
      %mul3A_144 = arith.muli %scan3A_142, %mul3A_143 : i32
      %add3A_145 = arith.constant 0 : i32
      %add3A_146 = arith.addi %add3A_145, %mul3A_144 : i32
      %swap3A = arith.index_cast %add3A_146 : i32 to index
      %swap3A_147 = arith.constant 0 : index
      %swap3A_148 = tpu.vector_load %arg13[%swap3A, %swap3A_147] {strides = array<i32>} : memref<256x32xf32, #tpu.memory_space<vmem>>, vector<1x16xf32>,
      %swap3A_149 = vector.shape_cast %swap3A_148 : vector<1x16xf32> to vector<16xf32>
      %swap3A_150 = vector.shape_cast %broadcast_in_dim3A_0 : vector<16xf32> to vector<1x16xf32>
      tpu.vector_store %arg13[%swap3A, %swap3A_147], %swap3A_150 {strides = array<i32>} : memref<256x32xf32, #tpu.memory_space<vmem>>, vector<1x16xf32>,
      %swap3A_151 = arith.index_cast %add3A_146 : i32 to index
      %swap3A_152 = arith.constant 16 : index
      %swap3A_153 = tpu.vector_load %arg13[%swap3A_151, %swap3A_152] {strides = array<i32>} : memref<256x32xf32, #tpu.memory_space<vmem>>, vector<1x16xf32>,
      %swap3A_154 = vector.shape_cast %swap3A_153 : vector<1x16xf32> to vector<16xf32>
      %swap3A_155 = vector.shape_cast %broadcast_in_dim3A_0 : vector<16xf32> to vector<1x16xf32>
      tpu.vector_store %arg13[%swap3A_151, %swap3A_152], %swap3A_155 {strides = array<i32>} : memref<256x32xf32, #tpu.memory_space<vmem>>, vector<1x16xf32>,
    }
    %scan3A_4 = arith.constant 256 : i32
    %mul3A = arith.constant 3200 : i32
    %mul3A_5 = arith.muli %arg1, %mul3A : i32
    %add3A = arith.constant 0 : i32
    %add3A_6 = arith.addi %mul3A_5, %add3A : i32
    "tpu.region"() ({
      %run_scoped3A = tpu.sem_alloc : memref<!tpu.dma_semaphore, #tpu.memory_space<semaphore_mem>>
      %dma_start3A = arith.constant 0 : i32
      %dma_start3A_142 = tpu.memref_slice %arg6[%add3A_6, %dma_start3A] : memref<51200x32xf32, #tpu.memory_space<vmem_shared>> -> memref<256x32xf32, #tpu.memory_space<vmem_shared>>
      %dma_start3A_143 = arith.constant 0 : i32
      %dma_start3A_144 = tpu.memref_slice %arg6[%add3A_6, %dma_start3A_143] : memref<51200x32xf32, #tpu.memory_space<vmem_shared>> -> memref<256x32xf32, #tpu.memory_space<vmem_shared>>
      tpu.enqueue_dma source(%arg13 : memref<256x32xf32, #tpu.memory_space<vmem>>) target(%dma_start3A_144 : memref<256x32xf32, #tpu.memory_space<vmem_shared>>) target_semaphore(%run_scoped3A : memref<!tpu.dma_semaphore, #tpu.memory_space<semaphore_mem>>)
      %dma_wait3A = arith.constant 0 : i32
      %dma_wait3A_145 = tpu.memref_slice %arg6[%add3A_6, %dma_wait3A] : memref<51200x32xf32, #tpu.memory_space<vmem_shared>> -> memref<256x32xf32, #tpu.memory_space<vmem_shared>>
      %dma_wait3A_146 = arith.constant 0 : i32
      %dma_wait3A_147 = tpu.memref_slice %arg6[%add3A_6, %dma_wait3A_146] : memref<51200x32xf32, #tpu.memory_space<vmem_shared>> -> memref<256x32xf32, #tpu.memory_space<vmem_shared>>
      tpu.wait_dma2 semaphore(%run_scoped3A : memref<!tpu.dma_semaphore, #tpu.memory_space<semaphore_mem>>) src(%arg13 : memref<256x32xf32, #tpu.memory_space<vmem>>) dst(%dma_wait3A_147 : memref<256x32xf32, #tpu.memory_space<vmem_shared>>)
      tpu.yield
    }) : () -> ()
    %add3A_7 = arith.constant 256 : i32
    %add3A_8 = arith.addi %mul3A_5, %add3A_7 : i32
    "tpu.region"() ({
      %run_scoped3A = tpu.sem_alloc : memref<!tpu.dma_semaphore, #tpu.memory_space<semaphore_mem>>
      %dma_start3A = arith.constant 0 : i32
      %dma_start3A_142 = tpu.memref_slice %arg6[%add3A_8, %dma_start3A] : memref<51200x32xf32, #tpu.memory_space<vmem_shared>> -> memref<256x32xf32, #tpu.memory_space<vmem_shared>>
      %dma_start3A_143 = arith.constant 0 : i32
      %dma_start3A_144 = tpu.memref_slice %arg6[%add3A_8, %dma_start3A_143] : memref<51200x32xf32, #tpu.memory_space<vmem_shared>> -> memref<256x32xf32, #tpu.memory_space<vmem_shared>>
      tpu.enqueue_dma source(%arg13 : memref<256x32xf32, #tpu.memory_space<vmem>>) target(%dma_start3A_144 : memref<256x32xf32, #tpu.memory_space<vmem_shared>>) target_semaphore(%run_scoped3A : memref<!tpu.dma_semaphore, #tpu.memory_space<semaphore_mem>>)
      %dma_wait3A = arith.constant 0 : i32
      %dma_wait3A_145 = tpu.memref_slice %arg6[%add3A_8, %dma_wait3A] : memref<51200x32xf32, #tpu.memory_space<vmem_shared>> -> memref<256x32xf32, #tpu.memory_space<vmem_shared>>
      %dma_wait3A_146 = arith.constant 0 : i32
      %dma_wait3A_147 = tpu.memref_slice %arg6[%add3A_8, %dma_wait3A_146] : memref<51200x32xf32, #tpu.memory_space<vmem_shared>> -> memref<256x32xf32, #tpu.memory_space<vmem_shared>>
      tpu.wait_dma2 semaphore(%run_scoped3A : memref<!tpu.dma_semaphore, #tpu.memory_space<semaphore_mem>>) src(%arg13 : memref<256x32xf32, #tpu.memory_space<vmem>>) dst(%dma_wait3A_147 : memref<256x32xf32, #tpu.memory_space<vmem_shared>>)
      tpu.yield
    }) : () -> ()
    %add3A_9 = arith.constant 512 : i32
    %add3A_10 = arith.addi %mul3A_5, %add3A_9 : i32
    "tpu.region"() ({
      %run_scoped3A = tpu.sem_alloc : memref<!tpu.dma_semaphore, #tpu.memory_space<semaphore_mem>>
      %dma_start3A = arith.constant 0 : i32
      %dma_start3A_142 = tpu.memref_slice %arg6[%add3A_10, %dma_start3A] : memref<51200x32xf32, #tpu.memory_space<vmem_shared>> -> memref<256x32xf32, #tpu.memory_space<vmem_shared>>
      %dma_start3A_143 = arith.constant 0 : i32
      %dma_start3A_144 = tpu.memref_slice %arg6[%add3A_10, %dma_start3A_143] : memref<51200x32xf32, #tpu.memory_space<vmem_shared>> -> memref<256x32xf32, #tpu.memory_space<vmem_shared>>
      tpu.enqueue_dma source(%arg13 : memref<256x32xf32, #tpu.memory_space<vmem>>) target(%dma_start3A_144 : memref<256x32xf32, #tpu.memory_space<vmem_shared>>) target_semaphore(%run_scoped3A : memref<!tpu.dma_semaphore, #tpu.memory_space<semaphore_mem>>)
      %dma_wait3A = arith.constant 0 : i32
      %dma_wait3A_145 = tpu.memref_slice %arg6[%add3A_10, %dma_wait3A] : memref<51200x32xf32, #tpu.memory_space<vmem_shared>> -> memref<256x32xf32, #tpu.memory_space<vmem_shared>>
      %dma_wait3A_146 = arith.constant 0 : i32
      %dma_wait3A_147 = tpu.memref_slice %arg6[%add3A_10, %dma_wait3A_146] : memref<51200x32xf32, #tpu.memory_space<vmem_shared>> -> memref<256x32xf32, #tpu.memory_space<vmem_shared>>
      tpu.wait_dma2 semaphore(%run_scoped3A : memref<!tpu.dma_semaphore, #tpu.memory_space<semaphore_mem>>) src(%arg13 : memref<256x32xf32, #tpu.memory_space<vmem>>) dst(%dma_wait3A_147 : memref<256x32xf32, #tpu.memory_space<vmem_shared>>)
      tpu.yield
    }) : () -> ()
    %add3A_11 = arith.constant 768 : i32
    %add3A_12 = arith.addi %mul3A_5, %add3A_11 : i32
    "tpu.region"() ({
      %run_scoped3A = tpu.sem_alloc : memref<!tpu.dma_semaphore, #tpu.memory_space<semaphore_mem>>
      %dma_start3A = arith.constant 0 : i32
      %dma_start3A_142 = tpu.memref_slice %arg6[%add3A_12, %dma_start3A] : memref<51200x32xf32, #tpu.memory_space<vmem_shared>> -> memref<256x32xf32, #tpu.memory_space<vmem_shared>>
      %dma_start3A_143 = arith.constant 0 : i32
      %dma_start3A_144 = tpu.memref_slice %arg6[%add3A_12, %dma_start3A_143] : memref<51200x32xf32, #tpu.memory_space<vmem_shared>> -> memref<256x32xf32, #tpu.memory_space<vmem_shared>>
      tpu.enqueue_dma source(%arg13 : memref<256x32xf32, #tpu.memory_space<vmem>>) target(%dma_start3A_144 : memref<256x32xf32, #tpu.memory_space<vmem_shared>>) target_semaphore(%run_scoped3A : memref<!tpu.dma_semaphore, #tpu.memory_space<semaphore_mem>>)
      %dma_wait3A = arith.constant 0 : i32
      %dma_wait3A_145 = tpu.memref_slice %arg6[%add3A_12, %dma_wait3A] : memref<51200x32xf32, #tpu.memory_space<vmem_shared>> -> memref<256x32xf32, #tpu.memory_space<vmem_shared>>
      %dma_wait3A_146 = arith.constant 0 : i32
      %dma_wait3A_147 = tpu.memref_slice %arg6[%add3A_12, %dma_wait3A_146] : memref<51200x32xf32, #tpu.memory_space<vmem_shared>> -> memref<256x32xf32, #tpu.memory_space<vmem_shared>>
      tpu.wait_dma2 semaphore(%run_scoped3A : memref<!tpu.dma_semaphore, #tpu.memory_space<semaphore_mem>>) src(%arg13 : memref<256x32xf32, #tpu.memory_space<vmem>>) dst(%dma_wait3A_147 : memref<256x32xf32, #tpu.memory_space<vmem_shared>>)
      tpu.yield
    }) : () -> ()
    %add3A_13 = arith.constant 1024 : i32
    %add3A_14 = arith.addi %mul3A_5, %add3A_13 : i32
    "tpu.region"() ({
      %run_scoped3A = tpu.sem_alloc : memref<!tpu.dma_semaphore, #tpu.memory_space<semaphore_mem>>
      %dma_start3A = arith.constant 0 : i32
      %dma_start3A_142 = tpu.memref_slice %arg6[%add3A_14, %dma_start3A] : memref<51200x32xf32, #tpu.memory_space<vmem_shared>> -> memref<256x32xf32, #tpu.memory_space<vmem_shared>>
      %dma_start3A_143 = arith.constant 0 : i32
      %dma_start3A_144 = tpu.memref_slice %arg6[%add3A_14, %dma_start3A_143] : memref<51200x32xf32, #tpu.memory_space<vmem_shared>> -> memref<256x32xf32, #tpu.memory_space<vmem_shared>>
      tpu.enqueue_dma source(%arg13 : memref<256x32xf32, #tpu.memory_space<vmem>>) target(%dma_start3A_144 : memref<256x32xf32, #tpu.memory_space<vmem_shared>>) target_semaphore(%run_scoped3A : memref<!tpu.dma_semaphore, #tpu.memory_space<semaphore_mem>>)
      %dma_wait3A = arith.constant 0 : i32
      %dma_wait3A_145 = tpu.memref_slice %arg6[%add3A_14, %dma_wait3A] : memref<51200x32xf32, #tpu.memory_space<vmem_shared>> -> memref<256x32xf32, #tpu.memory_space<vmem_shared>>
      %dma_wait3A_146 = arith.constant 0 : i32
      %dma_wait3A_147 = tpu.memref_slice %arg6[%add3A_14, %dma_wait3A_146] : memref<51200x32xf32, #tpu.memory_space<vmem_shared>> -> memref<256x32xf32, #tpu.memory_space<vmem_shared>>
      tpu.wait_dma2 semaphore(%run_scoped3A : memref<!tpu.dma_semaphore, #tpu.memory_space<semaphore_mem>>) src(%arg13 : memref<256x32xf32, #tpu.memory_space<vmem>>) dst(%dma_wait3A_147 : memref<256x32xf32, #tpu.memory_space<vmem_shared>>)
      tpu.yield
    }) : () -> ()
    %add3A_15 = arith.constant 1280 : i32
    %add3A_16 = arith.addi %mul3A_5, %add3A_15 : i32
    "tpu.region"() ({
      %run_scoped3A = tpu.sem_alloc : memref<!tpu.dma_semaphore, #tpu.memory_space<semaphore_mem>>
      %dma_start3A = arith.constant 0 : i32
      %dma_start3A_142 = tpu.memref_slice %arg6[%add3A_16, %dma_start3A] : memref<51200x32xf32, #tpu.memory_space<vmem_shared>> -> memref<256x32xf32, #tpu.memory_space<vmem_shared>>
      %dma_start3A_143 = arith.constant 0 : i32
      %dma_start3A_144 = tpu.memref_slice %arg6[%add3A_16, %dma_start3A_143] : memref<51200x32xf32, #tpu.memory_space<vmem_shared>> -> memref<256x32xf32, #tpu.memory_space<vmem_shared>>
      tpu.enqueue_dma source(%arg13 : memref<256x32xf32, #tpu.memory_space<vmem>>) target(%dma_start3A_144 : memref<256x32xf32, #tpu.memory_space<vmem_shared>>) target_semaphore(%run_scoped3A : memref<!tpu.dma_semaphore, #tpu.memory_space<semaphore_mem>>)
      %dma_wait3A = arith.constant 0 : i32
      %dma_wait3A_145 = tpu.memref_slice %arg6[%add3A_16, %dma_wait3A] : memref<51200x32xf32, #tpu.memory_space<vmem_shared>> -> memref<256x32xf32, #tpu.memory_space<vmem_shared>>
      %dma_wait3A_146 = arith.constant 0 : i32
      %dma_wait3A_147 = tpu.memref_slice %arg6[%add3A_16, %dma_wait3A_146] : memref<51200x32xf32, #tpu.memory_space<vmem_shared>> -> memref<256x32xf32, #tpu.memory_space<vmem_shared>>
      tpu.wait_dma2 semaphore(%run_scoped3A : memref<!tpu.dma_semaphore, #tpu.memory_space<semaphore_mem>>) src(%arg13 : memref<256x32xf32, #tpu.memory_space<vmem>>) dst(%dma_wait3A_147 : memref<256x32xf32, #tpu.memory_space<vmem_shared>>)
      tpu.yield
    }) : () -> ()
    %add3A_17 = arith.constant 1536 : i32
    %add3A_18 = arith.addi %mul3A_5, %add3A_17 : i32
    "tpu.region"() ({
      %run_scoped3A = tpu.sem_alloc : memref<!tpu.dma_semaphore, #tpu.memory_space<semaphore_mem>>
      %dma_start3A = arith.constant 0 : i32
      %dma_start3A_142 = tpu.memref_slice %arg6[%add3A_18, %dma_start3A] : memref<51200x32xf32, #tpu.memory_space<vmem_shared>> -> memref<256x32xf32, #tpu.memory_space<vmem_shared>>
      %dma_start3A_143 = arith.constant 0 : i32
      %dma_start3A_144 = tpu.memref_slice %arg6[%add3A_18, %dma_start3A_143] : memref<51200x32xf32, #tpu.memory_space<vmem_shared>> -> memref<256x32xf32, #tpu.memory_space<vmem_shared>>
      tpu.enqueue_dma source(%arg13 : memref<256x32xf32, #tpu.memory_space<vmem>>) target(%dma_start3A_144 : memref<256x32xf32, #tpu.memory_space<vmem_shared>>) target_semaphore(%run_scoped3A : memref<!tpu.dma_semaphore, #tpu.memory_space<semaphore_mem>>)
      %dma_wait3A = arith.constant 0 : i32
      %dma_wait3A_145 = tpu.memref_slice %arg6[%add3A_18, %dma_wait3A] : memref<51200x32xf32, #tpu.memory_space<vmem_shared>> -> memref<256x32xf32, #tpu.memory_space<vmem_shared>>
      %dma_wait3A_146 = arith.constant 0 : i32
      %dma_wait3A_147 = tpu.memref_slice %arg6[%add3A_18, %dma_wait3A_146] : memref<51200x32xf32, #tpu.memory_space<vmem_shared>> -> memref<256x32xf32, #tpu.memory_space<vmem_shared>>
      tpu.wait_dma2 semaphore(%run_scoped3A : memref<!tpu.dma_semaphore, #tpu.memory_space<semaphore_mem>>) src(%arg13 : memref<256x32xf32, #tpu.memory_space<vmem>>) dst(%dma_wait3A_147 : memref<256x32xf32, #tpu.memory_space<vmem_shared>>)
      tpu.yield
    }) : () -> ()
    %add3A_19 = arith.constant 1792 : i32
    %add3A_20 = arith.addi %mul3A_5, %add3A_19 : i32
    "tpu.region"() ({
      %run_scoped3A = tpu.sem_alloc : memref<!tpu.dma_semaphore, #tpu.memory_space<semaphore_mem>>
      %dma_start3A = arith.constant 0 : i32
      %dma_start3A_142 = tpu.memref_slice %arg6[%add3A_20, %dma_start3A] : memref<51200x32xf32, #tpu.memory_space<vmem_shared>> -> memref<256x32xf32, #tpu.memory_space<vmem_shared>>
      %dma_start3A_143 = arith.constant 0 : i32
      %dma_start3A_144 = tpu.memref_slice %arg6[%add3A_20, %dma_start3A_143] : memref<51200x32xf32, #tpu.memory_space<vmem_shared>> -> memref<256x32xf32, #tpu.memory_space<vmem_shared>>
      tpu.enqueue_dma source(%arg13 : memref<256x32xf32, #tpu.memory_space<vmem>>) target(%dma_start3A_144 : memref<256x32xf32, #tpu.memory_space<vmem_shared>>) target_semaphore(%run_scoped3A : memref<!tpu.dma_semaphore, #tpu.memory_space<semaphore_mem>>)
      %dma_wait3A = arith.constant 0 : i32
      %dma_wait3A_145 = tpu.memref_slice %arg6[%add3A_20, %dma_wait3A] : memref<51200x32xf32, #tpu.memory_space<vmem_shared>> -> memref<256x32xf32, #tpu.memory_space<vmem_shared>>
      %dma_wait3A_146 = arith.constant 0 : i32
      %dma_wait3A_147 = tpu.memref_slice %arg6[%add3A_20, %dma_wait3A_146] : memref<51200x32xf32, #tpu.memory_space<vmem_shared>> -> memref<256x32xf32, #tpu.memory_space<vmem_shared>>
      tpu.wait_dma2 semaphore(%run_scoped3A : memref<!tpu.dma_semaphore, #tpu.memory_space<semaphore_mem>>) src(%arg13 : memref<256x32xf32, #tpu.memory_space<vmem>>) dst(%dma_wait3A_147 : memref<256x32xf32, #tpu.memory_space<vmem_shared>>)
      tpu.yield
    }) : () -> ()
    %add3A_21 = arith.constant 2048 : i32
    %add3A_22 = arith.addi %mul3A_5, %add3A_21 : i32
    "tpu.region"() ({
      %run_scoped3A = tpu.sem_alloc : memref<!tpu.dma_semaphore, #tpu.memory_space<semaphore_mem>>
      %dma_start3A = arith.constant 0 : i32
      %dma_start3A_142 = tpu.memref_slice %arg6[%add3A_22, %dma_start3A] : memref<51200x32xf32, #tpu.memory_space<vmem_shared>> -> memref<256x32xf32, #tpu.memory_space<vmem_shared>>
      %dma_start3A_143 = arith.constant 0 : i32
      %dma_start3A_144 = tpu.memref_slice %arg6[%add3A_22, %dma_start3A_143] : memref<51200x32xf32, #tpu.memory_space<vmem_shared>> -> memref<256x32xf32, #tpu.memory_space<vmem_shared>>
      tpu.enqueue_dma source(%arg13 : memref<256x32xf32, #tpu.memory_space<vmem>>) target(%dma_start3A_144 : memref<256x32xf32, #tpu.memory_space<vmem_shared>>) target_semaphore(%run_scoped3A : memref<!tpu.dma_semaphore, #tpu.memory_space<semaphore_mem>>)
      %dma_wait3A = arith.constant 0 : i32
      %dma_wait3A_145 = tpu.memref_slice %arg6[%add3A_22, %dma_wait3A] : memref<51200x32xf32, #tpu.memory_space<vmem_shared>> -> memref<256x32xf32, #tpu.memory_space<vmem_shared>>
      %dma_wait3A_146 = arith.constant 0 : i32
      %dma_wait3A_147 = tpu.memref_slice %arg6[%add3A_22, %dma_wait3A_146] : memref<51200x32xf32, #tpu.memory_space<vmem_shared>> -> memref<256x32xf32, #tpu.memory_space<vmem_shared>>
      tpu.wait_dma2 semaphore(%run_scoped3A : memref<!tpu.dma_semaphore, #tpu.memory_space<semaphore_mem>>) src(%arg13 : memref<256x32xf32, #tpu.memory_space<vmem>>) dst(%dma_wait3A_147 : memref<256x32xf32, #tpu.memory_space<vmem_shared>>)
      tpu.yield
    }) : () -> ()
    %add3A_23 = arith.constant 2304 : i32
    %add3A_24 = arith.addi %mul3A_5, %add3A_23 : i32
    "tpu.region"() ({
      %run_scoped3A = tpu.sem_alloc : memref<!tpu.dma_semaphore, #tpu.memory_space<semaphore_mem>>
      %dma_start3A = arith.constant 0 : i32
      %dma_start3A_142 = tpu.memref_slice %arg6[%add3A_24, %dma_start3A] : memref<51200x32xf32, #tpu.memory_space<vmem_shared>> -> memref<256x32xf32, #tpu.memory_space<vmem_shared>>
      %dma_start3A_143 = arith.constant 0 : i32
      %dma_start3A_144 = tpu.memref_slice %arg6[%add3A_24, %dma_start3A_143] : memref<51200x32xf32, #tpu.memory_space<vmem_shared>> -> memref<256x32xf32, #tpu.memory_space<vmem_shared>>
      tpu.enqueue_dma source(%arg13 : memref<256x32xf32, #tpu.memory_space<vmem>>) target(%dma_start3A_144 : memref<256x32xf32, #tpu.memory_space<vmem_shared>>) target_semaphore(%run_scoped3A : memref<!tpu.dma_semaphore, #tpu.memory_space<semaphore_mem>>)
      %dma_wait3A = arith.constant 0 : i32
      %dma_wait3A_145 = tpu.memref_slice %arg6[%add3A_24, %dma_wait3A] : memref<51200x32xf32, #tpu.memory_space<vmem_shared>> -> memref<256x32xf32, #tpu.memory_space<vmem_shared>>
      %dma_wait3A_146 = arith.constant 0 : i32
      %dma_wait3A_147 = tpu.memref_slice %arg6[%add3A_24, %dma_wait3A_146] : memref<51200x32xf32, #tpu.memory_space<vmem_shared>> -> memref<256x32xf32, #tpu.memory_space<vmem_shared>>
      tpu.wait_dma2 semaphore(%run_scoped3A : memref<!tpu.dma_semaphore, #tpu.memory_space<semaphore_mem>>) src(%arg13 : memref<256x32xf32, #tpu.memory_space<vmem>>) dst(%dma_wait3A_147 : memref<256x32xf32, #tpu.memory_space<vmem_shared>>)
      tpu.yield
    }) : () -> ()
    %add3A_25 = arith.constant 2560 : i32
    %add3A_26 = arith.addi %mul3A_5, %add3A_25 : i32
    "tpu.region"() ({
      %run_scoped3A = tpu.sem_alloc : memref<!tpu.dma_semaphore, #tpu.memory_space<semaphore_mem>>
      %dma_start3A = arith.constant 0 : i32
      %dma_start3A_142 = tpu.memref_slice %arg6[%add3A_26, %dma_start3A] : memref<51200x32xf32, #tpu.memory_space<vmem_shared>> -> memref<256x32xf32, #tpu.memory_space<vmem_shared>>
      %dma_start3A_143 = arith.constant 0 : i32
      %dma_start3A_144 = tpu.memref_slice %arg6[%add3A_26, %dma_start3A_143] : memref<51200x32xf32, #tpu.memory_space<vmem_shared>> -> memref<256x32xf32, #tpu.memory_space<vmem_shared>>
      tpu.enqueue_dma source(%arg13 : memref<256x32xf32, #tpu.memory_space<vmem>>) target(%dma_start3A_144 : memref<256x32xf32, #tpu.memory_space<vmem_shared>>) target_semaphore(%run_scoped3A : memref<!tpu.dma_semaphore, #tpu.memory_space<semaphore_mem>>)
      %dma_wait3A = arith.constant 0 : i32
      %dma_wait3A_145 = tpu.memref_slice %arg6[%add3A_26, %dma_wait3A] : memref<51200x32xf32, #tpu.memory_space<vmem_shared>> -> memref<256x32xf32, #tpu.memory_space<vmem_shared>>
      %dma_wait3A_146 = arith.constant 0 : i32
      %dma_wait3A_147 = tpu.memref_slice %arg6[%add3A_26, %dma_wait3A_146] : memref<51200x32xf32, #tpu.memory_space<vmem_shared>> -> memref<256x32xf32, #tpu.memory_space<vmem_shared>>
      tpu.wait_dma2 semaphore(%run_scoped3A : memref<!tpu.dma_semaphore, #tpu.memory_space<semaphore_mem>>) src(%arg13 : memref<256x32xf32, #tpu.memory_space<vmem>>) dst(%dma_wait3A_147 : memref<256x32xf32, #tpu.memory_space<vmem_shared>>)
      tpu.yield
    }) : () -> ()
    %add3A_27 = arith.constant 2816 : i32
    %add3A_28 = arith.addi %mul3A_5, %add3A_27 : i32
    "tpu.region"() ({
      %run_scoped3A = tpu.sem_alloc : memref<!tpu.dma_semaphore, #tpu.memory_space<semaphore_mem>>
      %dma_start3A = arith.constant 0 : i32
      %dma_start3A_142 = tpu.memref_slice %arg6[%add3A_28, %dma_start3A] : memref<51200x32xf32, #tpu.memory_space<vmem_shared>> -> memref<256x32xf32, #tpu.memory_space<vmem_shared>>
      %dma_start3A_143 = arith.constant 0 : i32
      %dma_start3A_144 = tpu.memref_slice %arg6[%add3A_28, %dma_start3A_143] : memref<51200x32xf32, #tpu.memory_space<vmem_shared>> -> memref<256x32xf32, #tpu.memory_space<vmem_shared>>
      tpu.enqueue_dma source(%arg13 : memref<256x32xf32, #tpu.memory_space<vmem>>) target(%dma_start3A_144 : memref<256x32xf32, #tpu.memory_space<vmem_shared>>) target_semaphore(%run_scoped3A : memref<!tpu.dma_semaphore, #tpu.memory_space<semaphore_mem>>)
      %dma_wait3A = arith.constant 0 : i32
      %dma_wait3A_145 = tpu.memref_slice %arg6[%add3A_28, %dma_wait3A] : memref<51200x32xf32, #tpu.memory_space<vmem_shared>> -> memref<256x32xf32, #tpu.memory_space<vmem_shared>>
      %dma_wait3A_146 = arith.constant 0 : i32
      %dma_wait3A_147 = tpu.memref_slice %arg6[%add3A_28, %dma_wait3A_146] : memref<51200x32xf32, #tpu.memory_space<vmem_shared>> -> memref<256x32xf32, #tpu.memory_space<vmem_shared>>
      tpu.wait_dma2 semaphore(%run_scoped3A : memref<!tpu.dma_semaphore, #tpu.memory_space<semaphore_mem>>) src(%arg13 : memref<256x32xf32, #tpu.memory_space<vmem>>) dst(%dma_wait3A_147 : memref<256x32xf32, #tpu.memory_space<vmem_shared>>)
      tpu.yield
    }) : () -> ()
    %add3A_29 = arith.constant 3200 : i32
    %add3A_30 = arith.addi %mul3A_5, %add3A_29 : i32
    %sub3A = arith.constant 128 : i32
    %sub3A_31 = arith.subi %add3A_30, %sub3A : i32
    "tpu.region"() ({
      %run_scoped3A = tpu.sem_alloc : memref<!tpu.dma_semaphore, #tpu.memory_space<semaphore_mem>>
      %dma_start3A = arith.constant 0 : i32
      %dma_start3A_142 = arith.constant 0 : i32
      %dma_start3A_143 = tpu.memref_slice %arg13[%dma_start3A, %dma_start3A_142] : memref<256x32xf32, #tpu.memory_space<vmem>> -> memref<128x32xf32, #tpu.memory_space<vmem>>
      %dma_start3A_144 = arith.constant 0 : i32
      %dma_start3A_145 = tpu.memref_slice %arg6[%sub3A_31, %dma_start3A_144] : memref<51200x32xf32, #tpu.memory_space<vmem_shared>> -> memref<128x32xf32, #tpu.memory_space<vmem_shared>>
      %dma_start3A_146 = arith.constant 0 : i32
      %dma_start3A_147 = tpu.memref_slice %arg6[%sub3A_31, %dma_start3A_146] : memref<51200x32xf32, #tpu.memory_space<vmem_shared>> -> memref<128x32xf32, #tpu.memory_space<vmem_shared>>
      %dma_start3A_148 = arith.constant 0 : i32
      %dma_start3A_149 = arith.constant 0 : i32
      %dma_start3A_150 = tpu.memref_slice %arg13[%dma_start3A_148, %dma_start3A_149] : memref<256x32xf32, #tpu.memory_space<vmem>> -> memref<128x32xf32, #tpu.memory_space<vmem>>
      tpu.enqueue_dma source(%dma_start3A_150 : memref<128x32xf32, #tpu.memory_space<vmem>>) target(%dma_start3A_147 : memref<128x32xf32, #tpu.memory_space<vmem_shared>>) target_semaphore(%run_scoped3A : memref<!tpu.dma_semaphore, #tpu.memory_space<semaphore_mem>>)
      %dma_wait3A = arith.constant 0 : i32
      %dma_wait3A_151 = arith.constant 0 : i32
      %dma_wait3A_152 = tpu.memref_slice %arg13[%dma_wait3A, %dma_wait3A_151] : memref<256x32xf32, #tpu.memory_space<vmem>> -> memref<128x32xf32, #tpu.memory_space<vmem>>
      %dma_wait3A_153 = arith.constant 0 : i32
      %dma_wait3A_154 = tpu.memref_slice %arg6[%sub3A_31, %dma_wait3A_153] : memref<51200x32xf32, #tpu.memory_space<vmem_shared>> -> memref<128x32xf32, #tpu.memory_space<vmem_shared>>
      %dma_wait3A_155 = arith.constant 0 : i32
      %dma_wait3A_156 = tpu.memref_slice %arg6[%sub3A_31, %dma_wait3A_155] : memref<51200x32xf32, #tpu.memory_space<vmem_shared>> -> memref<128x32xf32, #tpu.memory_space<vmem_shared>>
      %dma_wait3A_157 = arith.constant 0 : i32
      %dma_wait3A_158 = arith.constant 0 : i32
      %dma_wait3A_159 = tpu.memref_slice %arg13[%dma_wait3A_157, %dma_wait3A_158] : memref<256x32xf32, #tpu.memory_space<vmem>> -> memref<128x32xf32, #tpu.memory_space<vmem>>
      tpu.wait_dma2 semaphore(%run_scoped3A : memref<!tpu.dma_semaphore, #tpu.memory_space<semaphore_mem>>) src(%dma_wait3A_159 : memref<128x32xf32, #tpu.memory_space<vmem>>) dst(%dma_wait3A_156 : memref<128x32xf32, #tpu.memory_space<vmem_shared>>)
      tpu.yield
    }) : () -> ()
    %barrier3A = arith.constant 0 : index
    tpu.barrier barrier_id(%barrier3A)
    %mul3A_32 = arith.constant 3125 : i32
    %mul3A_33 = arith.muli %mul3A_32, %arg1 : i32
    %jit3A = arith.constant 16 : i32
    %div3A = arith.divsi %mul3A_33, %jit3A : i32
    %sign3A = arith.constant 0 : i32
    %sign3A_34 = arith.cmpi sgt, %mul3A_33, %sign3A : i32
    %sign3A_35 = arith.extui %sign3A_34 : i1 to i32
    %sign3A_36 = arith.constant 0 : i32
    %sign3A_37 = arith.cmpi slt, %mul3A_33, %sign3A_36 : i32
    %sign3A_38 = arith.extui %sign3A_37 : i1 to i32
    %sign3A_39 = arith.subi %sign3A_35, %sign3A_38 : i32
    %sign3A_40 = arith.constant 0 : i32
    %sign3A_41 = arith.cmpi sgt, %jit3A, %sign3A_40 : i32
    %sign3A_42 = arith.extui %sign3A_41 : i1 to i32
    %sign3A_43 = arith.constant 0 : i32
    %sign3A_44 = arith.cmpi slt, %jit3A, %sign3A_43 : i32
    %sign3A_45 = arith.extui %sign3A_44 : i1 to i32
    %sign3A_46 = arith.subi %sign3A_42, %sign3A_45 : i32
    %ne3A = arith.cmpi ne, %sign3A_39, %sign3A_46 : i32
    %rem3A = arith.remsi %mul3A_33, %jit3A : i32
    %ne3A_47 = arith.constant 0 : i32
    %ne3A_48 = arith.cmpi ne, %rem3A, %ne3A_47 : i32
    %and3A = arith.andi %ne3A, %ne3A_48 : i1
    %sub3A_49 = arith.constant 1 : i32
    %sub3A_50 = arith.subi %div3A, %sub3A_49 : i32
    %select_n3A = arith.select %and3A, %sub3A_50, %div3A : i32
    %add3A_51 = arith.constant 1 : i32
    %add3A_52 = arith.addi %arg1, %add3A_51 : i32
    %mul3A_53 = arith.constant 3125 : i32
    %mul3A_54 = arith.muli %mul3A_53, %add3A_52 : i32
    %jit3A_55 = arith.constant 16 : i32
    %div3A_56 = arith.divsi %mul3A_54, %jit3A_55 : i32
    %sign3A_57 = arith.constant 0 : i32
    %sign3A_58 = arith.cmpi sgt, %mul3A_54, %sign3A_57 : i32
    %sign3A_59 = arith.extui %sign3A_58 : i1 to i32
    %sign3A_60 = arith.constant 0 : i32
    %sign3A_61 = arith.cmpi slt, %mul3A_54, %sign3A_60 : i32
    %sign3A_62 = arith.extui %sign3A_61 : i1 to i32
    %sign3A_63 = arith.subi %sign3A_59, %sign3A_62 : i32
    %sign3A_64 = arith.constant 0 : i32
    %sign3A_65 = arith.cmpi sgt, %jit3A_55, %sign3A_64 : i32
    %sign3A_66 = arith.extui %sign3A_65 : i1 to i32
    %sign3A_67 = arith.constant 0 : i32
    %sign3A_68 = arith.cmpi slt, %jit3A_55, %sign3A_67 : i32
    %sign3A_69 = arith.extui %sign3A_68 : i1 to i32
    %sign3A_70 = arith.subi %sign3A_66, %sign3A_69 : i32
    %ne3A_71 = arith.cmpi ne, %sign3A_63, %sign3A_70 : i32
    %rem3A_72 = arith.remsi %mul3A_54, %jit3A_55 : i32
    %ne3A_73 = arith.constant 0 : i32
    %ne3A_74 = arith.cmpi ne, %rem3A_72, %ne3A_73 : i32
    %and3A_75 = arith.andi %ne3A_71, %ne3A_74 : i1
    %sub3A_76 = arith.constant 1 : i32
    %sub3A_77 = arith.subi %div3A_56, %sub3A_76 : i32
    %select_n3A_78 = arith.select %and3A_75, %sub3A_77, %div3A_56 : i32
    %sub3A_79 = arith.subi %select_n3A_78, %select_n3A : i32
    %jit3A_80 = arith.constant 3 : i32
    %div3A_81 = arith.divsi %sub3A_79, %jit3A_80 : i32
    %sign3A_82 = arith.constant 0 : i32
    %sign3A_83 = arith.cmpi sgt, %sub3A_79, %sign3A_82 : i32
    %sign3A_84 = arith.extui %sign3A_83 : i1 to i32
    %sign3A_85 = arith.constant 0 : i32
    %sign3A_86 = arith.cmpi slt, %sub3A_79, %sign3A_85 : i32
    %sign3A_87 = arith.extui %sign3A_86 : i1 to i32
    %sign3A_88 = arith.subi %sign3A_84, %sign3A_87 : i32
    %sign3A_89 = arith.constant 0 : i32
    %sign3A_90 = arith.cmpi sgt, %jit3A_80, %sign3A_89 : i32
    %sign3A_91 = arith.extui %sign3A_90 : i1 to i32
    %sign3A_92 = arith.constant 0 : i32
    %sign3A_93 = arith.cmpi slt, %jit3A_80, %sign3A_92 : i32
    %sign3A_94 = arith.extui %sign3A_93 : i1 to i32
    %sign3A_95 = arith.subi %sign3A_91, %sign3A_94 : i32
    %ne3A_96 = arith.cmpi ne, %sign3A_88, %sign3A_95 : i32
    %rem3A_97 = arith.remsi %sub3A_79, %jit3A_80 : i32
    %ne3A_98 = arith.constant 0 : i32
    %ne3A_99 = arith.cmpi ne, %rem3A_97, %ne3A_98 : i32
    %and3A_100 = arith.andi %ne3A_96, %ne3A_99 : i1
    %sub3A_101 = arith.constant 1 : i32
    %sub3A_102 = arith.subi %div3A_81, %sub3A_101 : i32
    %select_n3A_103 = arith.select %and3A_100, %sub3A_102, %div3A_81 : i32
    %mul3A_104 = arith.constant 3 : i32
    %mul3A_105 = arith.muli %mul3A_104, %select_n3A_103 : i32
    %add3A_106 = arith.addi %select_n3A, %mul3A_105 : i32
    %sub3A_107 = arith.subi %add3A_106, %select_n3A : i32
    %sub3A_108 = arith.constant 3 : i32
    %sub3A_109 = arith.constant 1 : i32
    %sub3A_110 = arith.subi %sub3A_108, %sub3A_109 : i32
    %add3A_111 = arith.addi %sub3A_107, %sub3A_110 : i32
    %div3A_112 = arith.constant 3 : i32
    %div3A_113 = arith.divsi %add3A_111, %div3A_112 : i32
    %while3A = arith.constant 3 : i32
    %while3A_114 = arith.constant 0 : i32
    %while3A_115 = arith.subi %div3A_113, %while3A_114 : i32
    %while3A_116 = arith.addi %while3A_114, %while3A_115 : i32
    %while3A_117 = arith.constant 1 : i32
    %while3A_118 = arith.divsi %while3A_115, %while3A_117 : i32
    %while3A_119 = arith.muli %while3A_118, %while3A_117 : i32
    %while3A_120 = arith.addi %while3A_114, %while3A_119 : i32
    %while3A_121 = arith.constant 1 : i32
    scf.for %while3A_142 = %while3A_114 to %while3A_120 step %while3A_121  : i32 {
      %mul3A_143 = arith.muli %while3A_142, %while3A : i32
      %add3A_144 = arith.addi %select_n3A, %mul3A_143 : i32
      %gt3A_145 = arith.cmpi sgt, %add3A_144, %select_n3A : i32
      %convert_element_type3A_146 = arith.extui %gt3A_145 : i1 to i32
      %cond3A_147 = arith.constant 0 : i32
      %cond3A_148 = arith.cmpi ne, %convert_element_type3A_146, %cond3A_147 : i32
      scf.if %cond3A_148 {
        %dma_wait3A_258 = arith.constant 0 : i32
        %dma_wait3A_259 = arith.constant 0 : i32
        %dma_wait3A_260 = tpu.memref_slice %arg6[%dma_wait3A_258, %dma_wait3A_259] : memref<51200x32xf32, #tpu.memory_space<vmem_shared>> -> memref<51200x32xf32, #tpu.memory_space<vmem_shared>>
        tpu.wait_indirect_dma semaphore(%arg22 : memref<!tpu.dma_semaphore, #tpu.memory_space<semaphore_mem>>) src(%arg13 : memref<256x32xf32, #tpu.memory_space<vmem>>) dst(%dma_wait3A_260 : memref<51200x32xf32, #tpu.memory_space<vmem_shared>>)
        %dma_wait3A_261 = arith.constant 0 : i32
        %dma_wait3A_262 = arith.constant 0 : i32
        %dma_wait3A_263 = tpu.memref_slice %arg6[%dma_wait3A_261, %dma_wait3A_262] : memref<51200x32xf32, #tpu.memory_space<vmem_shared>> -> memref<51200x32xf32, #tpu.memory_space<vmem_shared>>
        tpu.wait_indirect_dma semaphore(%arg23 : memref<!tpu.dma_semaphore, #tpu.memory_space<semaphore_mem>>) src(%arg14 : memref<256x32xf32, #tpu.memory_space<vmem>>) dst(%dma_wait3A_263 : memref<51200x32xf32, #tpu.memory_space<vmem_shared>>)
        %dma_wait3A_264 = arith.constant 0 : i32
        %dma_wait3A_265 = arith.constant 0 : i32
        %dma_wait3A_266 = tpu.memref_slice %arg6[%dma_wait3A_264, %dma_wait3A_265] : memref<51200x32xf32, #tpu.memory_space<vmem_shared>> -> memref<51200x32xf32, #tpu.memory_space<vmem_shared>>
        tpu.wait_indirect_dma semaphore(%arg24 : memref<!tpu.dma_semaphore, #tpu.memory_space<semaphore_mem>>) src(%arg15 : memref<256x32xf32, #tpu.memory_space<vmem>>) dst(%dma_wait3A_266 : memref<51200x32xf32, #tpu.memory_space<vmem_shared>>)
      } else {
      }
      %add3A_149 = arith.constant 0 : i32
      %add3A_150 = arith.addi %add3A_144, %add3A_149 : i32
      %mul3A_151 = arith.constant 256 : i32
      %mul3A_152 = arith.muli %add3A_150, %mul3A_151 : i32
      %dma_start3A = tpu.memref_slice %arg3[%mul3A_152] : memref<800000xi32, #tpu.memory_space<hbm>> -> memref<256xi32, #tpu.memory_space<hbm>>
      %dma_start3A_153 = tpu.memref_slice %arg3[%mul3A_152] : memref<800000xi32, #tpu.memory_space<hbm>> -> memref<256xi32, #tpu.memory_space<hbm>>
      tpu.enqueue_dma source(%dma_start3A_153 : memref<256xi32, #tpu.memory_space<hbm>>) target(%arg7 : memref<256xi32, #tpu.memory_space<vmem>>) target_semaphore(%arg16 : memref<!tpu.dma_semaphore, #tpu.memory_space<semaphore_mem>>)
      %mul3A_154 = arith.constant 256 : i32
      %mul3A_155 = arith.muli %add3A_150, %mul3A_154 : i32
      %dma_start3A_156 = tpu.memref_slice %arg4[%mul3A_155] : memref<800000xi32, #tpu.memory_space<hbm>> -> memref<256xi32, #tpu.memory_space<hbm>>
      %dma_start3A_157 = tpu.memref_slice %arg4[%mul3A_155] : memref<800000xi32, #tpu.memory_space<hbm>> -> memref<256xi32, #tpu.memory_space<hbm>>
      tpu.enqueue_dma source(%dma_start3A_157 : memref<256xi32, #tpu.memory_space<hbm>>) target(%arg10 : memref<256xi32, #tpu.memory_space<vmem>>) target_semaphore(%arg16 : memref<!tpu.dma_semaphore, #tpu.memory_space<semaphore_mem>>)
      %add3A_158 = arith.constant 1 : i32
      %add3A_159 = arith.addi %add3A_144, %add3A_158 : i32
      %mul3A_160 = arith.constant 256 : i32
      %mul3A_161 = arith.muli %add3A_159, %mul3A_160 : i32
      %dma_start3A_162 = tpu.memref_slice %arg3[%mul3A_161] : memref<800000xi32, #tpu.memory_space<hbm>> -> memref<256xi32, #tpu.memory_space<hbm>>
      %dma_start3A_163 = tpu.memref_slice %arg3[%mul3A_161] : memref<800000xi32, #tpu.memory_space<hbm>> -> memref<256xi32, #tpu.memory_space<hbm>>
      tpu.enqueue_dma source(%dma_start3A_163 : memref<256xi32, #tpu.memory_space<hbm>>) target(%arg8 : memref<256xi32, #tpu.memory_space<vmem>>) target_semaphore(%arg17 : memref<!tpu.dma_semaphore, #tpu.memory_space<semaphore_mem>>)
      %mul3A_164 = arith.constant 256 : i32
      %mul3A_165 = arith.muli %add3A_159, %mul3A_164 : i32
      %dma_start3A_166 = tpu.memref_slice %arg4[%mul3A_165] : memref<800000xi32, #tpu.memory_space<hbm>> -> memref<256xi32, #tpu.memory_space<hbm>>
      %dma_start3A_167 = tpu.memref_slice %arg4[%mul3A_165] : memref<800000xi32, #tpu.memory_space<hbm>> -> memref<256xi32, #tpu.memory_space<hbm>>
      tpu.enqueue_dma source(%dma_start3A_167 : memref<256xi32, #tpu.memory_space<hbm>>) target(%arg11 : memref<256xi32, #tpu.memory_space<vmem>>) target_semaphore(%arg17 : memref<!tpu.dma_semaphore, #tpu.memory_space<semaphore_mem>>)
      %add3A_168 = arith.constant 2 : i32
      %add3A_169 = arith.addi %add3A_144, %add3A_168 : i32
      %mul3A_170 = arith.constant 256 : i32
      %mul3A_171 = arith.muli %add3A_169, %mul3A_170 : i32
      %dma_start3A_172 = tpu.memref_slice %arg3[%mul3A_171] : memref<800000xi32, #tpu.memory_space<hbm>> -> memref<256xi32, #tpu.memory_space<hbm>>
      %dma_start3A_173 = tpu.memref_slice %arg3[%mul3A_171] : memref<800000xi32, #tpu.memory_space<hbm>> -> memref<256xi32, #tpu.memory_space<hbm>>
      tpu.enqueue_dma source(%dma_start3A_173 : memref<256xi32, #tpu.memory_space<hbm>>) target(%arg9 : memref<256xi32, #tpu.memory_space<vmem>>) target_semaphore(%arg18 : memref<!tpu.dma_semaphore, #tpu.memory_space<semaphore_mem>>)
      %mul3A_174 = arith.constant 256 : i32
      %mul3A_175 = arith.muli %add3A_169, %mul3A_174 : i32
      %dma_start3A_176 = tpu.memref_slice %arg4[%mul3A_175] : memref<800000xi32, #tpu.memory_space<hbm>> -> memref<256xi32, #tpu.memory_space<hbm>>
      %dma_start3A_177 = tpu.memref_slice %arg4[%mul3A_175] : memref<800000xi32, #tpu.memory_space<hbm>> -> memref<256xi32, #tpu.memory_space<hbm>>
      tpu.enqueue_dma source(%dma_start3A_177 : memref<256xi32, #tpu.memory_space<hbm>>) target(%arg12 : memref<256xi32, #tpu.memory_space<vmem>>) target_semaphore(%arg18 : memref<!tpu.dma_semaphore, #tpu.memory_space<semaphore_mem>>)
      %add3A_178 = arith.constant 0 : i32
      %add3A_179 = arith.addi %add3A_144, %add3A_178 : i32
      %mul3A_180 = arith.constant 256 : i32
      %mul3A_181 = arith.muli %add3A_179, %mul3A_180 : i32
      %dma_wait3A = tpu.memref_slice %arg3[%mul3A_181] : memref<800000xi32, #tpu.memory_space<hbm>> -> memref<256xi32, #tpu.memory_space<hbm>>
      %dma_wait3A_182 = tpu.memref_slice %arg3[%mul3A_181] : memref<800000xi32, #tpu.memory_space<hbm>> -> memref<256xi32, #tpu.memory_space<hbm>>
      tpu.wait_dma2 semaphore(%arg16 : memref<!tpu.dma_semaphore, #tpu.memory_space<semaphore_mem>>) src(%dma_wait3A_182 : memref<256xi32, #tpu.memory_space<hbm>>) dst(%arg7 : memref<256xi32, #tpu.memory_space<vmem>>)
      %mul3A_183 = arith.constant 256 : i32
      %mul3A_184 = arith.muli %add3A_179, %mul3A_183 : i32
      %dma_wait3A_185 = tpu.memref_slice %arg4[%mul3A_184] : memref<800000xi32, #tpu.memory_space<hbm>> -> memref<256xi32, #tpu.memory_space<hbm>>
      %dma_wait3A_186 = tpu.memref_slice %arg4[%mul3A_184] : memref<800000xi32, #tpu.memory_space<hbm>> -> memref<256xi32, #tpu.memory_space<hbm>>
      tpu.wait_dma2 semaphore(%arg16 : memref<!tpu.dma_semaphore, #tpu.memory_space<semaphore_mem>>) src(%dma_wait3A_186 : memref<256xi32, #tpu.memory_space<hbm>>) dst(%arg10 : memref<256xi32, #tpu.memory_space<vmem>>)
      %dma_start3A_187 = arith.constant 0 : i32
      %dma_start3A_188 = arith.constant 0 : i32
      %dma_start3A_189 = tpu.memref_slice %arg2[%arg0, %dma_start3A_187, %dma_start3A_188] : memref<2x51200x32xf32, #tpu.memory_space<hbm>> -> memref<1x51200x32xf32, #tpu.memory_space<hbm>>
      %dma_start3A_190 = tpu.memref_squeeze %dma_start3A_189 : memref<1x51200x32xf32, #tpu.memory_space<hbm>> -> memref<51200x32xf32, #tpu.memory_space<hbm>>
      %dma_start3A_191 = arith.constant 0 : i32
      %dma_start3A_192 = arith.constant 0 : i32
      %dma_start3A_193 = tpu.memref_slice %dma_start3A_190[%dma_start3A_191, %dma_start3A_192] : memref<51200x32xf32, #tpu.memory_space<hbm>> -> memref<51200x32xf32, #tpu.memory_space<hbm>>
      tpu.enqueue_indirect_dma source(%dma_start3A_193 : memref<51200x32xf32, #tpu.memory_space<hbm>>) target(%arg13 : memref<256x32xf32, #tpu.memory_space<vmem>>) offsets(%arg7 : memref<256xi32, #tpu.memory_space<vmem>>) semaphore(%arg19 : memref<!tpu.dma_semaphore, #tpu.memory_space<semaphore_mem>>)
      %add3A_194 = arith.constant 1 : i32
      %add3A_195 = arith.addi %add3A_144, %add3A_194 : i32
      %mul3A_196 = arith.constant 256 : i32
      %mul3A_197 = arith.muli %add3A_195, %mul3A_196 : i32
      %dma_wait3A_198 = tpu.memref_slice %arg3[%mul3A_197] : memref<800000xi32, #tpu.memory_space<hbm>> -> memref<256xi32, #tpu.memory_space<hbm>>
      %dma_wait3A_199 = tpu.memref_slice %arg3[%mul3A_197] : memref<800000xi32, #tpu.memory_space<hbm>> -> memref<256xi32, #tpu.memory_space<hbm>>
      tpu.wait_dma2 semaphore(%arg17 : memref<!tpu.dma_semaphore, #tpu.memory_space<semaphore_mem>>) src(%dma_wait3A_199 : memref<256xi32, #tpu.memory_space<hbm>>) dst(%arg8 : memref<256xi32, #tpu.memory_space<vmem>>)
      %mul3A_200 = arith.constant 256 : i32
      %mul3A_201 = arith.muli %add3A_195, %mul3A_200 : i32
      %dma_wait3A_202 = tpu.memref_slice %arg4[%mul3A_201] : memref<800000xi32, #tpu.memory_space<hbm>> -> memref<256xi32, #tpu.memory_space<hbm>>
      %dma_wait3A_203 = tpu.memref_slice %arg4[%mul3A_201] : memref<800000xi32, #tpu.memory_space<hbm>> -> memref<256xi32, #tpu.memory_space<hbm>>
      tpu.wait_dma2 semaphore(%arg17 : memref<!tpu.dma_semaphore, #tpu.memory_space<semaphore_mem>>) src(%dma_wait3A_203 : memref<256xi32, #tpu.memory_space<hbm>>) dst(%arg11 : memref<256xi32, #tpu.memory_space<vmem>>)
      %dma_start3A_204 = arith.constant 0 : i32
      %dma_start3A_205 = arith.constant 0 : i32
      %dma_start3A_206 = tpu.memref_slice %arg2[%arg0, %dma_start3A_204, %dma_start3A_205] : memref<2x51200x32xf32, #tpu.memory_space<hbm>> -> memref<1x51200x32xf32, #tpu.memory_space<hbm>>
      %dma_start3A_207 = tpu.memref_squeeze %dma_start3A_206 : memref<1x51200x32xf32, #tpu.memory_space<hbm>> -> memref<51200x32xf32, #tpu.memory_space<hbm>>
      %dma_start3A_208 = arith.constant 0 : i32
      %dma_start3A_209 = arith.constant 0 : i32
      %dma_start3A_210 = tpu.memref_slice %dma_start3A_207[%dma_start3A_208, %dma_start3A_209] : memref<51200x32xf32, #tpu.memory_space<hbm>> -> memref<51200x32xf32, #tpu.memory_space<hbm>>
      tpu.enqueue_indirect_dma source(%dma_start3A_210 : memref<51200x32xf32, #tpu.memory_space<hbm>>) target(%arg14 : memref<256x32xf32, #tpu.memory_space<vmem>>) offsets(%arg8 : memref<256xi32, #tpu.memory_space<vmem>>) semaphore(%arg20 : memref<!tpu.dma_semaphore, #tpu.memory_space<semaphore_mem>>)
      %add3A_211 = arith.constant 2 : i32
      %add3A_212 = arith.addi %add3A_144, %add3A_211 : i32
      %mul3A_213 = arith.constant 256 : i32
      %mul3A_214 = arith.muli %add3A_212, %mul3A_213 : i32
      %dma_wait3A_215 = tpu.memref_slice %arg3[%mul3A_214] : memref<800000xi32, #tpu.memory_space<hbm>> -> memref<256xi32, #tpu.memory_space<hbm>>
      %dma_wait3A_216 = tpu.memref_slice %arg3[%mul3A_214] : memref<800000xi32, #tpu.memory_space<hbm>> -> memref<256xi32, #tpu.memory_space<hbm>>
      tpu.wait_dma2 semaphore(%arg18 : memref<!tpu.dma_semaphore, #tpu.memory_space<semaphore_mem>>) src(%dma_wait3A_216 : memref<256xi32, #tpu.memory_space<hbm>>) dst(%arg9 : memref<256xi32, #tpu.memory_space<vmem>>)
      %mul3A_217 = arith.constant 256 : i32
      %mul3A_218 = arith.muli %add3A_212, %mul3A_217 : i32
      %dma_wait3A_219 = tpu.memref_slice %arg4[%mul3A_218] : memref<800000xi32, #tpu.memory_space<hbm>> -> memref<256xi32, #tpu.memory_space<hbm>>
      %dma_wait3A_220 = tpu.memref_slice %arg4[%mul3A_218] : memref<800000xi32, #tpu.memory_space<hbm>> -> memref<256xi32, #tpu.memory_space<hbm>>
      tpu.wait_dma2 semaphore(%arg18 : memref<!tpu.dma_semaphore, #tpu.memory_space<semaphore_mem>>) src(%dma_wait3A_220 : memref<256xi32, #tpu.memory_space<hbm>>) dst(%arg12 : memref<256xi32, #tpu.memory_space<vmem>>)
      %dma_start3A_221 = arith.constant 0 : i32
      %dma_start3A_222 = arith.constant 0 : i32
      %dma_start3A_223 = tpu.memref_slice %arg2[%arg0, %dma_start3A_221, %dma_start3A_222] : memref<2x51200x32xf32, #tpu.memory_space<hbm>> -> memref<1x51200x32xf32, #tpu.memory_space<hbm>>
      %dma_start3A_224 = tpu.memref_squeeze %dma_start3A_223 : memref<1x51200x32xf32, #tpu.memory_space<hbm>> -> memref<51200x32xf32, #tpu.memory_space<hbm>>
      %dma_start3A_225 = arith.constant 0 : i32
      %dma_start3A_226 = arith.constant 0 : i32
      %dma_start3A_227 = tpu.memref_slice %dma_start3A_224[%dma_start3A_225, %dma_start3A_226] : memref<51200x32xf32, #tpu.memory_space<hbm>> -> memref<51200x32xf32, #tpu.memory_space<hbm>>
      tpu.enqueue_indirect_dma source(%dma_start3A_227 : memref<51200x32xf32, #tpu.memory_space<hbm>>) target(%arg15 : memref<256x32xf32, #tpu.memory_space<vmem>>) offsets(%arg9 : memref<256xi32, #tpu.memory_space<vmem>>) semaphore(%arg21 : memref<!tpu.dma_semaphore, #tpu.memory_space<semaphore_mem>>)
      %dma_wait3A_228 = arith.constant 0 : i32
      %dma_wait3A_229 = arith.constant 0 : i32
      %dma_wait3A_230 = tpu.memref_slice %arg2[%arg0, %dma_wait3A_228, %dma_wait3A_229] : memref<2x51200x32xf32, #tpu.memory_space<hbm>> -> memref<1x51200x32xf32, #tpu.memory_space<hbm>>
      %dma_wait3A_231 = tpu.memref_squeeze %dma_wait3A_230 : memref<1x51200x32xf32, #tpu.memory_space<hbm>> -> memref<51200x32xf32, #tpu.memory_space<hbm>>
      %dma_wait3A_232 = arith.constant 0 : i32
      %dma_wait3A_233 = arith.constant 0 : i32
      %dma_wait3A_234 = tpu.memref_slice %dma_wait3A_231[%dma_wait3A_232, %dma_wait3A_233] : memref<51200x32xf32, #tpu.memory_space<hbm>> -> memref<51200x32xf32, #tpu.memory_space<hbm>>
      tpu.wait_indirect_dma semaphore(%arg19 : memref<!tpu.dma_semaphore, #tpu.memory_space<semaphore_mem>>) src(%dma_wait3A_234 : memref<51200x32xf32, #tpu.memory_space<hbm>>) dst(%arg13 : memref<256x32xf32, #tpu.memory_space<vmem>>)
      %dma_start3A_235 = arith.constant 0 : i32
      %dma_start3A_236 = arith.constant 0 : i32
      %dma_start3A_237 = tpu.memref_slice %arg6[%dma_start3A_235, %dma_start3A_236] : memref<51200x32xf32, #tpu.memory_space<vmem_shared>> -> memref<51200x32xf32, #tpu.memory_space<vmem_shared>>
      tpu.enqueue_indirect_dma source(%arg13 : memref<256x32xf32, #tpu.memory_space<vmem>>) target(%dma_start3A_237 : memref<51200x32xf32, #tpu.memory_space<vmem_shared>>) offsets(%arg10 : memref<256xi32, #tpu.memory_space<vmem>>) semaphore(%arg22 : memref<!tpu.dma_semaphore, #tpu.memory_space<semaphore_mem>>) {add = true}
      %dma_wait3A_238 = arith.constant 0 : i32
      %dma_wait3A_239 = arith.constant 0 : i32
      %dma_wait3A_240 = tpu.memref_slice %arg2[%arg0, %dma_wait3A_238, %dma_wait3A_239] : memref<2x51200x32xf32, #tpu.memory_space<hbm>> -> memref<1x51200x32xf32, #tpu.memory_space<hbm>>
      %dma_wait3A_241 = tpu.memref_squeeze %dma_wait3A_240 : memref<1x51200x32xf32, #tpu.memory_space<hbm>> -> memref<51200x32xf32, #tpu.memory_space<hbm>>
      %dma_wait3A_242 = arith.constant 0 : i32
      %dma_wait3A_243 = arith.constant 0 : i32
      %dma_wait3A_244 = tpu.memref_slice %dma_wait3A_241[%dma_wait3A_242, %dma_wait3A_243] : memref<51200x32xf32, #tpu.memory_space<hbm>> -> memref<51200x32xf32, #tpu.memory_space<hbm>>
      tpu.wait_indirect_dma semaphore(%arg20 : memref<!tpu.dma_semaphore, #tpu.memory_space<semaphore_mem>>) src(%dma_wait3A_244 : memref<51200x32xf32, #tpu.memory_space<hbm>>) dst(%arg14 : memref<256x32xf32, #tpu.memory_space<vmem>>)
      %dma_start3A_245 = arith.constant 0 : i32
      %dma_start3A_246 = arith.constant 0 : i32
      %dma_start3A_247 = tpu.memref_slice %arg6[%dma_start3A_245, %dma_start3A_246] : memref<51200x32xf32, #tpu.memory_space<vmem_shared>> -> memref<51200x32xf32, #tpu.memory_space<vmem_shared>>
      tpu.enqueue_indirect_dma source(%arg14 : memref<256x32xf32, #tpu.memory_space<vmem>>) target(%dma_start3A_247 : memref<51200x32xf32, #tpu.memory_space<vmem_shared>>) offsets(%arg11 : memref<256xi32, #tpu.memory_space<vmem>>) semaphore(%arg23 : memref<!tpu.dma_semaphore, #tpu.memory_space<semaphore_mem>>) {add = true}
      %dma_wait3A_248 = arith.constant 0 : i32
      %dma_wait3A_249 = arith.constant 0 : i32
      %dma_wait3A_250 = tpu.memref_slice %arg2[%arg0, %dma_wait3A_248, %dma_wait3A_249] : memref<2x51200x32xf32, #tpu.memory_space<hbm>> -> memref<1x51200x32xf32, #tpu.memory_space<hbm>>
      %dma_wait3A_251 = tpu.memref_squeeze %dma_wait3A_250 : memref<1x51200x32xf32, #tpu.memory_space<hbm>> -> memref<51200x32xf32, #tpu.memory_space<hbm>>
      %dma_wait3A_252 = arith.constant 0 : i32
      %dma_wait3A_253 = arith.constant 0 : i32
      %dma_wait3A_254 = tpu.memref_slice %dma_wait3A_251[%dma_wait3A_252, %dma_wait3A_253] : memref<51200x32xf32, #tpu.memory_space<hbm>> -> memref<51200x32xf32, #tpu.memory_space<hbm>>
      tpu.wait_indirect_dma semaphore(%arg21 : memref<!tpu.dma_semaphore, #tpu.memory_space<semaphore_mem>>) src(%dma_wait3A_254 : memref<51200x32xf32, #tpu.memory_space<hbm>>) dst(%arg15 : memref<256x32xf32, #tpu.memory_space<vmem>>)
      %dma_start3A_255 = arith.constant 0 : i32
      %dma_start3A_256 = arith.constant 0 : i32
      %dma_start3A_257 = tpu.memref_slice %arg6[%dma_start3A_255, %dma_start3A_256] : memref<51200x32xf32, #tpu.memory_space<vmem_shared>> -> memref<51200x32xf32, #tpu.memory_space<vmem_shared>>
      tpu.enqueue_indirect_dma source(%arg15 : memref<256x32xf32, #tpu.memory_space<vmem>>) target(%dma_start3A_257 : memref<51200x32xf32, #tpu.memory_space<vmem_shared>>) offsets(%arg12 : memref<256xi32, #tpu.memory_space<vmem>>) semaphore(%arg24 : memref<!tpu.dma_semaphore, #tpu.memory_space<semaphore_mem>>) {add = true}
    }
    %while3A_122 = arith.constant 1 : i32
    scf.for %while3A_142 = %while3A_120 to %while3A_116 step %while3A_122  : i32 {
      %mul3A_143 = arith.muli %while3A_142, %while3A : i32
      %add3A_144 = arith.addi %select_n3A, %mul3A_143 : i32
      %gt3A_145 = arith.cmpi sgt, %add3A_144, %select_n3A : i32
      %convert_element_type3A_146 = arith.extui %gt3A_145 : i1 to i32
      %cond3A_147 = arith.constant 0 : i32
      %cond3A_148 = arith.cmpi ne, %convert_element_type3A_146, %cond3A_147 : i32
      scf.if %cond3A_148 {
        %dma_wait3A_258 = arith.constant 0 : i32
        %dma_wait3A_259 = arith.constant 0 : i32
        %dma_wait3A_260 = tpu.memref_slice %arg6[%dma_wait3A_258, %dma_wait3A_259] : memref<51200x32xf32, #tpu.memory_space<vmem_shared>> -> memref<51200x32xf32, #tpu.memory_space<vmem_shared>>
        tpu.wait_indirect_dma semaphore(%arg22 : memref<!tpu.dma_semaphore, #tpu.memory_space<semaphore_mem>>) src(%arg13 : memref<256x32xf32, #tpu.memory_space<vmem>>) dst(%dma_wait3A_260 : memref<51200x32xf32, #tpu.memory_space<vmem_shared>>)
        %dma_wait3A_261 = arith.constant 0 : i32
        %dma_wait3A_262 = arith.constant 0 : i32
        %dma_wait3A_263 = tpu.memref_slice %arg6[%dma_wait3A_261, %dma_wait3A_262] : memref<51200x32xf32, #tpu.memory_space<vmem_shared>> -> memref<51200x32xf32, #tpu.memory_space<vmem_shared>>
        tpu.wait_indirect_dma semaphore(%arg23 : memref<!tpu.dma_semaphore, #tpu.memory_space<semaphore_mem>>) src(%arg14 : memref<256x32xf32, #tpu.memory_space<vmem>>) dst(%dma_wait3A_263 : memref<51200x32xf32, #tpu.memory_space<vmem_shared>>)
        %dma_wait3A_264 = arith.constant 0 : i32
        %dma_wait3A_265 = arith.constant 0 : i32
        %dma_wait3A_266 = tpu.memref_slice %arg6[%dma_wait3A_264, %dma_wait3A_265] : memref<51200x32xf32, #tpu.memory_space<vmem_shared>> -> memref<51200x32xf32, #tpu.memory_space<vmem_shared>>
        tpu.wait_indirect_dma semaphore(%arg24 : memref<!tpu.dma_semaphore, #tpu.memory_space<semaphore_mem>>) src(%arg15 : memref<256x32xf32, #tpu.memory_space<vmem>>) dst(%dma_wait3A_266 : memref<51200x32xf32, #tpu.memory_space<vmem_shared>>)
      } else {
      }
      %add3A_149 = arith.constant 0 : i32
      %add3A_150 = arith.addi %add3A_144, %add3A_149 : i32
      %mul3A_151 = arith.constant 256 : i32
      %mul3A_152 = arith.muli %add3A_150, %mul3A_151 : i32
      %dma_start3A = tpu.memref_slice %arg3[%mul3A_152] : memref<800000xi32, #tpu.memory_space<hbm>> -> memref<256xi32, #tpu.memory_space<hbm>>
      %dma_start3A_153 = tpu.memref_slice %arg3[%mul3A_152] : memref<800000xi32, #tpu.memory_space<hbm>> -> memref<256xi32, #tpu.memory_space<hbm>>
      tpu.enqueue_dma source(%dma_start3A_153 : memref<256xi32, #tpu.memory_space<hbm>>) target(%arg7 : memref<256xi32, #tpu.memory_space<vmem>>) target_semaphore(%arg16 : memref<!tpu.dma_semaphore, #tpu.memory_space<semaphore_mem>>)
      %mul3A_154 = arith.constant 256 : i32
      %mul3A_155 = arith.muli %add3A_150, %mul3A_154 : i32
      %dma_start3A_156 = tpu.memref_slice %arg4[%mul3A_155] : memref<800000xi32, #tpu.memory_space<hbm>> -> memref<256xi32, #tpu.memory_space<hbm>>
      %dma_start3A_157 = tpu.memref_slice %arg4[%mul3A_155] : memref<800000xi32, #tpu.memory_space<hbm>> -> memref<256xi32, #tpu.memory_space<hbm>>
      tpu.enqueue_dma source(%dma_start3A_157 : memref<256xi32, #tpu.memory_space<hbm>>) target(%arg10 : memref<256xi32, #tpu.memory_space<vmem>>) target_semaphore(%arg16 : memref<!tpu.dma_semaphore, #tpu.memory_space<semaphore_mem>>)
      %add3A_158 = arith.constant 1 : i32
      %add3A_159 = arith.addi %add3A_144, %add3A_158 : i32
      %mul3A_160 = arith.constant 256 : i32
      %mul3A_161 = arith.muli %add3A_159, %mul3A_160 : i32
      %dma_start3A_162 = tpu.memref_slice %arg3[%mul3A_161] : memref<800000xi32, #tpu.memory_space<hbm>> -> memref<256xi32, #tpu.memory_space<hbm>>
      %dma_start3A_163 = tpu.memref_slice %arg3[%mul3A_161] : memref<800000xi32, #tpu.memory_space<hbm>> -> memref<256xi32, #tpu.memory_space<hbm>>
      tpu.enqueue_dma source(%dma_start3A_163 : memref<256xi32, #tpu.memory_space<hbm>>) target(%arg8 : memref<256xi32, #tpu.memory_space<vmem>>) target_semaphore(%arg17 : memref<!tpu.dma_semaphore, #tpu.memory_space<semaphore_mem>>)
      %mul3A_164 = arith.constant 256 : i32
      %mul3A_165 = arith.muli %add3A_159, %mul3A_164 : i32
      %dma_start3A_166 = tpu.memref_slice %arg4[%mul3A_165] : memref<800000xi32, #tpu.memory_space<hbm>> -> memref<256xi32, #tpu.memory_space<hbm>>
      %dma_start3A_167 = tpu.memref_slice %arg4[%mul3A_165] : memref<800000xi32, #tpu.memory_space<hbm>> -> memref<256xi32, #tpu.memory_space<hbm>>
      tpu.enqueue_dma source(%dma_start3A_167 : memref<256xi32, #tpu.memory_space<hbm>>) target(%arg11 : memref<256xi32, #tpu.memory_space<vmem>>) target_semaphore(%arg17 : memref<!tpu.dma_semaphore, #tpu.memory_space<semaphore_mem>>)
      %add3A_168 = arith.constant 2 : i32
      %add3A_169 = arith.addi %add3A_144, %add3A_168 : i32
      %mul3A_170 = arith.constant 256 : i32
      %mul3A_171 = arith.muli %add3A_169, %mul3A_170 : i32
      %dma_start3A_172 = tpu.memref_slice %arg3[%mul3A_171] : memref<800000xi32, #tpu.memory_space<hbm>> -> memref<256xi32, #tpu.memory_space<hbm>>
      %dma_start3A_173 = tpu.memref_slice %arg3[%mul3A_171] : memref<800000xi32, #tpu.memory_space<hbm>> -> memref<256xi32, #tpu.memory_space<hbm>>
      tpu.enqueue_dma source(%dma_start3A_173 : memref<256xi32, #tpu.memory_space<hbm>>) target(%arg9 : memref<256xi32, #tpu.memory_space<vmem>>) target_semaphore(%arg18 : memref<!tpu.dma_semaphore, #tpu.memory_space<semaphore_mem>>)
      %mul3A_174 = arith.constant 256 : i32
      %mul3A_175 = arith.muli %add3A_169, %mul3A_174 : i32
      %dma_start3A_176 = tpu.memref_slice %arg4[%mul3A_175] : memref<800000xi32, #tpu.memory_space<hbm>> -> memref<256xi32, #tpu.memory_space<hbm>>
      %dma_start3A_177 = tpu.memref_slice %arg4[%mul3A_175] : memref<800000xi32, #tpu.memory_space<hbm>> -> memref<256xi32, #tpu.memory_space<hbm>>
      tpu.enqueue_dma source(%dma_start3A_177 : memref<256xi32, #tpu.memory_space<hbm>>) target(%arg12 : memref<256xi32, #tpu.memory_space<vmem>>) target_semaphore(%arg18 : memref<!tpu.dma_semaphore, #tpu.memory_space<semaphore_mem>>)
      %add3A_178 = arith.constant 0 : i32
      %add3A_179 = arith.addi %add3A_144, %add3A_178 : i32
      %mul3A_180 = arith.constant 256 : i32
      %mul3A_181 = arith.muli %add3A_179, %mul3A_180 : i32
      %dma_wait3A = tpu.memref_slice %arg3[%mul3A_181] : memref<800000xi32, #tpu.memory_space<hbm>> -> memref<256xi32, #tpu.memory_space<hbm>>
      %dma_wait3A_182 = tpu.memref_slice %arg3[%mul3A_181] : memref<800000xi32, #tpu.memory_space<hbm>> -> memref<256xi32, #tpu.memory_space<hbm>>
      tpu.wait_dma2 semaphore(%arg16 : memref<!tpu.dma_semaphore, #tpu.memory_space<semaphore_mem>>) src(%dma_wait3A_182 : memref<256xi32, #tpu.memory_space<hbm>>) dst(%arg7 : memref<256xi32, #tpu.memory_space<vmem>>)
      %mul3A_183 = arith.constant 256 : i32
      %mul3A_184 = arith.muli %add3A_179, %mul3A_183 : i32
      %dma_wait3A_185 = tpu.memref_slice %arg4[%mul3A_184] : memref<800000xi32, #tpu.memory_space<hbm>> -> memref<256xi32, #tpu.memory_space<hbm>>
      %dma_wait3A_186 = tpu.memref_slice %arg4[%mul3A_184] : memref<800000xi32, #tpu.memory_space<hbm>> -> memref<256xi32, #tpu.memory_space<hbm>>
      tpu.wait_dma2 semaphore(%arg16 : memref<!tpu.dma_semaphore, #tpu.memory_space<semaphore_mem>>) src(%dma_wait3A_186 : memref<256xi32, #tpu.memory_space<hbm>>) dst(%arg10 : memref<256xi32, #tpu.memory_space<vmem>>)
      %dma_start3A_187 = arith.constant 0 : i32
      %dma_start3A_188 = arith.constant 0 : i32
      %dma_start3A_189 = tpu.memref_slice %arg2[%arg0, %dma_start3A_187, %dma_start3A_188] : memref<2x51200x32xf32, #tpu.memory_space<hbm>> -> memref<1x51200x32xf32, #tpu.memory_space<hbm>>
      %dma_start3A_190 = tpu.memref_squeeze %dma_start3A_189 : memref<1x51200x32xf32, #tpu.memory_space<hbm>> -> memref<51200x32xf32, #tpu.memory_space<hbm>>
      %dma_start3A_191 = arith.constant 0 : i32
      %dma_start3A_192 = arith.constant 0 : i32
      %dma_start3A_193 = tpu.memref_slice %dma_start3A_190[%dma_start3A_191, %dma_start3A_192] : memref<51200x32xf32, #tpu.memory_space<hbm>> -> memref<51200x32xf32, #tpu.memory_space<hbm>>
      tpu.enqueue_indirect_dma source(%dma_start3A_193 : memref<51200x32xf32, #tpu.memory_space<hbm>>) target(%arg13 : memref<256x32xf32, #tpu.memory_space<vmem>>) offsets(%arg7 : memref<256xi32, #tpu.memory_space<vmem>>) semaphore(%arg19 : memref<!tpu.dma_semaphore, #tpu.memory_space<semaphore_mem>>)
      %add3A_194 = arith.constant 1 : i32
      %add3A_195 = arith.addi %add3A_144, %add3A_194 : i32
      %mul3A_196 = arith.constant 256 : i32
      %mul3A_197 = arith.muli %add3A_195, %mul3A_196 : i32
      %dma_wait3A_198 = tpu.memref_slice %arg3[%mul3A_197] : memref<800000xi32, #tpu.memory_space<hbm>> -> memref<256xi32, #tpu.memory_space<hbm>>
      %dma_wait3A_199 = tpu.memref_slice %arg3[%mul3A_197] : memref<800000xi32, #tpu.memory_space<hbm>> -> memref<256xi32, #tpu.memory_space<hbm>>
      tpu.wait_dma2 semaphore(%arg17 : memref<!tpu.dma_semaphore, #tpu.memory_space<semaphore_mem>>) src(%dma_wait3A_199 : memref<256xi32, #tpu.memory_space<hbm>>) dst(%arg8 : memref<256xi32, #tpu.memory_space<vmem>>)
      %mul3A_200 = arith.constant 256 : i32
      %mul3A_201 = arith.muli %add3A_195, %mul3A_200 : i32
      %dma_wait3A_202 = tpu.memref_slice %arg4[%mul3A_201] : memref<800000xi32, #tpu.memory_space<hbm>> -> memref<256xi32, #tpu.memory_space<hbm>>
      %dma_wait3A_203 = tpu.memref_slice %arg4[%mul3A_201] : memref<800000xi32, #tpu.memory_space<hbm>> -> memref<256xi32, #tpu.memory_space<hbm>>
      tpu.wait_dma2 semaphore(%arg17 : memref<!tpu.dma_semaphore, #tpu.memory_space<semaphore_mem>>) src(%dma_wait3A_203 : memref<256xi32, #tpu.memory_space<hbm>>) dst(%arg11 : memref<256xi32, #tpu.memory_space<vmem>>)
      %dma_start3A_204 = arith.constant 0 : i32
      %dma_start3A_205 = arith.constant 0 : i32
      %dma_start3A_206 = tpu.memref_slice %arg2[%arg0, %dma_start3A_204, %dma_start3A_205] : memref<2x51200x32xf32, #tpu.memory_space<hbm>> -> memref<1x51200x32xf32, #tpu.memory_space<hbm>>
      %dma_start3A_207 = tpu.memref_squeeze %dma_start3A_206 : memref<1x51200x32xf32, #tpu.memory_space<hbm>> -> memref<51200x32xf32, #tpu.memory_space<hbm>>
      %dma_start3A_208 = arith.constant 0 : i32
      %dma_start3A_209 = arith.constant 0 : i32
      %dma_start3A_210 = tpu.memref_slice %dma_start3A_207[%dma_start3A_208, %dma_start3A_209] : memref<51200x32xf32, #tpu.memory_space<hbm>> -> memref<51200x32xf32, #tpu.memory_space<hbm>>
      tpu.enqueue_indirect_dma source(%dma_start3A_210 : memref<51200x32xf32, #tpu.memory_space<hbm>>) target(%arg14 : memref<256x32xf32, #tpu.memory_space<vmem>>) offsets(%arg8 : memref<256xi32, #tpu.memory_space<vmem>>) semaphore(%arg20 : memref<!tpu.dma_semaphore, #tpu.memory_space<semaphore_mem>>)
      %add3A_211 = arith.constant 2 : i32
      %add3A_212 = arith.addi %add3A_144, %add3A_211 : i32
      %mul3A_213 = arith.constant 256 : i32
      %mul3A_214 = arith.muli %add3A_212, %mul3A_213 : i32
      %dma_wait3A_215 = tpu.memref_slice %arg3[%mul3A_214] : memref<800000xi32, #tpu.memory_space<hbm>> -> memref<256xi32, #tpu.memory_space<hbm>>
      %dma_wait3A_216 = tpu.memref_slice %arg3[%mul3A_214] : memref<800000xi32, #tpu.memory_space<hbm>> -> memref<256xi32, #tpu.memory_space<hbm>>
      tpu.wait_dma2 semaphore(%arg18 : memref<!tpu.dma_semaphore, #tpu.memory_space<semaphore_mem>>) src(%dma_wait3A_216 : memref<256xi32, #tpu.memory_space<hbm>>) dst(%arg9 : memref<256xi32, #tpu.memory_space<vmem>>)
      %mul3A_217 = arith.constant 256 : i32
      %mul3A_218 = arith.muli %add3A_212, %mul3A_217 : i32
      %dma_wait3A_219 = tpu.memref_slice %arg4[%mul3A_218] : memref<800000xi32, #tpu.memory_space<hbm>> -> memref<256xi32, #tpu.memory_space<hbm>>
      %dma_wait3A_220 = tpu.memref_slice %arg4[%mul3A_218] : memref<800000xi32, #tpu.memory_space<hbm>> -> memref<256xi32, #tpu.memory_space<hbm>>
      tpu.wait_dma2 semaphore(%arg18 : memref<!tpu.dma_semaphore, #tpu.memory_space<semaphore_mem>>) src(%dma_wait3A_220 : memref<256xi32, #tpu.memory_space<hbm>>) dst(%arg12 : memref<256xi32, #tpu.memory_space<vmem>>)
      %dma_start3A_221 = arith.constant 0 : i32
      %dma_start3A_222 = arith.constant 0 : i32
      %dma_start3A_223 = tpu.memref_slice %arg2[%arg0, %dma_start3A_221, %dma_start3A_222] : memref<2x51200x32xf32, #tpu.memory_space<hbm>> -> memref<1x51200x32xf32, #tpu.memory_space<hbm>>
      %dma_start3A_224 = tpu.memref_squeeze %dma_start3A_223 : memref<1x51200x32xf32, #tpu.memory_space<hbm>> -> memref<51200x32xf32, #tpu.memory_space<hbm>>
      %dma_start3A_225 = arith.constant 0 : i32
      %dma_start3A_226 = arith.constant 0 : i32
      %dma_start3A_227 = tpu.memref_slice %dma_start3A_224[%dma_start3A_225, %dma_start3A_226] : memref<51200x32xf32, #tpu.memory_space<hbm>> -> memref<51200x32xf32, #tpu.memory_space<hbm>>
      tpu.enqueue_indirect_dma source(%dma_start3A_227 : memref<51200x32xf32, #tpu.memory_space<hbm>>) target(%arg15 : memref<256x32xf32, #tpu.memory_space<vmem>>) offsets(%arg9 : memref<256xi32, #tpu.memory_space<vmem>>) semaphore(%arg21 : memref<!tpu.dma_semaphore, #tpu.memory_space<semaphore_mem>>)
      %dma_wait3A_228 = arith.constant 0 : i32
      %dma_wait3A_229 = arith.constant 0 : i32
      %dma_wait3A_230 = tpu.memref_slice %arg2[%arg0, %dma_wait3A_228, %dma_wait3A_229] : memref<2x51200x32xf32, #tpu.memory_space<hbm>> -> memref<1x51200x32xf32, #tpu.memory_space<hbm>>
      %dma_wait3A_231 = tpu.memref_squeeze %dma_wait3A_230 : memref<1x51200x32xf32, #tpu.memory_space<hbm>> -> memref<51200x32xf32, #tpu.memory_space<hbm>>
      %dma_wait3A_232 = arith.constant 0 : i32
      %dma_wait3A_233 = arith.constant 0 : i32
      %dma_wait3A_234 = tpu.memref_slice %dma_wait3A_231[%dma_wait3A_232, %dma_wait3A_233] : memref<51200x32xf32, #tpu.memory_space<hbm>> -> memref<51200x32xf32, #tpu.memory_space<hbm>>
      tpu.wait_indirect_dma semaphore(%arg19 : memref<!tpu.dma_semaphore, #tpu.memory_space<semaphore_mem>>) src(%dma_wait3A_234 : memref<51200x32xf32, #tpu.memory_space<hbm>>) dst(%arg13 : memref<256x32xf32, #tpu.memory_space<vmem>>)
      %dma_start3A_235 = arith.constant 0 : i32
      %dma_start3A_236 = arith.constant 0 : i32
      %dma_start3A_237 = tpu.memref_slice %arg6[%dma_start3A_235, %dma_start3A_236] : memref<51200x32xf32, #tpu.memory_space<vmem_shared>> -> memref<51200x32xf32, #tpu.memory_space<vmem_shared>>
      tpu.enqueue_indirect_dma source(%arg13 : memref<256x32xf32, #tpu.memory_space<vmem>>) target(%dma_start3A_237 : memref<51200x32xf32, #tpu.memory_space<vmem_shared>>) offsets(%arg10 : memref<256xi32, #tpu.memory_space<vmem>>) semaphore(%arg22 : memref<!tpu.dma_semaphore, #tpu.memory_space<semaphore_mem>>) {add = true}
      %dma_wait3A_238 = arith.constant 0 : i32
      %dma_wait3A_239 = arith.constant 0 : i32
      %dma_wait3A_240 = tpu.memref_slice %arg2[%arg0, %dma_wait3A_238, %dma_wait3A_239] : memref<2x51200x32xf32, #tpu.memory_space<hbm>> -> memref<1x51200x32xf32, #tpu.memory_space<hbm>>
      %dma_wait3A_241 = tpu.memref_squeeze %dma_wait3A_240 : memref<1x51200x32xf32, #tpu.memory_space<hbm>> -> memref<51200x32xf32, #tpu.memory_space<hbm>>
      %dma_wait3A_242 = arith.constant 0 : i32
      %dma_wait3A_243 = arith.constant 0 : i32
      %dma_wait3A_244 = tpu.memref_slice %dma_wait3A_241[%dma_wait3A_242, %dma_wait3A_243] : memref<51200x32xf32, #tpu.memory_space<hbm>> -> memref<51200x32xf32, #tpu.memory_space<hbm>>
      tpu.wait_indirect_dma semaphore(%arg20 : memref<!tpu.dma_semaphore, #tpu.memory_space<semaphore_mem>>) src(%dma_wait3A_244 : memref<51200x32xf32, #tpu.memory_space<hbm>>) dst(%arg14 : memref<256x32xf32, #tpu.memory_space<vmem>>)
      %dma_start3A_245 = arith.constant 0 : i32
      %dma_start3A_246 = arith.constant 0 : i32
      %dma_start3A_247 = tpu.memref_slice %arg6[%dma_start3A_245, %dma_start3A_246] : memref<51200x32xf32, #tpu.memory_space<vmem_shared>> -> memref<51200x32xf32, #tpu.memory_space<vmem_shared>>
      tpu.enqueue_indirect_dma source(%arg14 : memref<256x32xf32, #tpu.memory_space<vmem>>) target(%dma_start3A_247 : memref<51200x32xf32, #tpu.memory_space<vmem_shared>>) offsets(%arg11 : memref<256xi32, #tpu.memory_space<vmem>>) semaphore(%arg23 : memref<!tpu.dma_semaphore, #tpu.memory_space<semaphore_mem>>) {add = true}
      %dma_wait3A_248 = arith.constant 0 : i32
      %dma_wait3A_249 = arith.constant 0 : i32
      %dma_wait3A_250 = tpu.memref_slice %arg2[%arg0, %dma_wait3A_248, %dma_wait3A_249] : memref<2x51200x32xf32, #tpu.memory_space<hbm>> -> memref<1x51200x32xf32, #tpu.memory_space<hbm>>
      %dma_wait3A_251 = tpu.memref_squeeze %dma_wait3A_250 : memref<1x51200x32xf32, #tpu.memory_space<hbm>> -> memref<51200x32xf32, #tpu.memory_space<hbm>>
      %dma_wait3A_252 = arith.constant 0 : i32
      %dma_wait3A_253 = arith.constant 0 : i32
      %dma_wait3A_254 = tpu.memref_slice %dma_wait3A_251[%dma_wait3A_252, %dma_wait3A_253] : memref<51200x32xf32, #tpu.memory_space<hbm>> -> memref<51200x32xf32, #tpu.memory_space<hbm>>
      tpu.wait_indirect_dma semaphore(%arg21 : memref<!tpu.dma_semaphore, #tpu.memory_space<semaphore_mem>>) src(%dma_wait3A_254 : memref<51200x32xf32, #tpu.memory_space<hbm>>) dst(%arg15 : memref<256x32xf32, #tpu.memory_space<vmem>>)
      %dma_start3A_255 = arith.constant 0 : i32
      %dma_start3A_256 = arith.constant 0 : i32
      %dma_start3A_257 = tpu.memref_slice %arg6[%dma_start3A_255, %dma_start3A_256] : memref<51200x32xf32, #tpu.memory_space<vmem_shared>> -> memref<51200x32xf32, #tpu.memory_space<vmem_shared>>
      tpu.enqueue_indirect_dma source(%arg15 : memref<256x32xf32, #tpu.memory_space<vmem>>) target(%dma_start3A_257 : memref<51200x32xf32, #tpu.memory_space<vmem_shared>>) offsets(%arg12 : memref<256xi32, #tpu.memory_space<vmem>>) semaphore(%arg24 : memref<!tpu.dma_semaphore, #tpu.memory_space<semaphore_mem>>) {add = true}
    }
    %gt3A = arith.cmpi sgt, %add3A_106, %select_n3A : i32
    %convert_element_type3A = arith.extui %gt3A : i1 to i32
    %cond3A = arith.constant 0 : i32
    %cond3A_123 = arith.cmpi ne, %convert_element_type3A, %cond3A : i32
    scf.if %cond3A_123 {
      %dma_wait3A = arith.constant 0 : i32
      %dma_wait3A_142 = arith.constant 0 : i32
      %dma_wait3A_143 = tpu.memref_slice %arg6[%dma_wait3A, %dma_wait3A_142] : memref<51200x32xf32, #tpu.memory_space<vmem_shared>> -> memref<51200x32xf32, #tpu.memory_space<vmem_shared>>
      tpu.wait_indirect_dma semaphore(%arg22 : memref<!tpu.dma_semaphore, #tpu.memory_space<semaphore_mem>>) src(%arg13 : memref<256x32xf32, #tpu.memory_space<vmem>>) dst(%dma_wait3A_143 : memref<51200x32xf32, #tpu.memory_space<vmem_shared>>)
      %dma_wait3A_144 = arith.constant 0 : i32
      %dma_wait3A_145 = arith.constant 0 : i32
      %dma_wait3A_146 = tpu.memref_slice %arg6[%dma_wait3A_144, %dma_wait3A_145] : memref<51200x32xf32, #tpu.memory_space<vmem_shared>> -> memref<51200x32xf32, #tpu.memory_space<vmem_shared>>
      tpu.wait_indirect_dma semaphore(%arg23 : memref<!tpu.dma_semaphore, #tpu.memory_space<semaphore_mem>>) src(%arg14 : memref<256x32xf32, #tpu.memory_space<vmem>>) dst(%dma_wait3A_146 : memref<51200x32xf32, #tpu.memory_space<vmem_shared>>)
      %dma_wait3A_147 = arith.constant 0 : i32
      %dma_wait3A_148 = arith.constant 0 : i32
      %dma_wait3A_149 = tpu.memref_slice %arg6[%dma_wait3A_147, %dma_wait3A_148] : memref<51200x32xf32, #tpu.memory_space<vmem_shared>> -> memref<51200x32xf32, #tpu.memory_space<vmem_shared>>
      tpu.wait_indirect_dma semaphore(%arg24 : memref<!tpu.dma_semaphore, #tpu.memory_space<semaphore_mem>>) src(%arg15 : memref<256x32xf32, #tpu.memory_space<vmem>>) dst(%dma_wait3A_149 : memref<51200x32xf32, #tpu.memory_space<vmem_shared>>)
    } else {
    }
    %sub3A_124 = arith.subi %select_n3A_78, %add3A_106 : i32
    %sub3A_125 = arith.constant 1 : i32
    %sub3A_126 = arith.constant 1 : i32
    %sub3A_127 = arith.subi %sub3A_125, %sub3A_126 : i32
    %add3A_128 = arith.addi %sub3A_124, %sub3A_127 : i32
    %div3A_129 = arith.constant 1 : i32
    %div3A_130 = arith.divsi %add3A_128, %div3A_129 : i32
    %while3A_131 = arith.constant 1 : i32
    %while3A_132 = arith.constant 0 : i32
    %while3A_133 = arith.subi %div3A_130, %while3A_132 : i32
    %while3A_134 = arith.addi %while3A_132, %while3A_133 : i32
    %while3A_135 = arith.constant 1 : i32
    %while3A_136 = arith.divsi %while3A_133, %while3A_135 : i32
    %while3A_137 = arith.muli %while3A_136, %while3A_135 : i32
    %while3A_138 = arith.addi %while3A_132, %while3A_137 : i32
    %while3A_139 = arith.constant 1 : i32
    scf.for %while3A_142 = %while3A_132 to %while3A_138 step %while3A_139  : i32 {
      %mul3A_143 = arith.muli %while3A_142, %while3A_131 : i32
      %add3A_144 = arith.addi %add3A_106, %mul3A_143 : i32
      %mul3A_145 = arith.constant 256 : i32
      %mul3A_146 = arith.muli %add3A_144, %mul3A_145 : i32
      %dma_start3A = tpu.memref_slice %arg3[%mul3A_146] : memref<800000xi32, #tpu.memory_space<hbm>> -> memref<256xi32, #tpu.memory_space<hbm>>
      %dma_start3A_147 = tpu.memref_slice %arg3[%mul3A_146] : memref<800000xi32, #tpu.memory_space<hbm>> -> memref<256xi32, #tpu.memory_space<hbm>>
      tpu.enqueue_dma source(%dma_start3A_147 : memref<256xi32, #tpu.memory_space<hbm>>) target(%arg7 : memref<256xi32, #tpu.memory_space<vmem>>) target_semaphore(%arg16 : memref<!tpu.dma_semaphore, #tpu.memory_space<semaphore_mem>>)
      %mul3A_148 = arith.constant 256 : i32
      %mul3A_149 = arith.muli %add3A_144, %mul3A_148 : i32
      %dma_start3A_150 = tpu.memref_slice %arg4[%mul3A_149] : memref<800000xi32, #tpu.memory_space<hbm>> -> memref<256xi32, #tpu.memory_space<hbm>>
      %dma_start3A_151 = tpu.memref_slice %arg4[%mul3A_149] : memref<800000xi32, #tpu.memory_space<hbm>> -> memref<256xi32, #tpu.memory_space<hbm>>
      tpu.enqueue_dma source(%dma_start3A_151 : memref<256xi32, #tpu.memory_space<hbm>>) target(%arg10 : memref<256xi32, #tpu.memory_space<vmem>>) target_semaphore(%arg16 : memref<!tpu.dma_semaphore, #tpu.memory_space<semaphore_mem>>)
      %mul3A_152 = arith.constant 256 : i32
      %mul3A_153 = arith.muli %add3A_144, %mul3A_152 : i32
      %dma_wait3A = tpu.memref_slice %arg3[%mul3A_153] : memref<800000xi32, #tpu.memory_space<hbm>> -> memref<256xi32, #tpu.memory_space<hbm>>
      %dma_wait3A_154 = tpu.memref_slice %arg3[%mul3A_153] : memref<800000xi32, #tpu.memory_space<hbm>> -> memref<256xi32, #tpu.memory_space<hbm>>
      tpu.wait_dma2 semaphore(%arg16 : memref<!tpu.dma_semaphore, #tpu.memory_space<semaphore_mem>>) src(%dma_wait3A_154 : memref<256xi32, #tpu.memory_space<hbm>>) dst(%arg7 : memref<256xi32, #tpu.memory_space<vmem>>)
      %mul3A_155 = arith.constant 256 : i32
      %mul3A_156 = arith.muli %add3A_144, %mul3A_155 : i32
      %dma_wait3A_157 = tpu.memref_slice %arg4[%mul3A_156] : memref<800000xi32, #tpu.memory_space<hbm>> -> memref<256xi32, #tpu.memory_space<hbm>>
      %dma_wait3A_158 = tpu.memref_slice %arg4[%mul3A_156] : memref<800000xi32, #tpu.memory_space<hbm>> -> memref<256xi32, #tpu.memory_space<hbm>>
      tpu.wait_dma2 semaphore(%arg16 : memref<!tpu.dma_semaphore, #tpu.memory_space<semaphore_mem>>) src(%dma_wait3A_158 : memref<256xi32, #tpu.memory_space<hbm>>) dst(%arg10 : memref<256xi32, #tpu.memory_space<vmem>>)
      %dma_start3A_159 = arith.constant 0 : i32
      %dma_start3A_160 = arith.constant 0 : i32
      %dma_start3A_161 = tpu.memref_slice %arg2[%arg0, %dma_start3A_159, %dma_start3A_160] : memref<2x51200x32xf32, #tpu.memory_space<hbm>> -> memref<1x51200x32xf32, #tpu.memory_space<hbm>>
      %dma_start3A_162 = tpu.memref_squeeze %dma_start3A_161 : memref<1x51200x32xf32, #tpu.memory_space<hbm>> -> memref<51200x32xf32, #tpu.memory_space<hbm>>
      %dma_start3A_163 = arith.constant 0 : i32
      %dma_start3A_164 = arith.constant 0 : i32
      %dma_start3A_165 = tpu.memref_slice %dma_start3A_162[%dma_start3A_163, %dma_start3A_164] : memref<51200x32xf32, #tpu.memory_space<hbm>> -> memref<51200x32xf32, #tpu.memory_space<hbm>>
      tpu.enqueue_indirect_dma source(%dma_start3A_165 : memref<51200x32xf32, #tpu.memory_space<hbm>>) target(%arg13 : memref<256x32xf32, #tpu.memory_space<vmem>>) offsets(%arg7 : memref<256xi32, #tpu.memory_space<vmem>>) semaphore(%arg19 : memref<!tpu.dma_semaphore, #tpu.memory_space<semaphore_mem>>)
      %dma_wait3A_166 = arith.constant 0 : i32
      %dma_wait3A_167 = arith.constant 0 : i32
      %dma_wait3A_168 = tpu.memref_slice %arg2[%arg0, %dma_wait3A_166, %dma_wait3A_167] : memref<2x51200x32xf32, #tpu.memory_space<hbm>> -> memref<1x51200x32xf32, #tpu.memory_space<hbm>>
      %dma_wait3A_169 = tpu.memref_squeeze %dma_wait3A_168 : memref<1x51200x32xf32, #tpu.memory_space<hbm>> -> memref<51200x32xf32, #tpu.memory_space<hbm>>
      %dma_wait3A_170 = arith.constant 0 : i32
      %dma_wait3A_171 = arith.constant 0 : i32
      %dma_wait3A_172 = tpu.memref_slice %dma_wait3A_169[%dma_wait3A_170, %dma_wait3A_171] : memref<51200x32xf32, #tpu.memory_space<hbm>> -> memref<51200x32xf32, #tpu.memory_space<hbm>>
      tpu.wait_indirect_dma semaphore(%arg19 : memref<!tpu.dma_semaphore, #tpu.memory_space<semaphore_mem>>) src(%dma_wait3A_172 : memref<51200x32xf32, #tpu.memory_space<hbm>>) dst(%arg13 : memref<256x32xf32, #tpu.memory_space<vmem>>)
      "tpu.region"() ({
        %run_scoped3A = tpu.sem_alloc : memref<!tpu.dma_semaphore, #tpu.memory_space<semaphore_mem>>
        %dma_start3A_173 = arith.constant 0 : i32
        %dma_start3A_174 = arith.constant 0 : i32
        %dma_start3A_175 = tpu.memref_slice %arg6[%dma_start3A_173, %dma_start3A_174] : memref<51200x32xf32, #tpu.memory_space<vmem_shared>> -> memref<51200x32xf32, #tpu.memory_space<vmem_shared>>
        tpu.enqueue_indirect_dma source(%arg13 : memref<256x32xf32, #tpu.memory_space<vmem>>) target(%dma_start3A_175 : memref<51200x32xf32, #tpu.memory_space<vmem_shared>>) offsets(%arg10 : memref<256xi32, #tpu.memory_space<vmem>>) semaphore(%run_scoped3A : memref<!tpu.dma_semaphore, #tpu.memory_space<semaphore_mem>>) {add = true}
        %dma_wait3A_176 = arith.constant 0 : i32
        %dma_wait3A_177 = arith.constant 0 : i32
        %dma_wait3A_178 = tpu.memref_slice %arg6[%dma_wait3A_176, %dma_wait3A_177] : memref<51200x32xf32, #tpu.memory_space<vmem_shared>> -> memref<51200x32xf32, #tpu.memory_space<vmem_shared>>
        tpu.wait_indirect_dma semaphore(%run_scoped3A : memref<!tpu.dma_semaphore, #tpu.memory_space<semaphore_mem>>) src(%arg13 : memref<256x32xf32, #tpu.memory_space<vmem>>) dst(%dma_wait3A_178 : memref<51200x32xf32, #tpu.memory_space<vmem_shared>>)
        tpu.yield
      }) : () -> ()
    }
    %while3A_140 = arith.constant 1 : i32
    scf.for %while3A_142 = %while3A_138 to %while3A_134 step %while3A_140  : i32 {
      %mul3A_143 = arith.muli %while3A_142, %while3A_131 : i32
      %add3A_144 = arith.addi %add3A_106, %mul3A_143 : i32
      %mul3A_145 = arith.constant 256 : i32
      %mul3A_146 = arith.muli %add3A_144, %mul3A_145 : i32
      %dma_start3A = tpu.memref_slice %arg3[%mul3A_146] : memref<800000xi32, #tpu.memory_space<hbm>> -> memref<256xi32, #tpu.memory_space<hbm>>
      %dma_start3A_147 = tpu.memref_slice %arg3[%mul3A_146] : memref<800000xi32, #tpu.memory_space<hbm>> -> memref<256xi32, #tpu.memory_space<hbm>>
      tpu.enqueue_dma source(%dma_start3A_147 : memref<256xi32, #tpu.memory_space<hbm>>) target(%arg7 : memref<256xi32, #tpu.memory_space<vmem>>) target_semaphore(%arg16 : memref<!tpu.dma_semaphore, #tpu.memory_space<semaphore_mem>>)
      %mul3A_148 = arith.constant 256 : i32
      %mul3A_149 = arith.muli %add3A_144, %mul3A_148 : i32
      %dma_start3A_150 = tpu.memref_slice %arg4[%mul3A_149] : memref<800000xi32, #tpu.memory_space<hbm>> -> memref<256xi32, #tpu.memory_space<hbm>>
      %dma_start3A_151 = tpu.memref_slice %arg4[%mul3A_149] : memref<800000xi32, #tpu.memory_space<hbm>> -> memref<256xi32, #tpu.memory_space<hbm>>
      tpu.enqueue_dma source(%dma_start3A_151 : memref<256xi32, #tpu.memory_space<hbm>>) target(%arg10 : memref<256xi32, #tpu.memory_space<vmem>>) target_semaphore(%arg16 : memref<!tpu.dma_semaphore, #tpu.memory_space<semaphore_mem>>)
      %mul3A_152 = arith.constant 256 : i32
      %mul3A_153 = arith.muli %add3A_144, %mul3A_152 : i32
      %dma_wait3A = tpu.memref_slice %arg3[%mul3A_153] : memref<800000xi32, #tpu.memory_space<hbm>> -> memref<256xi32, #tpu.memory_space<hbm>>
      %dma_wait3A_154 = tpu.memref_slice %arg3[%mul3A_153] : memref<800000xi32, #tpu.memory_space<hbm>> -> memref<256xi32, #tpu.memory_space<hbm>>
      tpu.wait_dma2 semaphore(%arg16 : memref<!tpu.dma_semaphore, #tpu.memory_space<semaphore_mem>>) src(%dma_wait3A_154 : memref<256xi32, #tpu.memory_space<hbm>>) dst(%arg7 : memref<256xi32, #tpu.memory_space<vmem>>)
      %mul3A_155 = arith.constant 256 : i32
      %mul3A_156 = arith.muli %add3A_144, %mul3A_155 : i32
      %dma_wait3A_157 = tpu.memref_slice %arg4[%mul3A_156] : memref<800000xi32, #tpu.memory_space<hbm>> -> memref<256xi32, #tpu.memory_space<hbm>>
      %dma_wait3A_158 = tpu.memref_slice %arg4[%mul3A_156] : memref<800000xi32, #tpu.memory_space<hbm>> -> memref<256xi32, #tpu.memory_space<hbm>>
      tpu.wait_dma2 semaphore(%arg16 : memref<!tpu.dma_semaphore, #tpu.memory_space<semaphore_mem>>) src(%dma_wait3A_158 : memref<256xi32, #tpu.memory_space<hbm>>) dst(%arg10 : memref<256xi32, #tpu.memory_space<vmem>>)
      %dma_start3A_159 = arith.constant 0 : i32
      %dma_start3A_160 = arith.constant 0 : i32
      %dma_start3A_161 = tpu.memref_slice %arg2[%arg0, %dma_start3A_159, %dma_start3A_160] : memref<2x51200x32xf32, #tpu.memory_space<hbm>> -> memref<1x51200x32xf32, #tpu.memory_space<hbm>>
      %dma_start3A_162 = tpu.memref_squeeze %dma_start3A_161 : memref<1x51200x32xf32, #tpu.memory_space<hbm>> -> memref<51200x32xf32, #tpu.memory_space<hbm>>
      %dma_start3A_163 = arith.constant 0 : i32
      %dma_start3A_164 = arith.constant 0 : i32
      %dma_start3A_165 = tpu.memref_slice %dma_start3A_162[%dma_start3A_163, %dma_start3A_164] : memref<51200x32xf32, #tpu.memory_space<hbm>> -> memref<51200x32xf32, #tpu.memory_space<hbm>>
      tpu.enqueue_indirect_dma source(%dma_start3A_165 : memref<51200x32xf32, #tpu.memory_space<hbm>>) target(%arg13 : memref<256x32xf32, #tpu.memory_space<vmem>>) offsets(%arg7 : memref<256xi32, #tpu.memory_space<vmem>>) semaphore(%arg19 : memref<!tpu.dma_semaphore, #tpu.memory_space<semaphore_mem>>)
      %dma_wait3A_166 = arith.constant 0 : i32
      %dma_wait3A_167 = arith.constant 0 : i32
      %dma_wait3A_168 = tpu.memref_slice %arg2[%arg0, %dma_wait3A_166, %dma_wait3A_167] : memref<2x51200x32xf32, #tpu.memory_space<hbm>> -> memref<1x51200x32xf32, #tpu.memory_space<hbm>>
      %dma_wait3A_169 = tpu.memref_squeeze %dma_wait3A_168 : memref<1x51200x32xf32, #tpu.memory_space<hbm>> -> memref<51200x32xf32, #tpu.memory_space<hbm>>
      %dma_wait3A_170 = arith.constant 0 : i32
      %dma_wait3A_171 = arith.constant 0 : i32
      %dma_wait3A_172 = tpu.memref_slice %dma_wait3A_169[%dma_wait3A_170, %dma_wait3A_171] : memref<51200x32xf32, #tpu.memory_space<hbm>> -> memref<51200x32xf32, #tpu.memory_space<hbm>>
      tpu.wait_indirect_dma semaphore(%arg19 : memref<!tpu.dma_semaphore, #tpu.memory_space<semaphore_mem>>) src(%dma_wait3A_172 : memref<51200x32xf32, #tpu.memory_space<hbm>>) dst(%arg13 : memref<256x32xf32, #tpu.memory_space<vmem>>)
      "tpu.region"() ({
        %run_scoped3A = tpu.sem_alloc : memref<!tpu.dma_semaphore, #tpu.memory_space<semaphore_mem>>
        %dma_start3A_173 = arith.constant 0 : i32
        %dma_start3A_174 = arith.constant 0 : i32
        %dma_start3A_175 = tpu.memref_slice %arg6[%dma_start3A_173, %dma_start3A_174] : memref<51200x32xf32, #tpu.memory_space<vmem_shared>> -> memref<51200x32xf32, #tpu.memory_space<vmem_shared>>
        tpu.enqueue_indirect_dma source(%arg13 : memref<256x32xf32, #tpu.memory_space<vmem>>) target(%dma_start3A_175 : memref<51200x32xf32, #tpu.memory_space<vmem_shared>>) offsets(%arg10 : memref<256xi32, #tpu.memory_space<vmem>>) semaphore(%run_scoped3A : memref<!tpu.dma_semaphore, #tpu.memory_space<semaphore_mem>>) {add = true}
        %dma_wait3A_176 = arith.constant 0 : i32
        %dma_wait3A_177 = arith.constant 0 : i32
        %dma_wait3A_178 = tpu.memref_slice %arg6[%dma_wait3A_176, %dma_wait3A_177] : memref<51200x32xf32, #tpu.memory_space<vmem_shared>> -> memref<51200x32xf32, #tpu.memory_space<vmem_shared>>
        tpu.wait_indirect_dma semaphore(%run_scoped3A : memref<!tpu.dma_semaphore, #tpu.memory_space<semaphore_mem>>) src(%arg13 : memref<256x32xf32, #tpu.memory_space<vmem>>) dst(%dma_wait3A_178 : memref<51200x32xf32, #tpu.memory_space<vmem_shared>>)
        tpu.yield
      }) : () -> ()
    }
    %barrier3A_141 = arith.constant 0 : index
    tpu.barrier barrier_id(%barrier3A_141)
    "tpu.region"() ({
      %run_scoped3A = tpu.sem_alloc : memref<!tpu.dma_semaphore, #tpu.memory_space<semaphore_mem>>
      %dma_start3A = arith.constant 0 : i32
      %dma_start3A_142 = tpu.memref_slice %arg5[%arg0, %mul3A_5, %dma_start3A] : memref<2x51200x32xf32, #tpu.memory_space<hbm>> -> memref<1x3200x32xf32, #tpu.memory_space<hbm>>
      %dma_start3A_143 = tpu.memref_squeeze %dma_start3A_142 : memref<1x3200x32xf32, #tpu.memory_space<hbm>> -> memref<3200x32xf32, #tpu.memory_space<hbm>>
      %dma_start3A_144 = arith.constant 0 : i32
      %dma_start3A_145 = tpu.memref_slice %arg6[%mul3A_5, %dma_start3A_144] : memref<51200x32xf32, #tpu.memory_space<vmem_shared>> -> memref<3200x32xf32, #tpu.memory_space<vmem_shared>>
      tpu.enqueue_dma source(%dma_start3A_145 : memref<3200x32xf32, #tpu.memory_space<vmem_shared>>) target(%dma_start3A_143 : memref<3200x32xf32, #tpu.memory_space<hbm>>) target_semaphore(%run_scoped3A : memref<!tpu.dma_semaphore, #tpu.memory_space<semaphore_mem>>)
      %dma_wait3A = arith.constant 0 : i32
      %dma_wait3A_146 = tpu.memref_slice %arg5[%arg0, %mul3A_5, %dma_wait3A] : memref<2x51200x32xf32, #tpu.memory_space<hbm>> -> memref<1x3200x32xf32, #tpu.memory_space<hbm>>
      %dma_wait3A_147 = tpu.memref_squeeze %dma_wait3A_146 : memref<1x3200x32xf32, #tpu.memory_space<hbm>> -> memref<3200x32xf32, #tpu.memory_space<hbm>>
      %dma_wait3A_148 = arith.constant 0 : i32
      %dma_wait3A_149 = tpu.memref_slice %arg6[%mul3A_5, %dma_wait3A_148] : memref<51200x32xf32, #tpu.memory_space<vmem_shared>> -> memref<3200x32xf32, #tpu.memory_space<vmem_shared>>
      tpu.wait_dma2 semaphore(%run_scoped3A : memref<!tpu.dma_semaphore, #tpu.memory_space<semaphore_mem>>) src(%dma_wait3A_149 : memref<3200x32xf32, #tpu.memory_space<vmem_shared>>) dst(%dma_wait3A_147 : memref<3200x32xf32, #tpu.memory_space<hbm>>)
      tpu.yield
    }) : () -> ()
    return
  }
}

module attributes {stable_mosaic.version = 14 : i64} {
  func.func @_tc_b_body(%arg0: i32, %arg1: memref<640x128xf32, #tpu.memory_space<vmem>>, %arg2: memref<640x128xf32, #tpu.memory_space<vmem>>, %arg3: memref<640x128xf32, #tpu.memory_space<vmem>>, %arg4: memref<2x640x128xf32, #tpu.memory_space<vmem>>, %arg5: memref<128x256xf32, #tpu.memory_space<vmem>>, %arg6: memref<128x256xf32, #tpu.memory_space<vmem>>, %arg7: memref<128x256xf32, #tpu.memory_space<vmem>>, %arg8: memref<2x640x128xf32, #tpu.memory_space<vmem>>, %arg9: memref<640x128xf32, #tpu.memory_space<vmem>>) attributes {dimension_semantics = [#tpu.dimension_semantics<arbitrary>], iteration_bounds = array<i64: 20>, scalar_prefetch = 0 : i64, scratch_operands = 0 : i64, tpu.core_type = #tpu.core_type<tc>, window_params = [{transform_indices = @transform_0, window_bounds = array<i64: 640, 128>}, {transform_indices = @transform_1, window_bounds = array<i64: 640, 128>}, {transform_indices = @transform_2, window_bounds = array<i64: 640, 128>}, {transform_indices = @transform_3, window_bounds = array<i64: 2, 640, 128>}, {pipeline_mode = #tpu.pipeline_mode<synchronous>, transform_indices = @transform_4, window_bounds = array<i64: 128, 256>}, {pipeline_mode = #tpu.pipeline_mode<synchronous>, transform_indices = @transform_5, window_bounds = array<i64: 128, 256>}, {pipeline_mode = #tpu.pipeline_mode<synchronous>, transform_indices = @transform_6, window_bounds = array<i64: 128, 256>}, {transform_indices = @transform_7, window_bounds = array<i64: 2, 640, 128>}, {transform_indices = @transform_8, window_bounds = array<i64: 640, 128>}]} {
    %get3A = arith.constant 0 : index
    %get3A_0 = arith.constant 0 : index
    %get3A_1 = arith.constant 0 : index
    %get3A_2 = vector.load %arg4[%get3A, %get3A_0, %get3A_1] : memref<2x640x128xf32, #tpu.memory_space<vmem>>, vector<1x640x128xf32>
    %get3A_3 = vector.shape_cast %get3A_2 : vector<1x640x128xf32> to vector<640x128xf32>
    %get3A_4 = arith.constant 1 : index
    %get3A_5 = arith.constant 0 : index
    %get3A_6 = arith.constant 0 : index
    %get3A_7 = vector.load %arg4[%get3A_4, %get3A_5, %get3A_6] : memref<2x640x128xf32, #tpu.memory_space<vmem>>, vector<1x640x128xf32>
    %get3A_8 = vector.shape_cast %get3A_7 : vector<1x640x128xf32> to vector<640x128xf32>
    %add3A = arith.addf %get3A_3, %get3A_8 : vector<640x128xf32>
    %add3A_9 = arith.constant 1.000000e+00 : f32
    %add3A_10 = vector.broadcast %add3A_9 : f32 to vector<640x128xf32>
    %add3A_11 = arith.addf %add3A, %add3A_10 : vector<640x128xf32>
    %rsqrt3A = math.rsqrt %add3A_11 : vector<640x128xf32>
    %get3A_12 = arith.constant 0 : index
    %get3A_13 = arith.constant 0 : index
    %get3A_14 = vector.load %arg1[%get3A_12, %get3A_13] : memref<640x128xf32, #tpu.memory_space<vmem>>, vector<640x128xf32>
    %get3A_15 = arith.constant 0 : index
    %get3A_16 = arith.constant 0 : index
    %get3A_17 = vector.load %arg5[%get3A_15, %get3A_16] : memref<128x256xf32, #tpu.memory_space<vmem>>, vector<128x256xf32>
    %dot_general3A = arith.constant dense<0.000000e+00> : vector<640x256xf32>
    %dot_general3A_18 = tpu.matmul %get3A_14, %get3A_17, %dot_general3A {dimension_numbers = #tpu.dot_dimension_numbers<[1], [0], [0], [1], [0, 0, 1, 1], [], []>, transpose_lhs_hint = false} : vector<640x128xf32>, vector<128x256xf32>, vector<640x256xf32> -> vector<640x256xf32>
    %get3A_19 = arith.constant 0 : index
    %get3A_20 = arith.constant 0 : index
    %get3A_21 = vector.load %arg3[%get3A_19, %get3A_20] : memref<640x128xf32, #tpu.memory_space<vmem>>, vector<640x128xf32>
    %get3A_22 = arith.constant 0 : index
    %get3A_23 = arith.constant 0 : index
    %get3A_24 = vector.load %arg6[%get3A_22, %get3A_23] : memref<128x256xf32, #tpu.memory_space<vmem>>, vector<128x256xf32>
    %dot_general3A_25 = arith.constant dense<0.000000e+00> : vector<640x256xf32>
    %dot_general3A_26 = tpu.matmul %get3A_21, %get3A_24, %dot_general3A_25 {dimension_numbers = #tpu.dot_dimension_numbers<[1], [0], [0], [1], [0, 0, 1, 1], [], []>, transpose_lhs_hint = false} : vector<640x128xf32>, vector<128x256xf32>, vector<640x256xf32> -> vector<640x256xf32>
    %add3A_27 = arith.addf %dot_general3A_18, %dot_general3A_26 : vector<640x256xf32>
    %get3A_28 = arith.constant 0 : index
    %get3A_29 = arith.constant 0 : index
    %get3A_30 = vector.load %arg2[%get3A_28, %get3A_29] : memref<640x128xf32, #tpu.memory_space<vmem>>, vector<640x128xf32>
    %get3A_31 = arith.constant 0 : index
    %get3A_32 = arith.constant 0 : index
    %get3A_33 = vector.load %arg7[%get3A_31, %get3A_32] : memref<128x256xf32, #tpu.memory_space<vmem>>, vector<128x256xf32>
    %dot_general3A_34 = arith.constant dense<0.000000e+00> : vector<640x256xf32>
    %dot_general3A_35 = tpu.matmul %get3A_30, %get3A_33, %dot_general3A_34 {dimension_numbers = #tpu.dot_dimension_numbers<[1], [0], [0], [1], [0, 0, 1, 1], [], []>, transpose_lhs_hint = false} : vector<640x128xf32>, vector<128x256xf32>, vector<640x256xf32> -> vector<640x256xf32>
    %add3A_36 = arith.addf %add3A_27, %dot_general3A_35 : vector<640x256xf32>
    %slice3A = vector.extract_strided_slice %add3A_36 {offsets = [0, 0], sizes = [640, 32], strides = [1, 1]} : vector<640x256xf32> to vector<640x32xf32>
    %slice3A_37 = vector.extract_strided_slice %add3A_36 {offsets = [0, 64], sizes = [640, 32], strides = [1, 1]} : vector<640x256xf32> to vector<640x32xf32>
    %slice3A_38 = vector.extract_strided_slice %add3A_36 {offsets = [0, 128], sizes = [640, 32], strides = [1, 1]} : vector<640x256xf32> to vector<640x32xf32>
    %slice3A_39 = vector.extract_strided_slice %add3A_36 {offsets = [0, 192], sizes = [640, 32], strides = [1, 1]} : vector<640x256xf32> to vector<640x32xf32>
    %concatenate3A = tpu.concatenate %slice3A, %slice3A_37, %slice3A_38, %slice3A_39 in 1 : vector<640x32xf32>, vector<640x32xf32>, vector<640x32xf32>, vector<640x32xf32> -> vector<640x128xf32>
    %mul3A = arith.mulf %rsqrt3A, %concatenate3A : vector<640x128xf32>
    %swap3A = arith.constant 0 : index
    %swap3A_40 = arith.constant 0 : index
    %swap3A_41 = arith.constant 0 : index
    %swap3A_42 = vector.load %arg8[%swap3A, %swap3A_40, %swap3A_41] : memref<2x640x128xf32, #tpu.memory_space<vmem>>, vector<1x640x128xf32>
    %swap3A_43 = vector.shape_cast %swap3A_42 : vector<1x640x128xf32> to vector<640x128xf32>
    %swap3A_44 = vector.shape_cast %mul3A : vector<640x128xf32> to vector<1x640x128xf32>
    tpu.vector_store %arg8[%swap3A, %swap3A_40, %swap3A_41], %swap3A_44 {strides = array<i32>} : memref<2x640x128xf32, #tpu.memory_space<vmem>>, vector<1x640x128xf32>,
    %slice3A_45 = vector.extract_strided_slice %add3A_36 {offsets = [0, 32], sizes = [640, 32], strides = [1, 1]} : vector<640x256xf32> to vector<640x32xf32>
    %slice3A_46 = vector.extract_strided_slice %add3A_36 {offsets = [0, 96], sizes = [640, 32], strides = [1, 1]} : vector<640x256xf32> to vector<640x32xf32>
    %slice3A_47 = vector.extract_strided_slice %add3A_36 {offsets = [0, 160], sizes = [640, 32], strides = [1, 1]} : vector<640x256xf32> to vector<640x32xf32>
    %slice3A_48 = vector.extract_strided_slice %add3A_36 {offsets = [0, 224], sizes = [640, 32], strides = [1, 1]} : vector<640x256xf32> to vector<640x32xf32>
    %concatenate3A_49 = tpu.concatenate %slice3A_45, %slice3A_46, %slice3A_47, %slice3A_48 in 1 : vector<640x32xf32>, vector<640x32xf32>, vector<640x32xf32>, vector<640x32xf32> -> vector<640x128xf32>
    %mul3A_50 = arith.mulf %rsqrt3A, %concatenate3A_49 : vector<640x128xf32>
    %swap3A_51 = arith.constant 1 : index
    %swap3A_52 = arith.constant 0 : index
    %swap3A_53 = arith.constant 0 : index
    %swap3A_54 = vector.load %arg8[%swap3A_51, %swap3A_52, %swap3A_53] : memref<2x640x128xf32, #tpu.memory_space<vmem>>, vector<1x640x128xf32>
    %swap3A_55 = vector.shape_cast %swap3A_54 : vector<1x640x128xf32> to vector<640x128xf32>
    %swap3A_56 = vector.shape_cast %mul3A_50 : vector<640x128xf32> to vector<1x640x128xf32>
    tpu.vector_store %arg8[%swap3A_51, %swap3A_52, %swap3A_53], %swap3A_56 {strides = array<i32>} : memref<2x640x128xf32, #tpu.memory_space<vmem>>, vector<1x640x128xf32>,
    %swap3A_57 = arith.constant 0 : index
    %swap3A_58 = arith.constant 0 : index
    %swap3A_59 = vector.load %arg9[%swap3A_57, %swap3A_58] : memref<640x128xf32, #tpu.memory_space<vmem>>, vector<640x128xf32>
    tpu.vector_store %arg9[%swap3A_57, %swap3A_58], %rsqrt3A {strides = array<i32>} : memref<640x128xf32, #tpu.memory_space<vmem>>, vector<640x128xf32>,
    return
  }
  func.func @transform_0(%arg0: i32) -> (i32, i32) {
    %c0_i32 = arith.constant 0 : i32
    %c0_i32_0 = arith.constant 0 : i32
    return %arg0, %c0_i32 : i32, i32
  }
  func.func @transform_1(%arg0: i32) -> (i32, i32) {
    %add3A = arith.constant 20 : i32
    %add3A_0 = arith.addi %arg0, %add3A : i32
    %c0_i32 = arith.constant 0 : i32
    %c0_i32_1 = arith.constant 0 : i32
    return %add3A_0, %c0_i32 : i32, i32
  }
  func.func @transform_2(%arg0: i32) -> (i32, i32) {
    %c0_i32 = arith.constant 0 : i32
    %c0_i32_0 = arith.constant 0 : i32
    return %arg0, %c0_i32 : i32, i32
  }
  func.func @transform_3(%arg0: i32) -> (i32, i32, i32) {
    %c0_i32 = arith.constant 0 : i32
    %c0_i32_0 = arith.constant 0 : i32
    %c0_i32_1 = arith.constant 0 : i32
    return %c0_i32, %arg0, %c0_i32_0 : i32, i32, i32
  }
  func.func @transform_4(%arg0: i32) -> (i32, i32) {
    %c0_i32 = arith.constant 0 : i32
    %c0_i32_0 = arith.constant 0 : i32
    %c0_i32_1 = arith.constant 0 : i32
    return %c0_i32, %c0_i32_0 : i32, i32
  }
  func.func @transform_5(%arg0: i32) -> (i32, i32) {
    %c0_i32 = arith.constant 0 : i32
    %c0_i32_0 = arith.constant 0 : i32
    %c0_i32_1 = arith.constant 0 : i32
    return %c0_i32, %c0_i32_0 : i32, i32
  }
  func.func @transform_6(%arg0: i32) -> (i32, i32) {
    %c0_i32 = arith.constant 0 : i32
    %c0_i32_0 = arith.constant 0 : i32
    %c0_i32_1 = arith.constant 0 : i32
    return %c0_i32, %c0_i32_0 : i32, i32
  }
  func.func @transform_7(%arg0: i32) -> (i32, i32, i32) {
    %c0_i32 = arith.constant 0 : i32
    %c0_i32_0 = arith.constant 0 : i32
    %c0_i32_1 = arith.constant 0 : i32
    return %c0_i32, %arg0, %c0_i32_0 : i32, i32, i32
  }
  func.func @transform_8(%arg0: i32) -> (i32, i32) {
    %c0_i32 = arith.constant 0 : i32
    %c0_i32_0 = arith.constant 0 : i32
    return %arg0, %c0_i32 : i32, i32
  }
}

module attributes {stable_mosaic.version = 14 : i64} {
  func.func @_tc_b2_body(%arg0: i32, %arg1: memref<2x640x128xf32, #tpu.memory_space<vmem>>, %arg2: memref<2x640x128xf32, #tpu.memory_space<vmem>>, %arg3: memref<640x128xf32, #tpu.memory_space<vmem>>, %arg4: memref<128x256xf32, #tpu.memory_space<vmem>>, %arg5: memref<128x256xf32, #tpu.memory_space<vmem>>, %arg6: memref<2x128xf32, #tpu.memory_space<vmem>>, %arg7: memref<2x640x128xf32, #tpu.memory_space<vmem>>) attributes {dimension_semantics = [#tpu.dimension_semantics<arbitrary>], iteration_bounds = array<i64: 20>, scalar_prefetch = 0 : i64, scratch_operands = 0 : i64, tpu.core_type = #tpu.core_type<tc>, window_params = [{transform_indices = @transform_0, window_bounds = array<i64: 2, 640, 128>}, {transform_indices = @transform_1, window_bounds = array<i64: 2, 640, 128>}, {transform_indices = @transform_2, window_bounds = array<i64: 640, 128>}, {pipeline_mode = #tpu.pipeline_mode<synchronous>, transform_indices = @transform_3, window_bounds = array<i64: 128, 256>}, {pipeline_mode = #tpu.pipeline_mode<synchronous>, transform_indices = @transform_4, window_bounds = array<i64: 128, 256>}, {pipeline_mode = #tpu.pipeline_mode<synchronous>, transform_indices = @transform_5, window_bounds = array<i64: 2, 128>}, {transform_indices = @transform_6, window_bounds = array<i64: 2, 640, 128>}]} {
    %get3A = arith.constant 0 : index
    %get3A_0 = arith.constant 0 : index
    %get3A_1 = vector.load %arg3[%get3A, %get3A_0] : memref<640x128xf32, #tpu.memory_space<vmem>>, vector<640x128xf32>
    %get3A_2 = arith.constant 0 : index
    %get3A_3 = arith.constant 0 : index
    %get3A_4 = arith.constant 0 : index
    %get3A_5 = vector.load %arg2[%get3A_2, %get3A_3, %get3A_4] : memref<2x640x128xf32, #tpu.memory_space<vmem>>, vector<1x640x128xf32>
    %get3A_6 = vector.shape_cast %get3A_5 : vector<1x640x128xf32> to vector<640x128xf32>
    %get3A_7 = arith.constant 0 : index
    %get3A_8 = arith.constant 0 : index
    %get3A_9 = arith.constant 0 : index
    %get3A_10 = vector.load %arg1[%get3A_7, %get3A_8, %get3A_9] : memref<2x640x128xf32, #tpu.memory_space<vmem>>, vector<1x640x128xf32>
    %get3A_11 = vector.shape_cast %get3A_10 : vector<1x640x128xf32> to vector<640x128xf32>
    %add3A = arith.addf %get3A_6, %get3A_11 : vector<640x128xf32>
    %mul3A = arith.mulf %get3A_1, %add3A : vector<640x128xf32>
    %get3A_12 = arith.constant 0 : index
    %get3A_13 = arith.constant 0 : index
    %get3A_14 = vector.load %arg6[%get3A_12, %get3A_13] : memref<2x128xf32, #tpu.memory_space<vmem>>, vector<1x128xf32>
    %add3A_15 = vector.broadcast %get3A_14 : vector<1x128xf32> to vector<640x128xf32>
    %add3A_16 = arith.addf %mul3A, %add3A_15 : vector<640x128xf32>
    %max3A = arith.constant 0.000000e+00 : f32
    %max3A_17 = vector.broadcast %max3A : f32 to vector<640x128xf32>
    %max3A_18 = arith.maximumf %add3A_16, %max3A_17 : vector<640x128xf32>
    %get3A_19 = arith.constant 1 : index
    %get3A_20 = arith.constant 0 : index
    %get3A_21 = arith.constant 0 : index
    %get3A_22 = vector.load %arg2[%get3A_19, %get3A_20, %get3A_21] : memref<2x640x128xf32, #tpu.memory_space<vmem>>, vector<1x640x128xf32>
    %get3A_23 = vector.shape_cast %get3A_22 : vector<1x640x128xf32> to vector<640x128xf32>
    %get3A_24 = arith.constant 1 : index
    %get3A_25 = arith.constant 0 : index
    %get3A_26 = arith.constant 0 : index
    %get3A_27 = vector.load %arg1[%get3A_24, %get3A_25, %get3A_26] : memref<2x640x128xf32, #tpu.memory_space<vmem>>, vector<1x640x128xf32>
    %get3A_28 = vector.shape_cast %get3A_27 : vector<1x640x128xf32> to vector<640x128xf32>
    %add3A_29 = arith.addf %get3A_23, %get3A_28 : vector<640x128xf32>
    %mul3A_30 = arith.mulf %get3A_1, %add3A_29 : vector<640x128xf32>
    %get3A_31 = arith.constant 1 : index
    %get3A_32 = arith.constant 0 : index
    %get3A_33 = vector.load %arg6[%get3A_31, %get3A_32] : memref<2x128xf32, #tpu.memory_space<vmem>>, vector<1x128xf32>
    %add3A_34 = vector.broadcast %get3A_33 : vector<1x128xf32> to vector<640x128xf32>
    %add3A_35 = arith.addf %mul3A_30, %add3A_34 : vector<640x128xf32>
    %max3A_36 = arith.constant 0.000000e+00 : f32
    %max3A_37 = vector.broadcast %max3A_36 : f32 to vector<640x128xf32>
    %max3A_38 = arith.maximumf %add3A_35, %max3A_37 : vector<640x128xf32>
    %get3A_39 = arith.constant 0 : index
    %get3A_40 = arith.constant 0 : index
    %get3A_41 = vector.load %arg4[%get3A_39, %get3A_40] : memref<128x256xf32, #tpu.memory_space<vmem>>, vector<128x256xf32>
    %dot_general3A = arith.constant dense<0.000000e+00> : vector<640x256xf32>
    %dot_general3A_42 = tpu.matmul %max3A_18, %get3A_41, %dot_general3A {dimension_numbers = #tpu.dot_dimension_numbers<[1], [0], [0], [1], [0, 0, 1, 1], [], []>, transpose_lhs_hint = false} : vector<640x128xf32>, vector<128x256xf32>, vector<640x256xf32> -> vector<640x256xf32>
    %get3A_43 = arith.constant 0 : index
    %get3A_44 = arith.constant 0 : index
    %get3A_45 = vector.load %arg5[%get3A_43, %get3A_44] : memref<128x256xf32, #tpu.memory_space<vmem>>, vector<128x256xf32>
    %dot_general3A_46 = arith.constant dense<0.000000e+00> : vector<640x256xf32>
    %dot_general3A_47 = tpu.matmul %max3A_38, %get3A_45, %dot_general3A_46 {dimension_numbers = #tpu.dot_dimension_numbers<[1], [0], [0], [1], [0, 0, 1, 1], [], []>, transpose_lhs_hint = false} : vector<640x128xf32>, vector<128x256xf32>, vector<640x256xf32> -> vector<640x256xf32>
    %add3A_48 = arith.addf %dot_general3A_42, %dot_general3A_47 : vector<640x256xf32>
    %slice3A = vector.extract_strided_slice %add3A_48 {offsets = [0, 0], sizes = [640, 32], strides = [1, 1]} : vector<640x256xf32> to vector<640x32xf32>
    %slice3A_49 = vector.extract_strided_slice %add3A_48 {offsets = [0, 64], sizes = [640, 32], strides = [1, 1]} : vector<640x256xf32> to vector<640x32xf32>
    %slice3A_50 = vector.extract_strided_slice %add3A_48 {offsets = [0, 128], sizes = [640, 32], strides = [1, 1]} : vector<640x256xf32> to vector<640x32xf32>
    %slice3A_51 = vector.extract_strided_slice %add3A_48 {offsets = [0, 192], sizes = [640, 32], strides = [1, 1]} : vector<640x256xf32> to vector<640x32xf32>
    %concatenate3A = tpu.concatenate %slice3A, %slice3A_49, %slice3A_50, %slice3A_51 in 1 : vector<640x32xf32>, vector<640x32xf32>, vector<640x32xf32>, vector<640x32xf32> -> vector<640x128xf32>
    %mul3A_52 = arith.mulf %get3A_1, %concatenate3A : vector<640x128xf32>
    %swap3A = arith.constant 0 : index
    %swap3A_53 = arith.constant 0 : index
    %swap3A_54 = arith.constant 0 : index
    %swap3A_55 = vector.load %arg7[%swap3A, %swap3A_53, %swap3A_54] : memref<2x640x128xf32, #tpu.memory_space<vmem>>, vector<1x640x128xf32>
    %swap3A_56 = vector.shape_cast %swap3A_55 : vector<1x640x128xf32> to vector<640x128xf32>
    %swap3A_57 = vector.shape_cast %mul3A_52 : vector<640x128xf32> to vector<1x640x128xf32>
    tpu.vector_store %arg7[%swap3A, %swap3A_53, %swap3A_54], %swap3A_57 {strides = array<i32>} : memref<2x640x128xf32, #tpu.memory_space<vmem>>, vector<1x640x128xf32>,
    %slice3A_58 = vector.extract_strided_slice %add3A_48 {offsets = [0, 32], sizes = [640, 32], strides = [1, 1]} : vector<640x256xf32> to vector<640x32xf32>
    %slice3A_59 = vector.extract_strided_slice %add3A_48 {offsets = [0, 96], sizes = [640, 32], strides = [1, 1]} : vector<640x256xf32> to vector<640x32xf32>
    %slice3A_60 = vector.extract_strided_slice %add3A_48 {offsets = [0, 160], sizes = [640, 32], strides = [1, 1]} : vector<640x256xf32> to vector<640x32xf32>
    %slice3A_61 = vector.extract_strided_slice %add3A_48 {offsets = [0, 224], sizes = [640, 32], strides = [1, 1]} : vector<640x256xf32> to vector<640x32xf32>
    %concatenate3A_62 = tpu.concatenate %slice3A_58, %slice3A_59, %slice3A_60, %slice3A_61 in 1 : vector<640x32xf32>, vector<640x32xf32>, vector<640x32xf32>, vector<640x32xf32> -> vector<640x128xf32>
    %mul3A_63 = arith.mulf %get3A_1, %concatenate3A_62 : vector<640x128xf32>
    %swap3A_64 = arith.constant 1 : index
    %swap3A_65 = arith.constant 0 : index
    %swap3A_66 = arith.constant 0 : index
    %swap3A_67 = vector.load %arg7[%swap3A_64, %swap3A_65, %swap3A_66] : memref<2x640x128xf32, #tpu.memory_space<vmem>>, vector<1x640x128xf32>
    %swap3A_68 = vector.shape_cast %swap3A_67 : vector<1x640x128xf32> to vector<640x128xf32>
    %swap3A_69 = vector.shape_cast %mul3A_63 : vector<640x128xf32> to vector<1x640x128xf32>
    tpu.vector_store %arg7[%swap3A_64, %swap3A_65, %swap3A_66], %swap3A_69 {strides = array<i32>} : memref<2x640x128xf32, #tpu.memory_space<vmem>>, vector<1x640x128xf32>,
    return
  }
  func.func @transform_0(%arg0: i32) -> (i32, i32, i32) {
    %c0_i32 = arith.constant 0 : i32
    %c0_i32_0 = arith.constant 0 : i32
    %c0_i32_1 = arith.constant 0 : i32
    return %c0_i32, %arg0, %c0_i32_0 : i32, i32, i32
  }
  func.func @transform_1(%arg0: i32) -> (i32, i32, i32) {
    %c0_i32 = arith.constant 0 : i32
    %c0_i32_0 = arith.constant 0 : i32
    %c0_i32_1 = arith.constant 0 : i32
    return %c0_i32, %arg0, %c0_i32_0 : i32, i32, i32
  }
  func.func @transform_2(%arg0: i32) -> (i32, i32) {
    %c0_i32 = arith.constant 0 : i32
    %c0_i32_0 = arith.constant 0 : i32
    return %arg0, %c0_i32 : i32, i32
  }
  func.func @transform_3(%arg0: i32) -> (i32, i32) {
    %c0_i32 = arith.constant 0 : i32
    %c0_i32_0 = arith.constant 0 : i32
    %c0_i32_1 = arith.constant 0 : i32
    return %c0_i32, %c0_i32_0 : i32, i32
  }
  func.func @transform_4(%arg0: i32) -> (i32, i32) {
    %c0_i32 = arith.constant 0 : i32
    %c0_i32_0 = arith.constant 0 : i32
    %c0_i32_1 = arith.constant 0 : i32
    return %c0_i32, %c0_i32_0 : i32, i32
  }
  func.func @transform_5(%arg0: i32) -> (i32, i32) {
    %c0_i32 = arith.constant 0 : i32
    %c0_i32_0 = arith.constant 0 : i32
    %c0_i32_1 = arith.constant 0 : i32
    return %c0_i32, %c0_i32_0 : i32, i32
  }
  func.func @transform_6(%arg0: i32) -> (i32, i32, i32) {
    %c0_i32 = arith.constant 0 : i32
    %c0_i32_0 = arith.constant 0 : i32
    %c0_i32_1 = arith.constant 0 : i32
    return %c0_i32, %arg0, %c0_i32_0 : i32, i32, i32
  }
}

module attributes {stable_mosaic.version = 14 : i64} {
  func.func @_tc_f_body(%arg0: i32, %arg1: memref<2x640x128xf32, #tpu.memory_space<vmem>>, %arg2: memref<2x640x128xf32, #tpu.memory_space<vmem>>, %arg3: memref<640x128xf32, #tpu.memory_space<vmem>>, %arg4: memref<640x128xi32, #tpu.memory_space<vmem>>, %arg5: memref<1x64xf32, #tpu.memory_space<vmem>>, %arg6: memref<64x64xf32, #tpu.memory_space<vmem>>, %arg7: memref<1x64xf32, #tpu.memory_space<vmem>>, %arg8: memref<64x1xf32, #tpu.memory_space<vmem>>, %arg9: memref<1x1xf32, #tpu.memory_space<vmem>>, %arg10: memref<8x1xf32, #tpu.memory_space<vmem>>, %arg11: memref<16x64xf32, #tpu.memory_space<vmem>>, %arg12: memref<16x1xf32, #tpu.memory_space<vmem>>) attributes {dimension_semantics = [#tpu.dimension_semantics<arbitrary>], iteration_bounds = array<i64: 20>, scalar_prefetch = 0 : i64, scratch_operands = 2 : i64, tpu.core_type = #tpu.core_type<tc>, window_params = [{transform_indices = @transform_0, window_bounds = array<i64: 2, 640, 128>}, {transform_indices = @transform_1, window_bounds = array<i64: 2, 640, 128>}, {transform_indices = @transform_2, window_bounds = array<i64: 640, 128>}, {transform_indices = @transform_3, window_bounds = array<i64: 640, 128>}, {pipeline_mode = #tpu.pipeline_mode<synchronous>, transform_indices = @transform_4, window_bounds = array<i64: 1, 64>}, {pipeline_mode = #tpu.pipeline_mode<synchronous>, transform_indices = @transform_5, window_bounds = array<i64: 64, 64>}, {pipeline_mode = #tpu.pipeline_mode<synchronous>, transform_indices = @transform_6, window_bounds = array<i64: 1, 64>}, {pipeline_mode = #tpu.pipeline_mode<synchronous>, transform_indices = @transform_7, window_bounds = array<i64: 64, 1>}, {pipeline_mode = #tpu.pipeline_mode<synchronous>, transform_indices = @transform_8, window_bounds = array<i64: 1, 1>}, {pipeline_mode = #tpu.pipeline_mode<synchronous>, transform_indices = @transform_9, window_bounds = array<i64: 8, 1>}]} {
    %eq3A = arith.constant 0 : i32
    %eq3A_0 = arith.cmpi eq, %arg0, %eq3A : i32
    %convert_element_type3A = arith.extui %eq3A_0 : i1 to i32
    %cond3A = arith.constant 0 : i32
    %cond3A_1 = arith.cmpi ne, %convert_element_type3A, %cond3A : i32
    scf.if %cond3A_1 {
      %broadcast_in_dim3A_136 = arith.constant 0.000000e+00 : f32
      %broadcast_in_dim3A_137 = vector.broadcast %broadcast_in_dim3A_136 : f32 to vector<16x64xf32>
      %swap3A_138 = arith.constant 0 : index
      %swap3A_139 = arith.constant 0 : index
      %swap3A_140 = vector.load %arg11[%swap3A_138, %swap3A_139] : memref<16x64xf32, #tpu.memory_space<vmem>>, vector<16x64xf32>
      tpu.vector_store %arg11[%swap3A_138, %swap3A_139], %broadcast_in_dim3A_137 {strides = array<i32>} : memref<16x64xf32, #tpu.memory_space<vmem>>, vector<16x64xf32>,
      %broadcast_in_dim3A_141 = arith.constant 0.000000e+00 : f32
      %broadcast_in_dim3A_142 = vector.broadcast %broadcast_in_dim3A_141 : f32 to vector<16x1xf32>
      %swap3A_143 = arith.constant 0 : index
      %swap3A_144 = arith.constant 0 : index
      %swap3A_145 = vector.load %arg12[%swap3A_143, %swap3A_144] : memref<16x1xf32, #tpu.memory_space<vmem>>, vector<16x1xf32>
      tpu.vector_store %arg12[%swap3A_143, %swap3A_144], %broadcast_in_dim3A_142 {strides = array<i32>} : memref<16x1xf32, #tpu.memory_space<vmem>>, vector<16x1xf32>,
    } else {
    }
    %get3A = arith.constant 0 : index
    %get3A_2 = arith.constant 0 : index
    %get3A_3 = vector.load %arg3[%get3A, %get3A_2] : memref<640x128xf32, #tpu.memory_space<vmem>>, vector<640x128xf32>
    %get3A_4 = arith.constant 0 : index
    %get3A_5 = arith.constant 0 : index
    %get3A_6 = arith.constant 0 : index
    %get3A_7 = vector.load %arg2[%get3A_4, %get3A_5, %get3A_6] : memref<2x640x128xf32, #tpu.memory_space<vmem>>, vector<1x640x128xf32>
    %get3A_8 = vector.shape_cast %get3A_7 : vector<1x640x128xf32> to vector<640x128xf32>
    %get3A_9 = arith.constant 0 : index
    %get3A_10 = arith.constant 0 : index
    %get3A_11 = arith.constant 0 : index
    %get3A_12 = vector.load %arg1[%get3A_9, %get3A_10, %get3A_11] : memref<2x640x128xf32, #tpu.memory_space<vmem>>, vector<1x640x128xf32>
    %get3A_13 = vector.shape_cast %get3A_12 : vector<1x640x128xf32> to vector<640x128xf32>
    %add3A = arith.addf %get3A_8, %get3A_13 : vector<640x128xf32>
    %mul3A = arith.mulf %get3A_3, %add3A : vector<640x128xf32>
    %get3A_14 = arith.constant 1 : index
    %get3A_15 = arith.constant 0 : index
    %get3A_16 = arith.constant 0 : index
    %get3A_17 = vector.load %arg2[%get3A_14, %get3A_15, %get3A_16] : memref<2x640x128xf32, #tpu.memory_space<vmem>>, vector<1x640x128xf32>
    %get3A_18 = vector.shape_cast %get3A_17 : vector<1x640x128xf32> to vector<640x128xf32>
    %get3A_19 = arith.constant 1 : index
    %get3A_20 = arith.constant 0 : index
    %get3A_21 = arith.constant 0 : index
    %get3A_22 = vector.load %arg1[%get3A_19, %get3A_20, %get3A_21] : memref<2x640x128xf32, #tpu.memory_space<vmem>>, vector<1x640x128xf32>
    %get3A_23 = vector.shape_cast %get3A_22 : vector<1x640x128xf32> to vector<640x128xf32>
    %add3A_24 = arith.addf %get3A_18, %get3A_23 : vector<640x128xf32>
    %mul3A_25 = arith.mulf %get3A_3, %add3A_24 : vector<640x128xf32>
    %iota3A = tpu.iota {dimensions = array<i32: 1>} : vector<640x16xi32>
    %broadcast_in_dim3A = arith.constant 1.000000e+00 : f32
    %broadcast_in_dim3A_26 = vector.broadcast %broadcast_in_dim3A : f32 to vector<640x1xf32>
    %get3A_27 = arith.constant 0 : index
    %get3A_28 = arith.constant 0 : index
    %get3A_29 = vector.load %arg4[%get3A_27, %get3A_28] : memref<640x128xi32, #tpu.memory_space<vmem>>, vector<640x16xi32>
    %eq3A_30 = arith.cmpi eq, %get3A_29, %iota3A : vector<640x16xi32>
    %convert_element_type3A_31 = arith.extui %eq3A_30 : vector<640x16xi1> to vector<640x16xi32>
    %convert_element_type3A_32 = arith.sitofp %convert_element_type3A_31 : vector<640x16xi32> to vector<640x16xf32>
    %slice3A = vector.extract_strided_slice %mul3A {offsets = [0, 0], sizes = [640, 32], strides = [1, 1]} : vector<640x128xf32> to vector<640x32xf32>
    %slice3A_33 = vector.extract_strided_slice %mul3A_25 {offsets = [0, 0], sizes = [640, 32], strides = [1, 1]} : vector<640x128xf32> to vector<640x32xf32>
    %concatenate3A = tpu.concatenate %slice3A, %slice3A_33 in 1 : vector<640x32xf32>, vector<640x32xf32> -> vector<640x64xf32>
    %get3A_34 = arith.constant 0 : index
    %get3A_35 = arith.constant 0 : index
    %get3A_36 = vector.load %arg11[%get3A_34, %get3A_35] : memref<16x64xf32, #tpu.memory_space<vmem>>, vector<16x64xf32>
    %dot_general3A = arith.constant dense<0.000000e+00> : vector<16x64xf32>
    %dot_general3A_37 = tpu.matmul %convert_element_type3A_32, %concatenate3A, %dot_general3A {dimension_numbers = #tpu.dot_dimension_numbers<[0], [0], [1], [1], [0, 1, 1, 1], [], []>, transpose_lhs_hint = false} : vector<640x16xf32>, vector<640x64xf32>, vector<16x64xf32> -> vector<16x64xf32>
    %add3A_38 = arith.addf %get3A_36, %dot_general3A_37 : vector<16x64xf32>
    %swap3A = arith.constant 0 : index
    %swap3A_39 = arith.constant 0 : index
    %swap3A_40 = vector.load %arg11[%swap3A, %swap3A_39] : memref<16x64xf32, #tpu.memory_space<vmem>>, vector<16x64xf32>
    tpu.vector_store %arg11[%swap3A, %swap3A_39], %add3A_38 {strides = array<i32>} : memref<16x64xf32, #tpu.memory_space<vmem>>, vector<16x64xf32>,
    %get3A_41 = arith.constant 0 : index
    %get3A_42 = arith.constant 0 : index
    %get3A_43 = vector.load %arg12[%get3A_41, %get3A_42] : memref<16x1xf32, #tpu.memory_space<vmem>>, vector<16x1xf32>
    %dot_general3A_44 = arith.constant dense<0.000000e+00> : vector<16x1xf32>
    %dot_general3A_45 = tpu.matmul %convert_element_type3A_32, %broadcast_in_dim3A_26, %dot_general3A_44 {dimension_numbers = #tpu.dot_dimension_numbers<[0], [0], [1], [1], [0, 1, 1, 1], [], []>, transpose_lhs_hint = false} : vector<640x16xf32>, vector<640x1xf32>, vector<16x1xf32> -> vector<16x1xf32>
    %add3A_46 = arith.addf %get3A_43, %dot_general3A_45 : vector<16x1xf32>
    %swap3A_47 = arith.constant 0 : index
    %swap3A_48 = arith.constant 0 : index
    %swap3A_49 = vector.load %arg12[%swap3A_47, %swap3A_48] : memref<16x1xf32, #tpu.memory_space<vmem>>, vector<16x1xf32>
    tpu.vector_store %arg12[%swap3A_47, %swap3A_48], %add3A_46 {strides = array<i32>} : memref<16x1xf32, #tpu.memory_space<vmem>>, vector<16x1xf32>,
    %get3A_50 = arith.constant 0 : index
    %get3A_51 = arith.constant 32 : index
    %get3A_52 = vector.load %arg4[%get3A_50, %get3A_51] : memref<640x128xi32, #tpu.memory_space<vmem>>, vector<640x16xi32>
    %eq3A_53 = arith.cmpi eq, %get3A_52, %iota3A : vector<640x16xi32>
    %convert_element_type3A_54 = arith.extui %eq3A_53 : vector<640x16xi1> to vector<640x16xi32>
    %convert_element_type3A_55 = arith.sitofp %convert_element_type3A_54 : vector<640x16xi32> to vector<640x16xf32>
    %slice3A_56 = vector.extract_strided_slice %mul3A {offsets = [0, 32], sizes = [640, 32], strides = [1, 1]} : vector<640x128xf32> to vector<640x32xf32>
    %slice3A_57 = vector.extract_strided_slice %mul3A_25 {offsets = [0, 32], sizes = [640, 32], strides = [1, 1]} : vector<640x128xf32> to vector<640x32xf32>
    %concatenate3A_58 = tpu.concatenate %slice3A_56, %slice3A_57 in 1 : vector<640x32xf32>, vector<640x32xf32> -> vector<640x64xf32>
    %get3A_59 = arith.constant 0 : index
    %get3A_60 = arith.constant 0 : index
    %get3A_61 = vector.load %arg11[%get3A_59, %get3A_60] : memref<16x64xf32, #tpu.memory_space<vmem>>, vector<16x64xf32>
    %dot_general3A_62 = arith.constant dense<0.000000e+00> : vector<16x64xf32>
    %dot_general3A_63 = tpu.matmul %convert_element_type3A_55, %concatenate3A_58, %dot_general3A_62 {dimension_numbers = #tpu.dot_dimension_numbers<[0], [0], [1], [1], [0, 1, 1, 1], [], []>, transpose_lhs_hint = false} : vector<640x16xf32>, vector<640x64xf32>, vector<16x64xf32> -> vector<16x64xf32>
    %add3A_64 = arith.addf %get3A_61, %dot_general3A_63 : vector<16x64xf32>
    %swap3A_65 = arith.constant 0 : index
    %swap3A_66 = arith.constant 0 : index
    %swap3A_67 = vector.load %arg11[%swap3A_65, %swap3A_66] : memref<16x64xf32, #tpu.memory_space<vmem>>, vector<16x64xf32>
    tpu.vector_store %arg11[%swap3A_65, %swap3A_66], %add3A_64 {strides = array<i32>} : memref<16x64xf32, #tpu.memory_space<vmem>>, vector<16x64xf32>,
    %get3A_68 = arith.constant 0 : index
    %get3A_69 = arith.constant 0 : index
    %get3A_70 = vector.load %arg12[%get3A_68, %get3A_69] : memref<16x1xf32, #tpu.memory_space<vmem>>, vector<16x1xf32>
    %dot_general3A_71 = arith.constant dense<0.000000e+00> : vector<16x1xf32>
    %dot_general3A_72 = tpu.matmul %convert_element_type3A_55, %broadcast_in_dim3A_26, %dot_general3A_71 {dimension_numbers = #tpu.dot_dimension_numbers<[0], [0], [1], [1], [0, 1, 1, 1], [], []>, transpose_lhs_hint = false} : vector<640x16xf32>, vector<640x1xf32>, vector<16x1xf32> -> vector<16x1xf32>
    %add3A_73 = arith.addf %get3A_70, %dot_general3A_72 : vector<16x1xf32>
    %swap3A_74 = arith.constant 0 : index
    %swap3A_75 = arith.constant 0 : index
    %swap3A_76 = vector.load %arg12[%swap3A_74, %swap3A_75] : memref<16x1xf32, #tpu.memory_space<vmem>>, vector<16x1xf32>
    tpu.vector_store %arg12[%swap3A_74, %swap3A_75], %add3A_73 {strides = array<i32>} : memref<16x1xf32, #tpu.memory_space<vmem>>, vector<16x1xf32>,
    %get3A_77 = arith.constant 0 : index
    %get3A_78 = arith.constant 64 : index
    %get3A_79 = vector.load %arg4[%get3A_77, %get3A_78] : memref<640x128xi32, #tpu.memory_space<vmem>>, vector<640x16xi32>
    %eq3A_80 = arith.cmpi eq, %get3A_79, %iota3A : vector<640x16xi32>
    %convert_element_type3A_81 = arith.extui %eq3A_80 : vector<640x16xi1> to vector<640x16xi32>
    %convert_element_type3A_82 = arith.sitofp %convert_element_type3A_81 : vector<640x16xi32> to vector<640x16xf32>
    %slice3A_83 = vector.extract_strided_slice %mul3A {offsets = [0, 64], sizes = [640, 32], strides = [1, 1]} : vector<640x128xf32> to vector<640x32xf32>
    %slice3A_84 = vector.extract_strided_slice %mul3A_25 {offsets = [0, 64], sizes = [640, 32], strides = [1, 1]} : vector<640x128xf32> to vector<640x32xf32>
    %concatenate3A_85 = tpu.concatenate %slice3A_83, %slice3A_84 in 1 : vector<640x32xf32>, vector<640x32xf32> -> vector<640x64xf32>
    %get3A_86 = arith.constant 0 : index
    %get3A_87 = arith.constant 0 : index
    %get3A_88 = vector.load %arg11[%get3A_86, %get3A_87] : memref<16x64xf32, #tpu.memory_space<vmem>>, vector<16x64xf32>
    %dot_general3A_89 = arith.constant dense<0.000000e+00> : vector<16x64xf32>
    %dot_general3A_90 = tpu.matmul %convert_element_type3A_82, %concatenate3A_85, %dot_general3A_89 {dimension_numbers = #tpu.dot_dimension_numbers<[0], [0], [1], [1], [0, 1, 1, 1], [], []>, transpose_lhs_hint = false} : vector<640x16xf32>, vector<640x64xf32>, vector<16x64xf32> -> vector<16x64xf32>
    %add3A_91 = arith.addf %get3A_88, %dot_general3A_90 : vector<16x64xf32>
    %swap3A_92 = arith.constant 0 : index
    %swap3A_93 = arith.constant 0 : index
    %swap3A_94 = vector.load %arg11[%swap3A_92, %swap3A_93] : memref<16x64xf32, #tpu.memory_space<vmem>>, vector<16x64xf32>
    tpu.vector_store %arg11[%swap3A_92, %swap3A_93], %add3A_91 {strides = array<i32>} : memref<16x64xf32, #tpu.memory_space<vmem>>, vector<16x64xf32>,
    %get3A_95 = arith.constant 0 : index
    %get3A_96 = arith.constant 0 : index
    %get3A_97 = vector.load %arg12[%get3A_95, %get3A_96] : memref<16x1xf32, #tpu.memory_space<vmem>>, vector<16x1xf32>
    %dot_general3A_98 = arith.constant dense<0.000000e+00> : vector<16x1xf32>
    %dot_general3A_99 = tpu.matmul %convert_element_type3A_82, %broadcast_in_dim3A_26, %dot_general3A_98 {dimension_numbers = #tpu.dot_dimension_numbers<[0], [0], [1], [1], [0, 1, 1, 1], [], []>, transpose_lhs_hint = false} : vector<640x16xf32>, vector<640x1xf32>, vector<16x1xf32> -> vector<16x1xf32>
    %add3A_100 = arith.addf %get3A_97, %dot_general3A_99 : vector<16x1xf32>
    %swap3A_101 = arith.constant 0 : index
    %swap3A_102 = arith.constant 0 : index
    %swap3A_103 = vector.load %arg12[%swap3A_101, %swap3A_102] : memref<16x1xf32, #tpu.memory_space<vmem>>, vector<16x1xf32>
    tpu.vector_store %arg12[%swap3A_101, %swap3A_102], %add3A_100 {strides = array<i32>} : memref<16x1xf32, #tpu.memory_space<vmem>>, vector<16x1xf32>,
    %get3A_104 = arith.constant 0 : index
    %get3A_105 = arith.constant 96 : index
    %get3A_106 = vector.load %arg4[%get3A_104, %get3A_105] : memref<640x128xi32, #tpu.memory_space<vmem>>, vector<640x16xi32>
    %eq3A_107 = arith.cmpi eq, %get3A_106, %iota3A : vector<640x16xi32>
    %convert_element_type3A_108 = arith.extui %eq3A_107 : vector<640x16xi1> to vector<640x16xi32>
    %convert_element_type3A_109 = arith.sitofp %convert_element_type3A_108 : vector<640x16xi32> to vector<640x16xf32>
    %slice3A_110 = vector.extract_strided_slice %mul3A {offsets = [0, 96], sizes = [640, 32], strides = [1, 1]} : vector<640x128xf32> to vector<640x32xf32>
    %slice3A_111 = vector.extract_strided_slice %mul3A_25 {offsets = [0, 96], sizes = [640, 32], strides = [1, 1]} : vector<640x128xf32> to vector<640x32xf32>
    %concatenate3A_112 = tpu.concatenate %slice3A_110, %slice3A_111 in 1 : vector<640x32xf32>, vector<640x32xf32> -> vector<640x64xf32>
    %get3A_113 = arith.constant 0 : index
    %get3A_114 = arith.constant 0 : index
    %get3A_115 = vector.load %arg11[%get3A_113, %get3A_114] : memref<16x64xf32, #tpu.memory_space<vmem>>, vector<16x64xf32>
    %dot_general3A_116 = arith.constant dense<0.000000e+00> : vector<16x64xf32>
    %dot_general3A_117 = tpu.matmul %convert_element_type3A_109, %concatenate3A_112, %dot_general3A_116 {dimension_numbers = #tpu.dot_dimension_numbers<[0], [0], [1], [1], [0, 1, 1, 1], [], []>, transpose_lhs_hint = false} : vector<640x16xf32>, vector<640x64xf32>, vector<16x64xf32> -> vector<16x64xf32>
    %add3A_118 = arith.addf %get3A_115, %dot_general3A_117 : vector<16x64xf32>
    %swap3A_119 = arith.constant 0 : index
    %swap3A_120 = arith.constant 0 : index
    %swap3A_121 = vector.load %arg11[%swap3A_119, %swap3A_120] : memref<16x64xf32, #tpu.memory_space<vmem>>, vector<16x64xf32>
    tpu.vector_store %arg11[%swap3A_119, %swap3A_120], %add3A_118 {strides = array<i32>} : memref<16x64xf32, #tpu.memory_space<vmem>>, vector<16x64xf32>,
    %get3A_122 = arith.constant 0 : index
    %get3A_123 = arith.constant 0 : index
    %get3A_124 = vector.load %arg12[%get3A_122, %get3A_123] : memref<16x1xf32, #tpu.memory_space<vmem>>, vector<16x1xf32>
    %dot_general3A_125 = arith.constant dense<0.000000e+00> : vector<16x1xf32>
    %dot_general3A_126 = tpu.matmul %convert_element_type3A_109, %broadcast_in_dim3A_26, %dot_general3A_125 {dimension_numbers = #tpu.dot_dimension_numbers<[0], [0], [1], [1], [0, 1, 1, 1], [], []>, transpose_lhs_hint = false} : vector<640x16xf32>, vector<640x1xf32>, vector<16x1xf32> -> vector<16x1xf32>
    %add3A_127 = arith.addf %get3A_124, %dot_general3A_126 : vector<16x1xf32>
    %swap3A_128 = arith.constant 0 : index
    %swap3A_129 = arith.constant 0 : index
    %swap3A_130 = vector.load %arg12[%swap3A_128, %swap3A_129] : memref<16x1xf32, #tpu.memory_space<vmem>>, vector<16x1xf32>
    tpu.vector_store %arg12[%swap3A_128, %swap3A_129], %add3A_127 {strides = array<i32>} : memref<16x1xf32, #tpu.memory_space<vmem>>, vector<16x1xf32>,
    %eq3A_131 = arith.constant 19 : i32
    %eq3A_132 = arith.cmpi eq, %arg0, %eq3A_131 : i32
    %convert_element_type3A_133 = arith.extui %eq3A_132 : i1 to i32
    %cond3A_134 = arith.constant 0 : i32
    %cond3A_135 = arith.cmpi ne, %convert_element_type3A_133, %cond3A_134 : i32
    scf.if %cond3A_135 {
      %get3A_136 = arith.constant 0 : index
      %get3A_137 = arith.constant 0 : index
      %get3A_138 = vector.load %arg12[%get3A_136, %get3A_137] : memref<16x1xf32, #tpu.memory_space<vmem>>, vector<16x1xf32>
      %slice3A_139 = vector.extract_strided_slice %get3A_138 {offsets = [0, 0], sizes = [8, 1], strides = [1, 1]} : vector<16x1xf32> to vector<8x1xf32>
      %get3A_140 = arith.constant 0 : index
      %get3A_141 = arith.constant 0 : index
      %get3A_142 = vector.load %arg11[%get3A_140, %get3A_141] : memref<16x64xf32, #tpu.memory_space<vmem>>, vector<16x64xf32>
      %slice3A_143 = vector.extract_strided_slice %get3A_142 {offsets = [0, 0], sizes = [8, 64], strides = [1, 1]} : vector<16x64xf32> to vector<8x64xf32>
      %get3A_144 = arith.constant 0 : index
      %get3A_145 = arith.constant 0 : index
      %get3A_146 = vector.load %arg5[%get3A_144, %get3A_145] : memref<1x64xf32, #tpu.memory_space<vmem>>, vector<1x64xf32>
      %mul3A_147 = vector.broadcast %slice3A_139 : vector<8x1xf32> to vector<8x64xf32>
      %mul3A_148 = vector.broadcast %get3A_146 : vector<1x64xf32> to vector<8x64xf32>
      %mul3A_149 = arith.mulf %mul3A_147, %mul3A_148 : vector<8x64xf32>
      %add3A_150 = arith.addf %slice3A_143, %mul3A_149 : vector<8x64xf32>
      %max3A = arith.constant 1.000000e+00 : f32
      %max3A_151 = vector.broadcast %max3A : f32 to vector<8x1xf32>
      %max3A_152 = arith.maximumf %slice3A_139, %max3A_151 : vector<8x1xf32>
      %div3A = vector.broadcast %max3A_152 : vector<8x1xf32> to vector<8x64xf32>
      %div3A_153 = arith.divf %add3A_150, %div3A : vector<8x64xf32>
      %get3A_154 = arith.constant 0 : index
      %get3A_155 = arith.constant 0 : index
      %get3A_156 = vector.load %arg6[%get3A_154, %get3A_155] : memref<64x64xf32, #tpu.memory_space<vmem>>, vector<64x64xf32>
      %dot_general3A_157 = arith.constant dense<0.000000e+00> : vector<8x64xf32>
      %dot_general3A_158 = tpu.matmul %div3A_153, %get3A_156, %dot_general3A_157 {dimension_numbers = #tpu.dot_dimension_numbers<[1], [0], [0], [1], [0, 0, 1, 1], [], []>, transpose_lhs_hint = false} : vector<8x64xf32>, vector<64x64xf32>, vector<8x64xf32> -> vector<8x64xf32>
      %get3A_159 = arith.constant 0 : index
      %get3A_160 = arith.constant 0 : index
      %get3A_161 = vector.load %arg7[%get3A_159, %get3A_160] : memref<1x64xf32, #tpu.memory_space<vmem>>, vector<1x64xf32>
      %add3A_162 = vector.broadcast %get3A_161 : vector<1x64xf32> to vector<8x64xf32>
      %add3A_163 = arith.addf %dot_general3A_158, %add3A_162 : vector<8x64xf32>
      %max3A_164 = arith.constant 0.000000e+00 : f32
      %max3A_165 = vector.broadcast %max3A_164 : f32 to vector<8x64xf32>
      %max3A_166 = arith.maximumf %add3A_163, %max3A_165 : vector<8x64xf32>
      %get3A_167 = arith.constant 0 : index
      %get3A_168 = arith.constant 0 : index
      %get3A_169 = vector.load %arg8[%get3A_167, %get3A_168] : memref<64x1xf32, #tpu.memory_space<vmem>>, vector<64x1xf32>
      %dot_general3A_170 = arith.constant dense<0.000000e+00> : vector<8x1xf32>
      %dot_general3A_171 = tpu.matmul %max3A_166, %get3A_169, %dot_general3A_170 {dimension_numbers = #tpu.dot_dimension_numbers<[1], [0], [0], [1], [0, 0, 1, 1], [], []>, transpose_lhs_hint = false} : vector<8x64xf32>, vector<64x1xf32>, vector<8x1xf32> -> vector<8x1xf32>
      %get3A_172 = arith.constant 0 : index
      %get3A_173 = arith.constant 0 : index
      %get3A_174 = vector.load %arg9[%get3A_172, %get3A_173] : memref<1x1xf32, #tpu.memory_space<vmem>>, vector<1x1xf32>
      %add3A_175 = vector.broadcast %get3A_174 : vector<1x1xf32> to vector<8x1xf32>
      %add3A_176 = arith.addf %dot_general3A_171, %add3A_175 : vector<8x1xf32>
      %logistic3A = arith.negf %add3A_176 : vector<8x1xf32>
      %logistic3A_177 = math.exp %logistic3A : vector<8x1xf32>
      %logistic3A_178 = arith.constant 1.000000e+00 : f32
      %logistic3A_179 = vector.broadcast %logistic3A_178 : f32 to vector<8x1xf32>
      %logistic3A_180 = arith.addf %logistic3A_179, %logistic3A_177 : vector<8x1xf32>
      %logistic3A_181 = arith.divf %logistic3A_179, %logistic3A_180 : vector<8x1xf32>
      %swap3A_182 = arith.constant 0 : index
      %swap3A_183 = arith.constant 0 : index
      %swap3A_184 = vector.load %arg10[%swap3A_182, %swap3A_183] : memref<8x1xf32, #tpu.memory_space<vmem>>, vector<8x1xf32>
      tpu.vector_store %arg10[%swap3A_182, %swap3A_183], %logistic3A_181 {strides = array<i32>} : memref<8x1xf32, #tpu.memory_space<vmem>>, vector<8x1xf32>,
    } else {
    }
    return
  }
  func.func @transform_0(%arg0: i32) -> (i32, i32, i32) {
    %c0_i32 = arith.constant 0 : i32
    %c0_i32_0 = arith.constant 0 : i32
    %c0_i32_1 = arith.constant 0 : i32
    return %c0_i32, %arg0, %c0_i32_0 : i32, i32, i32
  }
  func.func @transform_1(%arg0: i32) -> (i32, i32, i32) {
    %c0_i32 = arith.constant 0 : i32
    %c0_i32_0 = arith.constant 0 : i32
    %c0_i32_1 = arith.constant 0 : i32
    return %c0_i32, %arg0, %c0_i32_0 : i32, i32, i32
  }
  func.func @transform_2(%arg0: i32) -> (i32, i32) {
    %c0_i32 = arith.constant 0 : i32
    %c0_i32_0 = arith.constant 0 : i32
    return %arg0, %c0_i32 : i32, i32
  }
  func.func @transform_3(%arg0: i32) -> (i32, i32) {
    %c0_i32 = arith.constant 0 : i32
    %c0_i32_0 = arith.constant 0 : i32
    return %arg0, %c0_i32 : i32, i32
  }
  func.func @transform_4(%arg0: i32) -> (i32, i32) {
    %c0_i32 = arith.constant 0 : i32
    %c0_i32_0 = arith.constant 0 : i32
    %c0_i32_1 = arith.constant 0 : i32
    return %c0_i32, %c0_i32_0 : i32, i32
  }
  func.func @transform_5(%arg0: i32) -> (i32, i32) {
    %c0_i32 = arith.constant 0 : i32
    %c0_i32_0 = arith.constant 0 : i32
    %c0_i32_1 = arith.constant 0 : i32
    return %c0_i32, %c0_i32_0 : i32, i32
  }
  func.func @transform_6(%arg0: i32) -> (i32, i32) {
    %c0_i32 = arith.constant 0 : i32
    %c0_i32_0 = arith.constant 0 : i32
    %c0_i32_1 = arith.constant 0 : i32
    return %c0_i32, %c0_i32_0 : i32, i32
  }
  func.func @transform_7(%arg0: i32) -> (i32, i32) {
    %c0_i32 = arith.constant 0 : i32
    %c0_i32_0 = arith.constant 0 : i32
    %c0_i32_1 = arith.constant 0 : i32
    return %c0_i32, %c0_i32_0 : i32, i32
  }
  func.func @transform_8(%arg0: i32) -> (i32, i32) {
    %c0_i32 = arith.constant 0 : i32
    %c0_i32_0 = arith.constant 0 : i32
    %c0_i32_1 = arith.constant 0 : i32
    return %c0_i32, %c0_i32_0 : i32, i32
  }
  func.func @transform_9(%arg0: i32) -> (i32, i32) {
    %c0_i32 = arith.constant 0 : i32
    %c0_i32_0 = arith.constant 0 : i32
    %c0_i32_1 = arith.constant 0 : i32
    return %c0_i32, %c0_i32_0 : i32, i32
  }
}

</mosaic_0001>

<sc_bundles>
// kernel: kernel.11.cloned.1.call-start
scs
__scs_entry_jumppad:
0x0: {  	(pc) =	sbr.rel $0x88, $3  }
0x1: {  	(tag) =	ssettag $0x0;
	lr =	simm.s32 $0x1  }
0x2: {  	[smem:$0x3F95] =	sst lr;
	_ =	strace $0xD0000000  }
0x3: {  	_ = 	snop  }
0x4: {  	_ = 	snop  }
0x5: {  	_ = 	snop  }
0x6: {  	_ = 	snop  }
0x7: {  	_ = 	snop  }
__scs_overlays_trampoline_lowered:
0x8: {  	[smem:$0x3FA4] =	sst s0  }
0x9: {  	[smem:$0x3FA5] =	sst s1  }
0xa: {  	[smem:$0x3FA6] =	sst s2  }
0xb: {  	[smem:$0x3FA7] =	sst s3  }
0xc: {  	[smem:$0x3FA8] =	sst s4  }
0xd: {  	[smem:$0x3FA9] =	sst s5  }
0xe: {  	[smem:$0x3FAA] =	sst s6  }
0xf: {  	[smem:$0x3FAB] =	sst s7  }
0x10: {  	[smem:$0x3FAC] =	sst s8  }
0x11: {  	[smem:$0x3FAD] =	sst s9;
	s0 =	simm.s32 @!p0 $0x0  }
0x12: {  	s1 =	sld [smem:$0x3F93];
	s0 =	simm.s32 @p0 $0x1  }
0x13: {  	[smem:$0x3FAE] =	sst s0;
	s0 =	simm.s32 @!p1 $0x0  }
0x14: {  	s2 =	sld [smem:$0x3F92];
	s0 =	simm.s32 @p1 $0x1  }
0x15: {  	[smem:$0x3FAF] =	sst s0;
	s0 =	simm.s32 @!p2 $0x0  }
0x16: {  	s3 =	sld [smem:$0x3FDB];
	s0 =	simm.s32 @p2 $0x1  }
0x17: {  	s4 =	simm.s32 $0x1BF5;
	[smem:$0x3FB1] =	sst s0  }
0x18: {  	s0 =	sld [smem:$0x3F94];
	_ =	swait.ge [sflag:s4], $0x0  }
0x19: {  	s7 =	sld [smem:$0x3F95]  }
0x1a: {  	s8 =	sadd.s32 $0xFFFFE003, lr  }
0x1b: {  	s9 =	sadd.s32 $0xFFFFFEF7, lr;
	s5 =	simm.s32 $0xFFFFFFFF;
	p2 =	slt.u32 s8, $0xFFFFF086  }
0x1c: {  	p1 =	slt.u32 s9, $0xF7A;
	s5 =	simm.s32 @!p2 $0x0  }
0x1d: {  	s5 =	simm.s32 @p1 $0x1;
	p0 =	seq.s32 s7, s2  }
0x1e: {  	s7 =	smul.u32 @!p0 $0xF7A, s2;
	p2 =	seq.s32 @!p0 s5, $0x0  }
0x1f: {  	s9 =	smul.u32 $0xF7A, s1;
	s8 =	simm.s32 @!p0 $0x1BF5;
	p2 =	por !p2, p0  }
0x20: {  	[sflag:s8] =	ssyncset.s32 @!p0 $0xFFFFF086;
	s6 =	sadd.s32 @!p0 s3, s7;
	s7 =	simm.s32 @!p0 $0x108  }
0x21: {  	s3 =	sadd.s32 s3, s9;
	s6 =	sadd.s32 @!p0 $0x88, s6;
	s7 =	simm.s32 @p2 $0x1082  }
0x22: {  	[simem:s7], [sflag:s8] =	dma.local @!p0 [hbm:s6], $0xF7A  }
0x23: {  	s9 =	sor.u32 $0xD0000000, s2;
	s6 =	simm.s32 $0x108;
	_ =	swait.ge @!p0 [sflag:s8], $0x0  }
0x24: {  	s3 =	sadd.s32 $0x88, s3;
	s6 =	simm.s32 @!p1 $0x1082;
	[sflag:s4] =	ssyncset.s32 $0xFFFFF086  }
0x25: {  	[simem:s6], [sflag:s4] =	dma.local [hbm:s3], $0xF7A  }
0x26: {  	[smem:$0x3F95] =	sst s1;
	(tag) =	ssettag s2;
	_ =	strace s9  }
0x27: {  	s1 =	sld [smem:$0x3FA5]  }
0x28: {  	s2 =	sld [smem:$0x3FA6]  }
0x29: {  	s4 =	sld [smem:$0x3FA8]  }
0x2a: {  	p0 =	seq.s32 s5, $0x0;
	s5 =	sld [smem:$0x3FA9]  }
0x2b: {  	s6 =	sld [smem:$0x3FAA]  }
0x2c: {  	s7 =	sld [smem:$0x3FAB]  }
0x2d: {  	s3 =	simm.s32 $0x108;
	s8 =	sld [smem:$0x3FAC]  }
0x2e: {  	s3 =	simm.s32 @!p0 $0x1082;
	s9 =	sld [smem:$0x3FAD]  }
0x2f: {  	lr =	sadd.s32 s0, s3;
	s0 =	sld [smem:$0x3FA4]  }
0x30: {  	s3 =	sld [smem:$0x3FA7]  }
0x31: {  	[smem:$0x3FB0] =	sst s10  }
0x32: {  	s10 =	sld [smem:$0x3FAE];
	_ =	sdelay $0x3  }
0x33: {  	p0 =	seq.s32 s10, $0x1;
	s10 =	sld [smem:$0x3FB0];
	_ =	sdelay $0x3  }
0x34: {  	[smem:$0x3FB0] =	sst s10  }
0x35: {  	s10 =	sld [smem:$0x3FAF];
	_ =	sdelay $0x3  }
0x36: {  	p1 =	seq.s32 s10, $0x1;
	s10 =	sld [smem:$0x3FB0];
	_ =	sdelay $0x3  }
0x37: {  	[smem:$0x3FB0] =	sst s10  }
0x38: {  	s10 =	sld [smem:$0x3FB1]  }
0x39: {  	_ = 	snop;
	(pc) =	sbr.ind lr, $3  }
0x3a: {  	_ = 	snop  }
0x3b: {  	_ = 	snop  }
0x3c: {  	p2 =	seq.s32 s10, $0x1;
	s10 =	sld [smem:$0x3FB0]  }
0x3d: {  	_ =	shalt  }
0x3e: {  	_ =	shalt  }
0x3f: {  	_ =	shalt  }
0x40: {  	_ =	shalt  }
0x41: {  	_ =	shalt  }
0x42: {  	_ =	shalt  }
0x43: {  	_ =	shalt  }
0x44: {  	_ =	shalt  }
0x45: {  	_ =	shalt  }
0x46: {  	_ =	shalt  }
0x47: {  	_ =	shalt  }
0x48: {  	_ =	shalt  }
0x49: {  	_ =	shalt  }
0x4a: {  	_ =	shalt  }
0x4b: {  	_ =	shalt  }
0x4c: {  	_ =	shalt  }
0x4d: {  	_ =	shalt  }
0x4e: {  	_ =	shalt  }
0x4f: {  	_ =	shalt  }
0x50: {  	_ =	shalt  }
0x51: {  	_ =	shalt  }
0x52: {  	_ =	shalt  }
0x53: {  	_ =	shalt  }
0x54: {  	_ =	shalt  }
0x55: {  	_ =	shalt  }
0x56: {  	_ =	shalt  }
0x57: {  	_ =	shalt  }
0x58: {  	_ =	shalt  }
0x59: {  	_ =	shalt  }
0x5a: {  	_ =	shalt  }
0x5b: {  	_ =	shalt  }
0x5c: {  	_ =	shalt  }
0x5d: {  	_ =	shalt  }
0x5e: {  	_ =	shalt  }
0x5f: {  	_ =	shalt  }
0x60: {  	_ =	shalt  }
0x61: {  	_ =	shalt  }
0x62: {  	_ =	shalt  }
0x63: {  	_ =	shalt  }
0x64: {  	_ =	shalt  }
0x65: {  	_ =	shalt  }
0x66: {  	_ =	shalt  }
0x67: {  	_ =	shalt  }
0x68: {  	_ =	shalt  }
0x69: {  	_ =	shalt  }
0x6a: {  	_ =	shalt  }
0x6b: {  	_ =	shalt  }
0x6c: {  	_ =	shalt  }
0x6d: {  	_ =	shalt  }
0x6e: {  	_ =	shalt  }
0x6f: {  	_ =	shalt  }
0x70: {  	_ =	shalt  }
0x71: {  	_ =	shalt  }
0x72: {  	_ =	shalt  }
0x73: {  	_ =	shalt  }
0x74: {  	_ =	shalt  }
0x75: {  	_ =	shalt  }
0x76: {  	_ =	shalt  }
0x77: {  	_ =	shalt  }
0x78: {  	_ =	shalt  }
0x79: {  	_ =	shalt  }
0x7a: {  	_ =	shalt  }
0x7b: {  	_ =	shalt  }
0x7c: {  	_ =	shalt  }
0x7d: {  	_ =	shalt  }
0x7e: {  	_ =	shalt  }
0x7f: {  	_ =	shalt  }
0x80: {  	_ =	shalt  }
0x81: {  	_ =	shalt  }
0x82: {  	_ =	shalt  }
0x83: {  	_ =	shalt  }
0x84: {  	_ =	shalt  }
0x85: {  	_ =	shalt  }
0x86: {  	_ =	shalt  }
0x87: {  	_ =	shalt  }
.Lfunc_end0:
.L_simem_size_0:
called_computation.1_lowered:
.L_overlay_start_0:
0x88: {  	s2 =	sld [smem:$0x3FD9]  }
0x89: {  	s3 =	sld [smem:$0x3FFE];
	_ =	sdelay $0x1  }
0x8a: {  	s1 =	srdreg.scid  }
0x8b: {  	s0 =	sand.u32 $0x1, s1  }
0x8c: {  	s16 =	sshll.u32 s0, $0xA;
	s2 =	sadd.s32 s3, s2  }
0x8d: {  	s2 =	sadd.s32 s2, s16  }
0x8e: {  	[smem:$0x3FBC] =	sst s2  }
0x8f: {  	_ = 	snop  }
0x90: {  	(tm) =	ssettm $0x1  }
0x91: {  	s17 =	sld [smem:$0x3FFB];
	_ =	sdelay $0x3  }
0x92: {  	_ =	strace s17  }
0x93: {  	s2 =	sld [smem:$0x3FFC];
	_ =	sdelay $0x3  }
0x94: {  	_ =	strace s2  }
0x95: {  	s2 =	sld [smem:$0x3FFD];
	_ =	sdelay $0x3  }
0x96: {  	_ =	strace s2  }
0x97: {  	_ =	strace $0x8FFFFFFF  }
0x98: {  	s18 =	sld [smem:$0x3FDB];
	_ =	sdelay $0x1  }
0x99: {  	s19 =	simm.s32 $_scs_section_size  }
0x9a: {  	s4 =	simm.s32 $_size__tile_overlayer_lowered;
	s5 =	simm.s32 $_tile_overlayer_lowered  }
0x9b: {  	s22 =	simm.s32 $0x1BFF;
	s21 =	sshll.u32 s5, $0x1;
	s2 =	sadd.s32 s19, s18  }
0x9c: {  	s6 =	simm.s32 $0x0;
	s20 =	sshll.u32 s4, $0x1;
	s4 =	sadd.s32 s21, s2  }
0x9d: {  	[timem:s6], [sflag:s22] =	dma.local [hbm:s4], s20  }
0x9e: {  	_ =	swait.ge [sflag:s22], s20  }
0x9f: {  	s3 =	ssub.s32 $0x0, s20;
	[sflag:s22] =	ssyncset.done $0x0  }
0xa0: {  	[sflag:s22] =	ssyncadd.s32 s3;
	_ =	sdelay $0x1  }
0xa1: {  	s23 =	simm.s32 $0x1B8B  }
0xa2: {  	_ =	swait.ge [sflag:s23], $0x1  }
0xa3: {  	[sflag:s23] =	ssyncset.done $0x0  }
0xa4: {  	s25 =	simm.s32 $0x1B8E;
	s24 =	sld [smem:$0x3FFE];
	[sflag:s23] =	ssyncadd.s32 $0xFFFFFFFF  }
0xa5: {  	s26 =	simm.s32 $execute0_lowered;
	[smem:$0x3FD2] =	sst s25  }
0xa6: {  	s4 =	sshll.u32 s26, $0x1;
	_ =	strace $0x80000049;
	[dreg:$0x1] =	wrdreg $0xFFFFFFFF  }
0xa7: {  	s28 =	simm.s32 $_size_execute0_lowered;
	s2 =	sadd.s32 s2, s4;
	[dreg:$0x0] =	wrdreg $0x0  }
0xa8: {  	s4 =	sshll.u32 s28, $0x1;
	[dreg:$0x2] =	wrdreg s2  }
0xa9: {  	[dreg:$0x3] =	wrdreg s4  }
0xaa: {  	[dreg:$0x4] =	wrdreg $0xC0  }
0xab: {  	_ =	task [dreg:s6], $0x5FFFF  }
0xac: {  	[dreg:$0x1] =	wrdreg $0xFFFFFFFF  }
0xad: {  	[dreg:$0x0] =	wrdreg $0x60  }
0xae: {  	[dreg:$0x2] =	wrdreg s24  }
0xaf: {  	[dreg:$0x3] =	wrdreg $0x0  }
0xb0: {  	[dreg:$0x4] =	wrdreg $0x9  }
0xb1: {  	_ =	task.clear_ibuf [dreg:s6], $0x5FFFF;
	_ =	strace $0x90000049  }
0xb2: {  	s29 =	simm.s32 $0x9;
	_ =	strace $0x8000004B  }
0xb3: {  	_ =	swait.ge [sflag:s29], $0x1  }
0xb4: {  	[sflag:s29] =	ssyncadd.s32 $0xFFFFFFFF  }
0xb5: {  	_ =	strace $0x9000004B  }
0xb6: {  	_ =	sfence  }
0xb7: {  	s30 =	sld [smem:$0x0];
	_ =	sdelay $0x2  }
0xb8: {  	s31 =	sshll.u32 s1, $0xD;
	s1 =	sshrl.u32 s1, $0x2  }
0xb9: {  	s3 =	sand.u32 $0x4000, s31;
	s1 =	sadd.s32 s1, s30  }
0xba: {  	s0 =	sor.u32 s3, s0;
	s1 =	sshll.u32 s1, $0x11  }
0xbb: {  	s0 =	sor.u32 s1, s0  }
0xbc: {  	s0 =	sadd.s32 $0x8F2B, s0  }
0xbd: {  	[sflag:s0] =	ssyncadd.remote.s32 $0x1  }
0xbe: {  	_ =	sfence.sel $0xFFFF  }
0xbf: {  	[dreg:$0x0] =	wrdreg $0xFFFFFFFF;
	(pc) =	sbr.abs _section_cstart, $3  }
0xc0: {  	[dreg:$0x1] =	wrdreg $0xFFFFFFFF  }
0xc1: {  	_ =	task.clear_ibuf [dreg:s6], $0x2FFFF;
	_ =	strace $0x9FFFFFFF  }
0xc2: {  	(tm) =	ssettm $0x7FFFFFFF  }
0xc3: {  	_ =	shalt  }
tec
execute0_lowered:
.L_overlay_start_1:
0x0: {  	(tag) =	ssettag $0x1  }
0x1: {  	s13 =	stileid.u32  }
0x2: {  	s4 =	simm.s32 $0x1;
	s7 =	rddreg [dreg:$0x0];
	s0 =	smul.u32 $0xC35, s13  }
0x3: {  	s16 =	srdreg.scid;
	s28 =	simm.s32 $0xA;
	s9 =	smul.u32 $0x19000, s13  }
0x4: {  	s29 =	simm.s32 $0x19000;
	s17 =	sand.u32 $0x1, s16;
	s13 =	smul.u32 $0x64000, s13  }
0x5: {  	s30 =	simm.s32 $0x19300;
	s18 =	smul.u32 $0x32000, s17;
	s1 =	sadd.s32 $0xC35, s0  }
0x6: {  	s10 =	smul.u32 $0x190000, s17;
	s20 =	sshrl.u32 s0, $0x4;
	s0 =	sshrl.u32 s1, $0x4  }
0x7: {  	s31 =	simm.s32 $0x19100;
	s13 =	sshrl.u32 s13, $0x2;
	s1 =	ssub.s32 s0, s20  }
0x8: {  	s11 =	sadd.s32 s18, s7;
	s10 =	sadd.s32 s9, s10;
	s2 =	smul.u32 $0xFFFFAAAB, s1  }
0x9: {  	p0 =	sne.s32 s0, s20;
	s10 =	sshrl.u32 s10, $0x3;
	s3 =	smul.u32 $0x5556, s1  }
0xa: {  	s1 =	sshra.s32 s1, $0x1F;
	s4 =	simm.s32 @!p0 $0x0;
	s10 =	sadd.s32 s10, s7  }
0xb: {  	s1 =	sor.u32 s4, s1;
	s4 =	simm.s32 $0x0;
	s2 =	sadd.s32 $0x2AAA, s2  }
0xc: {  	s5 =	sshrl.u32 s3, $0x1F;
	s3 =	sshrl.u32 s3, $0x10;
	p6 =	sne.s32 s1, $0x1  }
0xd: {  	[smem:$0x7FF] =	sst s4;
	s2 =	sand.u32 $0xFFFF, s2;
	s15 =	sadd.s32 s5, s3  }
0xe: {  	s3 =	rddreg [dreg:$0x1];
	_ =	strace $0x8000004A;
	s5 =	sadd.s32 $0x2400, s7  }
0xf: {  	p1 =	sgt.u32 s2, $0x5554;
	s25 =	sadd.s32 s9, s3;
	s9 =	sadd.s32 s13, s3  }
0x10: {  	s1 =	sshll.u32 s15, $0x10;
	s13 =	sadd.s32 $0x2000, s9;
	[dreg:$0x10] =	wrdreg s25  }
0x11: {  	s2 =	simm.s32 $0x1;
	s21 =	sadd.s32 $0x4000, s9;
	[dreg:$0x6] =	wrdreg s13  }
0x12: {  	s15 =	sshll.u32 s20, $0x5;
	s22 =	sadd.s32 $0x6000, s9;
	[dreg:$0x7] =	wrdreg s21  }
0x13: {  	p0 =	por !p1, !p6;
	s23 =	sadd.s32 $0x8000, s9;
	[dreg:$0x8] =	wrdreg s22  }
0x14: {  	s1 =	sshra.s32 s1, $0x10;
	s24 =	sadd.s32 $0xA000, s9;
	[dreg:$0x9] =	wrdreg s23  }
0x15: {  	s26 =	sadd.s32 $0xC000, s9;
	p0 =	por !p0, !p0;
	[dreg:$0xa] =	wrdreg s24  }
0x16: {  	[dreg:$0xb] =	wrdreg s26;
	s21 =	sadd.s32 $0x14000, s9;
	s22 =	sadd.s32 $0x16000, s9  }
0x17: {  	s23 =	sadd.s32 $0x18000, s9;
	s24 =	sadd.s32 $0x33400, s10;
	[dreg:$0xf] =	wrdreg s21  }
0x18: {  	s10 =	simm.s32 $0x2;
	s13 =	simm.s32 $0x1D600;
	[dreg:$0x11] =	wrdreg s22  }
0x19: {  	s2 =	simm.s32 @!p0 $0x0;
	[dreg:$0x12] =	wrdreg s23;
	s22 =	simm.s32 $0x1  }
0x1a: {  	s23 =	sadd.s32 $0x130600, s11;
	[dreg:$0x13] =	wrdreg s24;
	s1 =	ssub.s32 s1, s2  }
0x1b: {  	s11 =	simm.s32 $0x1B600;
	s2 =	ssub.s32 $0x2, s17;
	s8 =	smul.u32 $0x3, s1  }
0x1c: {  	s21 =	simm.s32 $0x0;
	s17 =	sadd.s32 s15, s5;
	s19 =	sshrl.u32 s2, $0x1  }
0x1d: {  	s18 =	smul.u32 $0x60, s1;
	[dreg:$0x5] =	wrdreg s17;
	s6 =	sshll.u32 s8, $0x10  }
0x1e: {  	s17 =	simm.s32 $0x6;
	s2 =	ssub.s32 s2, s19;
	s6 =	sadd.s32 $0x20000, s6  }
0x1f: {  	s19 =	sadd.s32 $0x12000, s9;
	s8 =	sadd.s32 s20, s8;
	s6 =	sshra.s32 s6, $0x10  }
0x20: {  	[dreg:$0xe] =	wrdreg s19;
	s26 =	smax.u32 s2, $0x1;
	s12 =	smul.u32 $0x5556, s6  }
0x21: {  	s2 =	simm.s32 $0x19400;
	[dreg:$0x14] =	wrdreg s26;
	s6 =	sadd.s32 $0x1AC00, s7  }
0x22: {  	s7 =	sadd.s32 $0xE000, s9;
	s14 =	sshrl.u32 s12, $0x1F;
	s12 =	sshrl.u32 s12, $0x10  }
0x23: {  	s26 =	simm.s32 $0x19600;
	[dreg:$0xc] =	wrdreg s7;
	s12 =	sadd.s32 s14, s12  }
0x24: {  	s16 =	sadd.s32 s15, s6;
	s7 =	sadd.s32 s15, s18;
	s12 =	sshll.u32 s12, $0x10  }
0x25: {  	s15 =	simm.s32 $0x5;
	[dreg:$0x4] =	wrdreg s16;
	s12 =	sshra.s32 s12, $0x10  }
.Ltmp0:
0x26: {  	s16 =	ssub.s32 s0, s8;
	p0 =	sgt.s32 s12, $0x1;
	(pc) =	sbr.rel .LBB2_1-.Ltmp0, $4  }
0x27: {  	s0 =	simm.s32 $0x19200;
	s8 =	simm.s32 $0x19500;
	s12 =	simm.s32 @!p0 $0x1  }
0x28: {  	s14 =	sadd.s32 $0x10000, s9;
	p1 =	slt.s32 s16, $0x1;
	s12 =	smul.u32 $0x60, s12  }
0x29: {  	s9 =	simm.s32 $0x100;
	[dreg:$0xd] =	wrdreg s14;
	s14 =	simm.s32 $0x4  }
0x2a: {  	v0 =	vimm.f32 $0.0e+00;
	p0 =	slt.s32 s1, $0x1;
	[dreg:$0x3] =	wrdreg s12;
	s12 =	simm.s32 $0x3  }
.LBB2_10:
0x2b: {  	s1 =	sadd.s32 s5, s24;
	[sflag:s28] =	ssyncadd.s32 @p2 $0xFFFFE000  }
0x2c: {  	[tilespmem:s29], [sflag:$0x1] =	stream.linear.gather [hbm4b:s1+s4], $0x100, $0x38;
	[tilespmem:$0x1F600] =	vst v63  }
0x2d: {  	s24 =	sadd.s32 s6, s24  }
0x2e: {  	[tilespmem:s30], [sflag:$0x1] =	stream.linear.gather [hbm4b:s24+s4], $0x100, $0x38;
	[tilespmem:$0x1F600] =	vst v63  }
0x2f: {  	_ =	swait.ge [sflag:s22], $0x100  }
0x30: {  	[sflag:s22] =	ssyncset.done $0x0  }
0x31: {  	[sflag:s22] =	ssyncadd.s32 $0xFFFFFF00  }
0x32: {  	_ =	swait.ge [sflag:s22], $0x100  }
0x33: {  	[sflag:s22] =	ssyncset.done $0x0  }
0x34: {  	[sflag:s22] =	ssyncadd.s32 $0xFFFFFF00  }
0x35: {  	[tilespmem:s26], [sflag:$0x4] =	stream.indirect.gather [hbm4b:s23+s9], $0x20, s29, s9, $0xb8;
	[tilespmem:$0x1F600] =	vst v63  }
0x36: {  	_ =	swait.ge [sflag:s14], $0x2000  }
0x37: {  	[sflag:s14] =	ssyncset.done $0x0  }
0x38: {  	[sflag:s14] =	ssyncadd.s32 $0xFFFFE000  }
0x39: {  	[spmem:s3] =	stream.indirect.scatter.add.f32 [tilespmem:s26], [sflag:$0xA], $0x20, s30, s9, $0xb8;
	[tilespmem:$0x1F600] =	vst v63  }
0x3a: {  	_ =	swait.ge [sflag:s28], $0x2000  }
0x3b: {  	[sflag:s28] =	ssyncset.done $0x0  }
0x3c: {  	[sflag:s28] =	ssyncadd.s32 $0xFFFFE000  }
.LBB2_11:
0x3d: {  	s1 =	stileid.u32  }
0x3e: {  	[bflag:$0x0] =	sbarrier.arrive $0xFFFF;
	s1 =	sshll.u32 s1, $0x6  }
0x3f: {  	s18 =	sshrl.u32 s25, $0x3;
	s19 =	rddreg [dreg:$0x13];
	s1 =	sor.u32 $0x1C0A, s1  }
0x40: {  	[hbm:s19], [sflag:s1] =	dma.local [spmem:s18], $0x3200  }
0x41: {  	_ =	swait.ge [sflag:s28], $0x3200  }
0x42: {  	s21 =	sadd.s32 $0x1, s21;
	s24 =	rddreg [dreg:$0x14]  }
0x43: {  	p2 =	sne.s32 s21, s24  }
.Ltmp1:
0x44: {  	_ = 	snop;
	(pc) =	sbr.rel @!p2 .LBB2_12-.Ltmp1, $3  }
0x45: {  	_ =	sdelay $0x1  }
0x46: {  	[sflag:s28] =	ssyncset.done $0x0  }
0x47: {  	[sflag:s28] =	ssyncadd.s32 $0xFFFFCE00  }
.LBB2_1:
0x48: {  	s1 =	simm.s32 $0x80;
	s18 =	simm.s32 $0x0  }
.LBB2_2:
0x49: {  	p2 =	sne.s32 s1, $0x7F80;
	[tilespmem:s18+$0x19600] =	vst v0;
	s24 =	smov.u32 s1;
	s1 =	sadd.s32 $0x80, s1  }
.Ltmp2:
0x4a: {  	[tilespmem:s18+$0x19610] =	vst v0;
	(pc) =	sbr.rel @p2 .LBB2_2-.Ltmp2, $2  }
0x4b: {  	_ =	sdelay $0x2  }
0x4c: {  	s18 =	sshra.s32 s24, $0x2  }
0x4d: {  	[tilespmem:s18+$0x19600] =	vst v0  }
0x4e: {  	[tilespmem:s18+$0x19610] =	vst v0  }
0x4f: {  	[spmem:s25] =	stream.linear.scatter [tilespmem:s26], [sflag:$0xA], $0x2000, $0x38;
	[tilespmem:$0x1F600] =	vst v63  }
0x50: {  	_ =	swait.ge [sflag:s28], $0x2000  }
0x51: {  	[sflag:s28] =	ssyncset.done $0x0  }
0x52: {  	s1 =	rddreg [dreg:$0x6];
	[sflag:s28] =	ssyncadd.s32 $0xFFFFE000  }
0x53: {  	[spmem:s1] =	stream.linear.scatter [tilespmem:s26], [sflag:$0xA], $0x2000, $0x38;
	[tilespmem:$0x1F600] =	vst v63  }
0x54: {  	_ =	swait.ge [sflag:s28], $0x2000  }
0x55: {  	[sflag:s28] =	ssyncset.done $0x0  }
0x56: {  	s19 =	rddreg [dreg:$0x7];
	[sflag:s28] =	ssyncadd.s32 $0xFFFFE000  }
0x57: {  	[spmem:s19] =	stream.linear.scatter [tilespmem:s26], [sflag:$0xA], $0x2000, $0x38;
	[tilespmem:$0x1F600] =	vst v63  }
0x58: {  	_ =	swait.ge [sflag:s28], $0x2000  }
0x59: {  	[sflag:s28] =	ssyncset.done $0x0  }
0x5a: {  	s24 =	rddreg [dreg:$0x8];
	[sflag:s28] =	ssyncadd.s32 $0xFFFFE000  }
0x5b: {  	[spmem:s24] =	stream.linear.scatter [tilespmem:s26], [sflag:$0xA], $0x2000, $0x38;
	[tilespmem:$0x1F600] =	vst v63  }
0x5c: {  	_ =	swait.ge [sflag:s28], $0x2000  }
0x5d: {  	[sflag:s28] =	ssyncset.done $0x0  }
0x5e: {  	s25 =	rddreg [dreg:$0x9];
	[sflag:s28] =	ssyncadd.s32 $0xFFFFE000  }
0x5f: {  	[spmem:s25] =	stream.linear.scatter [tilespmem:s26], [sflag:$0xA], $0x2000, $0x38;
	[tilespmem:$0x1F600] =	vst v63  }
0x60: {  	_ =	swait.ge [sflag:s28], $0x2000  }
0x61: {  	[sflag:s28] =	ssyncset.done $0x0  }
0x62: {  	s18 =	rddreg [dreg:$0xa];
	[sflag:s28] =	ssyncadd.s32 $0xFFFFE000  }
0x63: {  	[spmem:s18] =	stream.linear.scatter [tilespmem:s26], [sflag:$0xA], $0x2000, $0x38;
	[tilespmem:$0x1F600] =	vst v63  }
0x64: {  	_ =	swait.ge [sflag:s28], $0x2000  }
0x65: {  	[sflag:s28] =	ssyncset.done $0x0  }
0x66: {  	s19 =	rddreg [dreg:$0xb];
	[sflag:s28] =	ssyncadd.s32 $0xFFFFE000  }
0x67: {  	[spmem:s19] =	stream.linear.scatter [tilespmem:s26], [sflag:$0xA], $0x2000, $0x38;
	[tilespmem:$0x1F600] =	vst v63  }
0x68: {  	_ =	swait.ge [sflag:s28], $0x2000  }
0x69: {  	[sflag:s28] =	ssyncset.done $0x0  }
0x6a: {  	s24 =	rddreg [dreg:$0xc];
	[sflag:s28] =	ssyncadd.s32 $0xFFFFE000  }
0x6b: {  	[spmem:s24] =	stream.linear.scatter [tilespmem:s26], [sflag:$0xA], $0x2000, $0x38;
	[tilespmem:$0x1F600] =	vst v63  }
0x6c: {  	_ =	swait.ge [sflag:s28], $0x2000  }
0x6d: {  	[sflag:s28] =	ssyncset.done $0x0  }
0x6e: {  	s25 =	rddreg [dreg:$0xd];
	[sflag:s28] =	ssyncadd.s32 $0xFFFFE000  }
0x6f: {  	[spmem:s25] =	stream.linear.scatter [tilespmem:s26], [sflag:$0xA], $0x2000, $0x38;
	[tilespmem:$0x1F600] =	vst v63  }
0x70: {  	_ =	swait.ge [sflag:s28], $0x2000  }
0x71: {  	[sflag:s28] =	ssyncset.done $0x0  }
0x72: {  	s18 =	rddreg [dreg:$0xe];
	[sflag:s28] =	ssyncadd.s32 $0xFFFFE000  }
0x73: {  	[spmem:s18] =	stream.linear.scatter [tilespmem:s26], [sflag:$0xA], $0x2000, $0x38;
	[tilespmem:$0x1F600] =	vst v63  }
0x74: {  	_ =	swait.ge [sflag:s28], $0x2000  }
0x75: {  	[sflag:s28] =	ssyncset.done $0x0  }
0x76: {  	s19 =	rddreg [dreg:$0xf];
	[sflag:s28] =	ssyncadd.s32 $0xFFFFE000  }
0x77: {  	[spmem:s19] =	stream.linear.scatter [tilespmem:s26], [sflag:$0xA], $0x2000, $0x38;
	[tilespmem:$0x1F600] =	vst v63  }
0x78: {  	_ =	swait.ge [sflag:s28], $0x2000  }
0x79: {  	[sflag:s28] =	ssyncset.done $0x0  }
0x7a: {  	s24 =	rddreg [dreg:$0x11];
	[sflag:s28] =	ssyncadd.s32 $0xFFFFE000  }
0x7b: {  	[spmem:s24] =	stream.linear.scatter [tilespmem:s26], [sflag:$0xA], $0x2000, $0x38;
	[tilespmem:$0x1F600] =	vst v63  }
0x7c: {  	_ =	swait.ge [sflag:s28], $0x2000  }
0x7d: {  	[sflag:s28] =	ssyncset.done $0x0  }
0x7e: {  	s25 =	rddreg [dreg:$0x12];
	[sflag:s28] =	ssyncadd.s32 $0xFFFFE000  }
0x7f: {  	[spmem:s25] =	stream.linear.scatter [tilespmem:s26], [sflag:$0xA], $0x1000, $0x38;
	[tilespmem:$0x1F600] =	vst v63  }
.Ltmp3:
0x80: {  	_ =	swait.ge [sflag:s28], $0x1000;
	(pc) =	sbr.rel @p0 .LBB2_6-.Ltmp3, $4  }
0x81: {  	[sflag:s28] =	ssyncset.done $0x0  }
0x82: {  	[sflag:s28] =	ssyncadd.s32 $0xFFFFF000  }
0x83: {  	[bflag:$0x0] =	sbarrier.arrive $0xFFFF  }
0x84: {  	s1 =	smov.u32 s20;
	s18 =	simm.s32 $0x0  }
.LBB2_4:
0x85: {  	p2 =	sle.s32 s1, s20  }
0x86: {  	s24 =	simm.s32 @!p2 $0x7  }
0x87: {  	_ =	swait.ge @!p2 [sflag:s24], $0x2000  }
0x88: {  	[sflag:s24] =	ssyncset.done @!p2 $0x0  }
0x89: {  	[sflag:s24] =	ssyncadd.s32 @!p2 $0xFFFFE000;
	s24 =	simm.s32 @!p2 $0x8  }
0x8a: {  	_ =	swait.ge @!p2 [sflag:s24], $0x2000  }
0x8b: {  	[sflag:s24] =	ssyncset.done @!p2 $0x0  }
0x8c: {  	[sflag:s24] =	ssyncadd.s32 @!p2 $0xFFFFE000;
	s24 =	simm.s32 @!p2 $0x9  }
0x8d: {  	_ =	swait.ge @!p2 [sflag:s24], $0x2000  }
0x8e: {  	s25 =	rddreg [dreg:$0x5];
	[sflag:s24] =	ssyncset.done @!p2 $0x0  }
0x8f: {  	s19 =	rddreg [dreg:$0x4];
	[sflag:s24] =	ssyncadd.s32 @!p2 $0xFFFFE000;
	s24 =	sadd.s32 s18, s25  }
0x90: {  	[tilespmem:s29], [sflag:$0x1] =	stream.linear.gather [hbm4b:s24+s4], $0x100, $0x38;
	[tilespmem:$0x1F600] =	vst v63  }
0x91: {  	s19 =	sadd.s32 s18, s19  }
0x92: {  	[tilespmem:s30], [sflag:$0x1] =	stream.linear.gather [hbm4b:s19+s4], $0x100, $0x38;
	[tilespmem:$0x1F600] =	vst v63  }
0x93: {  	s25 =	sadd.s32 $0x20, s24  }
0x94: {  	[tilespmem:s31], [sflag:$0x2] =	stream.linear.gather [hbm4b:s25+s4], $0x100, $0x38;
	[tilespmem:$0x1F600] =	vst v63  }
0x95: {  	s25 =	sadd.s32 $0x20, s19  }
0x96: {  	[tilespmem:s2], [sflag:$0x2] =	stream.linear.gather [hbm4b:s25+s4], $0x100, $0x38;
	[tilespmem:$0x1F600] =	vst v63  }
0x97: {  	s24 =	sadd.s32 $0x40, s24  }
0x98: {  	[tilespmem:s0], [sflag:$0x3] =	stream.linear.gather [hbm4b:s24+s4], $0x100, $0x38;
	[tilespmem:$0x1F600] =	vst v63  }
0x99: {  	s19 =	sadd.s32 $0x40, s19  }
0x9a: {  	[tilespmem:s8], [sflag:$0x3] =	stream.linear.gather [hbm4b:s19+s4], $0x100, $0x38;
	[tilespmem:$0x1F600] =	vst v63  }
0x9b: {  	_ =	swait.ge [sflag:s22], $0x100  }
0x9c: {  	[sflag:s22] =	ssyncset.done $0x0  }
0x9d: {  	[sflag:s22] =	ssyncadd.s32 $0xFFFFFF00  }
0x9e: {  	_ =	swait.ge [sflag:s22], $0x100  }
0x9f: {  	[sflag:s22] =	ssyncset.done $0x0  }
0xa0: {  	[sflag:s22] =	ssyncadd.s32 $0xFFFFFF00  }
0xa1: {  	[tilespmem:s26], [sflag:$0x4] =	stream.indirect.gather [hbm4b:s23+s9], $0x20, s29, s9, $0xb8;
	[tilespmem:$0x1F600] =	vst v63  }
0xa2: {  	_ =	swait.ge [sflag:s10], $0x100  }
0xa3: {  	[sflag:s10] =	ssyncset.done $0x0  }
0xa4: {  	[sflag:s10] =	ssyncadd.s32 $0xFFFFFF00  }
0xa5: {  	_ =	swait.ge [sflag:s10], $0x100  }
0xa6: {  	[sflag:s10] =	ssyncset.done $0x0  }
0xa7: {  	[sflag:s10] =	ssyncadd.s32 $0xFFFFFF00  }
0xa8: {  	[tilespmem:s11], [sflag:$0x5] =	stream.indirect.gather [hbm4b:s23+s9], $0x20, s31, s9, $0xb8;
	[tilespmem:$0x1F600] =	vst v63  }
0xa9: {  	_ =	swait.ge [sflag:s12], $0x100  }
0xaa: {  	[sflag:s12] =	ssyncset.done $0x0  }
0xab: {  	[sflag:s12] =	ssyncadd.s32 $0xFFFFFF00  }
0xac: {  	_ =	swait.ge [sflag:s12], $0x100  }
0xad: {  	[sflag:s12] =	ssyncset.done $0x0  }
0xae: {  	[sflag:s12] =	ssyncadd.s32 $0xFFFFFF00  }
0xaf: {  	[tilespmem:s13], [sflag:$0x6] =	stream.indirect.gather [hbm4b:s23+s9], $0x20, s0, s9, $0xb8;
	[tilespmem:$0x1F600] =	vst v63  }
0xb0: {  	_ =	swait.ge [sflag:s14], $0x2000  }
0xb1: {  	[sflag:s14] =	ssyncset.done $0x0  }
0xb2: {  	[sflag:s14] =	ssyncadd.s32 $0xFFFFE000  }
0xb3: {  	[spmem:s3] =	stream.indirect.scatter.add.f32 [tilespmem:s26], [sflag:$0x7], $0x20, s30, s9, $0xb8;
	[tilespmem:$0x1F600] =	vst v63  }
0xb4: {  	_ =	swait.ge [sflag:s15], $0x2000  }
0xb5: {  	[sflag:s15] =	ssyncset.done $0x0  }
0xb6: {  	[sflag:s15] =	ssyncadd.s32 $0xFFFFE000  }
0xb7: {  	[spmem:s3] =	stream.indirect.scatter.add.f32 [tilespmem:s11], [sflag:$0x8], $0x20, s2, s9, $0xb8;
	[tilespmem:$0x1F600] =	vst v63  }
0xb8: {  	_ =	swait.ge [sflag:s17], $0x2000  }
0xb9: {  	s18 =	sadd.s32 $0x60, s18;
	s25 =	rddreg [dreg:$0x3]  }
0xba: {  	p2 =	sne.s32 s25, s18  }
.Ltmp4:
0xbb: {  	_ = 	snop;
	(pc) =	sbr.rel @p2 .LBB2_4-.Ltmp4, $4  }
0xbc: {  	_ = 	snop  }
0xbd: {  	[sflag:s17] =	ssyncset.done $0x0  }
0xbe: {  	s1 =	sadd.s32 $0x3, s1;
	[sflag:s17] =	ssyncadd.s32 $0xFFFFE000  }
0xbf: {  	[spmem:s3] =	stream.indirect.scatter.add.f32 [tilespmem:s13], [sflag:$0x9], $0x20, s8, s9, $0xb8;
	[tilespmem:$0x1F600] =	vst v63  }
0xc0: {  	s1 =	simm.s32 $0x7  }
0xc1: {  	_ =	swait.ge [sflag:s1], $0x2000  }
0xc2: {  	[sflag:s1] =	ssyncset.done $0x0  }
0xc3: {  	s24 =	simm.s32 $0x8;
	[sflag:s1] =	ssyncadd.s32 $0xFFFFE000  }
0xc4: {  	_ =	swait.ge [sflag:s24], $0x2000  }
0xc5: {  	[sflag:s24] =	ssyncset.done $0x0  }
0xc6: {  	s25 =	simm.s32 $0x9;
	[sflag:s24] =	ssyncadd.s32 $0xFFFFE000  }
0xc7: {  	_ =	swait.ge [sflag:s25], $0x2000  }
0xc8: {  	[sflag:s25] =	ssyncset.done $0x0  }
0xc9: {  	[sflag:s25] =	ssyncadd.s32 $0xFFFFE000  }
.LBB2_6:
.Ltmp5:
0xca: {  	(pc) =	sbr.rel @p1 .LBB2_11-.Ltmp5, $2  }
0xcb: {  	_ =	sdelay $0x2  }
0xcc: {  	s1 =	simm.s32 $0x0;
	s25 =	rddreg [dreg:$0x10]  }
0xcd: {  	s1 =	sadd.s32 $0x1, s1  }
0xce: {  	p3 =	slt.s32 s1, s16  }
.Ltmp6:
0xcf: {  	_ = 	snop;
	(pc) =	sbr.rel @!p3 .LBB2_10-.Ltmp6, $2  }
0xd0: {  	_ =	sdelay $0x2  }
0xd1: {  	s24 =	sand.u32 $0x1FFFFFE0, s7;
	p2 =	por $0x0, $0x0  }
0xd2: {  	s18 =	sadd.s32 s5, s24  }
0xd3: {  	[tilespmem:s29], [sflag:$0x1] =	stream.linear.gather [hbm4b:s18+s4], $0x100, $0x38;
	[tilespmem:$0x1F600] =	vst v63  }
0xd4: {  	s24 =	sadd.s32 s6, s24  }
0xd5: {  	[tilespmem:s30], [sflag:$0x1] =	stream.linear.gather [hbm4b:s24+s4], $0x100, $0x38;
	[tilespmem:$0x1F600] =	vst v63  }
0xd6: {  	_ =	swait.ge [sflag:s22], $0x100  }
0xd7: {  	[sflag:s22] =	ssyncset.done $0x0  }
0xd8: {  	[sflag:s22] =	ssyncadd.s32 $0xFFFFFF00  }
0xd9: {  	_ =	swait.ge [sflag:s22], $0x100  }
0xda: {  	[sflag:s22] =	ssyncset.done $0x0  }
0xdb: {  	s1 =	sadd.s32 $0x1, s1;
	[sflag:s22] =	ssyncadd.s32 $0xFFFFFF00  }
0xdc: {  	[tilespmem:s26], [sflag:$0x4] =	stream.indirect.gather [hbm4b:s23+s9], $0x20, s29, s9, $0xb8;
	[tilespmem:$0x1F600] =	vst v63  }
0xdd: {  	p3 =	slt.s32 s1, s16;
	_ =	swait.ge [sflag:s14], $0x2000  }
.Ltmp7:
0xde: {  	[sflag:s14] =	ssyncset.done $0x0;
	(pc) =	sbr.rel @!p3 .LBB2_10-.Ltmp7, $4  }
0xdf: {  	[sflag:s14] =	ssyncadd.s32 $0xFFFFE000  }
0xe0: {  	[spmem:s3] =	stream.indirect.scatter.add.f32 [tilespmem:s26], [sflag:$0xA], $0x20, s30, s9, $0xb8;
	[tilespmem:$0x1F600] =	vst v63  }
0xe1: {  	s18 =	sadd.s32 $0x20, s7;
	_ =	swait.ge [sflag:s28], $0x2000  }
0xe2: {  	p2 =	por $0x1, $0x1;
	s24 =	sand.u32 $0x1FFFFFE0, s18;
	[sflag:s28] =	ssyncset.done $0x0  }
.LBB2_9:
0xe3: {  	s1 =	sadd.s32 $0x1, s1;
	s19 =	sadd.s32 s5, s24;
	[sflag:s28] =	ssyncadd.s32 $0xFFFFE000  }
0xe4: {  	[tilespmem:s29], [sflag:$0x1] =	stream.linear.gather [hbm4b:s19+s4], $0x100, $0x38;
	[tilespmem:$0x1F600] =	vst v63  }
0xe5: {  	p3 =	slt.s32 s1, s16;
	s19 =	sadd.s32 s6, s24  }
0xe6: {  	[tilespmem:s30], [sflag:$0x1] =	stream.linear.gather [hbm4b:s19+s4], $0x100, $0x38;
	[tilespmem:$0x1F600] =	vst v63  }
0xe7: {  	_ =	swait.ge [sflag:s22], $0x100  }
0xe8: {  	[sflag:s22] =	ssyncset.done $0x0  }
0xe9: {  	[sflag:s22] =	ssyncadd.s32 $0xFFFFFF00  }
0xea: {  	_ =	swait.ge [sflag:s22], $0x100  }
0xeb: {  	[sflag:s22] =	ssyncset.done $0x0  }
0xec: {  	[sflag:s22] =	ssyncadd.s32 $0xFFFFFF00  }
0xed: {  	[tilespmem:s26], [sflag:$0x4] =	stream.indirect.gather [hbm4b:s23+s9], $0x20, s29, s9, $0xb8;
	[tilespmem:$0x1F600] =	vst v63  }
0xee: {  	_ =	swait.ge [sflag:s14], $0x2000  }
.Ltmp8:
0xef: {  	[sflag:s14] =	ssyncset.done $0x0;
	(pc) =	sbr.rel @p3 .LBB2_9-.Ltmp8, $4  }
0xf0: {  	[sflag:s14] =	ssyncadd.s32 $0xFFFFE000  }
0xf1: {  	[spmem:s3] =	stream.indirect.scatter.add.f32 [tilespmem:s26], [sflag:$0xA], $0x20, s30, s9, $0xb8;
	[tilespmem:$0x1F600] =	vst v63  }
0xf2: {  	s18 =	sadd.s32 $0x20, s18;
	_ =	swait.ge [sflag:s28], $0x2000  }
0xf3: {  	s24 =	sand.u32 $0x1FFFFFE0, s18;
	[sflag:s28] =	ssyncset.done $0x0  }
.Ltmp9:
0xf4: {  	_ = 	snop;
	(pc) =	sbr.rel .LBB2_10-.Ltmp9, $1  }
0xf5: {  	_ =	sdelay $0x3  }
.LBB2_12:
0xf6: {  	_ =	sfence.sel $0x180000  }
0xf7: {  	[bflag:$0x0] =	sbarrier.arrive $0xFFFF  }
0xf8: {  	_ =	strace $0x9000004A  }
0xf9: {  	s0 =	stileid.u32;
	[bflag:$0x2] =	sbarrier.arrive $0xFFFF  }
0xfa: {  	p0 =	sne.s32 s0, $0x0;
	s0 =	rddreg [dreg:$0x2]  }
0xfb: {  	s0 =	sadd.s32 @!p0 $0x100000, s0  }
0xfc: {  	[sflag:s0] =	ssyncadd.tile.s32 @!p0 $0x1;
	_ =	shalt  }
.Lfunc_end2:
_tile_overlayer_lowered:
.L_overlay_start_2:
0xfd: {  	(tag) =	ssettag $0x2  }
0xfe: {  	s0 =	rddreg [dreg:$0x0];
	s2 =	stileid.u32  }
0xff: {  	s1 =	rddreg [dreg:$0x1];
	p0 =	sne.s32 s2, $0x0  }
0x100: {  	s3 =	rddreg [dreg:$0x2];
	[bflag:$0x3] =	sbarrier.arrive $0xFFFF;
	s2 =	simm.s32 @!p0 $0x1C0A  }
0x101: {  	[timem:s3], [sflag:s2] =	dma.local @!p0 [hbm:s0], s1  }
0x102: {  	s0 =	simm.s32 @!p0 $0xA  }
0x103: {  	_ =	swait.ge @!p0 [sflag:s0], s1  }
0x104: {  	s1 =	ssub.s32 @!p0 $0x0, s1;
	[sflag:s0] =	ssyncset.done @!p0 $0x0  }
0x105: {  	[sflag:s0] =	ssyncadd.s32 @!p0 s1  }
0x106: {  	[bflag:$0x3] =	sbarrier.arrive $0xFFFF  }
0x107: {  	_ =	shalt  }

// kernel: kernel.14.cloned.1.call-start
scs
__scs_entry_jumppad:
0x0: {  	(pc) =	sbr.rel $0x88, $3  }
0x1: {  	(tag) =	ssettag $0x0;
	lr =	simm.s32 $0x1  }
0x2: {  	[smem:$0x3F95] =	sst lr;
	_ =	strace $0xD0000000  }
0x3: {  	_ = 	snop  }
0x4: {  	_ = 	snop  }
0x5: {  	_ = 	snop  }
0x6: {  	_ = 	snop  }
0x7: {  	_ = 	snop  }
__scs_overlays_trampoline_lowered:
0x8: {  	[smem:$0x3FA4] =	sst s0  }
0x9: {  	[smem:$0x3FA5] =	sst s1  }
0xa: {  	[smem:$0x3FA6] =	sst s2  }
0xb: {  	[smem:$0x3FA7] =	sst s3  }
0xc: {  	[smem:$0x3FA8] =	sst s4  }
0xd: {  	[smem:$0x3FA9] =	sst s5  }
0xe: {  	[smem:$0x3FAA] =	sst s6  }
0xf: {  	[smem:$0x3FAB] =	sst s7  }
0x10: {  	[smem:$0x3FAC] =	sst s8  }
0x11: {  	[smem:$0x3FAD] =	sst s9;
	s0 =	simm.s32 @!p0 $0x0  }
0x12: {  	s1 =	sld [smem:$0x3F93];
	s0 =	simm.s32 @p0 $0x1  }
0x13: {  	[smem:$0x3FAE] =	sst s0;
	s0 =	simm.s32 @!p1 $0x0  }
0x14: {  	s2 =	sld [smem:$0x3F92];
	s0 =	simm.s32 @p1 $0x1  }
0x15: {  	[smem:$0x3FAF] =	sst s0;
	s0 =	simm.s32 @!p2 $0x0  }
0x16: {  	s3 =	sld [smem:$0x3FDB];
	s0 =	simm.s32 @p2 $0x1  }
0x17: {  	s4 =	simm.s32 $0x1BF5;
	[smem:$0x3FB1] =	sst s0  }
0x18: {  	s0 =	sld [smem:$0x3F94];
	_ =	swait.ge [sflag:s4], $0x0  }
0x19: {  	s7 =	sld [smem:$0x3F95]  }
0x1a: {  	s8 =	sadd.s32 $0xFFFFE003, lr  }
0x1b: {  	s9 =	sadd.s32 $0xFFFFFEF7, lr;
	s5 =	simm.s32 $0xFFFFFFFF;
	p2 =	slt.u32 s8, $0xFFFFF086  }
0x1c: {  	p1 =	slt.u32 s9, $0xF7A;
	s5 =	simm.s32 @!p2 $0x0  }
0x1d: {  	s5 =	simm.s32 @p1 $0x1;
	p0 =	seq.s32 s7, s2  }
0x1e: {  	s7 =	smul.u32 @!p0 $0xF7A, s2;
	p2 =	seq.s32 @!p0 s5, $0x0  }
0x1f: {  	s9 =	smul.u32 $0xF7A, s1;
	s8 =	simm.s32 @!p0 $0x1BF5;
	p2 =	por !p2, p0  }
0x20: {  	[sflag:s8] =	ssyncset.s32 @!p0 $0xFFFFF086;
	s6 =	sadd.s32 @!p0 s3, s7;
	s7 =	simm.s32 @!p0 $0x108  }
0x21: {  	s3 =	sadd.s32 s3, s9;
	s6 =	sadd.s32 @!p0 $0x88, s6;
	s7 =	simm.s32 @p2 $0x1082  }
0x22: {  	[simem:s7], [sflag:s8] =	dma.local @!p0 [hbm:s6], $0xF7A  }
0x23: {  	s9 =	sor.u32 $0xD0000000, s2;
	s6 =	simm.s32 $0x108;
	_ =	swait.ge @!p0 [sflag:s8], $0x0  }
0x24: {  	s3 =	sadd.s32 $0x88, s3;
	s6 =	simm.s32 @!p1 $0x1082;
	[sflag:s4] =	ssyncset.s32 $0xFFFFF086  }
0x25: {  	[simem:s6], [sflag:s4] =	dma.local [hbm:s3], $0xF7A  }
0x26: {  	[smem:$0x3F95] =	sst s1;
	(tag) =	ssettag s2;
	_ =	strace s9  }
0x27: {  	s1 =	sld [smem:$0x3FA5]  }
0x28: {  	s2 =	sld [smem:$0x3FA6]  }
0x29: {  	s4 =	sld [smem:$0x3FA8]  }
0x2a: {  	p0 =	seq.s32 s5, $0x0;
	s5 =	sld [smem:$0x3FA9]  }
0x2b: {  	s6 =	sld [smem:$0x3FAA]  }
0x2c: {  	s7 =	sld [smem:$0x3FAB]  }
0x2d: {  	s3 =	simm.s32 $0x108;
	s8 =	sld [smem:$0x3FAC]  }
0x2e: {  	s3 =	simm.s32 @!p0 $0x1082;
	s9 =	sld [smem:$0x3FAD]  }
0x2f: {  	lr =	sadd.s32 s0, s3;
	s0 =	sld [smem:$0x3FA4]  }
0x30: {  	s3 =	sld [smem:$0x3FA7]  }
0x31: {  	[smem:$0x3FB0] =	sst s10  }
0x32: {  	s10 =	sld [smem:$0x3FAE];
	_ =	sdelay $0x3  }
0x33: {  	p0 =	seq.s32 s10, $0x1;
	s10 =	sld [smem:$0x3FB0];
	_ =	sdelay $0x3  }
0x34: {  	[smem:$0x3FB0] =	sst s10  }
0x35: {  	s10 =	sld [smem:$0x3FAF];
	_ =	sdelay $0x3  }
0x36: {  	p1 =	seq.s32 s10, $0x1;
	s10 =	sld [smem:$0x3FB0];
	_ =	sdelay $0x3  }
0x37: {  	[smem:$0x3FB0] =	sst s10  }
0x38: {  	s10 =	sld [smem:$0x3FB1]  }
0x39: {  	_ = 	snop;
	(pc) =	sbr.ind lr, $3  }
0x3a: {  	_ = 	snop  }
0x3b: {  	_ = 	snop  }
0x3c: {  	p2 =	seq.s32 s10, $0x1;
	s10 =	sld [smem:$0x3FB0]  }
0x3d: {  	_ =	shalt  }
0x3e: {  	_ =	shalt  }
0x3f: {  	_ =	shalt  }
0x40: {  	_ =	shalt  }
0x41: {  	_ =	shalt  }
0x42: {  	_ =	shalt  }
0x43: {  	_ =	shalt  }
0x44: {  	_ =	shalt  }
0x45: {  	_ =	shalt  }
0x46: {  	_ =	shalt  }
0x47: {  	_ =	shalt  }
0x48: {  	_ =	shalt  }
0x49: {  	_ =	shalt  }
0x4a: {  	_ =	shalt  }
0x4b: {  	_ =	shalt  }
0x4c: {  	_ =	shalt  }
0x4d: {  	_ =	shalt  }
0x4e: {  	_ =	shalt  }
0x4f: {  	_ =	shalt  }
0x50: {  	_ =	shalt  }
0x51: {  	_ =	shalt  }
0x52: {  	_ =	shalt  }
0x53: {  	_ =	shalt  }
0x54: {  	_ =	shalt  }
0x55: {  	_ =	shalt  }
0x56: {  	_ =	shalt  }
0x57: {  	_ =	shalt  }
0x58: {  	_ =	shalt  }
0x59: {  	_ =	shalt  }
0x5a: {  	_ =	shalt  }
0x5b: {  	_ =	shalt  }
0x5c: {  	_ =	shalt  }
0x5d: {  	_ =	shalt  }
0x5e: {  	_ =	shalt  }
0x5f: {  	_ =	shalt  }
0x60: {  	_ =	shalt  }
0x61: {  	_ =	shalt  }
0x62: {  	_ =	shalt  }
0x63: {  	_ =	shalt  }
0x64: {  	_ =	shalt  }
0x65: {  	_ =	shalt  }
0x66: {  	_ =	shalt  }
0x67: {  	_ =	shalt  }
0x68: {  	_ =	shalt  }
0x69: {  	_ =	shalt  }
0x6a: {  	_ =	shalt  }
0x6b: {  	_ =	shalt  }
0x6c: {  	_ =	shalt  }
0x6d: {  	_ =	shalt  }
0x6e: {  	_ =	shalt  }
0x6f: {  	_ =	shalt  }
0x70: {  	_ =	shalt  }
0x71: {  	_ =	shalt  }
0x72: {  	_ =	shalt  }
0x73: {  	_ =	shalt  }
0x74: {  	_ =	shalt  }
0x75: {  	_ =	shalt  }
0x76: {  	_ =	shalt  }
0x77: {  	_ =	shalt  }
0x78: {  	_ =	shalt  }
0x79: {  	_ =	shalt  }
0x7a: {  	_ =	shalt  }
0x7b: {  	_ =	shalt  }
0x7c: {  	_ =	shalt  }
0x7d: {  	_ =	shalt  }
0x7e: {  	_ =	shalt  }
0x7f: {  	_ =	shalt  }
0x80: {  	_ =	shalt  }
0x81: {  	_ =	shalt  }
0x82: {  	_ =	shalt  }
0x83: {  	_ =	shalt  }
0x84: {  	_ =	shalt  }
0x85: {  	_ =	shalt  }
0x86: {  	_ =	shalt  }
0x87: {  	_ =	shalt  }
.Lfunc_end0:
.L_simem_size_0:
called_computation.2_lowered:
.L_overlay_start_0:
0x88: {  	s2 =	sld [smem:$0x3FD9]  }
0x89: {  	s3 =	sld [smem:$0x3FFE];
	_ =	sdelay $0x1  }
0x8a: {  	s1 =	srdreg.scid  }
0x8b: {  	s0 =	sand.u32 $0x1, s1  }
0x8c: {  	s16 =	sshll.u32 s0, $0xA;
	s2 =	sadd.s32 s3, s2  }
0x8d: {  	s2 =	sadd.s32 s2, s16  }
0x8e: {  	[smem:$0x3FBC] =	sst s2  }
0x8f: {  	_ = 	snop  }
0x90: {  	(tm) =	ssettm $0x1  }
0x91: {  	s17 =	sld [smem:$0x3FFB];
	_ =	sdelay $0x3  }
0x92: {  	_ =	strace s17  }
0x93: {  	s2 =	sld [smem:$0x3FFC];
	_ =	sdelay $0x3  }
0x94: {  	_ =	strace s2  }
0x95: {  	s2 =	sld [smem:$0x3FFD];
	_ =	sdelay $0x3  }
0x96: {  	_ =	strace s2  }
0x97: {  	_ =	strace $0x8FFFFFFF  }
0x98: {  	s18 =	sld [smem:$0x3FDB];
	_ =	sdelay $0x1  }
0x99: {  	s19 =	simm.s32 $_scs_section_size  }
0x9a: {  	s4 =	simm.s32 $_size__tile_overlayer_lowered;
	s5 =	simm.s32 $_tile_overlayer_lowered  }
0x9b: {  	s22 =	simm.s32 $0x1BFF;
	s21 =	sshll.u32 s5, $0x1;
	s2 =	sadd.s32 s19, s18  }
0x9c: {  	s6 =	simm.s32 $0x0;
	s20 =	sshll.u32 s4, $0x1;
	s4 =	sadd.s32 s21, s2  }
0x9d: {  	[timem:s6], [sflag:s22] =	dma.local [hbm:s4], s20  }
0x9e: {  	_ =	swait.ge [sflag:s22], s20  }
0x9f: {  	s3 =	ssub.s32 $0x0, s20;
	[sflag:s22] =	ssyncset.done $0x0  }
0xa0: {  	[sflag:s22] =	ssyncadd.s32 s3;
	_ =	sdelay $0x1  }
0xa1: {  	s23 =	simm.s32 $0x1B8B  }
0xa2: {  	_ =	swait.ge [sflag:s23], $0x1  }
0xa3: {  	[sflag:s23] =	ssyncset.done $0x0  }
0xa4: {  	s25 =	simm.s32 $0x1B8E;
	s24 =	sld [smem:$0x3FFE];
	[sflag:s23] =	ssyncadd.s32 $0xFFFFFFFF  }
0xa5: {  	s26 =	simm.s32 $execute0_lowered;
	[smem:$0x3FD2] =	sst s25  }
0xa6: {  	s4 =	sshll.u32 s26, $0x1;
	_ =	strace $0x8000004C;
	[dreg:$0x1] =	wrdreg $0xFFFFFFFF  }
0xa7: {  	s28 =	simm.s32 $_size_execute0_lowered;
	s2 =	sadd.s32 s2, s4;
	[dreg:$0x0] =	wrdreg $0x0  }
0xa8: {  	s4 =	sshll.u32 s28, $0x1;
	[dreg:$0x2] =	wrdreg s2  }
0xa9: {  	[dreg:$0x3] =	wrdreg s4  }
0xaa: {  	[dreg:$0x4] =	wrdreg $0xC0  }
0xab: {  	_ =	task [dreg:s6], $0x5FFFF  }
0xac: {  	[dreg:$0x1] =	wrdreg $0xFFFFFFFF  }
0xad: {  	[dreg:$0x0] =	wrdreg $0x60  }
0xae: {  	[dreg:$0x2] =	wrdreg s24  }
0xaf: {  	[dreg:$0x3] =	wrdreg $0x0  }
0xb0: {  	[dreg:$0x4] =	wrdreg $0x9  }
0xb1: {  	_ =	task.clear_ibuf [dreg:s6], $0x5FFFF;
	_ =	strace $0x9000004C  }
0xb2: {  	s29 =	simm.s32 $0x9;
	_ =	strace $0x8000004E  }
0xb3: {  	_ =	swait.ge [sflag:s29], $0x1  }
0xb4: {  	[sflag:s29] =	ssyncadd.s32 $0xFFFFFFFF  }
0xb5: {  	_ =	strace $0x9000004E  }
0xb6: {  	_ =	sfence  }
0xb7: {  	s30 =	sld [smem:$0x0];
	_ =	sdelay $0x2  }
0xb8: {  	s31 =	sshll.u32 s1, $0xD;
	s1 =	sshrl.u32 s1, $0x2  }
0xb9: {  	s3 =	sand.u32 $0x4000, s31;
	s1 =	sadd.s32 s1, s30  }
0xba: {  	s0 =	sor.u32 s3, s0;
	s1 =	sshll.u32 s1, $0x11  }
0xbb: {  	s0 =	sor.u32 s1, s0  }
0xbc: {  	s0 =	sadd.s32 $0x8F2B, s0  }
0xbd: {  	[sflag:s0] =	ssyncadd.remote.s32 $0x1  }
0xbe: {  	_ =	sfence.sel $0xFFFF  }
0xbf: {  	[dreg:$0x0] =	wrdreg $0xFFFFFFFF;
	(pc) =	sbr.abs _section_cstart, $3  }
0xc0: {  	[dreg:$0x1] =	wrdreg $0xFFFFFFFF  }
0xc1: {  	_ =	task.clear_ibuf [dreg:s6], $0x2FFFF;
	_ =	strace $0x9FFFFFFF  }
0xc2: {  	(tm) =	ssettm $0x7FFFFFFF  }
0xc3: {  	_ =	shalt  }
tec
execute0_lowered:
.L_overlay_start_1:
0x0: {  	(tag) =	ssettag $0x1  }
0x1: {  	s13 =	stileid.u32  }
0x2: {  	s4 =	simm.s32 $0x1;
	s7 =	rddreg [dreg:$0x0];
	s0 =	smul.u32 $0xC35, s13  }
0x3: {  	s16 =	srdreg.scid;
	s28 =	simm.s32 $0xA;
	s9 =	smul.u32 $0x19000, s13  }
0x4: {  	s29 =	simm.s32 $0x19000;
	s17 =	sand.u32 $0x1, s16;
	s13 =	smul.u32 $0x64000, s13  }
0x5: {  	s30 =	simm.s32 $0x19300;
	s18 =	smul.u32 $0x32000, s17;
	s1 =	sadd.s32 $0xC35, s0  }
0x6: {  	s10 =	smul.u32 $0x190000, s17;
	s20 =	sshrl.u32 s0, $0x4;
	s0 =	sshrl.u32 s1, $0x4  }
0x7: {  	s31 =	simm.s32 $0x19100;
	s13 =	sshrl.u32 s13, $0x2;
	s1 =	ssub.s32 s0, s20  }
0x8: {  	s11 =	sadd.s32 s18, s7;
	s10 =	sadd.s32 s9, s10;
	s2 =	smul.u32 $0xFFFFAAAB, s1  }
0x9: {  	p0 =	sne.s32 s0, s20;
	s10 =	sshrl.u32 s10, $0x3;
	s3 =	smul.u32 $0x5556, s1  }
0xa: {  	s1 =	sshra.s32 s1, $0x1F;
	s4 =	simm.s32 @!p0 $0x0;
	s10 =	sadd.s32 s10, s7  }
0xb: {  	s1 =	sor.u32 s4, s1;
	s4 =	simm.s32 $0x0;
	s2 =	sadd.s32 $0x2AAA, s2  }
0xc: {  	s5 =	sshrl.u32 s3, $0x1F;
	s3 =	sshrl.u32 s3, $0x10;
	p6 =	sne.s32 s1, $0x1  }
0xd: {  	[smem:$0x7FF] =	sst s4;
	s2 =	sand.u32 $0xFFFF, s2;
	s15 =	sadd.s32 s5, s3  }
0xe: {  	s3 =	rddreg [dreg:$0x1];
	_ =	strace $0x8000004D;
	s5 =	sadd.s32 $0x2400, s7  }
0xf: {  	p1 =	sgt.u32 s2, $0x5554;
	s25 =	sadd.s32 s9, s3;
	s9 =	sadd.s32 s13, s3  }
0x10: {  	s1 =	sshll.u32 s15, $0x10;
	s13 =	sadd.s32 $0x2000, s9;
	[dreg:$0x10] =	wrdreg s25  }
0x11: {  	s2 =	simm.s32 $0x1;
	s21 =	sadd.s32 $0x4000, s9;
	[dreg:$0x6] =	wrdreg s13  }
0x12: {  	s15 =	sshll.u32 s20, $0x5;
	s22 =	sadd.s32 $0x6000, s9;
	[dreg:$0x7] =	wrdreg s21  }
0x13: {  	p0 =	por !p1, !p6;
	s23 =	sadd.s32 $0x8000, s9;
	[dreg:$0x8] =	wrdreg s22  }
0x14: {  	s1 =	sshra.s32 s1, $0x10;
	s24 =	sadd.s32 $0xA000, s9;
	[dreg:$0x9] =	wrdreg s23  }
0x15: {  	s26 =	sadd.s32 $0xC000, s9;
	p0 =	por !p0, !p0;
	[dreg:$0xa] =	wrdreg s24  }
0x16: {  	[dreg:$0xb] =	wrdreg s26;
	s21 =	sadd.s32 $0x14000, s9;
	s22 =	sadd.s32 $0x16000, s9  }
0x17: {  	s23 =	sadd.s32 $0x18000, s9;
	s24 =	sadd.s32 $0x97400, s10;
	[dreg:$0xf] =	wrdreg s21  }
0x18: {  	s10 =	simm.s32 $0x2;
	s13 =	simm.s32 $0x1D600;
	[dreg:$0x11] =	wrdreg s22  }
0x19: {  	s2 =	simm.s32 @!p0 $0x0;
	[dreg:$0x12] =	wrdreg s23;
	s22 =	simm.s32 $0x1  }
0x1a: {  	s23 =	sadd.s32 $0x33400, s11;
	[dreg:$0x13] =	wrdreg s24;
	s1 =	ssub.s32 s1, s2  }
0x1b: {  	s11 =	simm.s32 $0x1B600;
	s2 =	ssub.s32 $0x2, s17;
	s8 =	smul.u32 $0x3, s1  }
0x1c: {  	s21 =	simm.s32 $0x0;
	s17 =	sadd.s32 s15, s5;
	s19 =	sshrl.u32 s2, $0x1  }
0x1d: {  	s18 =	smul.u32 $0x60, s1;
	[dreg:$0x5] =	wrdreg s17;
	s6 =	sshll.u32 s8, $0x10  }
0x1e: {  	s17 =	simm.s32 $0x6;
	s2 =	ssub.s32 s2, s19;
	s6 =	sadd.s32 $0x20000, s6  }
0x1f: {  	s19 =	sadd.s32 $0x12000, s9;
	s8 =	sadd.s32 s20, s8;
	s6 =	sshra.s32 s6, $0x10  }
0x20: {  	[dreg:$0xe] =	wrdreg s19;
	s26 =	smax.u32 s2, $0x1;
	s12 =	smul.u32 $0x5556, s6  }
0x21: {  	s2 =	simm.s32 $0x19400;
	[dreg:$0x14] =	wrdreg s26;
	s6 =	sadd.s32 $0x1AC00, s7  }
0x22: {  	s7 =	sadd.s32 $0xE000, s9;
	s14 =	sshrl.u32 s12, $0x1F;
	s12 =	sshrl.u32 s12, $0x10  }
0x23: {  	s26 =	simm.s32 $0x19600;
	[dreg:$0xc] =	wrdreg s7;
	s12 =	sadd.s32 s14, s12  }
0x24: {  	s16 =	sadd.s32 s15, s6;
	s7 =	sadd.s32 s15, s18;
	s12 =	sshll.u32 s12, $0x10  }
0x25: {  	s15 =	simm.s32 $0x5;
	[dreg:$0x4] =	wrdreg s16;
	s12 =	sshra.s32 s12, $0x10  }
.Ltmp0:
0x26: {  	s16 =	ssub.s32 s0, s8;
	p0 =	sgt.s32 s12, $0x1;
	(pc) =	sbr.rel .LBB2_1-.Ltmp0, $4  }
0x27: {  	s0 =	simm.s32 $0x19200;
	s8 =	simm.s32 $0x19500;
	s12 =	simm.s32 @!p0 $0x1  }
0x28: {  	s14 =	sadd.s32 $0x10000, s9;
	p1 =	slt.s32 s16, $0x1;
	s12 =	smul.u32 $0x60, s12  }
0x29: {  	s9 =	simm.s32 $0x100;
	[dreg:$0xd] =	wrdreg s14;
	s14 =	simm.s32 $0x4  }
0x2a: {  	v0 =	vimm.f32 $0.0e+00;
	p0 =	slt.s32 s1, $0x1;
	[dreg:$0x3] =	wrdreg s12;
	s12 =	simm.s32 $0x3  }
.LBB2_10:
0x2b: {  	s1 =	sadd.s32 s5, s24;
	[sflag:s28] =	ssyncadd.s32 @p2 $0xFFFFE000  }
0x2c: {  	[tilespmem:s29], [sflag:$0x1] =	stream.linear.gather [hbm4b:s1+s4], $0x100, $0x38;
	[tilespmem:$0x1F600] =	vst v63  }
0x2d: {  	s24 =	sadd.s32 s6, s24  }
0x2e: {  	[tilespmem:s30], [sflag:$0x1] =	stream.linear.gather [hbm4b:s24+s4], $0x100, $0x38;
	[tilespmem:$0x1F600] =	vst v63  }
0x2f: {  	_ =	swait.ge [sflag:s22], $0x100  }
0x30: {  	[sflag:s22] =	ssyncset.done $0x0  }
0x31: {  	[sflag:s22] =	ssyncadd.s32 $0xFFFFFF00  }
0x32: {  	_ =	swait.ge [sflag:s22], $0x100  }
0x33: {  	[sflag:s22] =	ssyncset.done $0x0  }
0x34: {  	[sflag:s22] =	ssyncadd.s32 $0xFFFFFF00  }
0x35: {  	[tilespmem:s26], [sflag:$0x4] =	stream.indirect.gather [hbm4b:s23+s9], $0x20, s29, s9, $0xb8;
	[tilespmem:$0x1F600] =	vst v63  }
0x36: {  	_ =	swait.ge [sflag:s14], $0x2000  }
0x37: {  	[sflag:s14] =	ssyncset.done $0x0  }
0x38: {  	[sflag:s14] =	ssyncadd.s32 $0xFFFFE000  }
0x39: {  	[spmem:s3] =	stream.indirect.scatter.add.f32 [tilespmem:s26], [sflag:$0xA], $0x20, s30, s9, $0xb8;
	[tilespmem:$0x1F600] =	vst v63  }
0x3a: {  	_ =	swait.ge [sflag:s28], $0x2000  }
0x3b: {  	[sflag:s28] =	ssyncset.done $0x0  }
0x3c: {  	[sflag:s28] =	ssyncadd.s32 $0xFFFFE000  }
.LBB2_11:
0x3d: {  	s1 =	stileid.u32  }
0x3e: {  	[bflag:$0x0] =	sbarrier.arrive $0xFFFF;
	s1 =	sshll.u32 s1, $0x6  }
0x3f: {  	s18 =	sshrl.u32 s25, $0x3;
	s19 =	rddreg [dreg:$0x13];
	s1 =	sor.u32 $0x1C0A, s1  }
0x40: {  	[hbm:s19], [sflag:s1] =	dma.local [spmem:s18], $0x3200  }
0x41: {  	_ =	swait.ge [sflag:s28], $0x3200  }
0x42: {  	s21 =	sadd.s32 $0x1, s21;
	s24 =	rddreg [dreg:$0x14]  }
0x43: {  	p2 =	sne.s32 s21, s24  }
.Ltmp1:
0x44: {  	_ = 	snop;
	(pc) =	sbr.rel @!p2 .LBB2_12-.Ltmp1, $3  }
0x45: {  	_ =	sdelay $0x1  }
0x46: {  	[sflag:s28] =	ssyncset.done $0x0  }
0x47: {  	[sflag:s28] =	ssyncadd.s32 $0xFFFFCE00  }
.LBB2_1:
0x48: {  	s1 =	simm.s32 $0x80;
	s18 =	simm.s32 $0x0  }
.LBB2_2:
0x49: {  	p2 =	sne.s32 s1, $0x7F80;
	[tilespmem:s18+$0x19600] =	vst v0;
	s24 =	smov.u32 s1;
	s1 =	sadd.s32 $0x80, s1  }
.Ltmp2:
0x4a: {  	[tilespmem:s18+$0x19610] =	vst v0;
	(pc) =	sbr.rel @p2 .LBB2_2-.Ltmp2, $2  }
0x4b: {  	_ =	sdelay $0x2  }
0x4c: {  	s18 =	sshra.s32 s24, $0x2  }
0x4d: {  	[tilespmem:s18+$0x19600] =	vst v0  }
0x4e: {  	[tilespmem:s18+$0x19610] =	vst v0  }
0x4f: {  	[spmem:s25] =	stream.linear.scatter [tilespmem:s26], [sflag:$0xA], $0x2000, $0x38;
	[tilespmem:$0x1F600] =	vst v63  }
0x50: {  	_ =	swait.ge [sflag:s28], $0x2000  }
0x51: {  	[sflag:s28] =	ssyncset.done $0x0  }
0x52: {  	s1 =	rddreg [dreg:$0x6];
	[sflag:s28] =	ssyncadd.s32 $0xFFFFE000  }
0x53: {  	[spmem:s1] =	stream.linear.scatter [tilespmem:s26], [sflag:$0xA], $0x2000, $0x38;
	[tilespmem:$0x1F600] =	vst v63  }
0x54: {  	_ =	swait.ge [sflag:s28], $0x2000  }
0x55: {  	[sflag:s28] =	ssyncset.done $0x0  }
0x56: {  	s19 =	rddreg [dreg:$0x7];
	[sflag:s28] =	ssyncadd.s32 $0xFFFFE000  }
0x57: {  	[spmem:s19] =	stream.linear.scatter [tilespmem:s26], [sflag:$0xA], $0x2000, $0x38;
	[tilespmem:$0x1F600] =	vst v63  }
0x58: {  	_ =	swait.ge [sflag:s28], $0x2000  }
0x59: {  	[sflag:s28] =	ssyncset.done $0x0  }
0x5a: {  	s24 =	rddreg [dreg:$0x8];
	[sflag:s28] =	ssyncadd.s32 $0xFFFFE000  }
0x5b: {  	[spmem:s24] =	stream.linear.scatter [tilespmem:s26], [sflag:$0xA], $0x2000, $0x38;
	[tilespmem:$0x1F600] =	vst v63  }
0x5c: {  	_ =	swait.ge [sflag:s28], $0x2000  }
0x5d: {  	[sflag:s28] =	ssyncset.done $0x0  }
0x5e: {  	s25 =	rddreg [dreg:$0x9];
	[sflag:s28] =	ssyncadd.s32 $0xFFFFE000  }
0x5f: {  	[spmem:s25] =	stream.linear.scatter [tilespmem:s26], [sflag:$0xA], $0x2000, $0x38;
	[tilespmem:$0x1F600] =	vst v63  }
0x60: {  	_ =	swait.ge [sflag:s28], $0x2000  }
0x61: {  	[sflag:s28] =	ssyncset.done $0x0  }
0x62: {  	s18 =	rddreg [dreg:$0xa];
	[sflag:s28] =	ssyncadd.s32 $0xFFFFE000  }
0x63: {  	[spmem:s18] =	stream.linear.scatter [tilespmem:s26], [sflag:$0xA], $0x2000, $0x38;
	[tilespmem:$0x1F600] =	vst v63  }
0x64: {  	_ =	swait.ge [sflag:s28], $0x2000  }
0x65: {  	[sflag:s28] =	ssyncset.done $0x0  }
0x66: {  	s19 =	rddreg [dreg:$0xb];
	[sflag:s28] =	ssyncadd.s32 $0xFFFFE000  }
0x67: {  	[spmem:s19] =	stream.linear.scatter [tilespmem:s26], [sflag:$0xA], $0x2000, $0x38;
	[tilespmem:$0x1F600] =	vst v63  }
0x68: {  	_ =	swait.ge [sflag:s28], $0x2000  }
0x69: {  	[sflag:s28] =	ssyncset.done $0x0  }
0x6a: {  	s24 =	rddreg [dreg:$0xc];
	[sflag:s28] =	ssyncadd.s32 $0xFFFFE000  }
0x6b: {  	[spmem:s24] =	stream.linear.scatter [tilespmem:s26], [sflag:$0xA], $0x2000, $0x38;
	[tilespmem:$0x1F600] =	vst v63  }
0x6c: {  	_ =	swait.ge [sflag:s28], $0x2000  }
0x6d: {  	[sflag:s28] =	ssyncset.done $0x0  }
0x6e: {  	s25 =	rddreg [dreg:$0xd];
	[sflag:s28] =	ssyncadd.s32 $0xFFFFE000  }
0x6f: {  	[spmem:s25] =	stream.linear.scatter [tilespmem:s26], [sflag:$0xA], $0x2000, $0x38;
	[tilespmem:$0x1F600] =	vst v63  }
0x70: {  	_ =	swait.ge [sflag:s28], $0x2000  }
0x71: {  	[sflag:s28] =	ssyncset.done $0x0  }
0x72: {  	s18 =	rddreg [dreg:$0xe];
	[sflag:s28] =	ssyncadd.s32 $0xFFFFE000  }
0x73: {  	[spmem:s18] =	stream.linear.scatter [tilespmem:s26], [sflag:$0xA], $0x2000, $0x38;
	[tilespmem:$0x1F600] =	vst v63  }
0x74: {  	_ =	swait.ge [sflag:s28], $0x2000  }
0x75: {  	[sflag:s28] =	ssyncset.done $0x0  }
0x76: {  	s19 =	rddreg [dreg:$0xf];
	[sflag:s28] =	ssyncadd.s32 $0xFFFFE000  }
0x77: {  	[spmem:s19] =	stream.linear.scatter [tilespmem:s26], [sflag:$0xA], $0x2000, $0x38;
	[tilespmem:$0x1F600] =	vst v63  }
0x78: {  	_ =	swait.ge [sflag:s28], $0x2000  }
0x79: {  	[sflag:s28] =	ssyncset.done $0x0  }
0x7a: {  	s24 =	rddreg [dreg:$0x11];
	[sflag:s28] =	ssyncadd.s32 $0xFFFFE000  }
0x7b: {  	[spmem:s24] =	stream.linear.scatter [tilespmem:s26], [sflag:$0xA], $0x2000, $0x38;
	[tilespmem:$0x1F600] =	vst v63  }
0x7c: {  	_ =	swait.ge [sflag:s28], $0x2000  }
0x7d: {  	[sflag:s28] =	ssyncset.done $0x0  }
0x7e: {  	s25 =	rddreg [dreg:$0x12];
	[sflag:s28] =	ssyncadd.s32 $0xFFFFE000  }
0x7f: {  	[spmem:s25] =	stream.linear.scatter [tilespmem:s26], [sflag:$0xA], $0x1000, $0x38;
	[tilespmem:$0x1F600] =	vst v63  }
.Ltmp3:
0x80: {  	_ =	swait.ge [sflag:s28], $0x1000;
	(pc) =	sbr.rel @p0 .LBB2_6-.Ltmp3, $4  }
0x81: {  	[sflag:s28] =	ssyncset.done $0x0  }
0x82: {  	[sflag:s28] =	ssyncadd.s32 $0xFFFFF000  }
0x83: {  	[bflag:$0x0] =	sbarrier.arrive $0xFFFF  }
0x84: {  	s1 =	smov.u32 s20;
	s18 =	simm.s32 $0x0  }
.LBB2_4:
0x85: {  	p2 =	sle.s32 s1, s20  }
0x86: {  	s24 =	simm.s32 @!p2 $0x7  }
0x87: {  	_ =	swait.ge @!p2 [sflag:s24], $0x2000  }
0x88: {  	[sflag:s24] =	ssyncset.done @!p2 $0x0  }
0x89: {  	[sflag:s24] =	ssyncadd.s32 @!p2 $0xFFFFE000;
	s24 =	simm.s32 @!p2 $0x8  }
0x8a: {  	_ =	swait.ge @!p2 [sflag:s24], $0x2000  }
0x8b: {  	[sflag:s24] =	ssyncset.done @!p2 $0x0  }
0x8c: {  	[sflag:s24] =	ssyncadd.s32 @!p2 $0xFFFFE000;
	s24 =	simm.s32 @!p2 $0x9  }
0x8d: {  	_ =	swait.ge @!p2 [sflag:s24], $0x2000  }
0x8e: {  	s25 =	rddreg [dreg:$0x5];
	[sflag:s24] =	ssyncset.done @!p2 $0x0  }
0x8f: {  	s19 =	rddreg [dreg:$0x4];
	[sflag:s24] =	ssyncadd.s32 @!p2 $0xFFFFE000;
	s24 =	sadd.s32 s18, s25  }
0x90: {  	[tilespmem:s29], [sflag:$0x1] =	stream.linear.gather [hbm4b:s24+s4], $0x100, $0x38;
	[tilespmem:$0x1F600] =	vst v63  }
0x91: {  	s19 =	sadd.s32 s18, s19  }
0x92: {  	[tilespmem:s30], [sflag:$0x1] =	stream.linear.gather [hbm4b:s19+s4], $0x100, $0x38;
	[tilespmem:$0x1F600] =	vst v63  }
0x93: {  	s25 =	sadd.s32 $0x20, s24  }
0x94: {  	[tilespmem:s31], [sflag:$0x2] =	stream.linear.gather [hbm4b:s25+s4], $0x100, $0x38;
	[tilespmem:$0x1F600] =	vst v63  }
0x95: {  	s25 =	sadd.s32 $0x20, s19  }
0x96: {  	[tilespmem:s2], [sflag:$0x2] =	stream.linear.gather [hbm4b:s25+s4], $0x100, $0x38;
	[tilespmem:$0x1F600] =	vst v63  }
0x97: {  	s24 =	sadd.s32 $0x40, s24  }
0x98: {  	[tilespmem:s0], [sflag:$0x3] =	stream.linear.gather [hbm4b:s24+s4], $0x100, $0x38;
	[tilespmem:$0x1F600] =	vst v63  }
0x99: {  	s19 =	sadd.s32 $0x40, s19  }
0x9a: {  	[tilespmem:s8], [sflag:$0x3] =	stream.linear.gather [hbm4b:s19+s4], $0x100, $0x38;
	[tilespmem:$0x1F600] =	vst v63  }
0x9b: {  	_ =	swait.ge [sflag:s22], $0x100  }
0x9c: {  	[sflag:s22] =	ssyncset.done $0x0  }
0x9d: {  	[sflag:s22] =	ssyncadd.s32 $0xFFFFFF00  }
0x9e: {  	_ =	swait.ge [sflag:s22], $0x100  }
0x9f: {  	[sflag:s22] =	ssyncset.done $0x0  }
0xa0: {  	[sflag:s22] =	ssyncadd.s32 $0xFFFFFF00  }
0xa1: {  	[tilespmem:s26], [sflag:$0x4] =	stream.indirect.gather [hbm4b:s23+s9], $0x20, s29, s9, $0xb8;
	[tilespmem:$0x1F600] =	vst v63  }
0xa2: {  	_ =	swait.ge [sflag:s10], $0x100  }
0xa3: {  	[sflag:s10] =	ssyncset.done $0x0  }
0xa4: {  	[sflag:s10] =	ssyncadd.s32 $0xFFFFFF00  }
0xa5: {  	_ =	swait.ge [sflag:s10], $0x100  }
0xa6: {  	[sflag:s10] =	ssyncset.done $0x0  }
0xa7: {  	[sflag:s10] =	ssyncadd.s32 $0xFFFFFF00  }
0xa8: {  	[tilespmem:s11], [sflag:$0x5] =	stream.indirect.gather [hbm4b:s23+s9], $0x20, s31, s9, $0xb8;
	[tilespmem:$0x1F600] =	vst v63  }
0xa9: {  	_ =	swait.ge [sflag:s12], $0x100  }
0xaa: {  	[sflag:s12] =	ssyncset.done $0x0  }
0xab: {  	[sflag:s12] =	ssyncadd.s32 $0xFFFFFF00  }
0xac: {  	_ =	swait.ge [sflag:s12], $0x100  }
0xad: {  	[sflag:s12] =	ssyncset.done $0x0  }
0xae: {  	[sflag:s12] =	ssyncadd.s32 $0xFFFFFF00  }
0xaf: {  	[tilespmem:s13], [sflag:$0x6] =	stream.indirect.gather [hbm4b:s23+s9], $0x20, s0, s9, $0xb8;
	[tilespmem:$0x1F600] =	vst v63  }
0xb0: {  	_ =	swait.ge [sflag:s14], $0x2000  }
0xb1: {  	[sflag:s14] =	ssyncset.done $0x0  }
0xb2: {  	[sflag:s14] =	ssyncadd.s32 $0xFFFFE000  }
0xb3: {  	[spmem:s3] =	stream.indirect.scatter.add.f32 [tilespmem:s26], [sflag:$0x7], $0x20, s30, s9, $0xb8;
	[tilespmem:$0x1F600] =	vst v63  }
0xb4: {  	_ =	swait.ge [sflag:s15], $0x2000  }
0xb5: {  	[sflag:s15] =	ssyncset.done $0x0  }
0xb6: {  	[sflag:s15] =	ssyncadd.s32 $0xFFFFE000  }
0xb7: {  	[spmem:s3] =	stream.indirect.scatter.add.f32 [tilespmem:s11], [sflag:$0x8], $0x20, s2, s9, $0xb8;
	[tilespmem:$0x1F600] =	vst v63  }
0xb8: {  	_ =	swait.ge [sflag:s17], $0x2000  }
0xb9: {  	s18 =	sadd.s32 $0x60, s18;
	s25 =	rddreg [dreg:$0x3]  }
0xba: {  	p2 =	sne.s32 s25, s18  }
.Ltmp4:
0xbb: {  	_ = 	snop;
	(pc) =	sbr.rel @p2 .LBB2_4-.Ltmp4, $4  }
0xbc: {  	_ = 	snop  }
0xbd: {  	[sflag:s17] =	ssyncset.done $0x0  }
0xbe: {  	s1 =	sadd.s32 $0x3, s1;
	[sflag:s17] =	ssyncadd.s32 $0xFFFFE000  }
0xbf: {  	[spmem:s3] =	stream.indirect.scatter.add.f32 [tilespmem:s13], [sflag:$0x9], $0x20, s8, s9, $0xb8;
	[tilespmem:$0x1F600] =	vst v63  }
0xc0: {  	s1 =	simm.s32 $0x7  }
0xc1: {  	_ =	swait.ge [sflag:s1], $0x2000  }
0xc2: {  	[sflag:s1] =	ssyncset.done $0x0  }
0xc3: {  	s24 =	simm.s32 $0x8;
	[sflag:s1] =	ssyncadd.s32 $0xFFFFE000  }
0xc4: {  	_ =	swait.ge [sflag:s24], $0x2000  }
0xc5: {  	[sflag:s24] =	ssyncset.done $0x0  }
0xc6: {  	s25 =	simm.s32 $0x9;
	[sflag:s24] =	ssyncadd.s32 $0xFFFFE000  }
0xc7: {  	_ =	swait.ge [sflag:s25], $0x2000  }
0xc8: {  	[sflag:s25] =	ssyncset.done $0x0  }
0xc9: {  	[sflag:s25] =	ssyncadd.s32 $0xFFFFE000  }
.LBB2_6:
.Ltmp5:
0xca: {  	(pc) =	sbr.rel @p1 .LBB2_11-.Ltmp5, $2  }
0xcb: {  	_ =	sdelay $0x2  }
0xcc: {  	s1 =	simm.s32 $0x0;
	s25 =	rddreg [dreg:$0x10]  }
0xcd: {  	s1 =	sadd.s32 $0x1, s1  }
0xce: {  	p3 =	slt.s32 s1, s16  }
.Ltmp6:
0xcf: {  	_ = 	snop;
	(pc) =	sbr.rel @!p3 .LBB2_10-.Ltmp6, $2  }
0xd0: {  	_ =	sdelay $0x2  }
0xd1: {  	s24 =	sand.u32 $0x1FFFFFE0, s7;
	p2 =	por $0x0, $0x0  }
0xd2: {  	s18 =	sadd.s32 s5, s24  }
0xd3: {  	[tilespmem:s29], [sflag:$0x1] =	stream.linear.gather [hbm4b:s18+s4], $0x100, $0x38;
	[tilespmem:$0x1F600] =	vst v63  }
0xd4: {  	s24 =	sadd.s32 s6, s24  }
0xd5: {  	[tilespmem:s30], [sflag:$0x1] =	stream.linear.gather [hbm4b:s24+s4], $0x100, $0x38;
	[tilespmem:$0x1F600] =	vst v63  }
0xd6: {  	_ =	swait.ge [sflag:s22], $0x100  }
0xd7: {  	[sflag:s22] =	ssyncset.done $0x0  }
0xd8: {  	[sflag:s22] =	ssyncadd.s32 $0xFFFFFF00  }
0xd9: {  	_ =	swait.ge [sflag:s22], $0x100  }
0xda: {  	[sflag:s22] =	ssyncset.done $0x0  }
0xdb: {  	s1 =	sadd.s32 $0x1, s1;
	[sflag:s22] =	ssyncadd.s32 $0xFFFFFF00  }
0xdc: {  	[tilespmem:s26], [sflag:$0x4] =	stream.indirect.gather [hbm4b:s23+s9], $0x20, s29, s9, $0xb8;
	[tilespmem:$0x1F600] =	vst v63  }
0xdd: {  	p3 =	slt.s32 s1, s16;
	_ =	swait.ge [sflag:s14], $0x2000  }
.Ltmp7:
0xde: {  	[sflag:s14] =	ssyncset.done $0x0;
	(pc) =	sbr.rel @!p3 .LBB2_10-.Ltmp7, $4  }
0xdf: {  	[sflag:s14] =	ssyncadd.s32 $0xFFFFE000  }
0xe0: {  	[spmem:s3] =	stream.indirect.scatter.add.f32 [tilespmem:s26], [sflag:$0xA], $0x20, s30, s9, $0xb8;
	[tilespmem:$0x1F600] =	vst v63  }
0xe1: {  	s18 =	sadd.s32 $0x20, s7;
	_ =	swait.ge [sflag:s28], $0x2000  }
0xe2: {  	p2 =	por $0x1, $0x1;
	s24 =	sand.u32 $0x1FFFFFE0, s18;
	[sflag:s28] =	ssyncset.done $0x0  }
.LBB2_9:
0xe3: {  	s1 =	sadd.s32 $0x1, s1;
	s19 =	sadd.s32 s5, s24;
	[sflag:s28] =	ssyncadd.s32 $0xFFFFE000  }
0xe4: {  	[tilespmem:s29], [sflag:$0x1] =	stream.linear.gather [hbm4b:s19+s4], $0x100, $0x38;
	[tilespmem:$0x1F600] =	vst v63  }
0xe5: {  	p3 =	slt.s32 s1, s16;
	s19 =	sadd.s32 s6, s24  }
0xe6: {  	[tilespmem:s30], [sflag:$0x1] =	stream.linear.gather [hbm4b:s19+s4], $0x100, $0x38;
	[tilespmem:$0x1F600] =	vst v63  }
0xe7: {  	_ =	swait.ge [sflag:s22], $0x100  }
0xe8: {  	[sflag:s22] =	ssyncset.done $0x0  }
0xe9: {  	[sflag:s22] =	ssyncadd.s32 $0xFFFFFF00  }
0xea: {  	_ =	swait.ge [sflag:s22], $0x100  }
0xeb: {  	[sflag:s22] =	ssyncset.done $0x0  }
0xec: {  	[sflag:s22] =	ssyncadd.s32 $0xFFFFFF00  }
0xed: {  	[tilespmem:s26], [sflag:$0x4] =	stream.indirect.gather [hbm4b:s23+s9], $0x20, s29, s9, $0xb8;
	[tilespmem:$0x1F600] =	vst v63  }
0xee: {  	_ =	swait.ge [sflag:s14], $0x2000  }
.Ltmp8:
0xef: {  	[sflag:s14] =	ssyncset.done $0x0;
	(pc) =	sbr.rel @p3 .LBB2_9-.Ltmp8, $4  }
0xf0: {  	[sflag:s14] =	ssyncadd.s32 $0xFFFFE000  }
0xf1: {  	[spmem:s3] =	stream.indirect.scatter.add.f32 [tilespmem:s26], [sflag:$0xA], $0x20, s30, s9, $0xb8;
	[tilespmem:$0x1F600] =	vst v63  }
0xf2: {  	s18 =	sadd.s32 $0x20, s18;
	_ =	swait.ge [sflag:s28], $0x2000  }
0xf3: {  	s24 =	sand.u32 $0x1FFFFFE0, s18;
	[sflag:s28] =	ssyncset.done $0x0  }
.Ltmp9:
0xf4: {  	_ = 	snop;
	(pc) =	sbr.rel .LBB2_10-.Ltmp9, $1  }
0xf5: {  	_ =	sdelay $0x3  }
.LBB2_12:
0xf6: {  	_ =	sfence.sel $0x180000  }
0xf7: {  	[bflag:$0x0] =	sbarrier.arrive $0xFFFF  }
0xf8: {  	_ =	strace $0x9000004D  }
0xf9: {  	s0 =	stileid.u32;
	[bflag:$0x2] =	sbarrier.arrive $0xFFFF  }
0xfa: {  	p0 =	sne.s32 s0, $0x0;
	s0 =	rddreg [dreg:$0x2]  }
0xfb: {  	s0 =	sadd.s32 @!p0 $0x100000, s0  }
0xfc: {  	[sflag:s0] =	ssyncadd.tile.s32 @!p0 $0x1;
	_ =	shalt  }
.Lfunc_end2:
_tile_overlayer_lowered:
.L_overlay_start_2:
0xfd: {  	(tag) =	ssettag $0x2  }
0xfe: {  	s0 =	rddreg [dreg:$0x0];
	s2 =	stileid.u32  }
0xff: {  	s1 =	rddreg [dreg:$0x1];
	p0 =	sne.s32 s2, $0x0  }
0x100: {  	s3 =	rddreg [dreg:$0x2];
	[bflag:$0x3] =	sbarrier.arrive $0xFFFF;
	s2 =	simm.s32 @!p0 $0x1C0A  }
0x101: {  	[timem:s3], [sflag:s2] =	dma.local @!p0 [hbm:s0], s1  }
0x102: {  	s0 =	simm.s32 @!p0 $0xA  }
0x103: {  	_ =	swait.ge @!p0 [sflag:s0], s1  }
0x104: {  	s1 =	ssub.s32 @!p0 $0x0, s1;
	[sflag:s0] =	ssyncset.done @!p0 $0x0  }
0x105: {  	[sflag:s0] =	ssyncadd.s32 @!p0 s1  }
0x106: {  	[bflag:$0x3] =	sbarrier.arrive $0xFFFF  }
0x107: {  	_ =	shalt  }

// kernel: kernel.8.cloned.1.call-start
scs
__scs_entry_jumppad:
0x0: {  	(pc) =	sbr.rel $0x88, $3  }
0x1: {  	(tag) =	ssettag $0x0;
	lr =	simm.s32 $0x1  }
0x2: {  	[smem:$0x3F95] =	sst lr;
	_ =	strace $0xD0000000  }
0x3: {  	_ = 	snop  }
0x4: {  	_ = 	snop  }
0x5: {  	_ = 	snop  }
0x6: {  	_ = 	snop  }
0x7: {  	_ = 	snop  }
__scs_overlays_trampoline_lowered:
0x8: {  	[smem:$0x3FA4] =	sst s0  }
0x9: {  	[smem:$0x3FA5] =	sst s1  }
0xa: {  	[smem:$0x3FA6] =	sst s2  }
0xb: {  	[smem:$0x3FA7] =	sst s3  }
0xc: {  	[smem:$0x3FA8] =	sst s4  }
0xd: {  	[smem:$0x3FA9] =	sst s5  }
0xe: {  	[smem:$0x3FAA] =	sst s6  }
0xf: {  	[smem:$0x3FAB] =	sst s7  }
0x10: {  	[smem:$0x3FAC] =	sst s8  }
0x11: {  	[smem:$0x3FAD] =	sst s9;
	s0 =	simm.s32 @!p0 $0x0  }
0x12: {  	s1 =	sld [smem:$0x3F93];
	s0 =	simm.s32 @p0 $0x1  }
0x13: {  	[smem:$0x3FAE] =	sst s0;
	s0 =	simm.s32 @!p1 $0x0  }
0x14: {  	s2 =	sld [smem:$0x3F92];
	s0 =	simm.s32 @p1 $0x1  }
0x15: {  	[smem:$0x3FAF] =	sst s0;
	s0 =	simm.s32 @!p2 $0x0  }
0x16: {  	s3 =	sld [smem:$0x3FDB];
	s0 =	simm.s32 @p2 $0x1  }
0x17: {  	s4 =	simm.s32 $0x1BF5;
	[smem:$0x3FB1] =	sst s0  }
0x18: {  	s0 =	sld [smem:$0x3F94];
	_ =	swait.ge [sflag:s4], $0x0  }
0x19: {  	s7 =	sld [smem:$0x3F95]  }
0x1a: {  	s8 =	sadd.s32 $0xFFFFE003, lr  }
0x1b: {  	s9 =	sadd.s32 $0xFFFFFEF7, lr;
	s5 =	simm.s32 $0xFFFFFFFF;
	p2 =	slt.u32 s8, $0xFFFFF086  }
0x1c: {  	p1 =	slt.u32 s9, $0xF7A;
	s5 =	simm.s32 @!p2 $0x0  }
0x1d: {  	s5 =	simm.s32 @p1 $0x1;
	p0 =	seq.s32 s7, s2  }
0x1e: {  	s7 =	smul.u32 @!p0 $0xF7A, s2;
	p2 =	seq.s32 @!p0 s5, $0x0  }
0x1f: {  	s9 =	smul.u32 $0xF7A, s1;
	s8 =	simm.s32 @!p0 $0x1BF5;
	p2 =	por !p2, p0  }
0x20: {  	[sflag:s8] =	ssyncset.s32 @!p0 $0xFFFFF086;
	s6 =	sadd.s32 @!p0 s3, s7;
	s7 =	simm.s32 @!p0 $0x108  }
0x21: {  	s3 =	sadd.s32 s3, s9;
	s6 =	sadd.s32 @!p0 $0x88, s6;
	s7 =	simm.s32 @p2 $0x1082  }
0x22: {  	[simem:s7], [sflag:s8] =	dma.local @!p0 [hbm:s6], $0xF7A  }
0x23: {  	s9 =	sor.u32 $0xD0000000, s2;
	s6 =	simm.s32 $0x108;
	_ =	swait.ge @!p0 [sflag:s8], $0x0  }
0x24: {  	s3 =	sadd.s32 $0x88, s3;
	s6 =	simm.s32 @!p1 $0x1082;
	[sflag:s4] =	ssyncset.s32 $0xFFFFF086  }
0x25: {  	[simem:s6], [sflag:s4] =	dma.local [hbm:s3], $0xF7A  }
0x26: {  	[smem:$0x3F95] =	sst s1;
	(tag) =	ssettag s2;
	_ =	strace s9  }
0x27: {  	s1 =	sld [smem:$0x3FA5]  }
0x28: {  	s2 =	sld [smem:$0x3FA6]  }
0x29: {  	s4 =	sld [smem:$0x3FA8]  }
0x2a: {  	p0 =	seq.s32 s5, $0x0;
	s5 =	sld [smem:$0x3FA9]  }
0x2b: {  	s6 =	sld [smem:$0x3FAA]  }
0x2c: {  	s7 =	sld [smem:$0x3FAB]  }
0x2d: {  	s3 =	simm.s32 $0x108;
	s8 =	sld [smem:$0x3FAC]  }
0x2e: {  	s3 =	simm.s32 @!p0 $0x1082;
	s9 =	sld [smem:$0x3FAD]  }
0x2f: {  	lr =	sadd.s32 s0, s3;
	s0 =	sld [smem:$0x3FA4]  }
0x30: {  	s3 =	sld [smem:$0x3FA7]  }
0x31: {  	[smem:$0x3FB0] =	sst s10  }
0x32: {  	s10 =	sld [smem:$0x3FAE];
	_ =	sdelay $0x3  }
0x33: {  	p0 =	seq.s32 s10, $0x1;
	s10 =	sld [smem:$0x3FB0];
	_ =	sdelay $0x3  }
0x34: {  	[smem:$0x3FB0] =	sst s10  }
0x35: {  	s10 =	sld [smem:$0x3FAF];
	_ =	sdelay $0x3  }
0x36: {  	p1 =	seq.s32 s10, $0x1;
	s10 =	sld [smem:$0x3FB0];
	_ =	sdelay $0x3  }
0x37: {  	[smem:$0x3FB0] =	sst s10  }
0x38: {  	s10 =	sld [smem:$0x3FB1]  }
0x39: {  	_ = 	snop;
	(pc) =	sbr.ind lr, $3  }
0x3a: {  	_ = 	snop  }
0x3b: {  	_ = 	snop  }
0x3c: {  	p2 =	seq.s32 s10, $0x1;
	s10 =	sld [smem:$0x3FB0]  }
0x3d: {  	_ =	shalt  }
0x3e: {  	_ =	shalt  }
0x3f: {  	_ =	shalt  }
0x40: {  	_ =	shalt  }
0x41: {  	_ =	shalt  }
0x42: {  	_ =	shalt  }
0x43: {  	_ =	shalt  }
0x44: {  	_ =	shalt  }
0x45: {  	_ =	shalt  }
0x46: {  	_ =	shalt  }
0x47: {  	_ =	shalt  }
0x48: {  	_ =	shalt  }
0x49: {  	_ =	shalt  }
0x4a: {  	_ =	shalt  }
0x4b: {  	_ =	shalt  }
0x4c: {  	_ =	shalt  }
0x4d: {  	_ =	shalt  }
0x4e: {  	_ =	shalt  }
0x4f: {  	_ =	shalt  }
0x50: {  	_ =	shalt  }
0x51: {  	_ =	shalt  }
0x52: {  	_ =	shalt  }
0x53: {  	_ =	shalt  }
0x54: {  	_ =	shalt  }
0x55: {  	_ =	shalt  }
0x56: {  	_ =	shalt  }
0x57: {  	_ =	shalt  }
0x58: {  	_ =	shalt  }
0x59: {  	_ =	shalt  }
0x5a: {  	_ =	shalt  }
0x5b: {  	_ =	shalt  }
0x5c: {  	_ =	shalt  }
0x5d: {  	_ =	shalt  }
0x5e: {  	_ =	shalt  }
0x5f: {  	_ =	shalt  }
0x60: {  	_ =	shalt  }
0x61: {  	_ =	shalt  }
0x62: {  	_ =	shalt  }
0x63: {  	_ =	shalt  }
0x64: {  	_ =	shalt  }
0x65: {  	_ =	shalt  }
0x66: {  	_ =	shalt  }
0x67: {  	_ =	shalt  }
0x68: {  	_ =	shalt  }
0x69: {  	_ =	shalt  }
0x6a: {  	_ =	shalt  }
0x6b: {  	_ =	shalt  }
0x6c: {  	_ =	shalt  }
0x6d: {  	_ =	shalt  }
0x6e: {  	_ =	shalt  }
0x6f: {  	_ =	shalt  }
0x70: {  	_ =	shalt  }
0x71: {  	_ =	shalt  }
0x72: {  	_ =	shalt  }
0x73: {  	_ =	shalt  }
0x74: {  	_ =	shalt  }
0x75: {  	_ =	shalt  }
0x76: {  	_ =	shalt  }
0x77: {  	_ =	shalt  }
0x78: {  	_ =	shalt  }
0x79: {  	_ =	shalt  }
0x7a: {  	_ =	shalt  }
0x7b: {  	_ =	shalt  }
0x7c: {  	_ =	shalt  }
0x7d: {  	_ =	shalt  }
0x7e: {  	_ =	shalt  }
0x7f: {  	_ =	shalt  }
0x80: {  	_ =	shalt  }
0x81: {  	_ =	shalt  }
0x82: {  	_ =	shalt  }
0x83: {  	_ =	shalt  }
0x84: {  	_ =	shalt  }
0x85: {  	_ =	shalt  }
0x86: {  	_ =	shalt  }
0x87: {  	_ =	shalt  }
.Lfunc_end0:
.L_simem_size_0:
called_computation_lowered:
.L_overlay_start_0:
0x88: {  	s2 =	sld [smem:$0x3FD9]  }
0x89: {  	s3 =	sld [smem:$0x3FFE];
	_ =	sdelay $0x1  }
0x8a: {  	s1 =	srdreg.scid  }
0x8b: {  	s0 =	sand.u32 $0x1, s1  }
0x8c: {  	s16 =	sshll.u32 s0, $0xA;
	s2 =	sadd.s32 s3, s2  }
0x8d: {  	s2 =	sadd.s32 s2, s16  }
0x8e: {  	[smem:$0x3FBC] =	sst s2  }
0x8f: {  	_ = 	snop  }
0x90: {  	(tm) =	ssettm $0x1  }
0x91: {  	s17 =	sld [smem:$0x3FFB];
	_ =	sdelay $0x3  }
0x92: {  	_ =	strace s17  }
0x93: {  	s2 =	sld [smem:$0x3FFC];
	_ =	sdelay $0x3  }
0x94: {  	_ =	strace s2  }
0x95: {  	s2 =	sld [smem:$0x3FFD];
	_ =	sdelay $0x3  }
0x96: {  	_ =	strace s2  }
0x97: {  	_ =	strace $0x8FFFFFFF  }
0x98: {  	s18 =	sld [smem:$0x3FDB];
	_ =	sdelay $0x1  }
0x99: {  	s19 =	simm.s32 $_scs_section_size  }
0x9a: {  	s4 =	simm.s32 $_size__tile_overlayer_lowered;
	s5 =	simm.s32 $_tile_overlayer_lowered  }
0x9b: {  	s22 =	simm.s32 $0x1BFF;
	s21 =	sshll.u32 s5, $0x1;
	s2 =	sadd.s32 s19, s18  }
0x9c: {  	s6 =	simm.s32 $0x0;
	s20 =	sshll.u32 s4, $0x1;
	s4 =	sadd.s32 s21, s2  }
0x9d: {  	[timem:s6], [sflag:s22] =	dma.local [hbm:s4], s20  }
0x9e: {  	_ =	swait.ge [sflag:s22], s20  }
0x9f: {  	s3 =	ssub.s32 $0x0, s20;
	[sflag:s22] =	ssyncset.done $0x0  }
0xa0: {  	[sflag:s22] =	ssyncadd.s32 s3;
	_ =	sdelay $0x1  }
0xa1: {  	s23 =	simm.s32 $0x1B8B  }
0xa2: {  	_ =	swait.ge [sflag:s23], $0x1  }
0xa3: {  	[sflag:s23] =	ssyncset.done $0x0  }
0xa4: {  	s25 =	simm.s32 $0x1B8E;
	s24 =	sld [smem:$0x3FFE];
	[sflag:s23] =	ssyncadd.s32 $0xFFFFFFFF  }
0xa5: {  	s26 =	simm.s32 $execute0_lowered;
	[smem:$0x3FD2] =	sst s25  }
0xa6: {  	s4 =	sshll.u32 s26, $0x1;
	_ =	strace $0x80000046;
	[dreg:$0x1] =	wrdreg $0xFFFFFFFF  }
0xa7: {  	s28 =	simm.s32 $_size_execute0_lowered;
	s2 =	sadd.s32 s2, s4;
	[dreg:$0x0] =	wrdreg $0x0  }
0xa8: {  	s4 =	sshll.u32 s28, $0x1;
	[dreg:$0x2] =	wrdreg s2  }
0xa9: {  	[dreg:$0x3] =	wrdreg s4  }
0xaa: {  	[dreg:$0x4] =	wrdreg $0xC0  }
0xab: {  	_ =	task [dreg:s6], $0x5FFFF  }
0xac: {  	[dreg:$0x1] =	wrdreg $0xFFFFFFFF  }
0xad: {  	[dreg:$0x0] =	wrdreg $0x60  }
0xae: {  	[dreg:$0x2] =	wrdreg s24  }
0xaf: {  	[dreg:$0x3] =	wrdreg $0x0  }
0xb0: {  	[dreg:$0x4] =	wrdreg $0x9  }
0xb1: {  	_ =	task.clear_ibuf [dreg:s6], $0x5FFFF;
	_ =	strace $0x90000046  }
0xb2: {  	s29 =	simm.s32 $0x9;
	_ =	strace $0x80000048  }
0xb3: {  	_ =	swait.ge [sflag:s29], $0x1  }
0xb4: {  	[sflag:s29] =	ssyncadd.s32 $0xFFFFFFFF  }
0xb5: {  	_ =	strace $0x90000048  }
0xb6: {  	_ =	sfence  }
0xb7: {  	s30 =	sld [smem:$0x0];
	_ =	sdelay $0x2  }
0xb8: {  	s31 =	sshll.u32 s1, $0xD;
	s1 =	sshrl.u32 s1, $0x2  }
0xb9: {  	s3 =	sand.u32 $0x4000, s31;
	s1 =	sadd.s32 s1, s30  }
0xba: {  	s0 =	sor.u32 s3, s0;
	s1 =	sshll.u32 s1, $0x11  }
0xbb: {  	s0 =	sor.u32 s1, s0  }
0xbc: {  	s0 =	sadd.s32 $0x8F2B, s0  }
0xbd: {  	[sflag:s0] =	ssyncadd.remote.s32 $0x1  }
0xbe: {  	_ =	sfence.sel $0xFFFF  }
0xbf: {  	[dreg:$0x0] =	wrdreg $0xFFFFFFFF;
	(pc) =	sbr.abs _section_cstart, $3  }
0xc0: {  	[dreg:$0x1] =	wrdreg $0xFFFFFFFF  }
0xc1: {  	_ =	task.clear_ibuf [dreg:s6], $0x2FFFF;
	_ =	strace $0x9FFFFFFF  }
0xc2: {  	(tm) =	ssettm $0x7FFFFFFF  }
0xc3: {  	_ =	shalt  }
tec
execute0_lowered:
.L_overlay_start_1:
0x0: {  	(tag) =	ssettag $0x1  }
0x1: {  	s6 =	rddreg [dreg:$0x0]  }
0x2: {  	s0 =	rddreg [dreg:$0x1]  }
0x3: {  	s1 =	srdreg.scid;
	s23 =	stileid.u32  }
0x4: {  	s7 =	simm.s32 $0x1;
	s22 =	sadd.s32 $0x1AC00, s6;
	s3 =	smul.u32 $0x30D, s23  }
0x5: {  	s5 =	sand.u32 $0x1, s1;
	s10 =	sadd.s32 $0x65400, s6;
	s8 =	smul.u32 $0x19000, s23  }
0x6: {  	s11 =	sadd.s32 $0xCC600, s6;
	s16 =	sshll.u32 s23, $0x1;
	s1 =	ssub.s32 $0x2, s5  }
0x7: {  	s9 =	smul.u32 $0x30D, s5;
	s2 =	sshrl.u32 s1, $0x1;
	s4 =	sadd.s32 $0x30D, s3  }
0x8: {  	s13 =	sshrl.u32 s3, $0x4;
	s2 =	ssub.s32 s1, s2;
	s1 =	sor.u32 s5, s16  }
0x9: {  	s17 =	sshrl.u32 s4, $0x4;
	s24 =	sadd.s32 s9, s13;
	s19 =	smul.u32 $0x320, s1  }
0xa: {  	s16 =	simm.s32 $0x1;
	s4 =	ssub.s32 s17, s13;
	s3 =	smul.u32 $0x19, s1  }
0xb: {  	p0 =	sne.s32 s17, s13;
	s1 =	smul.u32 $0x190, s1;
	s2 =	smax.u32 s2, $0x1  }
0xc: {  	s12 =	sshra.s32 s4, $0x1F;
	s7 =	simm.s32 @!p0 $0x0;
	s14 =	sand.u32 $0x8000, s4  }
0xd: {  	s18 =	sand.u32 $0x1, s4;
	s7 =	sor.u32 s7, s12;
	s14 =	sshrl.u32 s14, $0xF  }
0xe: {  	p1 =	seq.s32 s18, $0x1;
	s12 =	simm.s32 $0x1;
	s21 =	sadd.s32 $0x320, s19  }
0xf: {  	s1 =	sadd.s32 s10, s1;
	p4 =	sne.s32 s7, $0x1;
	s4 =	sadd.s32 s14, s4  }
0x10: {  	s7 =	sadd.s32 s9, s17;
	[dreg:$0x8] =	wrdreg s1;
	p0 =	por !p4, !p1  }
0x11: {  	s20 =	sshra.s32 s4, $0x1;
	s4 =	sshrl.u32 s21, $0x5;
	p0 =	por !p0, !p0  }
0x12: {  	s21 =	smul.u32 $0x6400, s23;
	s15 =	ssub.s32 s4, s3;
	s12 =	simm.s32 @!p0 $0x0  }
0x13: {  	p0 =	sne.s32 s4, s3;
	s18 =	sshra.s32 s15, $0x1F;
	s19 =	sand.u32 $0x8000, s15  }
0x14: {  	s26 =	sand.u32 $0x1, s15;
	s9 =	ssub.s32 s20, s12;
	s16 =	simm.s32 @!p0 $0x0  }
0x15: {  	s19 =	sshrl.u32 s19, $0xF;
	p6 =	seq.s32 s26, $0x1;
	s26 =	sshll.u32 s13, $0x9  }
0x16: {  	s20 =	smul.u32 $0x3200, s5;
	s12 =	sshllo.u32 s9, $0x1;
	s25 =	sshrl.u32 s9, $0x1F  }
0x17: {  	s13 =	sshll.u32 s13, $0x6;
	s16 =	sor.u32 s16, s18;
	s17 =	sand.u32 s25, s12  }
0x18: {  	p5 =	sne.s32 s16, $0x1;
	s12 =	sxor.u32 s25, s12;
	s16 =	sadd.s32 s19, s15  }
0x19: {  	s15 =	simm.s32 $0x1;
	s19 =	smul.u32 $0xC340, s5;
	p0 =	por !p5, !p6  }
0x1a: {  	s14 =	sshll.u32 s16, $0x10;
	s16 =	smul.u32 $0x61A00, s5;
	p0 =	por !p0, !p0  }
0x1b: {  	s12 =	sshra.s32 s12, $0x1;
	s14 =	sshra.s32 s14, $0x11;
	s15 =	simm.s32 @!p0 $0x0  }
0x1c: {  	s25 =	sadd.s32 s12, s17;
	s12 =	sadd.s32 s26, s16;
	s14 =	ssub.s32 s14, s15  }
0x1d: {  	s26 =	smul.u32 $0x1900, s23;
	p0 =	sle.u32 s4, s3;
	s17 =	sshll.u32 s14, $0x1  }
0x1e: {  	s15 =	sshrl.u32 s14, $0x1F;
	p1 =	slt.s32 s14, $0x1;
	s18 =	sadd.s32 s3, s17  }
0x1f: {  	s15 =	sor.u32 s17, s15;
	s17 =	sadd.s32 s19, s22;
	s19 =	sadd.s32 s21, s11  }
0x20: {  	s21 =	smul.u32 $0xC80, s5;
	s3 =	simm.s32 @!p1 $0x0;
	s13 =	sadd.s32 s13, s17  }
0x21: {  	s16 =	sadd.s32 s20, s19;
	s19 =	smul.u32 $0x32, s23;
	[dreg:$0x6] =	wrdreg s13  }
0x22: {  	s20 =	sshll.u32 s18, $0x9;
	s3 =	simm.s32 @p1 $0x1;
	[dreg:$0x7] =	wrdreg s16  }
0x23: {  	s17 =	sadd.s32 s21, s26;
	s26 =	smul.u32 $0x19, s5;
	s20 =	sand.u32 $0x1FFFFE00, s20  }
0x24: {  	[smem:$0x7EC] =	sst s3;
	s17 =	sadd.s32 $0x80, s17;
	s1 =	sadd.s32 s11, s20  }
0x25: {  	[dreg:$0x9] =	wrdreg s1;
	s16 =	sadd.s32 s26, s19;
	s26 =	sshll.u32 s17, $0x2  }
0x26: {  	s13 =	sshrl.u32 s17, $0x3;
	s19 =	smul.u32 $0x190000, s5;
	s1 =	sadd.s32 s26, s11  }
0x27: {  	s5 =	sshll.u32 s5, $0x4;
	[dreg:$0xa] =	wrdreg s1;
	s1 =	sadd.s32 s13, s10  }
0x28: {  	s5 =	sadd.s32 s5, s22;
	s13 =	simm.s32 $0x0;
	[dreg:$0xb] =	wrdreg s1  }
0x29: {  	s20 =	sadd.s32 s8, s19;
	s8 =	sadd.s32 s8, s0;
	[smem:$0x7FF] =	sst s13  }
0x2a: {  	s5 =	sadd.s32 $0x18680, s5;
	_ =	strace $0x80000047;
	[dreg:$0xc] =	wrdreg s8  }
0x2b: {  	s14 =	sadd.s32 $0x33400, s6;
	s21 =	smov.u32 s24;
	[smem:$0x7F3] =	sst s5  }
0x2c: {  	s17 =	sshll.u32 s16, $0x4;
	s26 =	smul.u32 $0x64000, s23;
	[smem:$0x7F6] =	sst s2  }
0x2d: {  	s1 =	sadd.s32 s17, s10;
	s3 =	sshrl.u32 s20, $0x3;
	[dreg:$0x3] =	wrdreg s22  }
0x2e: {  	s10 =	sshrl.u32 s26, $0x2;
	s3 =	sadd.s32 s3, s6;
	[dreg:$0x4] =	wrdreg s21  }
0x2f: {  	s6 =	sadd.s32 s10, s0;
	s1 =	sadd.s32 $0x20, s1;
	[smem:$0x7FC] =	sst s4  }
0x30: {  	s10 =	sadd.s32 $0x1000, s6;
	[smem:$0x7F9] =	sst s1  }
0x31: {  	s11 =	sadd.s32 $0x2000, s6;
	[dreg:$0xd] =	wrdreg s10  }
0x32: {  	s17 =	sadd.s32 $0x3000, s6;
	[dreg:$0xe] =	wrdreg s11  }
0x33: {  	p2 =	sge.s32 s18, s4;
	s18 =	sadd.s32 $0x4000, s6;
	[dreg:$0xf] =	wrdreg s17  }
0x34: {  	s19 =	sadd.s32 $0x5000, s6;
	[dreg:$0x10] =	wrdreg s18  }
0x35: {  	s20 =	sadd.s32 $0x6000, s6;
	[dreg:$0x11] =	wrdreg s19  }
0x36: {  	s26 =	sadd.s32 $0x7000, s6;
	[dreg:$0x12] =	wrdreg s20  }
0x37: {  	s3 =	sadd.s32 $0x68600, s3;
	[dreg:$0x13] =	wrdreg s26  }
0x38: {  	s10 =	sadd.s32 $0x8000, s6;
	[smem:$0x7F4] =	sst s3  }
0x39: {  	s11 =	sadd.s32 $0x9000, s6;
	[dreg:$0x14] =	wrdreg s10  }
0x3a: {  	s17 =	sadd.s32 $0xA000, s6;
	[dreg:$0x15] =	wrdreg s11  }
0x3b: {  	s18 =	sadd.s32 $0xB000, s6;
	[dreg:$0x16] =	wrdreg s17  }
0x3c: {  	s19 =	sadd.s32 $0xC000, s6;
	[dreg:$0x17] =	wrdreg s18  }
0x3d: {  	s20 =	sadd.s32 $0xD000, s6;
	[dreg:$0x18] =	wrdreg s19  }
0x3e: {  	s26 =	sadd.s32 $0xE000, s6;
	[dreg:$0x19] =	wrdreg s20  }
0x3f: {  	s29 =	simm.s32 $0x1;
	[dreg:$0x1a] =	wrdreg s26;
	s10 =	sadd.s32 $0xF000, s6  }
0x40: {  	s30 =	simm.s32 $0x1A500;
	s11 =	sadd.s32 $0x10000, s6;
	[dreg:$0x1b] =	wrdreg s10  }
0x41: {  	s31 =	simm.s32 $0x7;
	s17 =	sadd.s32 $0x11000, s6;
	[dreg:$0x1c] =	wrdreg s11  }
0x42: {  	s28 =	simm.s32 $0x6;
	s18 =	sadd.s32 $0x12000, s6;
	[dreg:$0x1d] =	wrdreg s17  }
0x43: {  	p4 =	sne.s32 s23, $0x0;
	s19 =	sadd.s32 $0x13000, s6;
	[dreg:$0x1e] =	wrdreg s18  }
0x44: {  	p1 =	slt.s32 s9, $0x1;
	s20 =	sadd.s32 $0x14000, s6;
	[dreg:$0x1f] =	wrdreg s19  }
0x45: {  	s23 =	simm.s32 $0x19480;
	s26 =	sadd.s32 $0x15000, s6;
	[smem:$0x7ED] =	sst s20  }
0x46: {  	s2 =	simm.s32 $0x19200;
	s8 =	simm.s32 $0x19500;
	[smem:$0x7EE] =	sst s26  }
0x47: {  	s10 =	sadd.s32 $0x16000, s6;
	s11 =	sadd.s32 $0x17000, s6;
	s6 =	sadd.s32 $0x18000, s6  }
0x48: {  	s17 =	sshll.u32 s9, $0x1;
	s18 =	sadd.s32 $0x1, s15;
	s19 =	sadd.s32 $0x200, s12  }
0x49: {  	s26 =	sadd.s32 $0x2, s16;
	s9 =	simm.s32 $0x19080;
	[smem:$0x7EF] =	sst s10  }
0x4a: {  	s16 =	simm.s32 $0x19100;
	s12 =	simm.s32 $0x5;
	[smem:$0x7F0] =	sst s11  }
0x4b: {  	s15 =	simm.s32 $0x0;
	[smem:$0x7F1] =	sst s6;
	s6 =	simm.s32 @!p1 $0x0  }
0x4c: {  	s5 =	sshra.s32 s18, $0x1;
	s3 =	sshrl.u32 s19, $0x3;
	[smem:$0x7FA] =	sst s26  }
0x4d: {  	s11 =	simm.s32 $0x19000;
	s18 =	simm.s32 $0x2;
	s26 =	simm.s32 $0x19400  }
0x4e: {  	s10 =	simm.s32 $0x4;
	s6 =	simm.s32 @p1 $0x1;
	p1 =	sgt.s32 s25, $0x1  }
0x4f: {  	[smem:$0x7F2] =	sst s6;
	s6 =	sadd.s32 s24, s17;
	s25 =	simm.s32 @!p1 $0x1  }
0x50: {  	p1 =	sgt.s32 s5, $0x1;
	s24 =	sadd.s32 s3, s22;
	s17 =	simm.s32 $0x19180  }
0x51: {  	s3 =	simm.s32 $0x19300;
	s20 =	ssub.s32 s7, s6;
	[dreg:$0x5] =	wrdreg s25  }
.Ltmp0:
0x52: {  	s5 =	simm.s32 @!p1 $0x1;
	[smem:$0x7F7] =	sst s24;
	(pc) =	sbr.rel .LBB2_1-.Ltmp0, $4  }
0x53: {  	s25 =	sshll.u32 s6, $0x6;
	[smem:$0x7F5] =	sst s5;
	p1 =	slt.s32 s20, $0x1  }
0x54: {  	s24 =	simm.s32 $0x19380;
	[smem:$0x7F8] =	sst s25;
	s1 =	simm.s32 @!p1 $0x0  }
0x55: {  	s7 =	simm.s32 $0x3;
	[smem:$0x7FD] =	sst s20;
	s1 =	simm.s32 @p1 $0x1  }
0x56: {  	v0 =	vimm.f32 $0.0e+00;
	v1 =	vimm.f32 $1.000000000e+00;
	s5 =	simm.s32 $0x80;
	s25 =	simm.s32 $0x1B500;
	[smem:$0x7FB] =	sst s1  }
.LBB2_21:
0x57: {  	[tilespmem:s3], [sflag:$0x3] =	stream.linear.gather @!p3 [hbm4b:s6+s1], $0x80, $0x38;
	[tilespmem:$0x1C500] =	vst v63  }
0x58: {  	s22 =	rddreg [dreg:$0x3]  }
0x59: {  	s21 =	rddreg [dreg:$0x4]  }
0x5a: {  	s20 =	sld [smem:$0x7FD]  }
0x5b: {  	s24 =	simm.s32 $0x19380;
	s26 =	simm.s32 $0x19400;
	s15 =	sld [smem:$0x7EB]  }
.LBB2_22:
0x5c: {  	s1 =	simm.s32 @!p2 $0x3  }
0x5d: {  	_ =	swait.ge @!p2 [sflag:s1], $0x80  }
0x5e: {  	s3 =	simm.s32 @!p2 $0x19400;
	[sflag:s1] =	ssyncset.done @!p2 $0x0  }
0x5f: {  	s6 =	simm.s32 @!p2 $0x1A500;
	[sflag:s1] =	ssyncadd.s32 @!p2 $0xFFFFFF80;
	s1 =	simm.s32 @!p2 $0x80  }
0x60: {  	[tilespmem:s6], [sflag:$0x5] =	stream.indirect.gather @!p2 [hbm4b:s14+s1], $0x20, s3, s1, $0xb8;
	[tilespmem:$0x1C500] =	vst v63  }
0x61: {  	s1 =	simm.s32 @!p2 $0x5  }
0x62: {  	_ =	swait.ge @!p2 [sflag:s1], $0x1000  }
0x63: {  	[sflag:s1] =	ssyncset.done @!p2 $0x0  }
0x64: {  	s3 =	rddreg [dreg:$0x9];
	[sflag:s1] =	ssyncadd.s32 @!p2 $0xFFFFF000;
	s1 =	simm.s32 @!p2 $0x0  }
0x65: {  	[hbm4b:s3+s1] =	stream.linear.scatter @!p2 [tilespmem:s6], [sflag:$0x7], $0x1000, $0x38;
	[tilespmem:$0x1C500] =	vst v63  }
0x66: {  	s1 =	simm.s32 @!p2 $0x7  }
0x67: {  	_ =	swait.ge @!p2 [sflag:s1], $0x1000  }
0x68: {  	[sflag:s1] =	ssyncset.done @!p2 $0x0  }
0x69: {  	[sflag:s1] =	ssyncadd.s32 @!p2 $0xFFFFF000  }
0x6a: {  	[bflag:$0x0] =	sbarrier.arrive $0xFFFF  }
0x6b: {  	s3 =	stileid.u32;
	s19 =	sld [smem:$0x7F4]  }
0x6c: {  	s1 =	sshll.u32 s3, $0x6;
	s6 =	rddreg [dreg:$0xc]  }
0x6d: {  	s1 =	sor.u32 $0x1C07, s1;
	s3 =	sshrl.u32 s6, $0x3  }
0x6e: {  	[hbm:s19], [sflag:s1] =	dma.local [spmem:s3], $0x3200  }
0x6f: {  	_ =	swait.ge [sflag:s31], $0x3200  }
0x70: {  	s19 =	sld [smem:$0x7F6];
	_ =	sdelay $0x1  }
0x71: {  	s15 =	sadd.s32 $0x1, s15  }
0x72: {  	p1 =	sne.s32 s15, s19  }
.Ltmp1:
0x73: {  	_ = 	snop;
	(pc) =	sbr.rel @!p1 .LBB2_23-.Ltmp1, $3  }
0x74: {  	_ =	sdelay $0x1  }
0x75: {  	[sflag:s31] =	ssyncset.done $0x0  }
0x76: {  	s3 =	simm.s32 $0x19300;
	[sflag:s31] =	ssyncadd.s32 $0xFFFFCE00  }
.LBB2_1:
0x77: {  	[smem:$0x7EB] =	sst s15;
	s6 =	simm.s32 $0x80;
	s15 =	simm.s32 $0x0  }
.LBB2_2:
0x78: {  	p1 =	sne.s32 s6, $0x3F80;
	[tilespmem:s15+$0x1A500] =	vst v0;
	s1 =	smov.u32 s6;
	s6 =	sadd.s32 $0x80, s6  }
.Ltmp2:
0x79: {  	[tilespmem:s15+$0x1A510] =	vst v0;
	(pc) =	sbr.rel @p1 .LBB2_2-.Ltmp2, $2  }
0x7a: {  	_ =	sdelay $0x2  }
0x7b: {  	s15 =	sshra.s32 s1, $0x2  }
0x7c: {  	[tilespmem:s15+$0x1A500] =	vst v0  }
0x7d: {  	[tilespmem:s15+$0x1A510] =	vst v0;
	s1 =	rddreg [dreg:$0xc]  }
0x7e: {  	[spmem:s1] =	stream.linear.scatter [tilespmem:s30], [sflag:$0x7], $0x1000, $0x38;
	[tilespmem:$0x1C500] =	vst v63  }
0x7f: {  	_ =	swait.ge [sflag:s31], $0x1000  }
0x80: {  	[sflag:s31] =	ssyncset.done $0x0  }
0x81: {  	s6 =	rddreg [dreg:$0xd];
	[sflag:s31] =	ssyncadd.s32 $0xFFFFF000  }
0x82: {  	[spmem:s6] =	stream.linear.scatter [tilespmem:s30], [sflag:$0x7], $0x1000, $0x38;
	[tilespmem:$0x1C500] =	vst v63  }
0x83: {  	_ =	swait.ge [sflag:s31], $0x1000  }
0x84: {  	[sflag:s31] =	ssyncset.done $0x0  }
0x85: {  	s15 =	rddreg [dreg:$0xe];
	[sflag:s31] =	ssyncadd.s32 $0xFFFFF000  }
0x86: {  	[spmem:s15] =	stream.linear.scatter [tilespmem:s30], [sflag:$0x7], $0x1000, $0x38;
	[tilespmem:$0x1C500] =	vst v63  }
0x87: {  	_ =	swait.ge [sflag:s31], $0x1000  }
0x88: {  	[sflag:s31] =	ssyncset.done $0x0  }
0x89: {  	s19 =	rddreg [dreg:$0xf];
	[sflag:s31] =	ssyncadd.s32 $0xFFFFF000  }
0x8a: {  	[spmem:s19] =	stream.linear.scatter [tilespmem:s30], [sflag:$0x7], $0x1000, $0x38;
	[tilespmem:$0x1C500] =	vst v63  }
0x8b: {  	_ =	swait.ge [sflag:s31], $0x1000  }
0x8c: {  	[sflag:s31] =	ssyncset.done $0x0  }
0x8d: {  	s6 =	rddreg [dreg:$0x10];
	[sflag:s31] =	ssyncadd.s32 $0xFFFFF000  }
0x8e: {  	[spmem:s6] =	stream.linear.scatter [tilespmem:s30], [sflag:$0x7], $0x1000, $0x38;
	[tilespmem:$0x1C500] =	vst v63  }
0x8f: {  	_ =	swait.ge [sflag:s31], $0x1000  }
0x90: {  	[sflag:s31] =	ssyncset.done $0x0  }
0x91: {  	s15 =	rddreg [dreg:$0x11];
	[sflag:s31] =	ssyncadd.s32 $0xFFFFF000  }
0x92: {  	[spmem:s15] =	stream.linear.scatter [tilespmem:s30], [sflag:$0x7], $0x1000, $0x38;
	[tilespmem:$0x1C500] =	vst v63  }
0x93: {  	_ =	swait.ge [sflag:s31], $0x1000  }
0x94: {  	[sflag:s31] =	ssyncset.done $0x0  }
0x95: {  	s19 =	rddreg [dreg:$0x12];
	[sflag:s31] =	ssyncadd.s32 $0xFFFFF000  }
0x96: {  	[spmem:s19] =	stream.linear.scatter [tilespmem:s30], [sflag:$0x7], $0x1000, $0x38;
	[tilespmem:$0x1C500] =	vst v63  }
0x97: {  	_ =	swait.ge [sflag:s31], $0x1000  }
0x98: {  	[sflag:s31] =	ssyncset.done $0x0  }
0x99: {  	s6 =	rddreg [dreg:$0x13];
	[sflag:s31] =	ssyncadd.s32 $0xFFFFF000  }
0x9a: {  	[spmem:s6] =	stream.linear.scatter [tilespmem:s30], [sflag:$0x7], $0x1000, $0x38;
	[tilespmem:$0x1C500] =	vst v63  }
0x9b: {  	_ =	swait.ge [sflag:s31], $0x1000  }
0x9c: {  	[sflag:s31] =	ssyncset.done $0x0  }
0x9d: {  	s15 =	rddreg [dreg:$0x14];
	[sflag:s31] =	ssyncadd.s32 $0xFFFFF000  }
0x9e: {  	[spmem:s15] =	stream.linear.scatter [tilespmem:s30], [sflag:$0x7], $0x1000, $0x38;
	[tilespmem:$0x1C500] =	vst v63  }
0x9f: {  	_ =	swait.ge [sflag:s31], $0x1000  }
0xa0: {  	[sflag:s31] =	ssyncset.done $0x0  }
0xa1: {  	s19 =	rddreg [dreg:$0x15];
	[sflag:s31] =	ssyncadd.s32 $0xFFFFF000  }
0xa2: {  	[spmem:s19] =	stream.linear.scatter [tilespmem:s30], [sflag:$0x7], $0x1000, $0x38;
	[tilespmem:$0x1C500] =	vst v63  }
0xa3: {  	_ =	swait.ge [sflag:s31], $0x1000  }
0xa4: {  	[sflag:s31] =	ssyncset.done $0x0  }
0xa5: {  	s6 =	rddreg [dreg:$0x16];
	[sflag:s31] =	ssyncadd.s32 $0xFFFFF000  }
0xa6: {  	[spmem:s6] =	stream.linear.scatter [tilespmem:s30], [sflag:$0x7], $0x1000, $0x38;
	[tilespmem:$0x1C500] =	vst v63  }
0xa7: {  	_ =	swait.ge [sflag:s31], $0x1000  }
0xa8: {  	[sflag:s31] =	ssyncset.done $0x0  }
0xa9: {  	s15 =	rddreg [dreg:$0x17];
	[sflag:s31] =	ssyncadd.s32 $0xFFFFF000  }
0xaa: {  	[spmem:s15] =	stream.linear.scatter [tilespmem:s30], [sflag:$0x7], $0x1000, $0x38;
	[tilespmem:$0x1C500] =	vst v63  }
0xab: {  	_ =	swait.ge [sflag:s31], $0x1000  }
0xac: {  	[sflag:s31] =	ssyncset.done $0x0  }
0xad: {  	s19 =	rddreg [dreg:$0x18];
	[sflag:s31] =	ssyncadd.s32 $0xFFFFF000  }
0xae: {  	[spmem:s19] =	stream.linear.scatter [tilespmem:s30], [sflag:$0x7], $0x1000, $0x38;
	[tilespmem:$0x1C500] =	vst v63  }
0xaf: {  	_ =	swait.ge [sflag:s31], $0x1000  }
0xb0: {  	[sflag:s31] =	ssyncset.done $0x0  }
0xb1: {  	s6 =	rddreg [dreg:$0x19];
	[sflag:s31] =	ssyncadd.s32 $0xFFFFF000  }
0xb2: {  	[spmem:s6] =	stream.linear.scatter [tilespmem:s30], [sflag:$0x7], $0x1000, $0x38;
	[tilespmem:$0x1C500] =	vst v63  }
0xb3: {  	_ =	swait.ge [sflag:s31], $0x1000  }
0xb4: {  	[sflag:s31] =	ssyncset.done $0x0  }
0xb5: {  	s15 =	rddreg [dreg:$0x1a];
	[sflag:s31] =	ssyncadd.s32 $0xFFFFF000  }
0xb6: {  	[spmem:s15] =	stream.linear.scatter [tilespmem:s30], [sflag:$0x7], $0x1000, $0x38;
	[tilespmem:$0x1C500] =	vst v63  }
0xb7: {  	_ =	swait.ge [sflag:s31], $0x1000  }
0xb8: {  	[sflag:s31] =	ssyncset.done $0x0  }
0xb9: {  	s19 =	rddreg [dreg:$0x1b];
	[sflag:s31] =	ssyncadd.s32 $0xFFFFF000  }
0xba: {  	[spmem:s19] =	stream.linear.scatter [tilespmem:s30], [sflag:$0x7], $0x1000, $0x38;
	[tilespmem:$0x1C500] =	vst v63  }
0xbb: {  	_ =	swait.ge [sflag:s31], $0x1000  }
0xbc: {  	[sflag:s31] =	ssyncset.done $0x0  }
0xbd: {  	s6 =	rddreg [dreg:$0x1c];
	[sflag:s31] =	ssyncadd.s32 $0xFFFFF000  }
0xbe: {  	[spmem:s6] =	stream.linear.scatter [tilespmem:s30], [sflag:$0x7], $0x1000, $0x38;
	[tilespmem:$0x1C500] =	vst v63  }
0xbf: {  	_ =	swait.ge [sflag:s31], $0x1000  }
0xc0: {  	[sflag:s31] =	ssyncset.done $0x0  }
0xc1: {  	s15 =	rddreg [dreg:$0x1d];
	[sflag:s31] =	ssyncadd.s32 $0xFFFFF000  }
0xc2: {  	[spmem:s15] =	stream.linear.scatter [tilespmem:s30], [sflag:$0x7], $0x1000, $0x38;
	[tilespmem:$0x1C500] =	vst v63  }
0xc3: {  	_ =	swait.ge [sflag:s31], $0x1000  }
0xc4: {  	[sflag:s31] =	ssyncset.done $0x0  }
0xc5: {  	s19 =	rddreg [dreg:$0x1e];
	[sflag:s31] =	ssyncadd.s32 $0xFFFFF000  }
0xc6: {  	[spmem:s19] =	stream.linear.scatter [tilespmem:s30], [sflag:$0x7], $0x1000, $0x38;
	[tilespmem:$0x1C500] =	vst v63  }
0xc7: {  	_ =	swait.ge [sflag:s31], $0x1000  }
0xc8: {  	[sflag:s31] =	ssyncset.done $0x0  }
0xc9: {  	s6 =	rddreg [dreg:$0x1f];
	[sflag:s31] =	ssyncadd.s32 $0xFFFFF000  }
0xca: {  	[spmem:s6] =	stream.linear.scatter [tilespmem:s30], [sflag:$0x7], $0x1000, $0x38;
	[tilespmem:$0x1C500] =	vst v63  }
0xcb: {  	_ =	swait.ge [sflag:s31], $0x1000  }
0xcc: {  	s15 =	sld [smem:$0x7ED]  }
0xcd: {  	[sflag:s31] =	ssyncset.done $0x0  }
0xce: {  	[sflag:s31] =	ssyncadd.s32 $0xFFFFF000  }
0xcf: {  	[spmem:s15] =	stream.linear.scatter [tilespmem:s30], [sflag:$0x7], $0x1000, $0x38;
	[tilespmem:$0x1C500] =	vst v63  }
0xd0: {  	_ =	swait.ge [sflag:s31], $0x1000  }
0xd1: {  	s19 =	sld [smem:$0x7EE]  }
0xd2: {  	[sflag:s31] =	ssyncset.done $0x0  }
0xd3: {  	[sflag:s31] =	ssyncadd.s32 $0xFFFFF000  }
0xd4: {  	[spmem:s19] =	stream.linear.scatter [tilespmem:s30], [sflag:$0x7], $0x1000, $0x38;
	[tilespmem:$0x1C500] =	vst v63  }
0xd5: {  	_ =	swait.ge [sflag:s31], $0x1000  }
0xd6: {  	s6 =	sld [smem:$0x7EF]  }
0xd7: {  	[sflag:s31] =	ssyncset.done $0x0  }
0xd8: {  	[sflag:s31] =	ssyncadd.s32 $0xFFFFF000  }
0xd9: {  	[spmem:s6] =	stream.linear.scatter [tilespmem:s30], [sflag:$0x7], $0x1000, $0x38;
	[tilespmem:$0x1C500] =	vst v63  }
0xda: {  	_ =	swait.ge [sflag:s31], $0x1000  }
0xdb: {  	s15 =	sld [smem:$0x7F0]  }
0xdc: {  	[sflag:s31] =	ssyncset.done $0x0  }
0xdd: {  	[sflag:s31] =	ssyncadd.s32 $0xFFFFF000  }
0xde: {  	[spmem:s15] =	stream.linear.scatter [tilespmem:s30], [sflag:$0x7], $0x1000, $0x38;
	[tilespmem:$0x1C500] =	vst v63  }
0xdf: {  	_ =	swait.ge [sflag:s31], $0x1000  }
0xe0: {  	s19 =	sld [smem:$0x7F1]  }
0xe1: {  	[sflag:s31] =	ssyncset.done $0x0  }
0xe2: {  	[sflag:s31] =	ssyncadd.s32 $0xFFFFF000  }
0xe3: {  	[spmem:s19] =	stream.linear.scatter [tilespmem:s30], [sflag:$0x7], $0x1000, $0x38;
	[tilespmem:$0x1C500] =	vst v63  }
0xe4: {  	_ =	swait.ge [sflag:s31], $0x1000  }
0xe5: {  	[sflag:s31] =	ssyncset.done $0x0  }
0xe6: {  	[sflag:s31] =	ssyncadd.s32 $0xFFFFF000  }
0xe7: {  	s6 =	simm.s32 $0x80;
	s15 =	simm.s32 $0x0;
	[bflag:$0x0] =	sbarrier.arrive $0xFFFF  }
.LBB2_4:
0xe8: {  	p1 =	sne.s32 s6, $0x3F80;
	[tilespmem:s15+$0x19500] =	vst v1;
	s1 =	smov.u32 s6;
	s6 =	sadd.s32 $0x80, s6  }
.Ltmp3:
0xe9: {  	[tilespmem:s15+$0x19510] =	vst v1;
	(pc) =	sbr.rel @p1 .LBB2_4-.Ltmp3, $2  }
0xea: {  	_ =	sdelay $0x2  }
0xeb: {  	s15 =	sshra.s32 s1, $0x2  }
0xec: {  	s1 =	sld [smem:$0x7F2];
	_ =	sdelay $0x2  }
0xed: {  	p1 =	seq.s32 s1, $0x1  }
.Ltmp4:
0xee: {  	_ = 	snop;
	(pc) =	sbr.rel @p1 .LBB2_13-.Ltmp4, $3  }
0xef: {  	_ =	sdelay $0x1  }
0xf0: {  	[tilespmem:s15+$0x19500] =	vst v1  }
0xf1: {  	[tilespmem:s15+$0x19510] =	vst v1  }
0xf2: {  	s1 =	rddreg [dreg:$0x5]  }
0xf3: {  	s6 =	sadd.s32 $0xFFFFFFFF, s1  }
0xf4: {  	p3 =	sne.s32 s6, $0x0  }
.Ltmp5:
0xf5: {  	_ = 	snop;
	(pc) =	sbr.rel @!p3 .LBB2_7-.Ltmp5, $3  }
0xf6: {  	_ =	sdelay $0x1  }
0xf7: {  	p1 =	sle.s32 s21, s21  }
0xf8: {  	s15 =	sadd.s32 $0x2, s21;
	p6 =	por p1, p1;
	p1 =	por $0x0, $0x0  }
0xf9: {  	s1 =	simm.s32 @!p6 $0x1  }
0xfa: {  	_ =	swait.ge @!p6 [sflag:s1], $0x1000  }
0xfb: {  	[sflag:s1] =	ssyncset.done @!p6 $0x0  }
0xfc: {  	[sflag:s1] =	ssyncadd.s32 @!p6 $0xFFFFF000  }
0xfd: {  	_ =	swait.ge @!p6 [sflag:s1], $0x1000  }
0xfe: {  	[sflag:s1] =	ssyncset.done @!p6 $0x0  }
0xff: {  	[sflag:s1] =	ssyncadd.s32 @!p6 $0xFFFFF000  }
0x100: {  	_ =	swait.ge @!p6 [sflag:s1], $0x1000  }
0x101: {  	[sflag:s1] =	ssyncset.done @!p6 $0x0  }
0x102: {  	[sflag:s1] =	ssyncadd.s32 @!p6 $0xFFFFF000  }
0x103: {  	_ =	swait.ge @!p6 [sflag:s1], $0x1000  }
0x104: {  	[sflag:s1] =	ssyncset.done @!p6 $0x0  }
0x105: {  	[sflag:s1] =	ssyncadd.s32 @!p6 $0xFFFFF000;
	s1 =	simm.s32 @!p6 $0x2  }
0x106: {  	_ =	swait.ge @!p6 [sflag:s1], $0x1000  }
0x107: {  	[sflag:s1] =	ssyncset.done @!p6 $0x0  }
0x108: {  	[sflag:s1] =	ssyncadd.s32 @!p6 $0xFFFFF000  }
0x109: {  	_ =	swait.ge @!p6 [sflag:s1], $0x1000  }
0x10a: {  	[sflag:s1] =	ssyncset.done @!p6 $0x0  }
0x10b: {  	[sflag:s1] =	ssyncadd.s32 @!p6 $0xFFFFF000  }
0x10c: {  	_ =	swait.ge @!p6 [sflag:s1], $0x1000  }
0x10d: {  	[sflag:s1] =	ssyncset.done @!p6 $0x0  }
0x10e: {  	[sflag:s1] =	ssyncadd.s32 @!p6 $0xFFFFF000  }
0x10f: {  	_ =	swait.ge @!p6 [sflag:s1], $0x1000  }
0x110: {  	[sflag:s1] =	ssyncset.done @!p6 $0x0;
	s3 =	sld [smem:$0x7F7]  }
0x111: {  	[sflag:s1] =	ssyncadd.s32 @!p6 $0xFFFFF000;
	s1 =	rddreg [dreg:$0x6]  }
0x112: {  	[tilespmem:s11], [sflag:$0x1] =	stream.linear.gather [hbm4b:s1+s13], $0x200, $0x38;
	[tilespmem:$0x1C500] =	vst v63  }
0x113: {  	_ = 	snop  }
0x114: {  	[tilespmem:s2], [sflag:$0x2] =	stream.linear.gather [hbm4b:s3+s13], $0x200, $0x38;
	[tilespmem:$0x1C500] =	vst v63  }
0x115: {  	_ =	swait.ge [sflag:s29], $0x200  }
0x116: {  	[sflag:s29] =	ssyncset.done $0x0  }
0x117: {  	[sflag:s29] =	ssyncadd.s32 $0xFFFFFE00  }
0x118: {  	[spmem:s0] =	stream.indirect.scatter.add.f32 [tilespmem:s8], [sflag:$0x1], $0x20, s11, s5, $0xb8;
	[tilespmem:$0x1C500] =	vst v63  }
0x119: {  	_ = 	snop  }
0x11a: {  	[spmem:s0] =	stream.indirect.scatter.add.f32 [tilespmem:s8], [sflag:$0x1], $0x20, s9, s5, $0xb8;
	[tilespmem:$0x1C500] =	vst v63  }
0x11b: {  	_ = 	snop  }
0x11c: {  	[spmem:s0] =	stream.indirect.scatter.add.f32 [tilespmem:s8], [sflag:$0x1], $0x20, s16, s5, $0xb8;
	[tilespmem:$0x1C500] =	vst v63  }
0x11d: {  	_ = 	snop  }
0x11e: {  	[spmem:s0] =	stream.indirect.scatter.add.f32 [tilespmem:s8], [sflag:$0x1], $0x20, s17, s5, $0xb8;
	[tilespmem:$0x1C500] =	vst v63  }
0x11f: {  	s26 =	simm.s32 $0x19300;
	_ =	swait.ge [sflag:s18], $0x200  }
0x120: {  	s19 =	simm.s32 $0x19280;
	s24 =	sadd.s32 $0xFFFFFFFF, s6;
	[sflag:s18] =	ssyncset.done $0x0  }
0x121: {  	p1 =	sle.s32 s15, s21;
	p3 =	sne.s32 s24, $0x0;
	[sflag:s18] =	ssyncadd.s32 $0xFFFFFE00  }
0x122: {  	[spmem:s0] =	stream.indirect.scatter.add.f32 [tilespmem:s8], [sflag:$0x2], $0x20, s2, s5, $0xb8;
	[tilespmem:$0x1C500] =	vst v63  }
.Ltmp6:
0x123: {  	s4 =	simm.s32 $0x19380;
	s6 =	simm.s32 $0x19280;
	(pc) =	sbr.rel @!p3 .LBB2_9-.Ltmp6, $4  }
0x124: {  	[spmem:s0] =	stream.indirect.scatter.add.f32 [tilespmem:s8], [sflag:$0x2], $0x20, s19, s5, $0xb8;
	[tilespmem:$0x1C500] =	vst v63  }
0x125: {  	p6 =	por p1, p1;
	p1 =	por $0x1, $0x1;
	s19 =	sadd.s32 $0x2, s15  }
0x126: {  	[spmem:s0] =	stream.indirect.scatter.add.f32 [tilespmem:s8], [sflag:$0x2], $0x20, s26, s5, $0xb8;
	[tilespmem:$0x1C500] =	vst v63  }
0x127: {  	s15 =	sadd.s32 $0x80, s1;
	s26 =	sadd.s32 $0x80, s3;
	s3 =	simm.s32 $0x19300  }
.LBB2_10:
0x128: {  	[spmem:s0] =	stream.indirect.scatter.add.f32 [tilespmem:s8], [sflag:$0x2], $0x20, s4, s5, $0xb8;
	[tilespmem:$0x1C500] =	vst v63  }
0x129: {  	p5 =	sle.s32 s19, s21;
	s24 =	sadd.s32 $0xFFFFFFFF, s24;
	s1 =	simm.s32 @!p6 $0x1  }
0x12a: {  	p3 =	sne.s32 s24, $0x0;
	_ =	swait.ge @!p6 [sflag:s1], $0x1000  }
0x12b: {  	[sflag:s1] =	ssyncset.done @!p6 $0x0  }
0x12c: {  	[sflag:s1] =	ssyncadd.s32 @!p6 $0xFFFFF000  }
0x12d: {  	_ =	swait.ge @!p6 [sflag:s1], $0x1000  }
0x12e: {  	[sflag:s1] =	ssyncset.done @!p6 $0x0  }
0x12f: {  	[sflag:s1] =	ssyncadd.s32 @!p6 $0xFFFFF000  }
0x130: {  	_ =	swait.ge @!p6 [sflag:s1], $0x1000  }
0x131: {  	[sflag:s1] =	ssyncset.done @!p6 $0x0  }
0x132: {  	[sflag:s1] =	ssyncadd.s32 @!p6 $0xFFFFF000  }
0x133: {  	_ =	swait.ge @!p6 [sflag:s1], $0x1000  }
0x134: {  	[sflag:s1] =	ssyncset.done @!p6 $0x0  }
0x135: {  	[sflag:s1] =	ssyncadd.s32 @!p6 $0xFFFFF000;
	s1 =	simm.s32 @!p6 $0x2  }
0x136: {  	_ =	swait.ge @!p6 [sflag:s1], $0x1000  }
0x137: {  	[sflag:s1] =	ssyncset.done @!p6 $0x0  }
0x138: {  	[sflag:s1] =	ssyncadd.s32 @!p6 $0xFFFFF000  }
0x139: {  	_ =	swait.ge @!p6 [sflag:s1], $0x1000  }
0x13a: {  	[sflag:s1] =	ssyncset.done @!p6 $0x0  }
0x13b: {  	[sflag:s1] =	ssyncadd.s32 @!p6 $0xFFFFF000  }
0x13c: {  	_ =	swait.ge @!p6 [sflag:s1], $0x1000  }
0x13d: {  	[sflag:s1] =	ssyncset.done @!p6 $0x0  }
0x13e: {  	[sflag:s1] =	ssyncadd.s32 @!p6 $0xFFFFF000  }
0x13f: {  	_ =	swait.ge @!p6 [sflag:s1], $0x1000  }
0x140: {  	[sflag:s1] =	ssyncset.done @!p6 $0x0  }
0x141: {  	[sflag:s1] =	ssyncadd.s32 @!p6 $0xFFFFF000;
	p6 =	por p5, p5  }
0x142: {  	[tilespmem:s11], [sflag:$0x1] =	stream.linear.gather [hbm4b:s15+s13], $0x200, $0x38;
	[tilespmem:$0x1C500] =	vst v63  }
0x143: {  	_ = 	snop  }
0x144: {  	[tilespmem:s2], [sflag:$0x2] =	stream.linear.gather [hbm4b:s26+s13], $0x200, $0x38;
	[tilespmem:$0x1C500] =	vst v63  }
0x145: {  	_ =	swait.ge [sflag:s29], $0x200  }
0x146: {  	[sflag:s29] =	ssyncset.done $0x0  }
0x147: {  	[sflag:s29] =	ssyncadd.s32 $0xFFFFFE00  }
0x148: {  	[spmem:s0] =	stream.indirect.scatter.add.f32 [tilespmem:s8], [sflag:$0x1], $0x20, s11, s5, $0xb8;
	[tilespmem:$0x1C500] =	vst v63  }
0x149: {  	_ = 	snop  }
0x14a: {  	[spmem:s0] =	stream.indirect.scatter.add.f32 [tilespmem:s8], [sflag:$0x1], $0x20, s9, s5, $0xb8;
	[tilespmem:$0x1C500] =	vst v63  }
0x14b: {  	_ = 	snop  }
0x14c: {  	[spmem:s0] =	stream.indirect.scatter.add.f32 [tilespmem:s8], [sflag:$0x1], $0x20, s16, s5, $0xb8;
	[tilespmem:$0x1C500] =	vst v63  }
0x14d: {  	_ = 	snop  }
0x14e: {  	[spmem:s0] =	stream.indirect.scatter.add.f32 [tilespmem:s8], [sflag:$0x1], $0x20, s17, s5, $0xb8;
	[tilespmem:$0x1C500] =	vst v63  }
0x14f: {  	_ =	swait.ge [sflag:s18], $0x200  }
0x150: {  	[sflag:s18] =	ssyncset.done $0x0  }
0x151: {  	[sflag:s18] =	ssyncadd.s32 $0xFFFFFE00  }
0x152: {  	[spmem:s0] =	stream.indirect.scatter.add.f32 [tilespmem:s8], [sflag:$0x2], $0x20, s2, s5, $0xb8;
	[tilespmem:$0x1C500] =	vst v63  }
.Ltmp7:
0x153: {  	(pc) =	sbr.rel @p3 .LBB2_10-.Ltmp7, $4  }
0x154: {  	[spmem:s0] =	stream.indirect.scatter.add.f32 [tilespmem:s8], [sflag:$0x2], $0x20, s6, s5, $0xb8;
	[tilespmem:$0x1C500] =	vst v63  }
0x155: {  	_ = 	snop  }
0x156: {  	[spmem:s0] =	stream.indirect.scatter.add.f32 [tilespmem:s8], [sflag:$0x2], $0x20, s3, s5, $0xb8;
	[tilespmem:$0x1C500] =	vst v63  }
0x157: {  	s19 =	sadd.s32 $0x2, s19;
	s15 =	sadd.s32 $0x80, s15;
	s26 =	sadd.s32 $0x80, s26  }
0x158: {  	s24 =	simm.s32 $0x19380;
	s4 =	sld [smem:$0x7FC]  }
.LBB2_12:
0x159: {  	[spmem:s0] =	stream.indirect.scatter.add.f32 @p1 [tilespmem:s8], [sflag:$0x2], $0x20, s24, s5, $0xb8;
	[tilespmem:$0x1C500] =	vst v63  }
0x15a: {  	s1 =	simm.s32 @!p6 $0x1  }
0x15b: {  	_ =	swait.ge @!p6 [sflag:s1], $0x1000  }
0x15c: {  	[sflag:s1] =	ssyncset.done @!p6 $0x0  }
0x15d: {  	[sflag:s1] =	ssyncadd.s32 @!p6 $0xFFFFF000  }
0x15e: {  	_ =	swait.ge @!p6 [sflag:s1], $0x1000  }
0x15f: {  	[sflag:s1] =	ssyncset.done @!p6 $0x0  }
0x160: {  	[sflag:s1] =	ssyncadd.s32 @!p6 $0xFFFFF000  }
0x161: {  	_ =	swait.ge @!p6 [sflag:s1], $0x1000  }
0x162: {  	[sflag:s1] =	ssyncset.done @!p6 $0x0  }
0x163: {  	[sflag:s1] =	ssyncadd.s32 @!p6 $0xFFFFF000  }
0x164: {  	_ =	swait.ge @!p6 [sflag:s1], $0x1000  }
0x165: {  	[sflag:s1] =	ssyncset.done @!p6 $0x0  }
0x166: {  	[sflag:s1] =	ssyncadd.s32 @!p6 $0xFFFFF000;
	s1 =	simm.s32 @!p6 $0x2  }
0x167: {  	_ =	swait.ge @!p6 [sflag:s1], $0x1000  }
0x168: {  	[sflag:s1] =	ssyncset.done @!p6 $0x0  }
0x169: {  	[sflag:s1] =	ssyncadd.s32 @!p6 $0xFFFFF000  }
0x16a: {  	_ =	swait.ge @!p6 [sflag:s1], $0x1000  }
0x16b: {  	[sflag:s1] =	ssyncset.done @!p6 $0x0  }
0x16c: {  	[sflag:s1] =	ssyncadd.s32 @!p6 $0xFFFFF000  }
0x16d: {  	_ =	swait.ge @!p6 [sflag:s1], $0x1000  }
0x16e: {  	[sflag:s1] =	ssyncset.done @!p6 $0x0  }
0x16f: {  	[sflag:s1] =	ssyncadd.s32 @!p6 $0xFFFFF000  }
0x170: {  	_ =	swait.ge @!p6 [sflag:s1], $0x1000  }
0x171: {  	[sflag:s1] =	ssyncset.done @!p6 $0x0  }
0x172: {  	[sflag:s1] =	ssyncadd.s32 @!p6 $0xFFFFF000  }
0x173: {  	[tilespmem:s11], [sflag:$0x1] =	stream.linear.gather [hbm4b:s15+s13], $0x200, $0x38;
	[tilespmem:$0x1C500] =	vst v63  }
0x174: {  	_ = 	snop  }
0x175: {  	[tilespmem:s2], [sflag:$0x2] =	stream.linear.gather [hbm4b:s26+s13], $0x200, $0x38;
	[tilespmem:$0x1C500] =	vst v63  }
0x176: {  	_ =	swait.ge [sflag:s29], $0x200  }
0x177: {  	[sflag:s29] =	ssyncset.done $0x0  }
0x178: {  	[sflag:s29] =	ssyncadd.s32 $0xFFFFFE00  }
0x179: {  	[spmem:s0] =	stream.indirect.scatter.add.f32 [tilespmem:s8], [sflag:$0x1], $0x20, s11, s5, $0xb8;
	[tilespmem:$0x1C500] =	vst v63  }
0x17a: {  	_ = 	snop  }
0x17b: {  	[spmem:s0] =	stream.indirect.scatter.add.f32 [tilespmem:s8], [sflag:$0x1], $0x20, s9, s5, $0xb8;
	[tilespmem:$0x1C500] =	vst v63  }
0x17c: {  	_ = 	snop  }
0x17d: {  	[spmem:s0] =	stream.indirect.scatter.add.f32 [tilespmem:s8], [sflag:$0x1], $0x20, s16, s5, $0xb8;
	[tilespmem:$0x1C500] =	vst v63  }
0x17e: {  	_ = 	snop  }
0x17f: {  	[spmem:s0] =	stream.indirect.scatter.add.f32 [tilespmem:s8], [sflag:$0x1], $0x20, s17, s5, $0xb8;
	[tilespmem:$0x1C500] =	vst v63  }
0x180: {  	_ =	swait.ge [sflag:s18], $0x200  }
0x181: {  	[sflag:s18] =	ssyncset.done $0x0  }
0x182: {  	[sflag:s18] =	ssyncadd.s32 $0xFFFFFE00  }
0x183: {  	[spmem:s0] =	stream.indirect.scatter.add.f32 [tilespmem:s8], [sflag:$0x2], $0x20, s2, s5, $0xb8;
	[tilespmem:$0x1C500] =	vst v63  }
0x184: {  	_ = 	snop  }
0x185: {  	[spmem:s0] =	stream.indirect.scatter.add.f32 [tilespmem:s8], [sflag:$0x2], $0x20, s6, s5, $0xb8;
	[tilespmem:$0x1C500] =	vst v63  }
0x186: {  	_ = 	snop  }
0x187: {  	[spmem:s0] =	stream.indirect.scatter.add.f32 [tilespmem:s8], [sflag:$0x2], $0x20, s3, s5, $0xb8;
	[tilespmem:$0x1C500] =	vst v63  }
0x188: {  	_ = 	snop  }
0x189: {  	[spmem:s0] =	stream.indirect.scatter.add.f32 [tilespmem:s8], [sflag:$0x2], $0x20, s24, s5, $0xb8;
	[tilespmem:$0x1C500] =	vst v63  }
0x18a: {  	_ =	swait.ge [sflag:s29], $0x1000  }
0x18b: {  	[sflag:s29] =	ssyncset.done $0x0  }
0x18c: {  	[sflag:s29] =	ssyncadd.s32 $0xFFFFF000  }
0x18d: {  	_ =	swait.ge [sflag:s29], $0x1000  }
0x18e: {  	[sflag:s29] =	ssyncset.done $0x0  }
0x18f: {  	[sflag:s29] =	ssyncadd.s32 $0xFFFFF000  }
0x190: {  	_ =	swait.ge [sflag:s29], $0x1000  }
0x191: {  	[sflag:s29] =	ssyncset.done $0x0  }
0x192: {  	[sflag:s29] =	ssyncadd.s32 $0xFFFFF000  }
0x193: {  	_ =	swait.ge [sflag:s29], $0x1000  }
0x194: {  	[sflag:s29] =	ssyncset.done $0x0  }
0x195: {  	[sflag:s29] =	ssyncadd.s32 $0xFFFFF000  }
0x196: {  	_ =	swait.ge [sflag:s18], $0x1000  }
0x197: {  	[sflag:s18] =	ssyncset.done $0x0  }
0x198: {  	[sflag:s18] =	ssyncadd.s32 $0xFFFFF000  }
0x199: {  	_ =	swait.ge [sflag:s18], $0x1000  }
0x19a: {  	[sflag:s18] =	ssyncset.done $0x0  }
0x19b: {  	[sflag:s18] =	ssyncadd.s32 $0xFFFFF000  }
0x19c: {  	_ =	swait.ge [sflag:s18], $0x1000  }
0x19d: {  	[sflag:s18] =	ssyncset.done $0x0  }
0x19e: {  	[sflag:s18] =	ssyncadd.s32 $0xFFFFF000  }
0x19f: {  	_ =	swait.ge [sflag:s18], $0x1000  }
0x1a0: {  	[sflag:s18] =	ssyncset.done $0x0  }
0x1a1: {  	s26 =	simm.s32 $0x19400;
	[sflag:s18] =	ssyncadd.s32 $0xFFFFF000  }
.LBB2_13:
0x1a2: {  	s3 =	sld [smem:$0x7FB];
	_ =	sdelay $0x2  }
0x1a3: {  	p1 =	seq.s32 s3, $0x1  }
.Ltmp8:
0x1a4: {  	_ = 	snop;
	(pc) =	sbr.rel @p1 .LBB2_18-.Ltmp8, $2  }
0x1a5: {  	_ =	sdelay $0x2  }
0x1a6: {  	s1 =	simm.s32 $0x0  }
0x1a7: {  	s6 =	sadd.s32 $0x1, s1  }
0x1a8: {  	p3 =	slt.s32 s6, s20  }
.Ltmp9:
0x1a9: {  	_ = 	snop;
	(pc) =	sbr.rel @!p3 .LBB2_17-.Ltmp9, $2  }
0x1aa: {  	s3 =	sld [smem:$0x7F8];
	_ =	sdelay $0x2  }
0x1ab: {  	p1 =	por $0x0, $0x0;
	s19 =	sand.u32 $0x1FFFFFC0, s3  }
0x1ac: {  	s1 =	sadd.s32 s22, s19  }
0x1ad: {  	[tilespmem:s11], [sflag:$0x1] =	stream.linear.gather [hbm4b:s1+s13], $0x200, $0x38;
	[tilespmem:$0x1C500] =	vst v63  }
0x1ae: {  	_ =	swait.ge [sflag:s29], $0x200  }
0x1af: {  	[sflag:s29] =	ssyncset.done $0x0  }
0x1b0: {  	[sflag:s29] =	ssyncadd.s32 $0xFFFFFE00  }
0x1b1: {  	[spmem:s0] =	stream.indirect.scatter.add.f32 [tilespmem:s8], [sflag:$0x7], $0x20, s11, s5, $0xb8;
	[tilespmem:$0x1C500] =	vst v63  }
0x1b2: {  	_ =	swait.ge [sflag:s31], $0x1000  }
0x1b3: {  	[sflag:s31] =	ssyncset.done $0x0  }
0x1b4: {  	[sflag:s31] =	ssyncadd.s32 $0xFFFFF000  }
0x1b5: {  	[spmem:s0] =	stream.indirect.scatter.add.f32 [tilespmem:s8], [sflag:$0x7], $0x20, s9, s5, $0xb8;
	[tilespmem:$0x1C500] =	vst v63  }
0x1b6: {  	_ =	swait.ge [sflag:s31], $0x1000  }
0x1b7: {  	[sflag:s31] =	ssyncset.done $0x0  }
0x1b8: {  	s6 =	sadd.s32 $0x1, s6;
	[sflag:s31] =	ssyncadd.s32 $0xFFFFF000  }
0x1b9: {  	[spmem:s0] =	stream.indirect.scatter.add.f32 [tilespmem:s8], [sflag:$0x7], $0x20, s16, s5, $0xb8;
	[tilespmem:$0x1C500] =	vst v63  }
0x1ba: {  	p3 =	slt.s32 s6, s20;
	_ =	swait.ge [sflag:s31], $0x1000  }
.Ltmp10:
0x1bb: {  	[sflag:s31] =	ssyncset.done $0x0;
	(pc) =	sbr.rel @!p3 .LBB2_17-.Ltmp10, $4  }
0x1bc: {  	[sflag:s31] =	ssyncadd.s32 $0xFFFFF000  }
0x1bd: {  	[spmem:s0] =	stream.indirect.scatter.add.f32 [tilespmem:s8], [sflag:$0x7], $0x20, s17, s5, $0xb8;
	[tilespmem:$0x1C500] =	vst v63  }
0x1be: {  	s15 =	sadd.s32 $0x40, s3;
	_ =	swait.ge [sflag:s31], $0x1000  }
0x1bf: {  	p1 =	por $0x1, $0x1;
	s19 =	sand.u32 $0x1FFFFFC0, s15;
	[sflag:s31] =	ssyncset.done $0x0  }
.LBB2_16:
0x1c0: {  	s6 =	sadd.s32 $0x1, s6;
	s1 =	sadd.s32 s22, s19;
	[sflag:s31] =	ssyncadd.s32 $0xFFFFF000  }
0x1c1: {  	[tilespmem:s11], [sflag:$0x1] =	stream.linear.gather [hbm4b:s1+s13], $0x200, $0x38;
	[tilespmem:$0x1C500] =	vst v63  }
0x1c2: {  	p3 =	slt.s32 s6, s20;
	_ =	swait.ge [sflag:s29], $0x200  }
0x1c3: {  	[sflag:s29] =	ssyncset.done $0x0  }
0x1c4: {  	[sflag:s29] =	ssyncadd.s32 $0xFFFFFE00  }
0x1c5: {  	[spmem:s0] =	stream.indirect.scatter.add.f32 [tilespmem:s8], [sflag:$0x7], $0x20, s11, s5, $0xb8;
	[tilespmem:$0x1C500] =	vst v63  }
0x1c6: {  	_ =	swait.ge [sflag:s31], $0x1000  }
0x1c7: {  	[sflag:s31] =	ssyncset.done $0x0  }
0x1c8: {  	[sflag:s31] =	ssyncadd.s32 $0xFFFFF000  }
0x1c9: {  	[spmem:s0] =	stream.indirect.scatter.add.f32 [tilespmem:s8], [sflag:$0x7], $0x20, s9, s5, $0xb8;
	[tilespmem:$0x1C500] =	vst v63  }
0x1ca: {  	_ =	swait.ge [sflag:s31], $0x1000  }
0x1cb: {  	[sflag:s31] =	ssyncset.done $0x0  }
0x1cc: {  	[sflag:s31] =	ssyncadd.s32 $0xFFFFF000  }
0x1cd: {  	[spmem:s0] =	stream.indirect.scatter.add.f32 [tilespmem:s8], [sflag:$0x7], $0x20, s16, s5, $0xb8;
	[tilespmem:$0x1C500] =	vst v63  }
0x1ce: {  	_ =	swait.ge [sflag:s31], $0x1000  }
.Ltmp11:
0x1cf: {  	[sflag:s31] =	ssyncset.done $0x0;
	(pc) =	sbr.rel @p3 .LBB2_16-.Ltmp11, $4  }
0x1d0: {  	[sflag:s31] =	ssyncadd.s32 $0xFFFFF000  }
0x1d1: {  	[spmem:s0] =	stream.indirect.scatter.add.f32 [tilespmem:s8], [sflag:$0x7], $0x20, s17, s5, $0xb8;
	[tilespmem:$0x1C500] =	vst v63  }
0x1d2: {  	s15 =	sadd.s32 $0x40, s15;
	_ =	swait.ge [sflag:s31], $0x1000  }
0x1d3: {  	s19 =	sand.u32 $0x1FFFFFC0, s15;
	[sflag:s31] =	ssyncset.done $0x0  }
.LBB2_17:
0x1d4: {  	s1 =	sadd.s32 s22, s19;
	[sflag:s31] =	ssyncadd.s32 @p1 $0xFFFFF000  }
0x1d5: {  	[tilespmem:s11], [sflag:$0x1] =	stream.linear.gather [hbm4b:s1+s13], $0x200, $0x38;
	[tilespmem:$0x1C500] =	vst v63  }
0x1d6: {  	_ =	swait.ge [sflag:s29], $0x200  }
0x1d7: {  	[sflag:s29] =	ssyncset.done $0x0  }
0x1d8: {  	[sflag:s29] =	ssyncadd.s32 $0xFFFFFE00  }
0x1d9: {  	[spmem:s0] =	stream.indirect.scatter.add.f32 [tilespmem:s8], [sflag:$0x7], $0x20, s11, s5, $0xb8;
	[tilespmem:$0x1C500] =	vst v63  }
0x1da: {  	_ =	swait.ge [sflag:s31], $0x1000  }
0x1db: {  	[sflag:s31] =	ssyncset.done $0x0  }
0x1dc: {  	[sflag:s31] =	ssyncadd.s32 $0xFFFFF000  }
0x1dd: {  	[spmem:s0] =	stream.indirect.scatter.add.f32 [tilespmem:s8], [sflag:$0x7], $0x20, s9, s5, $0xb8;
	[tilespmem:$0x1C500] =	vst v63  }
0x1de: {  	_ =	swait.ge [sflag:s31], $0x1000  }
0x1df: {  	[sflag:s31] =	ssyncset.done $0x0  }
0x1e0: {  	[sflag:s31] =	ssyncadd.s32 $0xFFFFF000  }
0x1e1: {  	[spmem:s0] =	stream.indirect.scatter.add.f32 [tilespmem:s8], [sflag:$0x7], $0x20, s16, s5, $0xb8;
	[tilespmem:$0x1C500] =	vst v63  }
0x1e2: {  	_ =	swait.ge [sflag:s31], $0x1000  }
0x1e3: {  	[sflag:s31] =	ssyncset.done $0x0  }
0x1e4: {  	[sflag:s31] =	ssyncadd.s32 $0xFFFFF000  }
0x1e5: {  	[spmem:s0] =	stream.indirect.scatter.add.f32 [tilespmem:s8], [sflag:$0x7], $0x20, s17, s5, $0xb8;
	[tilespmem:$0x1C500] =	vst v63  }
0x1e6: {  	_ =	swait.ge [sflag:s31], $0x1000  }
0x1e7: {  	[sflag:s31] =	ssyncset.done $0x0  }
0x1e8: {  	[sflag:s31] =	ssyncadd.s32 $0xFFFFF000  }
.LBB2_18:
0x1e9: {  	s6 =	sld [smem:$0x7F3];
	_ =	sdelay $0x1  }
0x1ea: {  	s1 =	simm.s32 @!p4 $0x0;
	s3 =	simm.s32 @!p4 $0x19400  }
0x1eb: {  	[tilespmem:s3], [sflag:$0x7] =	stream.linear.gather @!p4 [hbm4b:s6+s1], $0x80, $0x38;
	[tilespmem:$0x1C500] =	vst v63  }
0x1ec: {  	s1 =	simm.s32 @!p4 $0x7  }
0x1ed: {  	_ =	swait.ge @!p4 [sflag:s1], $0x80  }
0x1ee: {  	[sflag:s1] =	ssyncset.done @!p4 $0x0  }
0x1ef: {  	s15 =	simm.s32 @!p4 $0x19500;
	s6 =	simm.s32 @!p4 $0x80;
	[sflag:s1] =	ssyncadd.s32 @!p4 $0xFFFFFF80  }
0x1f0: {  	[spmem:s0] =	stream.indirect.scatter.add.f32 @!p4 [tilespmem:s15], [sflag:$0x7], $0x20, s3, s6, $0xb8;
	[tilespmem:$0x1C500] =	vst v63  }
0x1f1: {  	_ =	swait.ge @!p4 [sflag:s1], $0x1000  }
0x1f2: {  	s19 =	sld [smem:$0x7EC];
	_ =	sdelay $0x2  }
0x1f3: {  	p1 =	seq.s32 s19, $0x1  }
.Ltmp12:
0x1f4: {  	_ = 	snop;
	(pc) =	sbr.rel @p1 .LBB2_22-.Ltmp12, $4  }
0x1f5: {  	_ = 	snop  }
0x1f6: {  	s3 =	simm.s32 @!p0 $0x19400;
	[sflag:s1] =	ssyncset.done @!p4 $0x0;
	s6 =	rddreg [dreg:$0x8]  }
0x1f7: {  	s15 =	sld [smem:$0x7EB];
	[sflag:s1] =	ssyncadd.s32 @!p4 $0xFFFFF000;
	s1 =	simm.s32 @!p0 $0x0  }
0x1f8: {  	[tilespmem:s3], [sflag:$0x3] =	stream.linear.gather @!p0 [hbm4b:s6+s1], $0x80, $0x38;
	[tilespmem:$0x1C500] =	vst v63  }
0x1f9: {  	s21 =	rddreg [dreg:$0xb]  }
0x1fa: {  	[tilespmem:s23], [sflag:$0x4] =	stream.linear.gather [hbm4b:s21+s13], $0x80, $0x38;
	[tilespmem:$0x1C500] =	vst v63  }
0x1fb: {  	_ =	swait.ge [sflag:s7], $0x80  }
0x1fc: {  	[sflag:s7] =	ssyncset.done $0x0  }
0x1fd: {  	[sflag:s7] =	ssyncadd.s32 $0xFFFFFF80  }
0x1fe: {  	[tilespmem:s30], [sflag:$0x5] =	stream.indirect.gather [hbm4b:s14+s5], $0x20, s26, s5, $0xb8;
	[tilespmem:$0x1C500] =	vst v63  }
0x1ff: {  	_ =	swait.ge [sflag:s10], $0x80  }
0x200: {  	[sflag:s10] =	ssyncset.done $0x0  }
0x201: {  	[sflag:s10] =	ssyncadd.s32 $0xFFFFFF80  }
0x202: {  	_ =	swait.ge [sflag:s12], $0x1000  }
0x203: {  	[sflag:s12] =	ssyncset.done $0x0  }
0x204: {  	[sflag:s12] =	ssyncadd.s32 $0xFFFFF000  }
0x205: {  	[tilespmem:s25], [sflag:$0x6] =	stream.indirect.gather [hbm4b:s14+s5], $0x20, s23, s5, $0xb8;
	[tilespmem:$0x1C500] =	vst v63  }
0x206: {  	s1 =	rddreg [dreg:$0x7]  }
0x207: {  	[hbm4b:s1+s13] =	stream.linear.scatter [tilespmem:s30], [sflag:$0x7], $0x1000, $0x38;
	[tilespmem:$0x1C500] =	vst v63  }
0x208: {  	_ =	swait.ge [sflag:s31], $0x1000  }
0x209: {  	[sflag:s31] =	ssyncset.done $0x0  }
0x20a: {  	s3 =	sld [smem:$0x7F5];
	[sflag:s31] =	ssyncadd.s32 $0xFFFFF000  }
0x20b: {  	_ =	swait.ge [sflag:s28], $0x1000  }
0x20c: {  	s22 =	sld [smem:$0x7FA]  }
0x20d: {  	s15 =	sadd.s32 $0xFFFFFFFF, s3;
	[sflag:s28] =	ssyncset.done $0x0;
	s6 =	sld [smem:$0x7F9]  }
0x20e: {  	s26 =	rddreg [dreg:$0xa];
	p1 =	sne.s32 s15, $0x0;
	[sflag:s28] =	ssyncadd.s32 $0xFFFFF000  }
0x20f: {  	[hbm4b:s26+s13] =	stream.linear.scatter [tilespmem:s25], [sflag:$0x7], $0x1000, $0x38;
	[tilespmem:$0x1C500] =	vst v63  }
.Ltmp13:
0x210: {  	_ = 	snop;
	(pc) =	sbr.rel @!p1 .LBB2_21-.Ltmp13, $4  }
0x211: {  	s20 =	simm.s32 $0x19400;
	s21 =	sadd.s32 $0x20, s21;
	s26 =	sadd.s32 $0x400, s26  }
0x212: {  	s19 =	sadd.s32 $0x2, s22;
	s24 =	sadd.s32 $0x20, s6;
	_ =	swait.ge [sflag:s31], $0x1000  }
0x213: {  	p3 =	sge.s32 s22, s4;
	s22 =	sadd.s32 $0x400, s1;
	[sflag:s31] =	ssyncset.done $0x0  }
0x214: {  	s1 =	simm.s32 @!p3 $0x0;
	s3 =	simm.s32 @!p3 $0x19400;
	[sflag:s31] =	ssyncadd.s32 $0xFFFFF000  }
.LBB2_20:
0x215: {  	[tilespmem:s3], [sflag:$0x3] =	stream.linear.gather @!p3 [hbm4b:s6+s1], $0x80, $0x38;
	[tilespmem:$0x1C500] =	vst v63  }
0x216: {  	s15 =	sadd.s32 $0xFFFFFFFF, s15;
	s1 =	smov.u32 s19;
	s6 =	smov.u32 s24  }
0x217: {  	[tilespmem:s23], [sflag:$0x4] =	stream.linear.gather [hbm4b:s21+s13], $0x80, $0x38;
	[tilespmem:$0x1C500] =	vst v63  }
0x218: {  	p1 =	sne.s32 s15, $0x0;
	_ =	swait.ge [sflag:s7], $0x80  }
0x219: {  	[sflag:s7] =	ssyncset.done $0x0  }
0x21a: {  	[sflag:s7] =	ssyncadd.s32 $0xFFFFFF80  }
0x21b: {  	[tilespmem:s30], [sflag:$0x5] =	stream.indirect.gather [hbm4b:s14+s5], $0x20, s20, s5, $0xb8;
	[tilespmem:$0x1C500] =	vst v63  }
0x21c: {  	_ =	swait.ge [sflag:s10], $0x80  }
0x21d: {  	[sflag:s10] =	ssyncset.done $0x0  }
0x21e: {  	[sflag:s10] =	ssyncadd.s32 $0xFFFFFF80  }
0x21f: {  	_ =	swait.ge [sflag:s12], $0x1000  }
0x220: {  	[sflag:s12] =	ssyncset.done $0x0  }
0x221: {  	[sflag:s12] =	ssyncadd.s32 $0xFFFFF000  }
0x222: {  	[tilespmem:s25], [sflag:$0x6] =	stream.indirect.gather [hbm4b:s14+s5], $0x20, s23, s5, $0xb8;
	[tilespmem:$0x1C500] =	vst v63  }
0x223: {  	_ = 	snop  }
0x224: {  	[hbm4b:s22+s13] =	stream.linear.scatter [tilespmem:s30], [sflag:$0x7], $0x1000, $0x38;
	[tilespmem:$0x1C500] =	vst v63  }
0x225: {  	_ =	swait.ge [sflag:s31], $0x1000  }
0x226: {  	[sflag:s31] =	ssyncset.done $0x0  }
0x227: {  	[sflag:s31] =	ssyncadd.s32 $0xFFFFF000  }
0x228: {  	_ =	swait.ge [sflag:s28], $0x1000  }
0x229: {  	s19 =	sadd.s32 $0x2, s19;
	[sflag:s28] =	ssyncset.done $0x0  }
.Ltmp14:
0x22a: {  	s24 =	sadd.s32 $0x20, s24;
	[sflag:s28] =	ssyncadd.s32 $0xFFFFF000;
	(pc) =	sbr.rel @p1 .LBB2_20-.Ltmp14, $4  }
0x22b: {  	[hbm4b:s26+s13] =	stream.linear.scatter [tilespmem:s25], [sflag:$0x7], $0x1000, $0x38;
	[tilespmem:$0x1C500] =	vst v63  }
0x22c: {  	s21 =	sadd.s32 $0x20, s21;
	s26 =	sadd.s32 $0x400, s26;
	_ =	swait.ge [sflag:s31], $0x1000  }
0x22d: {  	p3 =	sge.s32 s1, s4;
	s22 =	sadd.s32 $0x400, s22;
	[sflag:s31] =	ssyncset.done $0x0  }
0x22e: {  	s1 =	simm.s32 @!p3 $0x0;
	s3 =	simm.s32 @!p3 $0x19400;
	[sflag:s31] =	ssyncadd.s32 $0xFFFFF000  }
.Ltmp15:
0x22f: {  	_ = 	snop;
	(pc) =	sbr.rel .LBB2_21-.Ltmp15, $1  }
0x230: {  	_ =	sdelay $0x3  }
.LBB2_7:
.Ltmp16:
0x231: {  	(pc) =	sbr.rel .LBB2_12-.Ltmp16, $3  }
0x232: {  	_ =	sdelay $0x1  }
0x233: {  	s15 =	rddreg [dreg:$0x6]  }
0x234: {  	s26 =	sld [smem:$0x7F7];
	s6 =	simm.s32 $0x19280  }
.LBB2_9:
.Ltmp17:
0x235: {  	(pc) =	sbr.rel .LBB2_12-.Ltmp17, $2  }
0x236: {  	_ =	sdelay $0x2  }
0x237: {  	s24 =	simm.s32 $0x19380;
	s4 =	sld [smem:$0x7FC]  }
.LBB2_23:
0x238: {  	_ =	sfence.sel $0x180000  }
0x239: {  	[bflag:$0x0] =	sbarrier.arrive $0xFFFF  }
0x23a: {  	_ =	strace $0x90000047  }
0x23b: {  	[bflag:$0x2] =	sbarrier.arrive $0xFFFF  }
0x23c: {  	s0 =	rddreg [dreg:$0x2]  }
0x23d: {  	s0 =	sadd.s32 @!p4 $0x100000, s0  }
0x23e: {  	[sflag:s0] =	ssyncadd.tile.s32 @!p4 $0x1;
	_ =	shalt  }
.Lfunc_end2:
_tile_overlayer_lowered:
.L_overlay_start_2:
0x23f: {  	(tag) =	ssettag $0x2  }
0x240: {  	s0 =	rddreg [dreg:$0x0];
	s2 =	stileid.u32  }
0x241: {  	s1 =	rddreg [dreg:$0x1];
	p0 =	sne.s32 s2, $0x0  }
0x242: {  	s3 =	rddreg [dreg:$0x2];
	[bflag:$0x3] =	sbarrier.arrive $0xFFFF;
	s2 =	simm.s32 @!p0 $0x1C07  }
0x243: {  	[timem:s3], [sflag:s2] =	dma.local @!p0 [hbm:s0], s1  }
0x244: {  	s0 =	simm.s32 @!p0 $0x7  }
0x245: {  	_ =	swait.ge @!p0 [sflag:s0], s1  }
0x246: {  	s1 =	ssub.s32 @!p0 $0x0, s1;
	[sflag:s0] =	ssyncset.done @!p0 $0x0  }
0x247: {  	[sflag:s0] =	ssyncadd.s32 @!p0 s1  }
0x248: {  	[bflag:$0x3] =	sbarrier.arrive $0xFFFF  }
0x249: {  	_ =	shalt  }

</sc_bundles>
